<compile_context>
chip_gen: v7x
topology: tpu7x:2x2x1
jax: 0.10.2.dev20260603
libtpu: 0.0.44.dev20260713+nightly
codegen_flags: <defaults>
</compile_context>

<pallas_src>
import functools

import jax
import jax.numpy as jnp
from jax import lax
from jax.experimental import pallas as pl
from jax.experimental.pallas import tpu as pltpu
from jax.experimental.pallas import tpu_sc as plsc

N = 10000
E = 320000
D = 128
H = 128
C = 10
G = 64

NC = 2
NS = 16
NW = NC * NS
E_PER_W = E // NW
CHUNK = 100
N_CHUNKS = E_PER_W // CHUNK
NBUF = 3
RC = 10
ROUNDS = N_CHUNKS // RC
ROW_STEP = 624
ROW_COPY = 640


def _agg_body(h_hbm, src_hbm, dst_hbm, zero_hbm, out_hbm,
              src_v, dst_v, rows_v, acc, g0, g1, g2, s0, s1, s2):
    gsems = (g0, g1, g2)
    ssems = (s0, s1, s2)
    cid = lax.axis_index("c")
    sid = lax.axis_index("s")
    wid = sid * NC + cid

    r0 = sid * ROW_STEP

    @pl.when(cid == 0)
    def _():
        pltpu.sync_copy(h_hbm.at[pl.ds(r0, ROW_COPY)],
                        acc.at[pl.ds(r0, ROW_COPY)])

    @pl.when(cid != 0)
    def _():
        pltpu.sync_copy(zero_hbm.at[pl.ds(r0, ROW_COPY)],
                        acc.at[pl.ds(r0, ROW_COPY)])

    plsc.subcore_barrier()

    def round_(r, carry):
        pltpu.sync_copy(src_hbm.at[wid * ROUNDS + r], src_v)
        pltpu.sync_copy(dst_hbm.at[wid * ROUNDS + r], dst_v)
        g = {b: pltpu.async_copy(h_hbm.at[src_v.at[b]], rows_v.at[b],
                                 gsems[b]) for b in range(NBUF)}
        s = {}
        for j in range(RC):
            b = j % NBUF
            g[b].wait()
            s[b] = pltpu.async_copy(rows_v.at[b], acc.at[dst_v.at[j]],
                                    ssems[b], add=True)
            nj = j + NBUF
            if nj < RC:
                s[b].wait()
                g[b] = pltpu.async_copy(h_hbm.at[src_v.at[nj]],
                                        rows_v.at[b], gsems[b])
        for j in range(RC - NBUF, RC):
            s[j % NBUF].wait()
        return carry

    lax.fori_loop(0, ROUNDS, round_, 0)

    plsc.subcore_barrier()

    pltpu.sync_copy(acc.at[pl.ds(r0, ROW_COPY)],
                    out_hbm.at[pl.ds(cid * N + r0, ROW_COPY)])


_agg = pl.kernel(
    _agg_body,
    out_type=jax.ShapeDtypeStruct((2 * N, D), jnp.float32),
    mesh=plsc.VectorSubcoreMesh(core_axis_name="c", subcore_axis_name="s"),
    scratch_types=[
        pltpu.VMEM((RC, CHUNK), jnp.int32),
        pltpu.VMEM((RC, CHUNK), jnp.int32),
        pltpu.VMEM((NBUF, CHUNK, D), jnp.float32),
        pltpu.VMEM_SHARED((N, D), jnp.float32),
        pltpu.SemaphoreType.DMA,
        pltpu.SemaphoreType.DMA,
        pltpu.SemaphoreType.DMA,
        pltpu.SemaphoreType.DMA,
        pltpu.SemaphoreType.DMA,
        pltpu.SemaphoreType.DMA,
    ],
)


def _layer_body(agg_ref, batch_ref, W1_ref, b1_ref, g_ref, be_ref,
                W2_ref, b2_ref, out_ref, p_ref):
    z = agg_ref[:N, :] + agg_ref[N:, :]
    y = jnp.dot(z, W1_ref[...], preferred_element_type=jnp.float32) + b1_ref[...]
    m = jnp.mean(y, axis=0, keepdims=True)
    yc = y - m
    v = jnp.mean(yc * yc, axis=0, keepdims=True)
    zn = yc * lax.rsqrt(v + 1e-5) * g_ref[...] + be_ref[...]
    zr = jnp.maximum(zn, 0.0)
    h2 = jnp.dot(zr, W2_ref[...], preferred_element_type=jnp.float32) + b2_ref[...]
    h2 = jnp.maximum(h2, 0.0)
    out_ref[...] = h2
    onehot = (batch_ref[...] == lax.broadcasted_iota(jnp.int32, (N, G), 1))
    p_ref[...] = lax.dot_general(onehot.astype(jnp.float32), h2,
                                 (((0,), (0,)), ((), ())),
                                 preferred_element_type=jnp.float32)


_layer = pl.pallas_call(
    _layer_body,
    out_shape=[jax.ShapeDtypeStruct((N, H), jnp.float32),
               jax.ShapeDtypeStruct((G, H), jnp.float32)],
)


def _readout_body(p1_ref, p2_ref, p3_ref, l1W_ref, l1b_ref, l2W_ref, l2b_ref,
                  out_ref):
    hcat = jnp.concatenate([p1_ref[...], p2_ref[...], p3_ref[...]], axis=1)
    hh = jnp.dot(hcat, l1W_ref[...], preferred_element_type=jnp.float32)
    hh = jnp.maximum(hh + l1b_ref[...], 0.0)
    out_ref[...] = (jnp.dot(hh, l2W_ref[...], preferred_element_type=jnp.float32)
                    + l2b_ref[...])


_readout = pl.pallas_call(
    _readout_body,
    out_shape=jax.ShapeDtypeStruct((G, C), jnp.float32),
)


def kernel(x, edge_index, batch,
           c1_W1, c1_b1, c1_g, c1_be, c1_W2, c1_b2,
           c2_W1, c2_b1, c2_g, c2_be, c2_W2, c2_b2,
           c3_W1, c3_b1, c3_g, c3_be, c3_W2, c3_b2,
           l1_W, l1_b, l2_W, l2_b):
    src = edge_index[0].reshape(NW * ROUNDS, RC, CHUNK)
    dst = edge_index[1].reshape(NW * ROUNDS, RC, CHUNK)
    zeros = jnp.zeros((N, D), jnp.float32)
    batch2 = batch.reshape(N, 1)

    def layer(h, W1, b1, g, be, W2, b2):
        agg2 = _agg(h, src, dst, zeros)
        return _layer(agg2, batch2, W1, b1.reshape(1, H), g.reshape(1, H),
                      be.reshape(1, H), W2, b2.reshape(1, H))

    h1, p1 = layer(x, c1_W1, c1_b1, c1_g, c1_be, c1_W2, c1_b2)
    h2, p2 = layer(h1, c2_W1, c2_b1, c2_g, c2_be, c2_W2, c2_b2)
    h3, p3 = layer(h2, c3_W1, c3_b1, c3_g, c3_be, c3_W2, c3_b2)

    return _readout(p1, p2, p3, l1_W, l1_b.reshape(1, 3 * H),
                    l2_W, l2_b.reshape(1, C))

# --- scband reference (transcript-rebuilt; emitter-appended) ---
"""Pipeline reference for scband-gin-57071525429595 (READ-ONLY COPY).

The authoritative reference and input builder live on the scoring server;
editing this copy changes nothing except your own understanding.
"""

import jax, jax.numpy as jnp
import numpy as np

N = 10000
E = 320000
D = 128
H = 128
C = 10
G = 64


def _lin_init(key, fan_in, shape):
    s = 1.0 / np.sqrt(fan_in)
    return jax.random.uniform(key, shape, dtype=jnp.float32, minval=-s, maxval=s)


def setup_inputs(seed: int = 0) -> dict:
    key = jax.random.key(seed)
    ks = jax.random.split(key, 40)
    inp = {}
    inp["x"] = jax.random.normal(ks[0], (N, D), dtype=jnp.float32)
    inp["edge_index"] = jax.random.randint(ks[1], (2, E), 0, N, dtype=jnp.int32)
    inp["batch"] = jnp.sort(jax.random.randint(ks[2], (N,), 0, G, dtype=jnp.int32))
    # conv1 MLP params
    inp["c1_W1"] = _lin_init(ks[3], D, (D, H)); inp["c1_b1"] = _lin_init(ks[4], D, (H,))
    inp["c1_g"] = jnp.ones((H,), jnp.float32); inp["c1_be"] = jnp.zeros((H,), jnp.float32)
    inp["c1_W2"] = _lin_init(ks[5], H, (H, H)); inp["c1_b2"] = _lin_init(ks[6], H, (H,))
    # conv2
    inp["c2_W1"] = _lin_init(ks[7], H, (H, H)); inp["c2_b1"] = _lin_init(ks[8], H, (H,))
    inp["c2_g"] = jnp.ones((H,), jnp.float32); inp["c2_be"] = jnp.zeros((H,), jnp.float32)
    inp["c2_W2"] = _lin_init(ks[9], H, (H, H)); inp["c2_b2"] = _lin_init(ks[10], H, (H,))
    # conv3
    inp["c3_W1"] = _lin_init(ks[11], H, (H, H)); inp["c3_b1"] = _lin_init(ks[12], H, (H,))
    inp["c3_g"] = jnp.ones((H,), jnp.float32); inp["c3_be"] = jnp.zeros((H,), jnp.float32)
    inp["c3_W2"] = _lin_init(ks[13], H, (H, H)); inp["c3_b2"] = _lin_init(ks[14], H, (H,))
    # readout MLP
    inp["l1_W"] = _lin_init(ks[15], 3 * H, (3 * H, 3 * H)); inp["l1_b"] = _lin_init(ks[16], 3 * H, (3 * H,))
    inp["l2_W"] = _lin_init(ks[17], 3 * H, (3 * H, C)); inp["l2_b"] = _lin_init(ks[18], 3 * H, (C,))
    return inp


def _gin_conv(h, edge_index, W1, b1, g, be, W2, b2):
    # GINConv with eps=0: MLP((1+eps)*x + sum_{j in N(i)} x_j)
    src = edge_index[0]
    dst = edge_index[1]
    agg = jnp.zeros_like(h).at[dst].add(h[src])
    z = h + agg
    z = z @ W1 + b1
    # BatchNorm1d (training-mode batch statistics, eps=1e-5)
    m = jnp.mean(z, axis=0)
    v = jnp.var(z, axis=0)
    z = (z - m) / jnp.sqrt(v + 1e-5) * g + be
    z = jax.nn.relu(z)
    z = z @ W2 + b2
    return jax.nn.relu(z)


def reference(x, edge_index, batch,
              c1_W1, c1_b1, c1_g, c1_be, c1_W2, c1_b2,
              c2_W1, c2_b1, c2_g, c2_be, c2_W2, c2_b2,
              c3_W1, c3_b1, c3_g, c3_be, c3_W2, c3_b2,
              l1_W, l1_b, l2_W, l2_b):
    h1 = _gin_conv(x, edge_index, c1_W1, c1_b1, c1_g, c1_be, c1_W2, c1_b2)
    h2 = _gin_conv(h1, edge_index, c2_W1, c2_b1, c2_g, c2_be, c2_W2, c2_b2)
    h3 = _gin_conv(h2, edge_index, c3_W1, c3_b1, c3_g, c3_be, c3_W2, c3_b2)
    p1 = jax.ops.segment_sum(h1, batch, num_segments=G)
    p2 = jax.ops.segment_sum(h2, batch, num_segments=G)
    p3 = jax.ops.segment_sum(h3, batch, num_segments=G)
    h = jnp.concatenate([p1, p2, p3], axis=1)
    h = jax.nn.relu(h @ l1_W + l1_b)
    # dropout p=0.0 -> identity
    return h @ l2_W + l2_b

if __name__ == "__main__":
    import jax
    _d = setup_inputs()
    print(jax.jit(kernel)(*tuple(_d.values())))

</pallas_src>

<mosaic_0001>
#map = affine_map<(d0, d1) -> (0, 0)>
#map1 = affine_map<(d0, d1) -> (0, 0, 0)>
module attributes {stable_mosaic.version = 14 : i64} {
  func.func @_agg_body(%arg0: i32, %arg1: i32, %arg2: memref<10000x128xf32, #tpu.memory_space<hbm>>, %arg3: memref<320x10x100xi32, #tpu.memory_space<hbm>>, %arg4: memref<320x10x100xi32, #tpu.memory_space<hbm>>, %arg5: memref<10000x128xf32, #tpu.memory_space<hbm>>, %arg6: memref<20000x128xf32, #tpu.memory_space<hbm>>, %arg7: memref<10x100xi32, #tpu.memory_space<vmem>>, %arg8: memref<10x100xi32, #tpu.memory_space<vmem>>, %arg9: memref<3x100x128xf32, #tpu.memory_space<vmem>>, %arg10: memref<10000x128xf32, #tpu.memory_space<vmem_shared>>, %arg11: memref<!tpu.dma_semaphore, #tpu.memory_space<semaphore_mem>>, %arg12: memref<!tpu.dma_semaphore, #tpu.memory_space<semaphore_mem>>, %arg13: memref<!tpu.dma_semaphore, #tpu.memory_space<semaphore_mem>>, %arg14: memref<!tpu.dma_semaphore, #tpu.memory_space<semaphore_mem>>, %arg15: memref<!tpu.dma_semaphore, #tpu.memory_space<semaphore_mem>>, %arg16: memref<!tpu.dma_semaphore, #tpu.memory_space<semaphore_mem>>) attributes {dimension_semantics = [#tpu.dimension_semantics<core_parallel>, #tpu.dimension_semantics<subcore_parallel>], iteration_bounds = array<i64: 2, 16>, scalar_prefetch = 0 : i64, scratch_operands = 10 : i64, tpu.core_type = #tpu.core_type<sc_vector_subcore>, window_params = [{transform_indices = #map}, {transform_indices = #map1}, {transform_indices = #map1}, {transform_indices = #map}, {transform_indices = #map}]} {
    %mul3A = arith.constant 2 : i32
    %mul3A_0 = arith.muli %arg1, %mul3A : i32
    %add3A = arith.addi %mul3A_0, %arg0 : i32
    %mul3A_1 = arith.constant 624 : i32
    %mul3A_2 = arith.muli %arg1, %mul3A_1 : i32
    %eq3A = arith.constant 0 : i32
    %eq3A_3 = arith.cmpi eq, %arg0, %eq3A : i32
    %convert_element_type3A = arith.extui %eq3A_3 : i1 to i32
    %cond3A = arith.constant 0 : i32
    %cond3A_4 = arith.cmpi ne, %convert_element_type3A, %cond3A : i32
    scf.if %cond3A_4 {
      "tpu.region"() ({
        %run_scoped3A = tpu.sem_alloc : memref<!tpu.dma_semaphore, #tpu.memory_space<semaphore_mem>>
        %dma_start3A = arith.constant 0 : i32
        %dma_start3A_18 = tpu.memref_slice %arg10[%mul3A_2, %dma_start3A] : memref<10000x128xf32, #tpu.memory_space<vmem_shared>> -> memref<640x128xf32, #tpu.memory_space<vmem_shared>>
        %dma_start3A_19 = arith.constant 0 : i32
        %dma_start3A_20 = tpu.memref_slice %arg2[%mul3A_2, %dma_start3A_19] : memref<10000x128xf32, #tpu.memory_space<hbm>> -> memref<640x128xf32, #tpu.memory_space<hbm>>
        tpu.enqueue_dma source(%dma_start3A_20 : memref<640x128xf32, #tpu.memory_space<hbm>>) target(%dma_start3A_18 : memref<640x128xf32, #tpu.memory_space<vmem_shared>>) target_semaphore(%run_scoped3A : memref<!tpu.dma_semaphore, #tpu.memory_space<semaphore_mem>>)
        %dma_wait3A = arith.constant 0 : i32
        %dma_wait3A_21 = tpu.memref_slice %arg10[%mul3A_2, %dma_wait3A] : memref<10000x128xf32, #tpu.memory_space<vmem_shared>> -> memref<640x128xf32, #tpu.memory_space<vmem_shared>>
        %dma_wait3A_22 = arith.constant 0 : i32
        %dma_wait3A_23 = tpu.memref_slice %arg2[%mul3A_2, %dma_wait3A_22] : memref<10000x128xf32, #tpu.memory_space<hbm>> -> memref<640x128xf32, #tpu.memory_space<hbm>>
        tpu.wait_dma2 semaphore(%run_scoped3A : memref<!tpu.dma_semaphore, #tpu.memory_space<semaphore_mem>>) src(%dma_wait3A_23 : memref<640x128xf32, #tpu.memory_space<hbm>>) dst(%dma_wait3A_21 : memref<640x128xf32, #tpu.memory_space<vmem_shared>>)
        tpu.yield
      }) : () -> ()
    } else {
    }
    %ne3A = arith.constant 0 : i32
    %ne3A_5 = arith.cmpi ne, %arg0, %ne3A : i32
    %convert_element_type3A_6 = arith.extui %ne3A_5 : i1 to i32
    %cond3A_7 = arith.constant 0 : i32
    %cond3A_8 = arith.cmpi ne, %convert_element_type3A_6, %cond3A_7 : i32
    scf.if %cond3A_8 {
      "tpu.region"() ({
        %run_scoped3A = tpu.sem_alloc : memref<!tpu.dma_semaphore, #tpu.memory_space<semaphore_mem>>
        %dma_start3A = arith.constant 0 : i32
        %dma_start3A_18 = tpu.memref_slice %arg10[%mul3A_2, %dma_start3A] : memref<10000x128xf32, #tpu.memory_space<vmem_shared>> -> memref<640x128xf32, #tpu.memory_space<vmem_shared>>
        %dma_start3A_19 = arith.constant 0 : i32
        %dma_start3A_20 = tpu.memref_slice %arg5[%mul3A_2, %dma_start3A_19] : memref<10000x128xf32, #tpu.memory_space<hbm>> -> memref<640x128xf32, #tpu.memory_space<hbm>>
        tpu.enqueue_dma source(%dma_start3A_20 : memref<640x128xf32, #tpu.memory_space<hbm>>) target(%dma_start3A_18 : memref<640x128xf32, #tpu.memory_space<vmem_shared>>) target_semaphore(%run_scoped3A : memref<!tpu.dma_semaphore, #tpu.memory_space<semaphore_mem>>)
        %dma_wait3A = arith.constant 0 : i32
        %dma_wait3A_21 = tpu.memref_slice %arg10[%mul3A_2, %dma_wait3A] : memref<10000x128xf32, #tpu.memory_space<vmem_shared>> -> memref<640x128xf32, #tpu.memory_space<vmem_shared>>
        %dma_wait3A_22 = arith.constant 0 : i32
        %dma_wait3A_23 = tpu.memref_slice %arg5[%mul3A_2, %dma_wait3A_22] : memref<10000x128xf32, #tpu.memory_space<hbm>> -> memref<640x128xf32, #tpu.memory_space<hbm>>
        tpu.wait_dma2 semaphore(%run_scoped3A : memref<!tpu.dma_semaphore, #tpu.memory_space<semaphore_mem>>) src(%dma_wait3A_23 : memref<640x128xf32, #tpu.memory_space<hbm>>) dst(%dma_wait3A_21 : memref<640x128xf32, #tpu.memory_space<vmem_shared>>)
        tpu.yield
      }) : () -> ()
    } else {
    }
    %barrier3A = arith.constant 0 : index
    tpu.barrier barrier_id(%barrier3A)
    %scan3A = arith.constant 0 : i32
    %scan3A_9 = arith.constant 0 : i32
    %scan3A_10 = arith.constant 10 : i32
    %scan3A_11 = arith.addi %scan3A_9, %scan3A_10 : i32
    %scan3A_12 = arith.constant 1 : i32
    scf.for %scan3A_18 = %scan3A_9 to %scan3A_11 step %scan3A_12  : i32 {
      %mul3A_19 = arith.constant 10 : i32
      %mul3A_20 = arith.muli %add3A, %mul3A_19 : i32
      %add3A_21 = arith.addi %mul3A_20, %scan3A_18 : i32
      "tpu.region"() ({
        %run_scoped3A = tpu.sem_alloc : memref<!tpu.dma_semaphore, #tpu.memory_space<semaphore_mem>>
        %dma_start3A_503 = arith.constant 0 : i32
        %dma_start3A_504 = arith.constant 0 : i32
        %dma_start3A_505 = tpu.memref_slice %arg3[%add3A_21, %dma_start3A_503, %dma_start3A_504] : memref<320x10x100xi32, #tpu.memory_space<hbm>> -> memref<1x10x100xi32, #tpu.memory_space<hbm>>
        %dma_start3A_506 = tpu.memref_squeeze %dma_start3A_505 : memref<1x10x100xi32, #tpu.memory_space<hbm>> -> memref<10x100xi32, #tpu.memory_space<hbm>>
        %dma_start3A_507 = arith.constant 0 : i32
        %dma_start3A_508 = arith.constant 0 : i32
        %dma_start3A_509 = tpu.memref_slice %arg3[%add3A_21, %dma_start3A_507, %dma_start3A_508] : memref<320x10x100xi32, #tpu.memory_space<hbm>> -> memref<1x10x100xi32, #tpu.memory_space<hbm>>
        %dma_start3A_510 = tpu.memref_squeeze %dma_start3A_509 : memref<1x10x100xi32, #tpu.memory_space<hbm>> -> memref<10x100xi32, #tpu.memory_space<hbm>>
        tpu.enqueue_dma source(%dma_start3A_510 : memref<10x100xi32, #tpu.memory_space<hbm>>) target(%arg7 : memref<10x100xi32, #tpu.memory_space<vmem>>) target_semaphore(%run_scoped3A : memref<!tpu.dma_semaphore, #tpu.memory_space<semaphore_mem>>)
        %dma_wait3A_511 = arith.constant 0 : i32
        %dma_wait3A_512 = arith.constant 0 : i32
        %dma_wait3A_513 = tpu.memref_slice %arg3[%add3A_21, %dma_wait3A_511, %dma_wait3A_512] : memref<320x10x100xi32, #tpu.memory_space<hbm>> -> memref<1x10x100xi32, #tpu.memory_space<hbm>>
        %dma_wait3A_514 = tpu.memref_squeeze %dma_wait3A_513 : memref<1x10x100xi32, #tpu.memory_space<hbm>> -> memref<10x100xi32, #tpu.memory_space<hbm>>
        %dma_wait3A_515 = arith.constant 0 : i32
        %dma_wait3A_516 = arith.constant 0 : i32
        %dma_wait3A_517 = tpu.memref_slice %arg3[%add3A_21, %dma_wait3A_515, %dma_wait3A_516] : memref<320x10x100xi32, #tpu.memory_space<hbm>> -> memref<1x10x100xi32, #tpu.memory_space<hbm>>
        %dma_wait3A_518 = tpu.memref_squeeze %dma_wait3A_517 : memref<1x10x100xi32, #tpu.memory_space<hbm>> -> memref<10x100xi32, #tpu.memory_space<hbm>>
        tpu.wait_dma2 semaphore(%run_scoped3A : memref<!tpu.dma_semaphore, #tpu.memory_space<semaphore_mem>>) src(%dma_wait3A_518 : memref<10x100xi32, #tpu.memory_space<hbm>>) dst(%arg7 : memref<10x100xi32, #tpu.memory_space<vmem>>)
        tpu.yield
      }) : () -> ()
      %mul3A_22 = arith.constant 10 : i32
      %mul3A_23 = arith.muli %add3A, %mul3A_22 : i32
      %add3A_24 = arith.addi %mul3A_23, %scan3A_18 : i32
      "tpu.region"() ({
        %run_scoped3A = tpu.sem_alloc : memref<!tpu.dma_semaphore, #tpu.memory_space<semaphore_mem>>
        %dma_start3A_503 = arith.constant 0 : i32
        %dma_start3A_504 = arith.constant 0 : i32
        %dma_start3A_505 = tpu.memref_slice %arg4[%add3A_24, %dma_start3A_503, %dma_start3A_504] : memref<320x10x100xi32, #tpu.memory_space<hbm>> -> memref<1x10x100xi32, #tpu.memory_space<hbm>>
        %dma_start3A_506 = tpu.memref_squeeze %dma_start3A_505 : memref<1x10x100xi32, #tpu.memory_space<hbm>> -> memref<10x100xi32, #tpu.memory_space<hbm>>
        %dma_start3A_507 = arith.constant 0 : i32
        %dma_start3A_508 = arith.constant 0 : i32
        %dma_start3A_509 = tpu.memref_slice %arg4[%add3A_24, %dma_start3A_507, %dma_start3A_508] : memref<320x10x100xi32, #tpu.memory_space<hbm>> -> memref<1x10x100xi32, #tpu.memory_space<hbm>>
        %dma_start3A_510 = tpu.memref_squeeze %dma_start3A_509 : memref<1x10x100xi32, #tpu.memory_space<hbm>> -> memref<10x100xi32, #tpu.memory_space<hbm>>
        tpu.enqueue_dma source(%dma_start3A_510 : memref<10x100xi32, #tpu.memory_space<hbm>>) target(%arg8 : memref<10x100xi32, #tpu.memory_space<vmem>>) target_semaphore(%run_scoped3A : memref<!tpu.dma_semaphore, #tpu.memory_space<semaphore_mem>>)
        %dma_wait3A_511 = arith.constant 0 : i32
        %dma_wait3A_512 = arith.constant 0 : i32
        %dma_wait3A_513 = tpu.memref_slice %arg4[%add3A_24, %dma_wait3A_511, %dma_wait3A_512] : memref<320x10x100xi32, #tpu.memory_space<hbm>> -> memref<1x10x100xi32, #tpu.memory_space<hbm>>
        %dma_wait3A_514 = tpu.memref_squeeze %dma_wait3A_513 : memref<1x10x100xi32, #tpu.memory_space<hbm>> -> memref<10x100xi32, #tpu.memory_space<hbm>>
        %dma_wait3A_515 = arith.constant 0 : i32
        %dma_wait3A_516 = arith.constant 0 : i32
        %dma_wait3A_517 = tpu.memref_slice %arg4[%add3A_24, %dma_wait3A_515, %dma_wait3A_516] : memref<320x10x100xi32, #tpu.memory_space<hbm>> -> memref<1x10x100xi32, #tpu.memory_space<hbm>>
        %dma_wait3A_518 = tpu.memref_squeeze %dma_wait3A_517 : memref<1x10x100xi32, #tpu.memory_space<hbm>> -> memref<10x100xi32, #tpu.memory_space<hbm>>
        tpu.wait_dma2 semaphore(%run_scoped3A : memref<!tpu.dma_semaphore, #tpu.memory_space<semaphore_mem>>) src(%dma_wait3A_518 : memref<10x100xi32, #tpu.memory_space<hbm>>) dst(%arg8 : memref<10x100xi32, #tpu.memory_space<vmem>>)
        tpu.yield
      }) : () -> ()
      %dma_start3A = arith.constant 0 : i32
      %dma_start3A_25 = arith.constant 0 : i32
      %dma_start3A_26 = arith.constant 0 : i32
      %dma_start3A_27 = arith.constant 0 : i32
      %dma_start3A_28 = tpu.memref_slice %arg9[%dma_start3A_25, %dma_start3A_26, %dma_start3A_27] : memref<3x100x128xf32, #tpu.memory_space<vmem>> -> memref<1x100x128xf32, #tpu.memory_space<vmem>>
      %dma_start3A_29 = tpu.memref_squeeze %dma_start3A_28 : memref<1x100x128xf32, #tpu.memory_space<vmem>> -> memref<100x128xf32, #tpu.memory_space<vmem>>
      %dma_start3A_30 = arith.constant 0 : i32
      %dma_start3A_31 = tpu.memref_slice %arg7[%dma_start3A, %dma_start3A_30] : memref<10x100xi32, #tpu.memory_space<vmem>> -> memref<1x100xi32, #tpu.memory_space<vmem>>
      %dma_start3A_32 = tpu.memref_squeeze %dma_start3A_31 : memref<1x100xi32, #tpu.memory_space<vmem>> -> memref<100xi32, #tpu.memory_space<vmem>>
      %dma_start3A_33 = arith.constant 0 : i32
      %dma_start3A_34 = arith.constant 0 : i32
      %dma_start3A_35 = tpu.memref_slice %arg2[%dma_start3A_33, %dma_start3A_34] : memref<10000x128xf32, #tpu.memory_space<hbm>> -> memref<10000x128xf32, #tpu.memory_space<hbm>>
      tpu.enqueue_indirect_dma source(%dma_start3A_35 : memref<10000x128xf32, #tpu.memory_space<hbm>>) target(%dma_start3A_29 : memref<100x128xf32, #tpu.memory_space<vmem>>) offsets(%dma_start3A_32 : memref<100xi32, #tpu.memory_space<vmem>>) semaphore(%arg11 : memref<!tpu.dma_semaphore, #tpu.memory_space<semaphore_mem>>)
      %dma_start3A_36 = arith.constant 1 : i32
      %dma_start3A_37 = arith.constant 1 : i32
      %dma_start3A_38 = arith.constant 0 : i32
      %dma_start3A_39 = arith.constant 0 : i32
      %dma_start3A_40 = tpu.memref_slice %arg9[%dma_start3A_37, %dma_start3A_38, %dma_start3A_39] : memref<3x100x128xf32, #tpu.memory_space<vmem>> -> memref<1x100x128xf32, #tpu.memory_space<vmem>>
      %dma_start3A_41 = tpu.memref_squeeze %dma_start3A_40 : memref<1x100x128xf32, #tpu.memory_space<vmem>> -> memref<100x128xf32, #tpu.memory_space<vmem>>
      %dma_start3A_42 = arith.constant 0 : i32
      %dma_start3A_43 = tpu.memref_slice %arg7[%dma_start3A_36, %dma_start3A_42] : memref<10x100xi32, #tpu.memory_space<vmem>> -> memref<1x100xi32, #tpu.memory_space<vmem>>
      %dma_start3A_44 = tpu.memref_squeeze %dma_start3A_43 : memref<1x100xi32, #tpu.memory_space<vmem>> -> memref<100xi32, #tpu.memory_space<vmem>>
      %dma_start3A_45 = arith.constant 0 : i32
      %dma_start3A_46 = arith.constant 0 : i32
      %dma_start3A_47 = tpu.memref_slice %arg2[%dma_start3A_45, %dma_start3A_46] : memref<10000x128xf32, #tpu.memory_space<hbm>> -> memref<10000x128xf32, #tpu.memory_space<hbm>>
      tpu.enqueue_indirect_dma source(%dma_start3A_47 : memref<10000x128xf32, #tpu.memory_space<hbm>>) target(%dma_start3A_41 : memref<100x128xf32, #tpu.memory_space<vmem>>) offsets(%dma_start3A_44 : memref<100xi32, #tpu.memory_space<vmem>>) semaphore(%arg12 : memref<!tpu.dma_semaphore, #tpu.memory_space<semaphore_mem>>)
      %dma_start3A_48 = arith.constant 2 : i32
      %dma_start3A_49 = arith.constant 2 : i32
      %dma_start3A_50 = arith.constant 0 : i32
      %dma_start3A_51 = arith.constant 0 : i32
      %dma_start3A_52 = tpu.memref_slice %arg9[%dma_start3A_49, %dma_start3A_50, %dma_start3A_51] : memref<3x100x128xf32, #tpu.memory_space<vmem>> -> memref<1x100x128xf32, #tpu.memory_space<vmem>>
      %dma_start3A_53 = tpu.memref_squeeze %dma_start3A_52 : memref<1x100x128xf32, #tpu.memory_space<vmem>> -> memref<100x128xf32, #tpu.memory_space<vmem>>
      %dma_start3A_54 = arith.constant 0 : i32
      %dma_start3A_55 = tpu.memref_slice %arg7[%dma_start3A_48, %dma_start3A_54] : memref<10x100xi32, #tpu.memory_space<vmem>> -> memref<1x100xi32, #tpu.memory_space<vmem>>
      %dma_start3A_56 = tpu.memref_squeeze %dma_start3A_55 : memref<1x100xi32, #tpu.memory_space<vmem>> -> memref<100xi32, #tpu.memory_space<vmem>>
      %dma_start3A_57 = arith.constant 0 : i32
      %dma_start3A_58 = arith.constant 0 : i32
      %dma_start3A_59 = tpu.memref_slice %arg2[%dma_start3A_57, %dma_start3A_58] : memref<10000x128xf32, #tpu.memory_space<hbm>> -> memref<10000x128xf32, #tpu.memory_space<hbm>>
      tpu.enqueue_indirect_dma source(%dma_start3A_59 : memref<10000x128xf32, #tpu.memory_space<hbm>>) target(%dma_start3A_53 : memref<100x128xf32, #tpu.memory_space<vmem>>) offsets(%dma_start3A_56 : memref<100xi32, #tpu.memory_space<vmem>>) semaphore(%arg13 : memref<!tpu.dma_semaphore, #tpu.memory_space<semaphore_mem>>)
      %dma_wait3A = arith.constant 0 : i32
      %dma_wait3A_60 = arith.constant 0 : i32
      %dma_wait3A_61 = arith.constant 0 : i32
      %dma_wait3A_62 = arith.constant 0 : i32
      %dma_wait3A_63 = tpu.memref_slice %arg9[%dma_wait3A_60, %dma_wait3A_61, %dma_wait3A_62] : memref<3x100x128xf32, #tpu.memory_space<vmem>> -> memref<1x100x128xf32, #tpu.memory_space<vmem>>
      %dma_wait3A_64 = tpu.memref_squeeze %dma_wait3A_63 : memref<1x100x128xf32, #tpu.memory_space<vmem>> -> memref<100x128xf32, #tpu.memory_space<vmem>>
      %dma_wait3A_65 = arith.constant 0 : i32
      %dma_wait3A_66 = tpu.memref_slice %arg7[%dma_wait3A, %dma_wait3A_65] : memref<10x100xi32, #tpu.memory_space<vmem>> -> memref<1x100xi32, #tpu.memory_space<vmem>>
      %dma_wait3A_67 = tpu.memref_squeeze %dma_wait3A_66 : memref<1x100xi32, #tpu.memory_space<vmem>> -> memref<100xi32, #tpu.memory_space<vmem>>
      %dma_wait3A_68 = arith.constant 0 : i32
      %dma_wait3A_69 = arith.constant 0 : i32
      %dma_wait3A_70 = tpu.memref_slice %arg2[%dma_wait3A_68, %dma_wait3A_69] : memref<10000x128xf32, #tpu.memory_space<hbm>> -> memref<10000x128xf32, #tpu.memory_space<hbm>>
      tpu.wait_indirect_dma semaphore(%arg11 : memref<!tpu.dma_semaphore, #tpu.memory_space<semaphore_mem>>) src(%dma_wait3A_70 : memref<10000x128xf32, #tpu.memory_space<hbm>>) dst(%dma_wait3A_64 : memref<100x128xf32, #tpu.memory_space<vmem>>)
      %dma_start3A_71 = arith.constant 0 : i32
      %dma_start3A_72 = arith.constant 0 : i32
      %dma_start3A_73 = arith.constant 0 : i32
      %dma_start3A_74 = arith.constant 0 : i32
      %dma_start3A_75 = tpu.memref_slice %arg9[%dma_start3A_71, %dma_start3A_73, %dma_start3A_74] : memref<3x100x128xf32, #tpu.memory_space<vmem>> -> memref<1x100x128xf32, #tpu.memory_space<vmem>>
      %dma_start3A_76 = tpu.memref_squeeze %dma_start3A_75 : memref<1x100x128xf32, #tpu.memory_space<vmem>> -> memref<100x128xf32, #tpu.memory_space<vmem>>
      %dma_start3A_77 = arith.constant 0 : i32
      %dma_start3A_78 = tpu.memref_slice %arg8[%dma_start3A_72, %dma_start3A_77] : memref<10x100xi32, #tpu.memory_space<vmem>> -> memref<1x100xi32, #tpu.memory_space<vmem>>
      %dma_start3A_79 = tpu.memref_squeeze %dma_start3A_78 : memref<1x100xi32, #tpu.memory_space<vmem>> -> memref<100xi32, #tpu.memory_space<vmem>>
      %dma_start3A_80 = arith.constant 0 : i32
      %dma_start3A_81 = arith.constant 0 : i32
      %dma_start3A_82 = tpu.memref_slice %arg10[%dma_start3A_80, %dma_start3A_81] : memref<10000x128xf32, #tpu.memory_space<vmem_shared>> -> memref<10000x128xf32, #tpu.memory_space<vmem_shared>>
      tpu.enqueue_indirect_dma source(%dma_start3A_76 : memref<100x128xf32, #tpu.memory_space<vmem>>) target(%dma_start3A_82 : memref<10000x128xf32, #tpu.memory_space<vmem_shared>>) offsets(%dma_start3A_79 : memref<100xi32, #tpu.memory_space<vmem>>) semaphore(%arg14 : memref<!tpu.dma_semaphore, #tpu.memory_space<semaphore_mem>>) {add = true}
      %dma_wait3A_83 = arith.constant 0 : i32
      %dma_wait3A_84 = arith.constant 0 : i32
      %dma_wait3A_85 = arith.constant 0 : i32
      %dma_wait3A_86 = arith.constant 0 : i32
      %dma_wait3A_87 = tpu.memref_slice %arg9[%dma_wait3A_83, %dma_wait3A_85, %dma_wait3A_86] : memref<3x100x128xf32, #tpu.memory_space<vmem>> -> memref<1x100x128xf32, #tpu.memory_space<vmem>>
      %dma_wait3A_88 = tpu.memref_squeeze %dma_wait3A_87 : memref<1x100x128xf32, #tpu.memory_space<vmem>> -> memref<100x128xf32, #tpu.memory_space<vmem>>
      %dma_wait3A_89 = arith.constant 0 : i32
      %dma_wait3A_90 = tpu.memref_slice %arg8[%dma_wait3A_84, %dma_wait3A_89] : memref<10x100xi32, #tpu.memory_space<vmem>> -> memref<1x100xi32, #tpu.memory_space<vmem>>
      %dma_wait3A_91 = tpu.memref_squeeze %dma_wait3A_90 : memref<1x100xi32, #tpu.memory_space<vmem>> -> memref<100xi32, #tpu.memory_space<vmem>>
      %dma_wait3A_92 = arith.constant 0 : i32
      %dma_wait3A_93 = arith.constant 0 : i32
      %dma_wait3A_94 = tpu.memref_slice %arg10[%dma_wait3A_92, %dma_wait3A_93] : memref<10000x128xf32, #tpu.memory_space<vmem_shared>> -> memref<10000x128xf32, #tpu.memory_space<vmem_shared>>
      tpu.wait_indirect_dma semaphore(%arg14 : memref<!tpu.dma_semaphore, #tpu.memory_space<semaphore_mem>>) src(%dma_wait3A_88 : memref<100x128xf32, #tpu.memory_space<vmem>>) dst(%dma_wait3A_94 : memref<10000x128xf32, #tpu.memory_space<vmem_shared>>)
      %dma_start3A_95 = arith.constant 3 : i32
      %dma_start3A_96 = arith.constant 0 : i32
      %dma_start3A_97 = arith.constant 0 : i32
      %dma_start3A_98 = arith.constant 0 : i32
      %dma_start3A_99 = tpu.memref_slice %arg9[%dma_start3A_96, %dma_start3A_97, %dma_start3A_98] : memref<3x100x128xf32, #tpu.memory_space<vmem>> -> memref<1x100x128xf32, #tpu.memory_space<vmem>>
      %dma_start3A_100 = tpu.memref_squeeze %dma_start3A_99 : memref<1x100x128xf32, #tpu.memory_space<vmem>> -> memref<100x128xf32, #tpu.memory_space<vmem>>
      %dma_start3A_101 = arith.constant 0 : i32
      %dma_start3A_102 = tpu.memref_slice %arg7[%dma_start3A_95, %dma_start3A_101] : memref<10x100xi32, #tpu.memory_space<vmem>> -> memref<1x100xi32, #tpu.memory_space<vmem>>
      %dma_start3A_103 = tpu.memref_squeeze %dma_start3A_102 : memref<1x100xi32, #tpu.memory_space<vmem>> -> memref<100xi32, #tpu.memory_space<vmem>>
      %dma_start3A_104 = arith.constant 0 : i32
      %dma_start3A_105 = arith.constant 0 : i32
      %dma_start3A_106 = tpu.memref_slice %arg2[%dma_start3A_104, %dma_start3A_105] : memref<10000x128xf32, #tpu.memory_space<hbm>> -> memref<10000x128xf32, #tpu.memory_space<hbm>>
      tpu.enqueue_indirect_dma source(%dma_start3A_106 : memref<10000x128xf32, #tpu.memory_space<hbm>>) target(%dma_start3A_100 : memref<100x128xf32, #tpu.memory_space<vmem>>) offsets(%dma_start3A_103 : memref<100xi32, #tpu.memory_space<vmem>>) semaphore(%arg11 : memref<!tpu.dma_semaphore, #tpu.memory_space<semaphore_mem>>)
      %dma_wait3A_107 = arith.constant 1 : i32
      %dma_wait3A_108 = arith.constant 1 : i32
      %dma_wait3A_109 = arith.constant 0 : i32
      %dma_wait3A_110 = arith.constant 0 : i32
      %dma_wait3A_111 = tpu.memref_slice %arg9[%dma_wait3A_108, %dma_wait3A_109, %dma_wait3A_110] : memref<3x100x128xf32, #tpu.memory_space<vmem>> -> memref<1x100x128xf32, #tpu.memory_space<vmem>>
      %dma_wait3A_112 = tpu.memref_squeeze %dma_wait3A_111 : memref<1x100x128xf32, #tpu.memory_space<vmem>> -> memref<100x128xf32, #tpu.memory_space<vmem>>
      %dma_wait3A_113 = arith.constant 0 : i32
      %dma_wait3A_114 = tpu.memref_slice %arg7[%dma_wait3A_107, %dma_wait3A_113] : memref<10x100xi32, #tpu.memory_space<vmem>> -> memref<1x100xi32, #tpu.memory_space<vmem>>
      %dma_wait3A_115 = tpu.memref_squeeze %dma_wait3A_114 : memref<1x100xi32, #tpu.memory_space<vmem>> -> memref<100xi32, #tpu.memory_space<vmem>>
      %dma_wait3A_116 = arith.constant 0 : i32
      %dma_wait3A_117 = arith.constant 0 : i32
      %dma_wait3A_118 = tpu.memref_slice %arg2[%dma_wait3A_116, %dma_wait3A_117] : memref<10000x128xf32, #tpu.memory_space<hbm>> -> memref<10000x128xf32, #tpu.memory_space<hbm>>
      tpu.wait_indirect_dma semaphore(%arg12 : memref<!tpu.dma_semaphore, #tpu.memory_space<semaphore_mem>>) src(%dma_wait3A_118 : memref<10000x128xf32, #tpu.memory_space<hbm>>) dst(%dma_wait3A_112 : memref<100x128xf32, #tpu.memory_space<vmem>>)
      %dma_start3A_119 = arith.constant 1 : i32
      %dma_start3A_120 = arith.constant 1 : i32
      %dma_start3A_121 = arith.constant 0 : i32
      %dma_start3A_122 = arith.constant 0 : i32
      %dma_start3A_123 = tpu.memref_slice %arg9[%dma_start3A_119, %dma_start3A_121, %dma_start3A_122] : memref<3x100x128xf32, #tpu.memory_space<vmem>> -> memref<1x100x128xf32, #tpu.memory_space<vmem>>
      %dma_start3A_124 = tpu.memref_squeeze %dma_start3A_123 : memref<1x100x128xf32, #tpu.memory_space<vmem>> -> memref<100x128xf32, #tpu.memory_space<vmem>>
      %dma_start3A_125 = arith.constant 0 : i32
      %dma_start3A_126 = tpu.memref_slice %arg8[%dma_start3A_120, %dma_start3A_125] : memref<10x100xi32, #tpu.memory_space<vmem>> -> memref<1x100xi32, #tpu.memory_space<vmem>>
      %dma_start3A_127 = tpu.memref_squeeze %dma_start3A_126 : memref<1x100xi32, #tpu.memory_space<vmem>> -> memref<100xi32, #tpu.memory_space<vmem>>
      %dma_start3A_128 = arith.constant 0 : i32
      %dma_start3A_129 = arith.constant 0 : i32
      %dma_start3A_130 = tpu.memref_slice %arg10[%dma_start3A_128, %dma_start3A_129] : memref<10000x128xf32, #tpu.memory_space<vmem_shared>> -> memref<10000x128xf32, #tpu.memory_space<vmem_shared>>
      tpu.enqueue_indirect_dma source(%dma_start3A_124 : memref<100x128xf32, #tpu.memory_space<vmem>>) target(%dma_start3A_130 : memref<10000x128xf32, #tpu.memory_space<vmem_shared>>) offsets(%dma_start3A_127 : memref<100xi32, #tpu.memory_space<vmem>>) semaphore(%arg15 : memref<!tpu.dma_semaphore, #tpu.memory_space<semaphore_mem>>) {add = true}
      %dma_wait3A_131 = arith.constant 1 : i32
      %dma_wait3A_132 = arith.constant 1 : i32
      %dma_wait3A_133 = arith.constant 0 : i32
      %dma_wait3A_134 = arith.constant 0 : i32
      %dma_wait3A_135 = tpu.memref_slice %arg9[%dma_wait3A_131, %dma_wait3A_133, %dma_wait3A_134] : memref<3x100x128xf32, #tpu.memory_space<vmem>> -> memref<1x100x128xf32, #tpu.memory_space<vmem>>
      %dma_wait3A_136 = tpu.memref_squeeze %dma_wait3A_135 : memref<1x100x128xf32, #tpu.memory_space<vmem>> -> memref<100x128xf32, #tpu.memory_space<vmem>>
      %dma_wait3A_137 = arith.constant 0 : i32
      %dma_wait3A_138 = tpu.memref_slice %arg8[%dma_wait3A_132, %dma_wait3A_137] : memref<10x100xi32, #tpu.memory_space<vmem>> -> memref<1x100xi32, #tpu.memory_space<vmem>>
      %dma_wait3A_139 = tpu.memref_squeeze %dma_wait3A_138 : memref<1x100xi32, #tpu.memory_space<vmem>> -> memref<100xi32, #tpu.memory_space<vmem>>
      %dma_wait3A_140 = arith.constant 0 : i32
      %dma_wait3A_141 = arith.constant 0 : i32
      %dma_wait3A_142 = tpu.memref_slice %arg10[%dma_wait3A_140, %dma_wait3A_141] : memref<10000x128xf32, #tpu.memory_space<vmem_shared>> -> memref<10000x128xf32, #tpu.memory_space<vmem_shared>>
      tpu.wait_indirect_dma semaphore(%arg15 : memref<!tpu.dma_semaphore, #tpu.memory_space<semaphore_mem>>) src(%dma_wait3A_136 : memref<100x128xf32, #tpu.memory_space<vmem>>) dst(%dma_wait3A_142 : memref<10000x128xf32, #tpu.memory_space<vmem_shared>>)
      %dma_start3A_143 = arith.constant 4 : i32
      %dma_start3A_144 = arith.constant 1 : i32
      %dma_start3A_145 = arith.constant 0 : i32
      %dma_start3A_146 = arith.constant 0 : i32
      %dma_start3A_147 = tpu.memref_slice %arg9[%dma_start3A_144, %dma_start3A_145, %dma_start3A_146] : memref<3x100x128xf32, #tpu.memory_space<vmem>> -> memref<1x100x128xf32, #tpu.memory_space<vmem>>
      %dma_start3A_148 = tpu.memref_squeeze %dma_start3A_147 : memref<1x100x128xf32, #tpu.memory_space<vmem>> -> memref<100x128xf32, #tpu.memory_space<vmem>>
      %dma_start3A_149 = arith.constant 0 : i32
      %dma_start3A_150 = tpu.memref_slice %arg7[%dma_start3A_143, %dma_start3A_149] : memref<10x100xi32, #tpu.memory_space<vmem>> -> memref<1x100xi32, #tpu.memory_space<vmem>>
      %dma_start3A_151 = tpu.memref_squeeze %dma_start3A_150 : memref<1x100xi32, #tpu.memory_space<vmem>> -> memref<100xi32, #tpu.memory_space<vmem>>
      %dma_start3A_152 = arith.constant 0 : i32
      %dma_start3A_153 = arith.constant 0 : i32
      %dma_start3A_154 = tpu.memref_slice %arg2[%dma_start3A_152, %dma_start3A_153] : memref<10000x128xf32, #tpu.memory_space<hbm>> -> memref<10000x128xf32, #tpu.memory_space<hbm>>
      tpu.enqueue_indirect_dma source(%dma_start3A_154 : memref<10000x128xf32, #tpu.memory_space<hbm>>) target(%dma_start3A_148 : memref<100x128xf32, #tpu.memory_space<vmem>>) offsets(%dma_start3A_151 : memref<100xi32, #tpu.memory_space<vmem>>) semaphore(%arg12 : memref<!tpu.dma_semaphore, #tpu.memory_space<semaphore_mem>>)
      %dma_wait3A_155 = arith.constant 2 : i32
      %dma_wait3A_156 = arith.constant 2 : i32
      %dma_wait3A_157 = arith.constant 0 : i32
      %dma_wait3A_158 = arith.constant 0 : i32
      %dma_wait3A_159 = tpu.memref_slice %arg9[%dma_wait3A_156, %dma_wait3A_157, %dma_wait3A_158] : memref<3x100x128xf32, #tpu.memory_space<vmem>> -> memref<1x100x128xf32, #tpu.memory_space<vmem>>
      %dma_wait3A_160 = tpu.memref_squeeze %dma_wait3A_159 : memref<1x100x128xf32, #tpu.memory_space<vmem>> -> memref<100x128xf32, #tpu.memory_space<vmem>>
      %dma_wait3A_161 = arith.constant 0 : i32
      %dma_wait3A_162 = tpu.memref_slice %arg7[%dma_wait3A_155, %dma_wait3A_161] : memref<10x100xi32, #tpu.memory_space<vmem>> -> memref<1x100xi32, #tpu.memory_space<vmem>>
      %dma_wait3A_163 = tpu.memref_squeeze %dma_wait3A_162 : memref<1x100xi32, #tpu.memory_space<vmem>> -> memref<100xi32, #tpu.memory_space<vmem>>
      %dma_wait3A_164 = arith.constant 0 : i32
      %dma_wait3A_165 = arith.constant 0 : i32
      %dma_wait3A_166 = tpu.memref_slice %arg2[%dma_wait3A_164, %dma_wait3A_165] : memref<10000x128xf32, #tpu.memory_space<hbm>> -> memref<10000x128xf32, #tpu.memory_space<hbm>>
      tpu.wait_indirect_dma semaphore(%arg13 : memref<!tpu.dma_semaphore, #tpu.memory_space<semaphore_mem>>) src(%dma_wait3A_166 : memref<10000x128xf32, #tpu.memory_space<hbm>>) dst(%dma_wait3A_160 : memref<100x128xf32, #tpu.memory_space<vmem>>)
      %dma_start3A_167 = arith.constant 2 : i32
      %dma_start3A_168 = arith.constant 2 : i32
      %dma_start3A_169 = arith.constant 0 : i32
      %dma_start3A_170 = arith.constant 0 : i32
      %dma_start3A_171 = tpu.memref_slice %arg9[%dma_start3A_167, %dma_start3A_169, %dma_start3A_170] : memref<3x100x128xf32, #tpu.memory_space<vmem>> -> memref<1x100x128xf32, #tpu.memory_space<vmem>>
      %dma_start3A_172 = tpu.memref_squeeze %dma_start3A_171 : memref<1x100x128xf32, #tpu.memory_space<vmem>> -> memref<100x128xf32, #tpu.memory_space<vmem>>
      %dma_start3A_173 = arith.constant 0 : i32
      %dma_start3A_174 = tpu.memref_slice %arg8[%dma_start3A_168, %dma_start3A_173] : memref<10x100xi32, #tpu.memory_space<vmem>> -> memref<1x100xi32, #tpu.memory_space<vmem>>
      %dma_start3A_175 = tpu.memref_squeeze %dma_start3A_174 : memref<1x100xi32, #tpu.memory_space<vmem>> -> memref<100xi32, #tpu.memory_space<vmem>>
      %dma_start3A_176 = arith.constant 0 : i32
      %dma_start3A_177 = arith.constant 0 : i32
      %dma_start3A_178 = tpu.memref_slice %arg10[%dma_start3A_176, %dma_start3A_177] : memref<10000x128xf32, #tpu.memory_space<vmem_shared>> -> memref<10000x128xf32, #tpu.memory_space<vmem_shared>>
      tpu.enqueue_indirect_dma source(%dma_start3A_172 : memref<100x128xf32, #tpu.memory_space<vmem>>) target(%dma_start3A_178 : memref<10000x128xf32, #tpu.memory_space<vmem_shared>>) offsets(%dma_start3A_175 : memref<100xi32, #tpu.memory_space<vmem>>) semaphore(%arg16 : memref<!tpu.dma_semaphore, #tpu.memory_space<semaphore_mem>>) {add = true}
      %dma_wait3A_179 = arith.constant 2 : i32
      %dma_wait3A_180 = arith.constant 2 : i32
      %dma_wait3A_181 = arith.constant 0 : i32
      %dma_wait3A_182 = arith.constant 0 : i32
      %dma_wait3A_183 = tpu.memref_slice %arg9[%dma_wait3A_179, %dma_wait3A_181, %dma_wait3A_182] : memref<3x100x128xf32, #tpu.memory_space<vmem>> -> memref<1x100x128xf32, #tpu.memory_space<vmem>>
      %dma_wait3A_184 = tpu.memref_squeeze %dma_wait3A_183 : memref<1x100x128xf32, #tpu.memory_space<vmem>> -> memref<100x128xf32, #tpu.memory_space<vmem>>
      %dma_wait3A_185 = arith.constant 0 : i32
      %dma_wait3A_186 = tpu.memref_slice %arg8[%dma_wait3A_180, %dma_wait3A_185] : memref<10x100xi32, #tpu.memory_space<vmem>> -> memref<1x100xi32, #tpu.memory_space<vmem>>
      %dma_wait3A_187 = tpu.memref_squeeze %dma_wait3A_186 : memref<1x100xi32, #tpu.memory_space<vmem>> -> memref<100xi32, #tpu.memory_space<vmem>>
      %dma_wait3A_188 = arith.constant 0 : i32
      %dma_wait3A_189 = arith.constant 0 : i32
      %dma_wait3A_190 = tpu.memref_slice %arg10[%dma_wait3A_188, %dma_wait3A_189] : memref<10000x128xf32, #tpu.memory_space<vmem_shared>> -> memref<10000x128xf32, #tpu.memory_space<vmem_shared>>
      tpu.wait_indirect_dma semaphore(%arg16 : memref<!tpu.dma_semaphore, #tpu.memory_space<semaphore_mem>>) src(%dma_wait3A_184 : memref<100x128xf32, #tpu.memory_space<vmem>>) dst(%dma_wait3A_190 : memref<10000x128xf32, #tpu.memory_space<vmem_shared>>)
      %dma_start3A_191 = arith.constant 5 : i32
      %dma_start3A_192 = arith.constant 2 : i32
      %dma_start3A_193 = arith.constant 0 : i32
      %dma_start3A_194 = arith.constant 0 : i32
      %dma_start3A_195 = tpu.memref_slice %arg9[%dma_start3A_192, %dma_start3A_193, %dma_start3A_194] : memref<3x100x128xf32, #tpu.memory_space<vmem>> -> memref<1x100x128xf32, #tpu.memory_space<vmem>>
      %dma_start3A_196 = tpu.memref_squeeze %dma_start3A_195 : memref<1x100x128xf32, #tpu.memory_space<vmem>> -> memref<100x128xf32, #tpu.memory_space<vmem>>
      %dma_start3A_197 = arith.constant 0 : i32
      %dma_start3A_198 = tpu.memref_slice %arg7[%dma_start3A_191, %dma_start3A_197] : memref<10x100xi32, #tpu.memory_space<vmem>> -> memref<1x100xi32, #tpu.memory_space<vmem>>
      %dma_start3A_199 = tpu.memref_squeeze %dma_start3A_198 : memref<1x100xi32, #tpu.memory_space<vmem>> -> memref<100xi32, #tpu.memory_space<vmem>>
      %dma_start3A_200 = arith.constant 0 : i32
      %dma_start3A_201 = arith.constant 0 : i32
      %dma_start3A_202 = tpu.memref_slice %arg2[%dma_start3A_200, %dma_start3A_201] : memref<10000x128xf32, #tpu.memory_space<hbm>> -> memref<10000x128xf32, #tpu.memory_space<hbm>>
      tpu.enqueue_indirect_dma source(%dma_start3A_202 : memref<10000x128xf32, #tpu.memory_space<hbm>>) target(%dma_start3A_196 : memref<100x128xf32, #tpu.memory_space<vmem>>) offsets(%dma_start3A_199 : memref<100xi32, #tpu.memory_space<vmem>>) semaphore(%arg13 : memref<!tpu.dma_semaphore, #tpu.memory_space<semaphore_mem>>)
      %dma_wait3A_203 = arith.constant 3 : i32
      %dma_wait3A_204 = arith.constant 0 : i32
      %dma_wait3A_205 = arith.constant 0 : i32
      %dma_wait3A_206 = arith.constant 0 : i32
      %dma_wait3A_207 = tpu.memref_slice %arg9[%dma_wait3A_204, %dma_wait3A_205, %dma_wait3A_206] : memref<3x100x128xf32, #tpu.memory_space<vmem>> -> memref<1x100x128xf32, #tpu.memory_space<vmem>>
      %dma_wait3A_208 = tpu.memref_squeeze %dma_wait3A_207 : memref<1x100x128xf32, #tpu.memory_space<vmem>> -> memref<100x128xf32, #tpu.memory_space<vmem>>
      %dma_wait3A_209 = arith.constant 0 : i32
      %dma_wait3A_210 = tpu.memref_slice %arg7[%dma_wait3A_203, %dma_wait3A_209] : memref<10x100xi32, #tpu.memory_space<vmem>> -> memref<1x100xi32, #tpu.memory_space<vmem>>
      %dma_wait3A_211 = tpu.memref_squeeze %dma_wait3A_210 : memref<1x100xi32, #tpu.memory_space<vmem>> -> memref<100xi32, #tpu.memory_space<vmem>>
      %dma_wait3A_212 = arith.constant 0 : i32
      %dma_wait3A_213 = arith.constant 0 : i32
      %dma_wait3A_214 = tpu.memref_slice %arg2[%dma_wait3A_212, %dma_wait3A_213] : memref<10000x128xf32, #tpu.memory_space<hbm>> -> memref<10000x128xf32, #tpu.memory_space<hbm>>
      tpu.wait_indirect_dma semaphore(%arg11 : memref<!tpu.dma_semaphore, #tpu.memory_space<semaphore_mem>>) src(%dma_wait3A_214 : memref<10000x128xf32, #tpu.memory_space<hbm>>) dst(%dma_wait3A_208 : memref<100x128xf32, #tpu.memory_space<vmem>>)
      %dma_start3A_215 = arith.constant 0 : i32
      %dma_start3A_216 = arith.constant 3 : i32
      %dma_start3A_217 = arith.constant 0 : i32
      %dma_start3A_218 = arith.constant 0 : i32
      %dma_start3A_219 = tpu.memref_slice %arg9[%dma_start3A_215, %dma_start3A_217, %dma_start3A_218] : memref<3x100x128xf32, #tpu.memory_space<vmem>> -> memref<1x100x128xf32, #tpu.memory_space<vmem>>
      %dma_start3A_220 = tpu.memref_squeeze %dma_start3A_219 : memref<1x100x128xf32, #tpu.memory_space<vmem>> -> memref<100x128xf32, #tpu.memory_space<vmem>>
      %dma_start3A_221 = arith.constant 0 : i32
      %dma_start3A_222 = tpu.memref_slice %arg8[%dma_start3A_216, %dma_start3A_221] : memref<10x100xi32, #tpu.memory_space<vmem>> -> memref<1x100xi32, #tpu.memory_space<vmem>>
      %dma_start3A_223 = tpu.memref_squeeze %dma_start3A_222 : memref<1x100xi32, #tpu.memory_space<vmem>> -> memref<100xi32, #tpu.memory_space<vmem>>
      %dma_start3A_224 = arith.constant 0 : i32
      %dma_start3A_225 = arith.constant 0 : i32
      %dma_start3A_226 = tpu.memref_slice %arg10[%dma_start3A_224, %dma_start3A_225] : memref<10000x128xf32, #tpu.memory_space<vmem_shared>> -> memref<10000x128xf32, #tpu.memory_space<vmem_shared>>
      tpu.enqueue_indirect_dma source(%dma_start3A_220 : memref<100x128xf32, #tpu.memory_space<vmem>>) target(%dma_start3A_226 : memref<10000x128xf32, #tpu.memory_space<vmem_shared>>) offsets(%dma_start3A_223 : memref<100xi32, #tpu.memory_space<vmem>>) semaphore(%arg14 : memref<!tpu.dma_semaphore, #tpu.memory_space<semaphore_mem>>) {add = true}
      %dma_wait3A_227 = arith.constant 0 : i32
      %dma_wait3A_228 = arith.constant 3 : i32
      %dma_wait3A_229 = arith.constant 0 : i32
      %dma_wait3A_230 = arith.constant 0 : i32
      %dma_wait3A_231 = tpu.memref_slice %arg9[%dma_wait3A_227, %dma_wait3A_229, %dma_wait3A_230] : memref<3x100x128xf32, #tpu.memory_space<vmem>> -> memref<1x100x128xf32, #tpu.memory_space<vmem>>
      %dma_wait3A_232 = tpu.memref_squeeze %dma_wait3A_231 : memref<1x100x128xf32, #tpu.memory_space<vmem>> -> memref<100x128xf32, #tpu.memory_space<vmem>>
      %dma_wait3A_233 = arith.constant 0 : i32
      %dma_wait3A_234 = tpu.memref_slice %arg8[%dma_wait3A_228, %dma_wait3A_233] : memref<10x100xi32, #tpu.memory_space<vmem>> -> memref<1x100xi32, #tpu.memory_space<vmem>>
      %dma_wait3A_235 = tpu.memref_squeeze %dma_wait3A_234 : memref<1x100xi32, #tpu.memory_space<vmem>> -> memref<100xi32, #tpu.memory_space<vmem>>
      %dma_wait3A_236 = arith.constant 0 : i32
      %dma_wait3A_237 = arith.constant 0 : i32
      %dma_wait3A_238 = tpu.memref_slice %arg10[%dma_wait3A_236, %dma_wait3A_237] : memref<10000x128xf32, #tpu.memory_space<vmem_shared>> -> memref<10000x128xf32, #tpu.memory_space<vmem_shared>>
      tpu.wait_indirect_dma semaphore(%arg14 : memref<!tpu.dma_semaphore, #tpu.memory_space<semaphore_mem>>) src(%dma_wait3A_232 : memref<100x128xf32, #tpu.memory_space<vmem>>) dst(%dma_wait3A_238 : memref<10000x128xf32, #tpu.memory_space<vmem_shared>>)
      %dma_start3A_239 = arith.constant 6 : i32
      %dma_start3A_240 = arith.constant 0 : i32
      %dma_start3A_241 = arith.constant 0 : i32
      %dma_start3A_242 = arith.constant 0 : i32
      %dma_start3A_243 = tpu.memref_slice %arg9[%dma_start3A_240, %dma_start3A_241, %dma_start3A_242] : memref<3x100x128xf32, #tpu.memory_space<vmem>> -> memref<1x100x128xf32, #tpu.memory_space<vmem>>
      %dma_start3A_244 = tpu.memref_squeeze %dma_start3A_243 : memref<1x100x128xf32, #tpu.memory_space<vmem>> -> memref<100x128xf32, #tpu.memory_space<vmem>>
      %dma_start3A_245 = arith.constant 0 : i32
      %dma_start3A_246 = tpu.memref_slice %arg7[%dma_start3A_239, %dma_start3A_245] : memref<10x100xi32, #tpu.memory_space<vmem>> -> memref<1x100xi32, #tpu.memory_space<vmem>>
      %dma_start3A_247 = tpu.memref_squeeze %dma_start3A_246 : memref<1x100xi32, #tpu.memory_space<vmem>> -> memref<100xi32, #tpu.memory_space<vmem>>
      %dma_start3A_248 = arith.constant 0 : i32
      %dma_start3A_249 = arith.constant 0 : i32
      %dma_start3A_250 = tpu.memref_slice %arg2[%dma_start3A_248, %dma_start3A_249] : memref<10000x128xf32, #tpu.memory_space<hbm>> -> memref<10000x128xf32, #tpu.memory_space<hbm>>
      tpu.enqueue_indirect_dma source(%dma_start3A_250 : memref<10000x128xf32, #tpu.memory_space<hbm>>) target(%dma_start3A_244 : memref<100x128xf32, #tpu.memory_space<vmem>>) offsets(%dma_start3A_247 : memref<100xi32, #tpu.memory_space<vmem>>) semaphore(%arg11 : memref<!tpu.dma_semaphore, #tpu.memory_space<semaphore_mem>>)
      %dma_wait3A_251 = arith.constant 4 : i32
      %dma_wait3A_252 = arith.constant 1 : i32
      %dma_wait3A_253 = arith.constant 0 : i32
      %dma_wait3A_254 = arith.constant 0 : i32
      %dma_wait3A_255 = tpu.memref_slice %arg9[%dma_wait3A_252, %dma_wait3A_253, %dma_wait3A_254] : memref<3x100x128xf32, #tpu.memory_space<vmem>> -> memref<1x100x128xf32, #tpu.memory_space<vmem>>
      %dma_wait3A_256 = tpu.memref_squeeze %dma_wait3A_255 : memref<1x100x128xf32, #tpu.memory_space<vmem>> -> memref<100x128xf32, #tpu.memory_space<vmem>>
      %dma_wait3A_257 = arith.constant 0 : i32
      %dma_wait3A_258 = tpu.memref_slice %arg7[%dma_wait3A_251, %dma_wait3A_257] : memref<10x100xi32, #tpu.memory_space<vmem>> -> memref<1x100xi32, #tpu.memory_space<vmem>>
      %dma_wait3A_259 = tpu.memref_squeeze %dma_wait3A_258 : memref<1x100xi32, #tpu.memory_space<vmem>> -> memref<100xi32, #tpu.memory_space<vmem>>
      %dma_wait3A_260 = arith.constant 0 : i32
      %dma_wait3A_261 = arith.constant 0 : i32
      %dma_wait3A_262 = tpu.memref_slice %arg2[%dma_wait3A_260, %dma_wait3A_261] : memref<10000x128xf32, #tpu.memory_space<hbm>> -> memref<10000x128xf32, #tpu.memory_space<hbm>>
      tpu.wait_indirect_dma semaphore(%arg12 : memref<!tpu.dma_semaphore, #tpu.memory_space<semaphore_mem>>) src(%dma_wait3A_262 : memref<10000x128xf32, #tpu.memory_space<hbm>>) dst(%dma_wait3A_256 : memref<100x128xf32, #tpu.memory_space<vmem>>)
      %dma_start3A_263 = arith.constant 1 : i32
      %dma_start3A_264 = arith.constant 4 : i32
      %dma_start3A_265 = arith.constant 0 : i32
      %dma_start3A_266 = arith.constant 0 : i32
      %dma_start3A_267 = tpu.memref_slice %arg9[%dma_start3A_263, %dma_start3A_265, %dma_start3A_266] : memref<3x100x128xf32, #tpu.memory_space<vmem>> -> memref<1x100x128xf32, #tpu.memory_space<vmem>>
      %dma_start3A_268 = tpu.memref_squeeze %dma_start3A_267 : memref<1x100x128xf32, #tpu.memory_space<vmem>> -> memref<100x128xf32, #tpu.memory_space<vmem>>
      %dma_start3A_269 = arith.constant 0 : i32
      %dma_start3A_270 = tpu.memref_slice %arg8[%dma_start3A_264, %dma_start3A_269] : memref<10x100xi32, #tpu.memory_space<vmem>> -> memref<1x100xi32, #tpu.memory_space<vmem>>
      %dma_start3A_271 = tpu.memref_squeeze %dma_start3A_270 : memref<1x100xi32, #tpu.memory_space<vmem>> -> memref<100xi32, #tpu.memory_space<vmem>>
      %dma_start3A_272 = arith.constant 0 : i32
      %dma_start3A_273 = arith.constant 0 : i32
      %dma_start3A_274 = tpu.memref_slice %arg10[%dma_start3A_272, %dma_start3A_273] : memref<10000x128xf32, #tpu.memory_space<vmem_shared>> -> memref<10000x128xf32, #tpu.memory_space<vmem_shared>>
      tpu.enqueue_indirect_dma source(%dma_start3A_268 : memref<100x128xf32, #tpu.memory_space<vmem>>) target(%dma_start3A_274 : memref<10000x128xf32, #tpu.memory_space<vmem_shared>>) offsets(%dma_start3A_271 : memref<100xi32, #tpu.memory_space<vmem>>) semaphore(%arg15 : memref<!tpu.dma_semaphore, #tpu.memory_space<semaphore_mem>>) {add = true}
      %dma_wait3A_275 = arith.constant 1 : i32
      %dma_wait3A_276 = arith.constant 4 : i32
      %dma_wait3A_277 = arith.constant 0 : i32
      %dma_wait3A_278 = arith.constant 0 : i32
      %dma_wait3A_279 = tpu.memref_slice %arg9[%dma_wait3A_275, %dma_wait3A_277, %dma_wait3A_278] : memref<3x100x128xf32, #tpu.memory_space<vmem>> -> memref<1x100x128xf32, #tpu.memory_space<vmem>>
      %dma_wait3A_280 = tpu.memref_squeeze %dma_wait3A_279 : memref<1x100x128xf32, #tpu.memory_space<vmem>> -> memref<100x128xf32, #tpu.memory_space<vmem>>
      %dma_wait3A_281 = arith.constant 0 : i32
      %dma_wait3A_282 = tpu.memref_slice %arg8[%dma_wait3A_276, %dma_wait3A_281] : memref<10x100xi32, #tpu.memory_space<vmem>> -> memref<1x100xi32, #tpu.memory_space<vmem>>
      %dma_wait3A_283 = tpu.memref_squeeze %dma_wait3A_282 : memref<1x100xi32, #tpu.memory_space<vmem>> -> memref<100xi32, #tpu.memory_space<vmem>>
      %dma_wait3A_284 = arith.constant 0 : i32
      %dma_wait3A_285 = arith.constant 0 : i32
      %dma_wait3A_286 = tpu.memref_slice %arg10[%dma_wait3A_284, %dma_wait3A_285] : memref<10000x128xf32, #tpu.memory_space<vmem_shared>> -> memref<10000x128xf32, #tpu.memory_space<vmem_shared>>
      tpu.wait_indirect_dma semaphore(%arg15 : memref<!tpu.dma_semaphore, #tpu.memory_space<semaphore_mem>>) src(%dma_wait3A_280 : memref<100x128xf32, #tpu.memory_space<vmem>>) dst(%dma_wait3A_286 : memref<10000x128xf32, #tpu.memory_space<vmem_shared>>)
      %dma_start3A_287 = arith.constant 7 : i32
      %dma_start3A_288 = arith.constant 1 : i32
      %dma_start3A_289 = arith.constant 0 : i32
      %dma_start3A_290 = arith.constant 0 : i32
      %dma_start3A_291 = tpu.memref_slice %arg9[%dma_start3A_288, %dma_start3A_289, %dma_start3A_290] : memref<3x100x128xf32, #tpu.memory_space<vmem>> -> memref<1x100x128xf32, #tpu.memory_space<vmem>>
      %dma_start3A_292 = tpu.memref_squeeze %dma_start3A_291 : memref<1x100x128xf32, #tpu.memory_space<vmem>> -> memref<100x128xf32, #tpu.memory_space<vmem>>
      %dma_start3A_293 = arith.constant 0 : i32
      %dma_start3A_294 = tpu.memref_slice %arg7[%dma_start3A_287, %dma_start3A_293] : memref<10x100xi32, #tpu.memory_space<vmem>> -> memref<1x100xi32, #tpu.memory_space<vmem>>
      %dma_start3A_295 = tpu.memref_squeeze %dma_start3A_294 : memref<1x100xi32, #tpu.memory_space<vmem>> -> memref<100xi32, #tpu.memory_space<vmem>>
      %dma_start3A_296 = arith.constant 0 : i32
      %dma_start3A_297 = arith.constant 0 : i32
      %dma_start3A_298 = tpu.memref_slice %arg2[%dma_start3A_296, %dma_start3A_297] : memref<10000x128xf32, #tpu.memory_space<hbm>> -> memref<10000x128xf32, #tpu.memory_space<hbm>>
      tpu.enqueue_indirect_dma source(%dma_start3A_298 : memref<10000x128xf32, #tpu.memory_space<hbm>>) target(%dma_start3A_292 : memref<100x128xf32, #tpu.memory_space<vmem>>) offsets(%dma_start3A_295 : memref<100xi32, #tpu.memory_space<vmem>>) semaphore(%arg12 : memref<!tpu.dma_semaphore, #tpu.memory_space<semaphore_mem>>)
      %dma_wait3A_299 = arith.constant 5 : i32
      %dma_wait3A_300 = arith.constant 2 : i32
      %dma_wait3A_301 = arith.constant 0 : i32
      %dma_wait3A_302 = arith.constant 0 : i32
      %dma_wait3A_303 = tpu.memref_slice %arg9[%dma_wait3A_300, %dma_wait3A_301, %dma_wait3A_302] : memref<3x100x128xf32, #tpu.memory_space<vmem>> -> memref<1x100x128xf32, #tpu.memory_space<vmem>>
      %dma_wait3A_304 = tpu.memref_squeeze %dma_wait3A_303 : memref<1x100x128xf32, #tpu.memory_space<vmem>> -> memref<100x128xf32, #tpu.memory_space<vmem>>
      %dma_wait3A_305 = arith.constant 0 : i32
      %dma_wait3A_306 = tpu.memref_slice %arg7[%dma_wait3A_299, %dma_wait3A_305] : memref<10x100xi32, #tpu.memory_space<vmem>> -> memref<1x100xi32, #tpu.memory_space<vmem>>
      %dma_wait3A_307 = tpu.memref_squeeze %dma_wait3A_306 : memref<1x100xi32, #tpu.memory_space<vmem>> -> memref<100xi32, #tpu.memory_space<vmem>>
      %dma_wait3A_308 = arith.constant 0 : i32
      %dma_wait3A_309 = arith.constant 0 : i32
      %dma_wait3A_310 = tpu.memref_slice %arg2[%dma_wait3A_308, %dma_wait3A_309] : memref<10000x128xf32, #tpu.memory_space<hbm>> -> memref<10000x128xf32, #tpu.memory_space<hbm>>
      tpu.wait_indirect_dma semaphore(%arg13 : memref<!tpu.dma_semaphore, #tpu.memory_space<semaphore_mem>>) src(%dma_wait3A_310 : memref<10000x128xf32, #tpu.memory_space<hbm>>) dst(%dma_wait3A_304 : memref<100x128xf32, #tpu.memory_space<vmem>>)
      %dma_start3A_311 = arith.constant 2 : i32
      %dma_start3A_312 = arith.constant 5 : i32
      %dma_start3A_313 = arith.constant 0 : i32
      %dma_start3A_314 = arith.constant 0 : i32
      %dma_start3A_315 = tpu.memref_slice %arg9[%dma_start3A_311, %dma_start3A_313, %dma_start3A_314] : memref<3x100x128xf32, #tpu.memory_space<vmem>> -> memref<1x100x128xf32, #tpu.memory_space<vmem>>
      %dma_start3A_316 = tpu.memref_squeeze %dma_start3A_315 : memref<1x100x128xf32, #tpu.memory_space<vmem>> -> memref<100x128xf32, #tpu.memory_space<vmem>>
      %dma_start3A_317 = arith.constant 0 : i32
      %dma_start3A_318 = tpu.memref_slice %arg8[%dma_start3A_312, %dma_start3A_317] : memref<10x100xi32, #tpu.memory_space<vmem>> -> memref<1x100xi32, #tpu.memory_space<vmem>>
      %dma_start3A_319 = tpu.memref_squeeze %dma_start3A_318 : memref<1x100xi32, #tpu.memory_space<vmem>> -> memref<100xi32, #tpu.memory_space<vmem>>
      %dma_start3A_320 = arith.constant 0 : i32
      %dma_start3A_321 = arith.constant 0 : i32
      %dma_start3A_322 = tpu.memref_slice %arg10[%dma_start3A_320, %dma_start3A_321] : memref<10000x128xf32, #tpu.memory_space<vmem_shared>> -> memref<10000x128xf32, #tpu.memory_space<vmem_shared>>
      tpu.enqueue_indirect_dma source(%dma_start3A_316 : memref<100x128xf32, #tpu.memory_space<vmem>>) target(%dma_start3A_322 : memref<10000x128xf32, #tpu.memory_space<vmem_shared>>) offsets(%dma_start3A_319 : memref<100xi32, #tpu.memory_space<vmem>>) semaphore(%arg16 : memref<!tpu.dma_semaphore, #tpu.memory_space<semaphore_mem>>) {add = true}
      %dma_wait3A_323 = arith.constant 2 : i32
      %dma_wait3A_324 = arith.constant 5 : i32
      %dma_wait3A_325 = arith.constant 0 : i32
      %dma_wait3A_326 = arith.constant 0 : i32
      %dma_wait3A_327 = tpu.memref_slice %arg9[%dma_wait3A_323, %dma_wait3A_325, %dma_wait3A_326] : memref<3x100x128xf32, #tpu.memory_space<vmem>> -> memref<1x100x128xf32, #tpu.memory_space<vmem>>
      %dma_wait3A_328 = tpu.memref_squeeze %dma_wait3A_327 : memref<1x100x128xf32, #tpu.memory_space<vmem>> -> memref<100x128xf32, #tpu.memory_space<vmem>>
      %dma_wait3A_329 = arith.constant 0 : i32
      %dma_wait3A_330 = tpu.memref_slice %arg8[%dma_wait3A_324, %dma_wait3A_329] : memref<10x100xi32, #tpu.memory_space<vmem>> -> memref<1x100xi32, #tpu.memory_space<vmem>>
      %dma_wait3A_331 = tpu.memref_squeeze %dma_wait3A_330 : memref<1x100xi32, #tpu.memory_space<vmem>> -> memref<100xi32, #tpu.memory_space<vmem>>
      %dma_wait3A_332 = arith.constant 0 : i32
      %dma_wait3A_333 = arith.constant 0 : i32
      %dma_wait3A_334 = tpu.memref_slice %arg10[%dma_wait3A_332, %dma_wait3A_333] : memref<10000x128xf32, #tpu.memory_space<vmem_shared>> -> memref<10000x128xf32, #tpu.memory_space<vmem_shared>>
      tpu.wait_indirect_dma semaphore(%arg16 : memref<!tpu.dma_semaphore, #tpu.memory_space<semaphore_mem>>) src(%dma_wait3A_328 : memref<100x128xf32, #tpu.memory_space<vmem>>) dst(%dma_wait3A_334 : memref<10000x128xf32, #tpu.memory_space<vmem_shared>>)
      %dma_start3A_335 = arith.constant 8 : i32
      %dma_start3A_336 = arith.constant 2 : i32
      %dma_start3A_337 = arith.constant 0 : i32
      %dma_start3A_338 = arith.constant 0 : i32
      %dma_start3A_339 = tpu.memref_slice %arg9[%dma_start3A_336, %dma_start3A_337, %dma_start3A_338] : memref<3x100x128xf32, #tpu.memory_space<vmem>> -> memref<1x100x128xf32, #tpu.memory_space<vmem>>
      %dma_start3A_340 = tpu.memref_squeeze %dma_start3A_339 : memref<1x100x128xf32, #tpu.memory_space<vmem>> -> memref<100x128xf32, #tpu.memory_space<vmem>>
      %dma_start3A_341 = arith.constant 0 : i32
      %dma_start3A_342 = tpu.memref_slice %arg7[%dma_start3A_335, %dma_start3A_341] : memref<10x100xi32, #tpu.memory_space<vmem>> -> memref<1x100xi32, #tpu.memory_space<vmem>>
      %dma_start3A_343 = tpu.memref_squeeze %dma_start3A_342 : memref<1x100xi32, #tpu.memory_space<vmem>> -> memref<100xi32, #tpu.memory_space<vmem>>
      %dma_start3A_344 = arith.constant 0 : i32
      %dma_start3A_345 = arith.constant 0 : i32
      %dma_start3A_346 = tpu.memref_slice %arg2[%dma_start3A_344, %dma_start3A_345] : memref<10000x128xf32, #tpu.memory_space<hbm>> -> memref<10000x128xf32, #tpu.memory_space<hbm>>
      tpu.enqueue_indirect_dma source(%dma_start3A_346 : memref<10000x128xf32, #tpu.memory_space<hbm>>) target(%dma_start3A_340 : memref<100x128xf32, #tpu.memory_space<vmem>>) offsets(%dma_start3A_343 : memref<100xi32, #tpu.memory_space<vmem>>) semaphore(%arg13 : memref<!tpu.dma_semaphore, #tpu.memory_space<semaphore_mem>>)
      %dma_wait3A_347 = arith.constant 6 : i32
      %dma_wait3A_348 = arith.constant 0 : i32
      %dma_wait3A_349 = arith.constant 0 : i32
      %dma_wait3A_350 = arith.constant 0 : i32
      %dma_wait3A_351 = tpu.memref_slice %arg9[%dma_wait3A_348, %dma_wait3A_349, %dma_wait3A_350] : memref<3x100x128xf32, #tpu.memory_space<vmem>> -> memref<1x100x128xf32, #tpu.memory_space<vmem>>
      %dma_wait3A_352 = tpu.memref_squeeze %dma_wait3A_351 : memref<1x100x128xf32, #tpu.memory_space<vmem>> -> memref<100x128xf32, #tpu.memory_space<vmem>>
      %dma_wait3A_353 = arith.constant 0 : i32
      %dma_wait3A_354 = tpu.memref_slice %arg7[%dma_wait3A_347, %dma_wait3A_353] : memref<10x100xi32, #tpu.memory_space<vmem>> -> memref<1x100xi32, #tpu.memory_space<vmem>>
      %dma_wait3A_355 = tpu.memref_squeeze %dma_wait3A_354 : memref<1x100xi32, #tpu.memory_space<vmem>> -> memref<100xi32, #tpu.memory_space<vmem>>
      %dma_wait3A_356 = arith.constant 0 : i32
      %dma_wait3A_357 = arith.constant 0 : i32
      %dma_wait3A_358 = tpu.memref_slice %arg2[%dma_wait3A_356, %dma_wait3A_357] : memref<10000x128xf32, #tpu.memory_space<hbm>> -> memref<10000x128xf32, #tpu.memory_space<hbm>>
      tpu.wait_indirect_dma semaphore(%arg11 : memref<!tpu.dma_semaphore, #tpu.memory_space<semaphore_mem>>) src(%dma_wait3A_358 : memref<10000x128xf32, #tpu.memory_space<hbm>>) dst(%dma_wait3A_352 : memref<100x128xf32, #tpu.memory_space<vmem>>)
      %dma_start3A_359 = arith.constant 0 : i32
      %dma_start3A_360 = arith.constant 6 : i32
      %dma_start3A_361 = arith.constant 0 : i32
      %dma_start3A_362 = arith.constant 0 : i32
      %dma_start3A_363 = tpu.memref_slice %arg9[%dma_start3A_359, %dma_start3A_361, %dma_start3A_362] : memref<3x100x128xf32, #tpu.memory_space<vmem>> -> memref<1x100x128xf32, #tpu.memory_space<vmem>>
      %dma_start3A_364 = tpu.memref_squeeze %dma_start3A_363 : memref<1x100x128xf32, #tpu.memory_space<vmem>> -> memref<100x128xf32, #tpu.memory_space<vmem>>
      %dma_start3A_365 = arith.constant 0 : i32
      %dma_start3A_366 = tpu.memref_slice %arg8[%dma_start3A_360, %dma_start3A_365] : memref<10x100xi32, #tpu.memory_space<vmem>> -> memref<1x100xi32, #tpu.memory_space<vmem>>
      %dma_start3A_367 = tpu.memref_squeeze %dma_start3A_366 : memref<1x100xi32, #tpu.memory_space<vmem>> -> memref<100xi32, #tpu.memory_space<vmem>>
      %dma_start3A_368 = arith.constant 0 : i32
      %dma_start3A_369 = arith.constant 0 : i32
      %dma_start3A_370 = tpu.memref_slice %arg10[%dma_start3A_368, %dma_start3A_369] : memref<10000x128xf32, #tpu.memory_space<vmem_shared>> -> memref<10000x128xf32, #tpu.memory_space<vmem_shared>>
      tpu.enqueue_indirect_dma source(%dma_start3A_364 : memref<100x128xf32, #tpu.memory_space<vmem>>) target(%dma_start3A_370 : memref<10000x128xf32, #tpu.memory_space<vmem_shared>>) offsets(%dma_start3A_367 : memref<100xi32, #tpu.memory_space<vmem>>) semaphore(%arg14 : memref<!tpu.dma_semaphore, #tpu.memory_space<semaphore_mem>>) {add = true}
      %dma_wait3A_371 = arith.constant 0 : i32
      %dma_wait3A_372 = arith.constant 6 : i32
      %dma_wait3A_373 = arith.constant 0 : i32
      %dma_wait3A_374 = arith.constant 0 : i32
      %dma_wait3A_375 = tpu.memref_slice %arg9[%dma_wait3A_371, %dma_wait3A_373, %dma_wait3A_374] : memref<3x100x128xf32, #tpu.memory_space<vmem>> -> memref<1x100x128xf32, #tpu.memory_space<vmem>>
      %dma_wait3A_376 = tpu.memref_squeeze %dma_wait3A_375 : memref<1x100x128xf32, #tpu.memory_space<vmem>> -> memref<100x128xf32, #tpu.memory_space<vmem>>
      %dma_wait3A_377 = arith.constant 0 : i32
      %dma_wait3A_378 = tpu.memref_slice %arg8[%dma_wait3A_372, %dma_wait3A_377] : memref<10x100xi32, #tpu.memory_space<vmem>> -> memref<1x100xi32, #tpu.memory_space<vmem>>
      %dma_wait3A_379 = tpu.memref_squeeze %dma_wait3A_378 : memref<1x100xi32, #tpu.memory_space<vmem>> -> memref<100xi32, #tpu.memory_space<vmem>>
      %dma_wait3A_380 = arith.constant 0 : i32
      %dma_wait3A_381 = arith.constant 0 : i32
      %dma_wait3A_382 = tpu.memref_slice %arg10[%dma_wait3A_380, %dma_wait3A_381] : memref<10000x128xf32, #tpu.memory_space<vmem_shared>> -> memref<10000x128xf32, #tpu.memory_space<vmem_shared>>
      tpu.wait_indirect_dma semaphore(%arg14 : memref<!tpu.dma_semaphore, #tpu.memory_space<semaphore_mem>>) src(%dma_wait3A_376 : memref<100x128xf32, #tpu.memory_space<vmem>>) dst(%dma_wait3A_382 : memref<10000x128xf32, #tpu.memory_space<vmem_shared>>)
      %dma_start3A_383 = arith.constant 9 : i32
      %dma_start3A_384 = arith.constant 0 : i32
      %dma_start3A_385 = arith.constant 0 : i32
      %dma_start3A_386 = arith.constant 0 : i32
      %dma_start3A_387 = tpu.memref_slice %arg9[%dma_start3A_384, %dma_start3A_385, %dma_start3A_386] : memref<3x100x128xf32, #tpu.memory_space<vmem>> -> memref<1x100x128xf32, #tpu.memory_space<vmem>>
      %dma_start3A_388 = tpu.memref_squeeze %dma_start3A_387 : memref<1x100x128xf32, #tpu.memory_space<vmem>> -> memref<100x128xf32, #tpu.memory_space<vmem>>
      %dma_start3A_389 = arith.constant 0 : i32
      %dma_start3A_390 = tpu.memref_slice %arg7[%dma_start3A_383, %dma_start3A_389] : memref<10x100xi32, #tpu.memory_space<vmem>> -> memref<1x100xi32, #tpu.memory_space<vmem>>
      %dma_start3A_391 = tpu.memref_squeeze %dma_start3A_390 : memref<1x100xi32, #tpu.memory_space<vmem>> -> memref<100xi32, #tpu.memory_space<vmem>>
      %dma_start3A_392 = arith.constant 0 : i32
      %dma_start3A_393 = arith.constant 0 : i32
      %dma_start3A_394 = tpu.memref_slice %arg2[%dma_start3A_392, %dma_start3A_393] : memref<10000x128xf32, #tpu.memory_space<hbm>> -> memref<10000x128xf32, #tpu.memory_space<hbm>>
      tpu.enqueue_indirect_dma source(%dma_start3A_394 : memref<10000x128xf32, #tpu.memory_space<hbm>>) target(%dma_start3A_388 : memref<100x128xf32, #tpu.memory_space<vmem>>) offsets(%dma_start3A_391 : memref<100xi32, #tpu.memory_space<vmem>>) semaphore(%arg11 : memref<!tpu.dma_semaphore, #tpu.memory_space<semaphore_mem>>)
      %dma_wait3A_395 = arith.constant 7 : i32
      %dma_wait3A_396 = arith.constant 1 : i32
      %dma_wait3A_397 = arith.constant 0 : i32
      %dma_wait3A_398 = arith.constant 0 : i32
      %dma_wait3A_399 = tpu.memref_slice %arg9[%dma_wait3A_396, %dma_wait3A_397, %dma_wait3A_398] : memref<3x100x128xf32, #tpu.memory_space<vmem>> -> memref<1x100x128xf32, #tpu.memory_space<vmem>>
      %dma_wait3A_400 = tpu.memref_squeeze %dma_wait3A_399 : memref<1x100x128xf32, #tpu.memory_space<vmem>> -> memref<100x128xf32, #tpu.memory_space<vmem>>
      %dma_wait3A_401 = arith.constant 0 : i32
      %dma_wait3A_402 = tpu.memref_slice %arg7[%dma_wait3A_395, %dma_wait3A_401] : memref<10x100xi32, #tpu.memory_space<vmem>> -> memref<1x100xi32, #tpu.memory_space<vmem>>
      %dma_wait3A_403 = tpu.memref_squeeze %dma_wait3A_402 : memref<1x100xi32, #tpu.memory_space<vmem>> -> memref<100xi32, #tpu.memory_space<vmem>>
      %dma_wait3A_404 = arith.constant 0 : i32
      %dma_wait3A_405 = arith.constant 0 : i32
      %dma_wait3A_406 = tpu.memref_slice %arg2[%dma_wait3A_404, %dma_wait3A_405] : memref<10000x128xf32, #tpu.memory_space<hbm>> -> memref<10000x128xf32, #tpu.memory_space<hbm>>
      tpu.wait_indirect_dma semaphore(%arg12 : memref<!tpu.dma_semaphore, #tpu.memory_space<semaphore_mem>>) src(%dma_wait3A_406 : memref<10000x128xf32, #tpu.memory_space<hbm>>) dst(%dma_wait3A_400 : memref<100x128xf32, #tpu.memory_space<vmem>>)
      %dma_start3A_407 = arith.constant 1 : i32
      %dma_start3A_408 = arith.constant 7 : i32
      %dma_start3A_409 = arith.constant 0 : i32
      %dma_start3A_410 = arith.constant 0 : i32
      %dma_start3A_411 = tpu.memref_slice %arg9[%dma_start3A_407, %dma_start3A_409, %dma_start3A_410] : memref<3x100x128xf32, #tpu.memory_space<vmem>> -> memref<1x100x128xf32, #tpu.memory_space<vmem>>
      %dma_start3A_412 = tpu.memref_squeeze %dma_start3A_411 : memref<1x100x128xf32, #tpu.memory_space<vmem>> -> memref<100x128xf32, #tpu.memory_space<vmem>>
      %dma_start3A_413 = arith.constant 0 : i32
      %dma_start3A_414 = tpu.memref_slice %arg8[%dma_start3A_408, %dma_start3A_413] : memref<10x100xi32, #tpu.memory_space<vmem>> -> memref<1x100xi32, #tpu.memory_space<vmem>>
      %dma_start3A_415 = tpu.memref_squeeze %dma_start3A_414 : memref<1x100xi32, #tpu.memory_space<vmem>> -> memref<100xi32, #tpu.memory_space<vmem>>
      %dma_start3A_416 = arith.constant 0 : i32
      %dma_start3A_417 = arith.constant 0 : i32
      %dma_start3A_418 = tpu.memref_slice %arg10[%dma_start3A_416, %dma_start3A_417] : memref<10000x128xf32, #tpu.memory_space<vmem_shared>> -> memref<10000x128xf32, #tpu.memory_space<vmem_shared>>
      tpu.enqueue_indirect_dma source(%dma_start3A_412 : memref<100x128xf32, #tpu.memory_space<vmem>>) target(%dma_start3A_418 : memref<10000x128xf32, #tpu.memory_space<vmem_shared>>) offsets(%dma_start3A_415 : memref<100xi32, #tpu.memory_space<vmem>>) semaphore(%arg15 : memref<!tpu.dma_semaphore, #tpu.memory_space<semaphore_mem>>) {add = true}
      %dma_wait3A_419 = arith.constant 8 : i32
      %dma_wait3A_420 = arith.constant 2 : i32
      %dma_wait3A_421 = arith.constant 0 : i32
      %dma_wait3A_422 = arith.constant 0 : i32
      %dma_wait3A_423 = tpu.memref_slice %arg9[%dma_wait3A_420, %dma_wait3A_421, %dma_wait3A_422] : memref<3x100x128xf32, #tpu.memory_space<vmem>> -> memref<1x100x128xf32, #tpu.memory_space<vmem>>
      %dma_wait3A_424 = tpu.memref_squeeze %dma_wait3A_423 : memref<1x100x128xf32, #tpu.memory_space<vmem>> -> memref<100x128xf32, #tpu.memory_space<vmem>>
      %dma_wait3A_425 = arith.constant 0 : i32
      %dma_wait3A_426 = tpu.memref_slice %arg7[%dma_wait3A_419, %dma_wait3A_425] : memref<10x100xi32, #tpu.memory_space<vmem>> -> memref<1x100xi32, #tpu.memory_space<vmem>>
      %dma_wait3A_427 = tpu.memref_squeeze %dma_wait3A_426 : memref<1x100xi32, #tpu.memory_space<vmem>> -> memref<100xi32, #tpu.memory_space<vmem>>
      %dma_wait3A_428 = arith.constant 0 : i32
      %dma_wait3A_429 = arith.constant 0 : i32
      %dma_wait3A_430 = tpu.memref_slice %arg2[%dma_wait3A_428, %dma_wait3A_429] : memref<10000x128xf32, #tpu.memory_space<hbm>> -> memref<10000x128xf32, #tpu.memory_space<hbm>>
      tpu.wait_indirect_dma semaphore(%arg13 : memref<!tpu.dma_semaphore, #tpu.memory_space<semaphore_mem>>) src(%dma_wait3A_430 : memref<10000x128xf32, #tpu.memory_space<hbm>>) dst(%dma_wait3A_424 : memref<100x128xf32, #tpu.memory_space<vmem>>)
      %dma_start3A_431 = arith.constant 2 : i32
      %dma_start3A_432 = arith.constant 8 : i32
      %dma_start3A_433 = arith.constant 0 : i32
      %dma_start3A_434 = arith.constant 0 : i32
      %dma_start3A_435 = tpu.memref_slice %arg9[%dma_start3A_431, %dma_start3A_433, %dma_start3A_434] : memref<3x100x128xf32, #tpu.memory_space<vmem>> -> memref<1x100x128xf32, #tpu.memory_space<vmem>>
      %dma_start3A_436 = tpu.memref_squeeze %dma_start3A_435 : memref<1x100x128xf32, #tpu.memory_space<vmem>> -> memref<100x128xf32, #tpu.memory_space<vmem>>
      %dma_start3A_437 = arith.constant 0 : i32
      %dma_start3A_438 = tpu.memref_slice %arg8[%dma_start3A_432, %dma_start3A_437] : memref<10x100xi32, #tpu.memory_space<vmem>> -> memref<1x100xi32, #tpu.memory_space<vmem>>
      %dma_start3A_439 = tpu.memref_squeeze %dma_start3A_438 : memref<1x100xi32, #tpu.memory_space<vmem>> -> memref<100xi32, #tpu.memory_space<vmem>>
      %dma_start3A_440 = arith.constant 0 : i32
      %dma_start3A_441 = arith.constant 0 : i32
      %dma_start3A_442 = tpu.memref_slice %arg10[%dma_start3A_440, %dma_start3A_441] : memref<10000x128xf32, #tpu.memory_space<vmem_shared>> -> memref<10000x128xf32, #tpu.memory_space<vmem_shared>>
      tpu.enqueue_indirect_dma source(%dma_start3A_436 : memref<100x128xf32, #tpu.memory_space<vmem>>) target(%dma_start3A_442 : memref<10000x128xf32, #tpu.memory_space<vmem_shared>>) offsets(%dma_start3A_439 : memref<100xi32, #tpu.memory_space<vmem>>) semaphore(%arg16 : memref<!tpu.dma_semaphore, #tpu.memory_space<semaphore_mem>>) {add = true}
      %dma_wait3A_443 = arith.constant 9 : i32
      %dma_wait3A_444 = arith.constant 0 : i32
      %dma_wait3A_445 = arith.constant 0 : i32
      %dma_wait3A_446 = arith.constant 0 : i32
      %dma_wait3A_447 = tpu.memref_slice %arg9[%dma_wait3A_444, %dma_wait3A_445, %dma_wait3A_446] : memref<3x100x128xf32, #tpu.memory_space<vmem>> -> memref<1x100x128xf32, #tpu.memory_space<vmem>>
      %dma_wait3A_448 = tpu.memref_squeeze %dma_wait3A_447 : memref<1x100x128xf32, #tpu.memory_space<vmem>> -> memref<100x128xf32, #tpu.memory_space<vmem>>
      %dma_wait3A_449 = arith.constant 0 : i32
      %dma_wait3A_450 = tpu.memref_slice %arg7[%dma_wait3A_443, %dma_wait3A_449] : memref<10x100xi32, #tpu.memory_space<vmem>> -> memref<1x100xi32, #tpu.memory_space<vmem>>
      %dma_wait3A_451 = tpu.memref_squeeze %dma_wait3A_450 : memref<1x100xi32, #tpu.memory_space<vmem>> -> memref<100xi32, #tpu.memory_space<vmem>>
      %dma_wait3A_452 = arith.constant 0 : i32
      %dma_wait3A_453 = arith.constant 0 : i32
      %dma_wait3A_454 = tpu.memref_slice %arg2[%dma_wait3A_452, %dma_wait3A_453] : memref<10000x128xf32, #tpu.memory_space<hbm>> -> memref<10000x128xf32, #tpu.memory_space<hbm>>
      tpu.wait_indirect_dma semaphore(%arg11 : memref<!tpu.dma_semaphore, #tpu.memory_space<semaphore_mem>>) src(%dma_wait3A_454 : memref<10000x128xf32, #tpu.memory_space<hbm>>) dst(%dma_wait3A_448 : memref<100x128xf32, #tpu.memory_space<vmem>>)
      %dma_start3A_455 = arith.constant 0 : i32
      %dma_start3A_456 = arith.constant 9 : i32
      %dma_start3A_457 = arith.constant 0 : i32
      %dma_start3A_458 = arith.constant 0 : i32
      %dma_start3A_459 = tpu.memref_slice %arg9[%dma_start3A_455, %dma_start3A_457, %dma_start3A_458] : memref<3x100x128xf32, #tpu.memory_space<vmem>> -> memref<1x100x128xf32, #tpu.memory_space<vmem>>
      %dma_start3A_460 = tpu.memref_squeeze %dma_start3A_459 : memref<1x100x128xf32, #tpu.memory_space<vmem>> -> memref<100x128xf32, #tpu.memory_space<vmem>>
      %dma_start3A_461 = arith.constant 0 : i32
      %dma_start3A_462 = tpu.memref_slice %arg8[%dma_start3A_456, %dma_start3A_461] : memref<10x100xi32, #tpu.memory_space<vmem>> -> memref<1x100xi32, #tpu.memory_space<vmem>>
      %dma_start3A_463 = tpu.memref_squeeze %dma_start3A_462 : memref<1x100xi32, #tpu.memory_space<vmem>> -> memref<100xi32, #tpu.memory_space<vmem>>
      %dma_start3A_464 = arith.constant 0 : i32
      %dma_start3A_465 = arith.constant 0 : i32
      %dma_start3A_466 = tpu.memref_slice %arg10[%dma_start3A_464, %dma_start3A_465] : memref<10000x128xf32, #tpu.memory_space<vmem_shared>> -> memref<10000x128xf32, #tpu.memory_space<vmem_shared>>
      tpu.enqueue_indirect_dma source(%dma_start3A_460 : memref<100x128xf32, #tpu.memory_space<vmem>>) target(%dma_start3A_466 : memref<10000x128xf32, #tpu.memory_space<vmem_shared>>) offsets(%dma_start3A_463 : memref<100xi32, #tpu.memory_space<vmem>>) semaphore(%arg14 : memref<!tpu.dma_semaphore, #tpu.memory_space<semaphore_mem>>) {add = true}
      %dma_wait3A_467 = arith.constant 1 : i32
      %dma_wait3A_468 = arith.constant 7 : i32
      %dma_wait3A_469 = arith.constant 0 : i32
      %dma_wait3A_470 = arith.constant 0 : i32
      %dma_wait3A_471 = tpu.memref_slice %arg9[%dma_wait3A_467, %dma_wait3A_469, %dma_wait3A_470] : memref<3x100x128xf32, #tpu.memory_space<vmem>> -> memref<1x100x128xf32, #tpu.memory_space<vmem>>
      %dma_wait3A_472 = tpu.memref_squeeze %dma_wait3A_471 : memref<1x100x128xf32, #tpu.memory_space<vmem>> -> memref<100x128xf32, #tpu.memory_space<vmem>>
      %dma_wait3A_473 = arith.constant 0 : i32
      %dma_wait3A_474 = tpu.memref_slice %arg8[%dma_wait3A_468, %dma_wait3A_473] : memref<10x100xi32, #tpu.memory_space<vmem>> -> memref<1x100xi32, #tpu.memory_space<vmem>>
      %dma_wait3A_475 = tpu.memref_squeeze %dma_wait3A_474 : memref<1x100xi32, #tpu.memory_space<vmem>> -> memref<100xi32, #tpu.memory_space<vmem>>
      %dma_wait3A_476 = arith.constant 0 : i32
      %dma_wait3A_477 = arith.constant 0 : i32
      %dma_wait3A_478 = tpu.memref_slice %arg10[%dma_wait3A_476, %dma_wait3A_477] : memref<10000x128xf32, #tpu.memory_space<vmem_shared>> -> memref<10000x128xf32, #tpu.memory_space<vmem_shared>>
      tpu.wait_indirect_dma semaphore(%arg15 : memref<!tpu.dma_semaphore, #tpu.memory_space<semaphore_mem>>) src(%dma_wait3A_472 : memref<100x128xf32, #tpu.memory_space<vmem>>) dst(%dma_wait3A_478 : memref<10000x128xf32, #tpu.memory_space<vmem_shared>>)
      %dma_wait3A_479 = arith.constant 2 : i32
      %dma_wait3A_480 = arith.constant 8 : i32
      %dma_wait3A_481 = arith.constant 0 : i32
      %dma_wait3A_482 = arith.constant 0 : i32
      %dma_wait3A_483 = tpu.memref_slice %arg9[%dma_wait3A_479, %dma_wait3A_481, %dma_wait3A_482] : memref<3x100x128xf32, #tpu.memory_space<vmem>> -> memref<1x100x128xf32, #tpu.memory_space<vmem>>
      %dma_wait3A_484 = tpu.memref_squeeze %dma_wait3A_483 : memref<1x100x128xf32, #tpu.memory_space<vmem>> -> memref<100x128xf32, #tpu.memory_space<vmem>>
      %dma_wait3A_485 = arith.constant 0 : i32
      %dma_wait3A_486 = tpu.memref_slice %arg8[%dma_wait3A_480, %dma_wait3A_485] : memref<10x100xi32, #tpu.memory_space<vmem>> -> memref<1x100xi32, #tpu.memory_space<vmem>>
      %dma_wait3A_487 = tpu.memref_squeeze %dma_wait3A_486 : memref<1x100xi32, #tpu.memory_space<vmem>> -> memref<100xi32, #tpu.memory_space<vmem>>
      %dma_wait3A_488 = arith.constant 0 : i32
      %dma_wait3A_489 = arith.constant 0 : i32
      %dma_wait3A_490 = tpu.memref_slice %arg10[%dma_wait3A_488, %dma_wait3A_489] : memref<10000x128xf32, #tpu.memory_space<vmem_shared>> -> memref<10000x128xf32, #tpu.memory_space<vmem_shared>>
      tpu.wait_indirect_dma semaphore(%arg16 : memref<!tpu.dma_semaphore, #tpu.memory_space<semaphore_mem>>) src(%dma_wait3A_484 : memref<100x128xf32, #tpu.memory_space<vmem>>) dst(%dma_wait3A_490 : memref<10000x128xf32, #tpu.memory_space<vmem_shared>>)
      %dma_wait3A_491 = arith.constant 0 : i32
      %dma_wait3A_492 = arith.constant 9 : i32
      %dma_wait3A_493 = arith.constant 0 : i32
      %dma_wait3A_494 = arith.constant 0 : i32
      %dma_wait3A_495 = tpu.memref_slice %arg9[%dma_wait3A_491, %dma_wait3A_493, %dma_wait3A_494] : memref<3x100x128xf32, #tpu.memory_space<vmem>> -> memref<1x100x128xf32, #tpu.memory_space<vmem>>
      %dma_wait3A_496 = tpu.memref_squeeze %dma_wait3A_495 : memref<1x100x128xf32, #tpu.memory_space<vmem>> -> memref<100x128xf32, #tpu.memory_space<vmem>>
      %dma_wait3A_497 = arith.constant 0 : i32
      %dma_wait3A_498 = tpu.memref_slice %arg8[%dma_wait3A_492, %dma_wait3A_497] : memref<10x100xi32, #tpu.memory_space<vmem>> -> memref<1x100xi32, #tpu.memory_space<vmem>>
      %dma_wait3A_499 = tpu.memref_squeeze %dma_wait3A_498 : memref<1x100xi32, #tpu.memory_space<vmem>> -> memref<100xi32, #tpu.memory_space<vmem>>
      %dma_wait3A_500 = arith.constant 0 : i32
      %dma_wait3A_501 = arith.constant 0 : i32
      %dma_wait3A_502 = tpu.memref_slice %arg10[%dma_wait3A_500, %dma_wait3A_501] : memref<10000x128xf32, #tpu.memory_space<vmem_shared>> -> memref<10000x128xf32, #tpu.memory_space<vmem_shared>>
      tpu.wait_indirect_dma semaphore(%arg14 : memref<!tpu.dma_semaphore, #tpu.memory_space<semaphore_mem>>) src(%dma_wait3A_496 : memref<100x128xf32, #tpu.memory_space<vmem>>) dst(%dma_wait3A_502 : memref<10000x128xf32, #tpu.memory_space<vmem_shared>>)
    }
    %scan3A_13 = arith.constant 10 : i32
    %barrier3A_14 = arith.constant 0 : index
    tpu.barrier barrier_id(%barrier3A_14)
    %mul3A_15 = arith.constant 10000 : i32
    %mul3A_16 = arith.muli %arg0, %mul3A_15 : i32
    %add3A_17 = arith.addi %mul3A_16, %mul3A_2 : i32
    "tpu.region"() ({
      %run_scoped3A = tpu.sem_alloc : memref<!tpu.dma_semaphore, #tpu.memory_space<semaphore_mem>>
      %dma_start3A = arith.constant 0 : i32
      %dma_start3A_18 = tpu.memref_slice %arg6[%add3A_17, %dma_start3A] : memref<20000x128xf32, #tpu.memory_space<hbm>> -> memref<640x128xf32, #tpu.memory_space<hbm>>
      %dma_start3A_19 = arith.constant 0 : i32
      %dma_start3A_20 = tpu.memref_slice %arg10[%mul3A_2, %dma_start3A_19] : memref<10000x128xf32, #tpu.memory_space<vmem_shared>> -> memref<640x128xf32, #tpu.memory_space<vmem_shared>>
      tpu.enqueue_dma source(%dma_start3A_20 : memref<640x128xf32, #tpu.memory_space<vmem_shared>>) target(%dma_start3A_18 : memref<640x128xf32, #tpu.memory_space<hbm>>) target_semaphore(%run_scoped3A : memref<!tpu.dma_semaphore, #tpu.memory_space<semaphore_mem>>)
      %dma_wait3A = arith.constant 0 : i32
      %dma_wait3A_21 = tpu.memref_slice %arg6[%add3A_17, %dma_wait3A] : memref<20000x128xf32, #tpu.memory_space<hbm>> -> memref<640x128xf32, #tpu.memory_space<hbm>>
      %dma_wait3A_22 = arith.constant 0 : i32
      %dma_wait3A_23 = tpu.memref_slice %arg10[%mul3A_2, %dma_wait3A_22] : memref<10000x128xf32, #tpu.memory_space<vmem_shared>> -> memref<640x128xf32, #tpu.memory_space<vmem_shared>>
      tpu.wait_dma2 semaphore(%run_scoped3A : memref<!tpu.dma_semaphore, #tpu.memory_space<semaphore_mem>>) src(%dma_wait3A_23 : memref<640x128xf32, #tpu.memory_space<vmem_shared>>) dst(%dma_wait3A_21 : memref<640x128xf32, #tpu.memory_space<hbm>>)
      tpu.yield
    }) : () -> ()
    return
  }
}

#map = affine_map<(d0, d1) -> (0, 0)>
#map1 = affine_map<(d0, d1) -> (0, 0, 0)>
module attributes {stable_mosaic.version = 14 : i64} {
  func.func @_agg_body(%arg0: i32, %arg1: i32, %arg2: memref<10000x128xf32, #tpu.memory_space<hbm>>, %arg3: memref<320x10x100xi32, #tpu.memory_space<hbm>>, %arg4: memref<320x10x100xi32, #tpu.memory_space<hbm>>, %arg5: memref<10000x128xf32, #tpu.memory_space<hbm>>, %arg6: memref<20000x128xf32, #tpu.memory_space<hbm>>, %arg7: memref<10x100xi32, #tpu.memory_space<vmem>>, %arg8: memref<10x100xi32, #tpu.memory_space<vmem>>, %arg9: memref<3x100x128xf32, #tpu.memory_space<vmem>>, %arg10: memref<10000x128xf32, #tpu.memory_space<vmem_shared>>, %arg11: memref<!tpu.dma_semaphore, #tpu.memory_space<semaphore_mem>>, %arg12: memref<!tpu.dma_semaphore, #tpu.memory_space<semaphore_mem>>, %arg13: memref<!tpu.dma_semaphore, #tpu.memory_space<semaphore_mem>>, %arg14: memref<!tpu.dma_semaphore, #tpu.memory_space<semaphore_mem>>, %arg15: memref<!tpu.dma_semaphore, #tpu.memory_space<semaphore_mem>>, %arg16: memref<!tpu.dma_semaphore, #tpu.memory_space<semaphore_mem>>) attributes {dimension_semantics = [#tpu.dimension_semantics<core_parallel>, #tpu.dimension_semantics<subcore_parallel>], iteration_bounds = array<i64: 2, 16>, scalar_prefetch = 0 : i64, scratch_operands = 10 : i64, tpu.core_type = #tpu.core_type<sc_vector_subcore>, window_params = [{transform_indices = #map}, {transform_indices = #map1}, {transform_indices = #map1}, {transform_indices = #map}, {transform_indices = #map}]} {
    %mul3A = arith.constant 2 : i32
    %mul3A_0 = arith.muli %arg1, %mul3A : i32
    %add3A = arith.addi %mul3A_0, %arg0 : i32
    %mul3A_1 = arith.constant 624 : i32
    %mul3A_2 = arith.muli %arg1, %mul3A_1 : i32
    %eq3A = arith.constant 0 : i32
    %eq3A_3 = arith.cmpi eq, %arg0, %eq3A : i32
    %convert_element_type3A = arith.extui %eq3A_3 : i1 to i32
    %cond3A = arith.constant 0 : i32
    %cond3A_4 = arith.cmpi ne, %convert_element_type3A, %cond3A : i32
    scf.if %cond3A_4 {
      "tpu.region"() ({
        %run_scoped3A = tpu.sem_alloc : memref<!tpu.dma_semaphore, #tpu.memory_space<semaphore_mem>>
        %dma_start3A = arith.constant 0 : i32
        %dma_start3A_18 = tpu.memref_slice %arg10[%mul3A_2, %dma_start3A] : memref<10000x128xf32, #tpu.memory_space<vmem_shared>> -> memref<640x128xf32, #tpu.memory_space<vmem_shared>>
        %dma_start3A_19 = arith.constant 0 : i32
        %dma_start3A_20 = tpu.memref_slice %arg2[%mul3A_2, %dma_start3A_19] : memref<10000x128xf32, #tpu.memory_space<hbm>> -> memref<640x128xf32, #tpu.memory_space<hbm>>
        tpu.enqueue_dma source(%dma_start3A_20 : memref<640x128xf32, #tpu.memory_space<hbm>>) target(%dma_start3A_18 : memref<640x128xf32, #tpu.memory_space<vmem_shared>>) target_semaphore(%run_scoped3A : memref<!tpu.dma_semaphore, #tpu.memory_space<semaphore_mem>>)
        %dma_wait3A = arith.constant 0 : i32
        %dma_wait3A_21 = tpu.memref_slice %arg10[%mul3A_2, %dma_wait3A] : memref<10000x128xf32, #tpu.memory_space<vmem_shared>> -> memref<640x128xf32, #tpu.memory_space<vmem_shared>>
        %dma_wait3A_22 = arith.constant 0 : i32
        %dma_wait3A_23 = tpu.memref_slice %arg2[%mul3A_2, %dma_wait3A_22] : memref<10000x128xf32, #tpu.memory_space<hbm>> -> memref<640x128xf32, #tpu.memory_space<hbm>>
        tpu.wait_dma2 semaphore(%run_scoped3A : memref<!tpu.dma_semaphore, #tpu.memory_space<semaphore_mem>>) src(%dma_wait3A_23 : memref<640x128xf32, #tpu.memory_space<hbm>>) dst(%dma_wait3A_21 : memref<640x128xf32, #tpu.memory_space<vmem_shared>>)
        tpu.yield
      }) : () -> ()
    } else {
    }
    %ne3A = arith.constant 0 : i32
    %ne3A_5 = arith.cmpi ne, %arg0, %ne3A : i32
    %convert_element_type3A_6 = arith.extui %ne3A_5 : i1 to i32
    %cond3A_7 = arith.constant 0 : i32
    %cond3A_8 = arith.cmpi ne, %convert_element_type3A_6, %cond3A_7 : i32
    scf.if %cond3A_8 {
      "tpu.region"() ({
        %run_scoped3A = tpu.sem_alloc : memref<!tpu.dma_semaphore, #tpu.memory_space<semaphore_mem>>
        %dma_start3A = arith.constant 0 : i32
        %dma_start3A_18 = tpu.memref_slice %arg10[%mul3A_2, %dma_start3A] : memref<10000x128xf32, #tpu.memory_space<vmem_shared>> -> memref<640x128xf32, #tpu.memory_space<vmem_shared>>
        %dma_start3A_19 = arith.constant 0 : i32
        %dma_start3A_20 = tpu.memref_slice %arg5[%mul3A_2, %dma_start3A_19] : memref<10000x128xf32, #tpu.memory_space<hbm>> -> memref<640x128xf32, #tpu.memory_space<hbm>>
        tpu.enqueue_dma source(%dma_start3A_20 : memref<640x128xf32, #tpu.memory_space<hbm>>) target(%dma_start3A_18 : memref<640x128xf32, #tpu.memory_space<vmem_shared>>) target_semaphore(%run_scoped3A : memref<!tpu.dma_semaphore, #tpu.memory_space<semaphore_mem>>)
        %dma_wait3A = arith.constant 0 : i32
        %dma_wait3A_21 = tpu.memref_slice %arg10[%mul3A_2, %dma_wait3A] : memref<10000x128xf32, #tpu.memory_space<vmem_shared>> -> memref<640x128xf32, #tpu.memory_space<vmem_shared>>
        %dma_wait3A_22 = arith.constant 0 : i32
        %dma_wait3A_23 = tpu.memref_slice %arg5[%mul3A_2, %dma_wait3A_22] : memref<10000x128xf32, #tpu.memory_space<hbm>> -> memref<640x128xf32, #tpu.memory_space<hbm>>
        tpu.wait_dma2 semaphore(%run_scoped3A : memref<!tpu.dma_semaphore, #tpu.memory_space<semaphore_mem>>) src(%dma_wait3A_23 : memref<640x128xf32, #tpu.memory_space<hbm>>) dst(%dma_wait3A_21 : memref<640x128xf32, #tpu.memory_space<vmem_shared>>)
        tpu.yield
      }) : () -> ()
    } else {
    }
    %barrier3A = arith.constant 0 : index
    tpu.barrier barrier_id(%barrier3A)
    %scan3A = arith.constant 0 : i32
    %scan3A_9 = arith.constant 0 : i32
    %scan3A_10 = arith.constant 10 : i32
    %scan3A_11 = arith.addi %scan3A_9, %scan3A_10 : i32
    %scan3A_12 = arith.constant 1 : i32
    scf.for %scan3A_18 = %scan3A_9 to %scan3A_11 step %scan3A_12  : i32 {
      %mul3A_19 = arith.constant 10 : i32
      %mul3A_20 = arith.muli %add3A, %mul3A_19 : i32
      %add3A_21 = arith.addi %mul3A_20, %scan3A_18 : i32
      "tpu.region"() ({
        %run_scoped3A = tpu.sem_alloc : memref<!tpu.dma_semaphore, #tpu.memory_space<semaphore_mem>>
        %dma_start3A_503 = arith.constant 0 : i32
        %dma_start3A_504 = arith.constant 0 : i32
        %dma_start3A_505 = tpu.memref_slice %arg3[%add3A_21, %dma_start3A_503, %dma_start3A_504] : memref<320x10x100xi32, #tpu.memory_space<hbm>> -> memref<1x10x100xi32, #tpu.memory_space<hbm>>
        %dma_start3A_506 = tpu.memref_squeeze %dma_start3A_505 : memref<1x10x100xi32, #tpu.memory_space<hbm>> -> memref<10x100xi32, #tpu.memory_space<hbm>>
        %dma_start3A_507 = arith.constant 0 : i32
        %dma_start3A_508 = arith.constant 0 : i32
        %dma_start3A_509 = tpu.memref_slice %arg3[%add3A_21, %dma_start3A_507, %dma_start3A_508] : memref<320x10x100xi32, #tpu.memory_space<hbm>> -> memref<1x10x100xi32, #tpu.memory_space<hbm>>
        %dma_start3A_510 = tpu.memref_squeeze %dma_start3A_509 : memref<1x10x100xi32, #tpu.memory_space<hbm>> -> memref<10x100xi32, #tpu.memory_space<hbm>>
        tpu.enqueue_dma source(%dma_start3A_510 : memref<10x100xi32, #tpu.memory_space<hbm>>) target(%arg7 : memref<10x100xi32, #tpu.memory_space<vmem>>) target_semaphore(%run_scoped3A : memref<!tpu.dma_semaphore, #tpu.memory_space<semaphore_mem>>)
        %dma_wait3A_511 = arith.constant 0 : i32
        %dma_wait3A_512 = arith.constant 0 : i32
        %dma_wait3A_513 = tpu.memref_slice %arg3[%add3A_21, %dma_wait3A_511, %dma_wait3A_512] : memref<320x10x100xi32, #tpu.memory_space<hbm>> -> memref<1x10x100xi32, #tpu.memory_space<hbm>>
        %dma_wait3A_514 = tpu.memref_squeeze %dma_wait3A_513 : memref<1x10x100xi32, #tpu.memory_space<hbm>> -> memref<10x100xi32, #tpu.memory_space<hbm>>
        %dma_wait3A_515 = arith.constant 0 : i32
        %dma_wait3A_516 = arith.constant 0 : i32
        %dma_wait3A_517 = tpu.memref_slice %arg3[%add3A_21, %dma_wait3A_515, %dma_wait3A_516] : memref<320x10x100xi32, #tpu.memory_space<hbm>> -> memref<1x10x100xi32, #tpu.memory_space<hbm>>
        %dma_wait3A_518 = tpu.memref_squeeze %dma_wait3A_517 : memref<1x10x100xi32, #tpu.memory_space<hbm>> -> memref<10x100xi32, #tpu.memory_space<hbm>>
        tpu.wait_dma2 semaphore(%run_scoped3A : memref<!tpu.dma_semaphore, #tpu.memory_space<semaphore_mem>>) src(%dma_wait3A_518 : memref<10x100xi32, #tpu.memory_space<hbm>>) dst(%arg7 : memref<10x100xi32, #tpu.memory_space<vmem>>)
        tpu.yield
      }) : () -> ()
      %mul3A_22 = arith.constant 10 : i32
      %mul3A_23 = arith.muli %add3A, %mul3A_22 : i32
      %add3A_24 = arith.addi %mul3A_23, %scan3A_18 : i32
      "tpu.region"() ({
        %run_scoped3A = tpu.sem_alloc : memref<!tpu.dma_semaphore, #tpu.memory_space<semaphore_mem>>
        %dma_start3A_503 = arith.constant 0 : i32
        %dma_start3A_504 = arith.constant 0 : i32
        %dma_start3A_505 = tpu.memref_slice %arg4[%add3A_24, %dma_start3A_503, %dma_start3A_504] : memref<320x10x100xi32, #tpu.memory_space<hbm>> -> memref<1x10x100xi32, #tpu.memory_space<hbm>>
        %dma_start3A_506 = tpu.memref_squeeze %dma_start3A_505 : memref<1x10x100xi32, #tpu.memory_space<hbm>> -> memref<10x100xi32, #tpu.memory_space<hbm>>
        %dma_start3A_507 = arith.constant 0 : i32
        %dma_start3A_508 = arith.constant 0 : i32
        %dma_start3A_509 = tpu.memref_slice %arg4[%add3A_24, %dma_start3A_507, %dma_start3A_508] : memref<320x10x100xi32, #tpu.memory_space<hbm>> -> memref<1x10x100xi32, #tpu.memory_space<hbm>>
        %dma_start3A_510 = tpu.memref_squeeze %dma_start3A_509 : memref<1x10x100xi32, #tpu.memory_space<hbm>> -> memref<10x100xi32, #tpu.memory_space<hbm>>
        tpu.enqueue_dma source(%dma_start3A_510 : memref<10x100xi32, #tpu.memory_space<hbm>>) target(%arg8 : memref<10x100xi32, #tpu.memory_space<vmem>>) target_semaphore(%run_scoped3A : memref<!tpu.dma_semaphore, #tpu.memory_space<semaphore_mem>>)
        %dma_wait3A_511 = arith.constant 0 : i32
        %dma_wait3A_512 = arith.constant 0 : i32
        %dma_wait3A_513 = tpu.memref_slice %arg4[%add3A_24, %dma_wait3A_511, %dma_wait3A_512] : memref<320x10x100xi32, #tpu.memory_space<hbm>> -> memref<1x10x100xi32, #tpu.memory_space<hbm>>
        %dma_wait3A_514 = tpu.memref_squeeze %dma_wait3A_513 : memref<1x10x100xi32, #tpu.memory_space<hbm>> -> memref<10x100xi32, #tpu.memory_space<hbm>>
        %dma_wait3A_515 = arith.constant 0 : i32
        %dma_wait3A_516 = arith.constant 0 : i32
        %dma_wait3A_517 = tpu.memref_slice %arg4[%add3A_24, %dma_wait3A_515, %dma_wait3A_516] : memref<320x10x100xi32, #tpu.memory_space<hbm>> -> memref<1x10x100xi32, #tpu.memory_space<hbm>>
        %dma_wait3A_518 = tpu.memref_squeeze %dma_wait3A_517 : memref<1x10x100xi32, #tpu.memory_space<hbm>> -> memref<10x100xi32, #tpu.memory_space<hbm>>
        tpu.wait_dma2 semaphore(%run_scoped3A : memref<!tpu.dma_semaphore, #tpu.memory_space<semaphore_mem>>) src(%dma_wait3A_518 : memref<10x100xi32, #tpu.memory_space<hbm>>) dst(%arg8 : memref<10x100xi32, #tpu.memory_space<vmem>>)
        tpu.yield
      }) : () -> ()
      %dma_start3A = arith.constant 0 : i32
      %dma_start3A_25 = arith.constant 0 : i32
      %dma_start3A_26 = arith.constant 0 : i32
      %dma_start3A_27 = arith.constant 0 : i32
      %dma_start3A_28 = tpu.memref_slice %arg9[%dma_start3A_25, %dma_start3A_26, %dma_start3A_27] : memref<3x100x128xf32, #tpu.memory_space<vmem>> -> memref<1x100x128xf32, #tpu.memory_space<vmem>>
      %dma_start3A_29 = tpu.memref_squeeze %dma_start3A_28 : memref<1x100x128xf32, #tpu.memory_space<vmem>> -> memref<100x128xf32, #tpu.memory_space<vmem>>
      %dma_start3A_30 = arith.constant 0 : i32
      %dma_start3A_31 = tpu.memref_slice %arg7[%dma_start3A, %dma_start3A_30] : memref<10x100xi32, #tpu.memory_space<vmem>> -> memref<1x100xi32, #tpu.memory_space<vmem>>
      %dma_start3A_32 = tpu.memref_squeeze %dma_start3A_31 : memref<1x100xi32, #tpu.memory_space<vmem>> -> memref<100xi32, #tpu.memory_space<vmem>>
      %dma_start3A_33 = arith.constant 0 : i32
      %dma_start3A_34 = arith.constant 0 : i32
      %dma_start3A_35 = tpu.memref_slice %arg2[%dma_start3A_33, %dma_start3A_34] : memref<10000x128xf32, #tpu.memory_space<hbm>> -> memref<10000x128xf32, #tpu.memory_space<hbm>>
      tpu.enqueue_indirect_dma source(%dma_start3A_35 : memref<10000x128xf32, #tpu.memory_space<hbm>>) target(%dma_start3A_29 : memref<100x128xf32, #tpu.memory_space<vmem>>) offsets(%dma_start3A_32 : memref<100xi32, #tpu.memory_space<vmem>>) semaphore(%arg11 : memref<!tpu.dma_semaphore, #tpu.memory_space<semaphore_mem>>)
      %dma_start3A_36 = arith.constant 1 : i32
      %dma_start3A_37 = arith.constant 1 : i32
      %dma_start3A_38 = arith.constant 0 : i32
      %dma_start3A_39 = arith.constant 0 : i32
      %dma_start3A_40 = tpu.memref_slice %arg9[%dma_start3A_37, %dma_start3A_38, %dma_start3A_39] : memref<3x100x128xf32, #tpu.memory_space<vmem>> -> memref<1x100x128xf32, #tpu.memory_space<vmem>>
      %dma_start3A_41 = tpu.memref_squeeze %dma_start3A_40 : memref<1x100x128xf32, #tpu.memory_space<vmem>> -> memref<100x128xf32, #tpu.memory_space<vmem>>
      %dma_start3A_42 = arith.constant 0 : i32
      %dma_start3A_43 = tpu.memref_slice %arg7[%dma_start3A_36, %dma_start3A_42] : memref<10x100xi32, #tpu.memory_space<vmem>> -> memref<1x100xi32, #tpu.memory_space<vmem>>
      %dma_start3A_44 = tpu.memref_squeeze %dma_start3A_43 : memref<1x100xi32, #tpu.memory_space<vmem>> -> memref<100xi32, #tpu.memory_space<vmem>>
      %dma_start3A_45 = arith.constant 0 : i32
      %dma_start3A_46 = arith.constant 0 : i32
      %dma_start3A_47 = tpu.memref_slice %arg2[%dma_start3A_45, %dma_start3A_46] : memref<10000x128xf32, #tpu.memory_space<hbm>> -> memref<10000x128xf32, #tpu.memory_space<hbm>>
      tpu.enqueue_indirect_dma source(%dma_start3A_47 : memref<10000x128xf32, #tpu.memory_space<hbm>>) target(%dma_start3A_41 : memref<100x128xf32, #tpu.memory_space<vmem>>) offsets(%dma_start3A_44 : memref<100xi32, #tpu.memory_space<vmem>>) semaphore(%arg12 : memref<!tpu.dma_semaphore, #tpu.memory_space<semaphore_mem>>)
      %dma_start3A_48 = arith.constant 2 : i32
      %dma_start3A_49 = arith.constant 2 : i32
      %dma_start3A_50 = arith.constant 0 : i32
      %dma_start3A_51 = arith.constant 0 : i32
      %dma_start3A_52 = tpu.memref_slice %arg9[%dma_start3A_49, %dma_start3A_50, %dma_start3A_51] : memref<3x100x128xf32, #tpu.memory_space<vmem>> -> memref<1x100x128xf32, #tpu.memory_space<vmem>>
      %dma_start3A_53 = tpu.memref_squeeze %dma_start3A_52 : memref<1x100x128xf32, #tpu.memory_space<vmem>> -> memref<100x128xf32, #tpu.memory_space<vmem>>
      %dma_start3A_54 = arith.constant 0 : i32
      %dma_start3A_55 = tpu.memref_slice %arg7[%dma_start3A_48, %dma_start3A_54] : memref<10x100xi32, #tpu.memory_space<vmem>> -> memref<1x100xi32, #tpu.memory_space<vmem>>
      %dma_start3A_56 = tpu.memref_squeeze %dma_start3A_55 : memref<1x100xi32, #tpu.memory_space<vmem>> -> memref<100xi32, #tpu.memory_space<vmem>>
      %dma_start3A_57 = arith.constant 0 : i32
      %dma_start3A_58 = arith.constant 0 : i32
      %dma_start3A_59 = tpu.memref_slice %arg2[%dma_start3A_57, %dma_start3A_58] : memref<10000x128xf32, #tpu.memory_space<hbm>> -> memref<10000x128xf32, #tpu.memory_space<hbm>>
      tpu.enqueue_indirect_dma source(%dma_start3A_59 : memref<10000x128xf32, #tpu.memory_space<hbm>>) target(%dma_start3A_53 : memref<100x128xf32, #tpu.memory_space<vmem>>) offsets(%dma_start3A_56 : memref<100xi32, #tpu.memory_space<vmem>>) semaphore(%arg13 : memref<!tpu.dma_semaphore, #tpu.memory_space<semaphore_mem>>)
      %dma_wait3A = arith.constant 0 : i32
      %dma_wait3A_60 = arith.constant 0 : i32
      %dma_wait3A_61 = arith.constant 0 : i32
      %dma_wait3A_62 = arith.constant 0 : i32
      %dma_wait3A_63 = tpu.memref_slice %arg9[%dma_wait3A_60, %dma_wait3A_61, %dma_wait3A_62] : memref<3x100x128xf32, #tpu.memory_space<vmem>> -> memref<1x100x128xf32, #tpu.memory_space<vmem>>
      %dma_wait3A_64 = tpu.memref_squeeze %dma_wait3A_63 : memref<1x100x128xf32, #tpu.memory_space<vmem>> -> memref<100x128xf32, #tpu.memory_space<vmem>>
      %dma_wait3A_65 = arith.constant 0 : i32
      %dma_wait3A_66 = tpu.memref_slice %arg7[%dma_wait3A, %dma_wait3A_65] : memref<10x100xi32, #tpu.memory_space<vmem>> -> memref<1x100xi32, #tpu.memory_space<vmem>>
      %dma_wait3A_67 = tpu.memref_squeeze %dma_wait3A_66 : memref<1x100xi32, #tpu.memory_space<vmem>> -> memref<100xi32, #tpu.memory_space<vmem>>
      %dma_wait3A_68 = arith.constant 0 : i32
      %dma_wait3A_69 = arith.constant 0 : i32
      %dma_wait3A_70 = tpu.memref_slice %arg2[%dma_wait3A_68, %dma_wait3A_69] : memref<10000x128xf32, #tpu.memory_space<hbm>> -> memref<10000x128xf32, #tpu.memory_space<hbm>>
      tpu.wait_indirect_dma semaphore(%arg11 : memref<!tpu.dma_semaphore, #tpu.memory_space<semaphore_mem>>) src(%dma_wait3A_70 : memref<10000x128xf32, #tpu.memory_space<hbm>>) dst(%dma_wait3A_64 : memref<100x128xf32, #tpu.memory_space<vmem>>)
      %dma_start3A_71 = arith.constant 0 : i32
      %dma_start3A_72 = arith.constant 0 : i32
      %dma_start3A_73 = arith.constant 0 : i32
      %dma_start3A_74 = arith.constant 0 : i32
      %dma_start3A_75 = tpu.memref_slice %arg9[%dma_start3A_71, %dma_start3A_73, %dma_start3A_74] : memref<3x100x128xf32, #tpu.memory_space<vmem>> -> memref<1x100x128xf32, #tpu.memory_space<vmem>>
      %dma_start3A_76 = tpu.memref_squeeze %dma_start3A_75 : memref<1x100x128xf32, #tpu.memory_space<vmem>> -> memref<100x128xf32, #tpu.memory_space<vmem>>
      %dma_start3A_77 = arith.constant 0 : i32
      %dma_start3A_78 = tpu.memref_slice %arg8[%dma_start3A_72, %dma_start3A_77] : memref<10x100xi32, #tpu.memory_space<vmem>> -> memref<1x100xi32, #tpu.memory_space<vmem>>
      %dma_start3A_79 = tpu.memref_squeeze %dma_start3A_78 : memref<1x100xi32, #tpu.memory_space<vmem>> -> memref<100xi32, #tpu.memory_space<vmem>>
      %dma_start3A_80 = arith.constant 0 : i32
      %dma_start3A_81 = arith.constant 0 : i32
      %dma_start3A_82 = tpu.memref_slice %arg10[%dma_start3A_80, %dma_start3A_81] : memref<10000x128xf32, #tpu.memory_space<vmem_shared>> -> memref<10000x128xf32, #tpu.memory_space<vmem_shared>>
      tpu.enqueue_indirect_dma source(%dma_start3A_76 : memref<100x128xf32, #tpu.memory_space<vmem>>) target(%dma_start3A_82 : memref<10000x128xf32, #tpu.memory_space<vmem_shared>>) offsets(%dma_start3A_79 : memref<100xi32, #tpu.memory_space<vmem>>) semaphore(%arg14 : memref<!tpu.dma_semaphore, #tpu.memory_space<semaphore_mem>>) {add = true}
      %dma_wait3A_83 = arith.constant 0 : i32
      %dma_wait3A_84 = arith.constant 0 : i32
      %dma_wait3A_85 = arith.constant 0 : i32
      %dma_wait3A_86 = arith.constant 0 : i32
      %dma_wait3A_87 = tpu.memref_slice %arg9[%dma_wait3A_83, %dma_wait3A_85, %dma_wait3A_86] : memref<3x100x128xf32, #tpu.memory_space<vmem>> -> memref<1x100x128xf32, #tpu.memory_space<vmem>>
      %dma_wait3A_88 = tpu.memref_squeeze %dma_wait3A_87 : memref<1x100x128xf32, #tpu.memory_space<vmem>> -> memref<100x128xf32, #tpu.memory_space<vmem>>
      %dma_wait3A_89 = arith.constant 0 : i32
      %dma_wait3A_90 = tpu.memref_slice %arg8[%dma_wait3A_84, %dma_wait3A_89] : memref<10x100xi32, #tpu.memory_space<vmem>> -> memref<1x100xi32, #tpu.memory_space<vmem>>
      %dma_wait3A_91 = tpu.memref_squeeze %dma_wait3A_90 : memref<1x100xi32, #tpu.memory_space<vmem>> -> memref<100xi32, #tpu.memory_space<vmem>>
      %dma_wait3A_92 = arith.constant 0 : i32
      %dma_wait3A_93 = arith.constant 0 : i32
      %dma_wait3A_94 = tpu.memref_slice %arg10[%dma_wait3A_92, %dma_wait3A_93] : memref<10000x128xf32, #tpu.memory_space<vmem_shared>> -> memref<10000x128xf32, #tpu.memory_space<vmem_shared>>
      tpu.wait_indirect_dma semaphore(%arg14 : memref<!tpu.dma_semaphore, #tpu.memory_space<semaphore_mem>>) src(%dma_wait3A_88 : memref<100x128xf32, #tpu.memory_space<vmem>>) dst(%dma_wait3A_94 : memref<10000x128xf32, #tpu.memory_space<vmem_shared>>)
      %dma_start3A_95 = arith.constant 3 : i32
      %dma_start3A_96 = arith.constant 0 : i32
      %dma_start3A_97 = arith.constant 0 : i32
      %dma_start3A_98 = arith.constant 0 : i32
      %dma_start3A_99 = tpu.memref_slice %arg9[%dma_start3A_96, %dma_start3A_97, %dma_start3A_98] : memref<3x100x128xf32, #tpu.memory_space<vmem>> -> memref<1x100x128xf32, #tpu.memory_space<vmem>>
      %dma_start3A_100 = tpu.memref_squeeze %dma_start3A_99 : memref<1x100x128xf32, #tpu.memory_space<vmem>> -> memref<100x128xf32, #tpu.memory_space<vmem>>
      %dma_start3A_101 = arith.constant 0 : i32
      %dma_start3A_102 = tpu.memref_slice %arg7[%dma_start3A_95, %dma_start3A_101] : memref<10x100xi32, #tpu.memory_space<vmem>> -> memref<1x100xi32, #tpu.memory_space<vmem>>
      %dma_start3A_103 = tpu.memref_squeeze %dma_start3A_102 : memref<1x100xi32, #tpu.memory_space<vmem>> -> memref<100xi32, #tpu.memory_space<vmem>>
      %dma_start3A_104 = arith.constant 0 : i32
      %dma_start3A_105 = arith.constant 0 : i32
      %dma_start3A_106 = tpu.memref_slice %arg2[%dma_start3A_104, %dma_start3A_105] : memref<10000x128xf32, #tpu.memory_space<hbm>> -> memref<10000x128xf32, #tpu.memory_space<hbm>>
      tpu.enqueue_indirect_dma source(%dma_start3A_106 : memref<10000x128xf32, #tpu.memory_space<hbm>>) target(%dma_start3A_100 : memref<100x128xf32, #tpu.memory_space<vmem>>) offsets(%dma_start3A_103 : memref<100xi32, #tpu.memory_space<vmem>>) semaphore(%arg11 : memref<!tpu.dma_semaphore, #tpu.memory_space<semaphore_mem>>)
      %dma_wait3A_107 = arith.constant 1 : i32
      %dma_wait3A_108 = arith.constant 1 : i32
      %dma_wait3A_109 = arith.constant 0 : i32
      %dma_wait3A_110 = arith.constant 0 : i32
      %dma_wait3A_111 = tpu.memref_slice %arg9[%dma_wait3A_108, %dma_wait3A_109, %dma_wait3A_110] : memref<3x100x128xf32, #tpu.memory_space<vmem>> -> memref<1x100x128xf32, #tpu.memory_space<vmem>>
      %dma_wait3A_112 = tpu.memref_squeeze %dma_wait3A_111 : memref<1x100x128xf32, #tpu.memory_space<vmem>> -> memref<100x128xf32, #tpu.memory_space<vmem>>
      %dma_wait3A_113 = arith.constant 0 : i32
      %dma_wait3A_114 = tpu.memref_slice %arg7[%dma_wait3A_107, %dma_wait3A_113] : memref<10x100xi32, #tpu.memory_space<vmem>> -> memref<1x100xi32, #tpu.memory_space<vmem>>
      %dma_wait3A_115 = tpu.memref_squeeze %dma_wait3A_114 : memref<1x100xi32, #tpu.memory_space<vmem>> -> memref<100xi32, #tpu.memory_space<vmem>>
      %dma_wait3A_116 = arith.constant 0 : i32
      %dma_wait3A_117 = arith.constant 0 : i32
      %dma_wait3A_118 = tpu.memref_slice %arg2[%dma_wait3A_116, %dma_wait3A_117] : memref<10000x128xf32, #tpu.memory_space<hbm>> -> memref<10000x128xf32, #tpu.memory_space<hbm>>
      tpu.wait_indirect_dma semaphore(%arg12 : memref<!tpu.dma_semaphore, #tpu.memory_space<semaphore_mem>>) src(%dma_wait3A_118 : memref<10000x128xf32, #tpu.memory_space<hbm>>) dst(%dma_wait3A_112 : memref<100x128xf32, #tpu.memory_space<vmem>>)
      %dma_start3A_119 = arith.constant 1 : i32
      %dma_start3A_120 = arith.constant 1 : i32
      %dma_start3A_121 = arith.constant 0 : i32
      %dma_start3A_122 = arith.constant 0 : i32
      %dma_start3A_123 = tpu.memref_slice %arg9[%dma_start3A_119, %dma_start3A_121, %dma_start3A_122] : memref<3x100x128xf32, #tpu.memory_space<vmem>> -> memref<1x100x128xf32, #tpu.memory_space<vmem>>
      %dma_start3A_124 = tpu.memref_squeeze %dma_start3A_123 : memref<1x100x128xf32, #tpu.memory_space<vmem>> -> memref<100x128xf32, #tpu.memory_space<vmem>>
      %dma_start3A_125 = arith.constant 0 : i32
      %dma_start3A_126 = tpu.memref_slice %arg8[%dma_start3A_120, %dma_start3A_125] : memref<10x100xi32, #tpu.memory_space<vmem>> -> memref<1x100xi32, #tpu.memory_space<vmem>>
      %dma_start3A_127 = tpu.memref_squeeze %dma_start3A_126 : memref<1x100xi32, #tpu.memory_space<vmem>> -> memref<100xi32, #tpu.memory_space<vmem>>
      %dma_start3A_128 = arith.constant 0 : i32
      %dma_start3A_129 = arith.constant 0 : i32
      %dma_start3A_130 = tpu.memref_slice %arg10[%dma_start3A_128, %dma_start3A_129] : memref<10000x128xf32, #tpu.memory_space<vmem_shared>> -> memref<10000x128xf32, #tpu.memory_space<vmem_shared>>
      tpu.enqueue_indirect_dma source(%dma_start3A_124 : memref<100x128xf32, #tpu.memory_space<vmem>>) target(%dma_start3A_130 : memref<10000x128xf32, #tpu.memory_space<vmem_shared>>) offsets(%dma_start3A_127 : memref<100xi32, #tpu.memory_space<vmem>>) semaphore(%arg15 : memref<!tpu.dma_semaphore, #tpu.memory_space<semaphore_mem>>) {add = true}
      %dma_wait3A_131 = arith.constant 1 : i32
      %dma_wait3A_132 = arith.constant 1 : i32
      %dma_wait3A_133 = arith.constant 0 : i32
      %dma_wait3A_134 = arith.constant 0 : i32
      %dma_wait3A_135 = tpu.memref_slice %arg9[%dma_wait3A_131, %dma_wait3A_133, %dma_wait3A_134] : memref<3x100x128xf32, #tpu.memory_space<vmem>> -> memref<1x100x128xf32, #tpu.memory_space<vmem>>
      %dma_wait3A_136 = tpu.memref_squeeze %dma_wait3A_135 : memref<1x100x128xf32, #tpu.memory_space<vmem>> -> memref<100x128xf32, #tpu.memory_space<vmem>>
      %dma_wait3A_137 = arith.constant 0 : i32
      %dma_wait3A_138 = tpu.memref_slice %arg8[%dma_wait3A_132, %dma_wait3A_137] : memref<10x100xi32, #tpu.memory_space<vmem>> -> memref<1x100xi32, #tpu.memory_space<vmem>>
      %dma_wait3A_139 = tpu.memref_squeeze %dma_wait3A_138 : memref<1x100xi32, #tpu.memory_space<vmem>> -> memref<100xi32, #tpu.memory_space<vmem>>
      %dma_wait3A_140 = arith.constant 0 : i32
      %dma_wait3A_141 = arith.constant 0 : i32
      %dma_wait3A_142 = tpu.memref_slice %arg10[%dma_wait3A_140, %dma_wait3A_141] : memref<10000x128xf32, #tpu.memory_space<vmem_shared>> -> memref<10000x128xf32, #tpu.memory_space<vmem_shared>>
      tpu.wait_indirect_dma semaphore(%arg15 : memref<!tpu.dma_semaphore, #tpu.memory_space<semaphore_mem>>) src(%dma_wait3A_136 : memref<100x128xf32, #tpu.memory_space<vmem>>) dst(%dma_wait3A_142 : memref<10000x128xf32, #tpu.memory_space<vmem_shared>>)
      %dma_start3A_143 = arith.constant 4 : i32
      %dma_start3A_144 = arith.constant 1 : i32
      %dma_start3A_145 = arith.constant 0 : i32
      %dma_start3A_146 = arith.constant 0 : i32
      %dma_start3A_147 = tpu.memref_slice %arg9[%dma_start3A_144, %dma_start3A_145, %dma_start3A_146] : memref<3x100x128xf32, #tpu.memory_space<vmem>> -> memref<1x100x128xf32, #tpu.memory_space<vmem>>
      %dma_start3A_148 = tpu.memref_squeeze %dma_start3A_147 : memref<1x100x128xf32, #tpu.memory_space<vmem>> -> memref<100x128xf32, #tpu.memory_space<vmem>>
      %dma_start3A_149 = arith.constant 0 : i32
      %dma_start3A_150 = tpu.memref_slice %arg7[%dma_start3A_143, %dma_start3A_149] : memref<10x100xi32, #tpu.memory_space<vmem>> -> memref<1x100xi32, #tpu.memory_space<vmem>>
      %dma_start3A_151 = tpu.memref_squeeze %dma_start3A_150 : memref<1x100xi32, #tpu.memory_space<vmem>> -> memref<100xi32, #tpu.memory_space<vmem>>
      %dma_start3A_152 = arith.constant 0 : i32
      %dma_start3A_153 = arith.constant 0 : i32
      %dma_start3A_154 = tpu.memref_slice %arg2[%dma_start3A_152, %dma_start3A_153] : memref<10000x128xf32, #tpu.memory_space<hbm>> -> memref<10000x128xf32, #tpu.memory_space<hbm>>
      tpu.enqueue_indirect_dma source(%dma_start3A_154 : memref<10000x128xf32, #tpu.memory_space<hbm>>) target(%dma_start3A_148 : memref<100x128xf32, #tpu.memory_space<vmem>>) offsets(%dma_start3A_151 : memref<100xi32, #tpu.memory_space<vmem>>) semaphore(%arg12 : memref<!tpu.dma_semaphore, #tpu.memory_space<semaphore_mem>>)
      %dma_wait3A_155 = arith.constant 2 : i32
      %dma_wait3A_156 = arith.constant 2 : i32
      %dma_wait3A_157 = arith.constant 0 : i32
      %dma_wait3A_158 = arith.constant 0 : i32
      %dma_wait3A_159 = tpu.memref_slice %arg9[%dma_wait3A_156, %dma_wait3A_157, %dma_wait3A_158] : memref<3x100x128xf32, #tpu.memory_space<vmem>> -> memref<1x100x128xf32, #tpu.memory_space<vmem>>
      %dma_wait3A_160 = tpu.memref_squeeze %dma_wait3A_159 : memref<1x100x128xf32, #tpu.memory_space<vmem>> -> memref<100x128xf32, #tpu.memory_space<vmem>>
      %dma_wait3A_161 = arith.constant 0 : i32
      %dma_wait3A_162 = tpu.memref_slice %arg7[%dma_wait3A_155, %dma_wait3A_161] : memref<10x100xi32, #tpu.memory_space<vmem>> -> memref<1x100xi32, #tpu.memory_space<vmem>>
      %dma_wait3A_163 = tpu.memref_squeeze %dma_wait3A_162 : memref<1x100xi32, #tpu.memory_space<vmem>> -> memref<100xi32, #tpu.memory_space<vmem>>
      %dma_wait3A_164 = arith.constant 0 : i32
      %dma_wait3A_165 = arith.constant 0 : i32
      %dma_wait3A_166 = tpu.memref_slice %arg2[%dma_wait3A_164, %dma_wait3A_165] : memref<10000x128xf32, #tpu.memory_space<hbm>> -> memref<10000x128xf32, #tpu.memory_space<hbm>>
      tpu.wait_indirect_dma semaphore(%arg13 : memref<!tpu.dma_semaphore, #tpu.memory_space<semaphore_mem>>) src(%dma_wait3A_166 : memref<10000x128xf32, #tpu.memory_space<hbm>>) dst(%dma_wait3A_160 : memref<100x128xf32, #tpu.memory_space<vmem>>)
      %dma_start3A_167 = arith.constant 2 : i32
      %dma_start3A_168 = arith.constant 2 : i32
      %dma_start3A_169 = arith.constant 0 : i32
      %dma_start3A_170 = arith.constant 0 : i32
      %dma_start3A_171 = tpu.memref_slice %arg9[%dma_start3A_167, %dma_start3A_169, %dma_start3A_170] : memref<3x100x128xf32, #tpu.memory_space<vmem>> -> memref<1x100x128xf32, #tpu.memory_space<vmem>>
      %dma_start3A_172 = tpu.memref_squeeze %dma_start3A_171 : memref<1x100x128xf32, #tpu.memory_space<vmem>> -> memref<100x128xf32, #tpu.memory_space<vmem>>
      %dma_start3A_173 = arith.constant 0 : i32
      %dma_start3A_174 = tpu.memref_slice %arg8[%dma_start3A_168, %dma_start3A_173] : memref<10x100xi32, #tpu.memory_space<vmem>> -> memref<1x100xi32, #tpu.memory_space<vmem>>
      %dma_start3A_175 = tpu.memref_squeeze %dma_start3A_174 : memref<1x100xi32, #tpu.memory_space<vmem>> -> memref<100xi32, #tpu.memory_space<vmem>>
      %dma_start3A_176 = arith.constant 0 : i32
      %dma_start3A_177 = arith.constant 0 : i32
      %dma_start3A_178 = tpu.memref_slice %arg10[%dma_start3A_176, %dma_start3A_177] : memref<10000x128xf32, #tpu.memory_space<vmem_shared>> -> memref<10000x128xf32, #tpu.memory_space<vmem_shared>>
      tpu.enqueue_indirect_dma source(%dma_start3A_172 : memref<100x128xf32, #tpu.memory_space<vmem>>) target(%dma_start3A_178 : memref<10000x128xf32, #tpu.memory_space<vmem_shared>>) offsets(%dma_start3A_175 : memref<100xi32, #tpu.memory_space<vmem>>) semaphore(%arg16 : memref<!tpu.dma_semaphore, #tpu.memory_space<semaphore_mem>>) {add = true}
      %dma_wait3A_179 = arith.constant 2 : i32
      %dma_wait3A_180 = arith.constant 2 : i32
      %dma_wait3A_181 = arith.constant 0 : i32
      %dma_wait3A_182 = arith.constant 0 : i32
      %dma_wait3A_183 = tpu.memref_slice %arg9[%dma_wait3A_179, %dma_wait3A_181, %dma_wait3A_182] : memref<3x100x128xf32, #tpu.memory_space<vmem>> -> memref<1x100x128xf32, #tpu.memory_space<vmem>>
      %dma_wait3A_184 = tpu.memref_squeeze %dma_wait3A_183 : memref<1x100x128xf32, #tpu.memory_space<vmem>> -> memref<100x128xf32, #tpu.memory_space<vmem>>
      %dma_wait3A_185 = arith.constant 0 : i32
      %dma_wait3A_186 = tpu.memref_slice %arg8[%dma_wait3A_180, %dma_wait3A_185] : memref<10x100xi32, #tpu.memory_space<vmem>> -> memref<1x100xi32, #tpu.memory_space<vmem>>
      %dma_wait3A_187 = tpu.memref_squeeze %dma_wait3A_186 : memref<1x100xi32, #tpu.memory_space<vmem>> -> memref<100xi32, #tpu.memory_space<vmem>>
      %dma_wait3A_188 = arith.constant 0 : i32
      %dma_wait3A_189 = arith.constant 0 : i32
      %dma_wait3A_190 = tpu.memref_slice %arg10[%dma_wait3A_188, %dma_wait3A_189] : memref<10000x128xf32, #tpu.memory_space<vmem_shared>> -> memref<10000x128xf32, #tpu.memory_space<vmem_shared>>
      tpu.wait_indirect_dma semaphore(%arg16 : memref<!tpu.dma_semaphore, #tpu.memory_space<semaphore_mem>>) src(%dma_wait3A_184 : memref<100x128xf32, #tpu.memory_space<vmem>>) dst(%dma_wait3A_190 : memref<10000x128xf32, #tpu.memory_space<vmem_shared>>)
      %dma_start3A_191 = arith.constant 5 : i32
      %dma_start3A_192 = arith.constant 2 : i32
      %dma_start3A_193 = arith.constant 0 : i32
      %dma_start3A_194 = arith.constant 0 : i32
      %dma_start3A_195 = tpu.memref_slice %arg9[%dma_start3A_192, %dma_start3A_193, %dma_start3A_194] : memref<3x100x128xf32, #tpu.memory_space<vmem>> -> memref<1x100x128xf32, #tpu.memory_space<vmem>>
      %dma_start3A_196 = tpu.memref_squeeze %dma_start3A_195 : memref<1x100x128xf32, #tpu.memory_space<vmem>> -> memref<100x128xf32, #tpu.memory_space<vmem>>
      %dma_start3A_197 = arith.constant 0 : i32
      %dma_start3A_198 = tpu.memref_slice %arg7[%dma_start3A_191, %dma_start3A_197] : memref<10x100xi32, #tpu.memory_space<vmem>> -> memref<1x100xi32, #tpu.memory_space<vmem>>
      %dma_start3A_199 = tpu.memref_squeeze %dma_start3A_198 : memref<1x100xi32, #tpu.memory_space<vmem>> -> memref<100xi32, #tpu.memory_space<vmem>>
      %dma_start3A_200 = arith.constant 0 : i32
      %dma_start3A_201 = arith.constant 0 : i32
      %dma_start3A_202 = tpu.memref_slice %arg2[%dma_start3A_200, %dma_start3A_201] : memref<10000x128xf32, #tpu.memory_space<hbm>> -> memref<10000x128xf32, #tpu.memory_space<hbm>>
      tpu.enqueue_indirect_dma source(%dma_start3A_202 : memref<10000x128xf32, #tpu.memory_space<hbm>>) target(%dma_start3A_196 : memref<100x128xf32, #tpu.memory_space<vmem>>) offsets(%dma_start3A_199 : memref<100xi32, #tpu.memory_space<vmem>>) semaphore(%arg13 : memref<!tpu.dma_semaphore, #tpu.memory_space<semaphore_mem>>)
      %dma_wait3A_203 = arith.constant 3 : i32
      %dma_wait3A_204 = arith.constant 0 : i32
      %dma_wait3A_205 = arith.constant 0 : i32
      %dma_wait3A_206 = arith.constant 0 : i32
      %dma_wait3A_207 = tpu.memref_slice %arg9[%dma_wait3A_204, %dma_wait3A_205, %dma_wait3A_206] : memref<3x100x128xf32, #tpu.memory_space<vmem>> -> memref<1x100x128xf32, #tpu.memory_space<vmem>>
      %dma_wait3A_208 = tpu.memref_squeeze %dma_wait3A_207 : memref<1x100x128xf32, #tpu.memory_space<vmem>> -> memref<100x128xf32, #tpu.memory_space<vmem>>
      %dma_wait3A_209 = arith.constant 0 : i32
      %dma_wait3A_210 = tpu.memref_slice %arg7[%dma_wait3A_203, %dma_wait3A_209] : memref<10x100xi32, #tpu.memory_space<vmem>> -> memref<1x100xi32, #tpu.memory_space<vmem>>
      %dma_wait3A_211 = tpu.memref_squeeze %dma_wait3A_210 : memref<1x100xi32, #tpu.memory_space<vmem>> -> memref<100xi32, #tpu.memory_space<vmem>>
      %dma_wait3A_212 = arith.constant 0 : i32
      %dma_wait3A_213 = arith.constant 0 : i32
      %dma_wait3A_214 = tpu.memref_slice %arg2[%dma_wait3A_212, %dma_wait3A_213] : memref<10000x128xf32, #tpu.memory_space<hbm>> -> memref<10000x128xf32, #tpu.memory_space<hbm>>
      tpu.wait_indirect_dma semaphore(%arg11 : memref<!tpu.dma_semaphore, #tpu.memory_space<semaphore_mem>>) src(%dma_wait3A_214 : memref<10000x128xf32, #tpu.memory_space<hbm>>) dst(%dma_wait3A_208 : memref<100x128xf32, #tpu.memory_space<vmem>>)
      %dma_start3A_215 = arith.constant 0 : i32
      %dma_start3A_216 = arith.constant 3 : i32
      %dma_start3A_217 = arith.constant 0 : i32
      %dma_start3A_218 = arith.constant 0 : i32
      %dma_start3A_219 = tpu.memref_slice %arg9[%dma_start3A_215, %dma_start3A_217, %dma_start3A_218] : memref<3x100x128xf32, #tpu.memory_space<vmem>> -> memref<1x100x128xf32, #tpu.memory_space<vmem>>
      %dma_start3A_220 = tpu.memref_squeeze %dma_start3A_219 : memref<1x100x128xf32, #tpu.memory_space<vmem>> -> memref<100x128xf32, #tpu.memory_space<vmem>>
      %dma_start3A_221 = arith.constant 0 : i32
      %dma_start3A_222 = tpu.memref_slice %arg8[%dma_start3A_216, %dma_start3A_221] : memref<10x100xi32, #tpu.memory_space<vmem>> -> memref<1x100xi32, #tpu.memory_space<vmem>>
      %dma_start3A_223 = tpu.memref_squeeze %dma_start3A_222 : memref<1x100xi32, #tpu.memory_space<vmem>> -> memref<100xi32, #tpu.memory_space<vmem>>
      %dma_start3A_224 = arith.constant 0 : i32
      %dma_start3A_225 = arith.constant 0 : i32
      %dma_start3A_226 = tpu.memref_slice %arg10[%dma_start3A_224, %dma_start3A_225] : memref<10000x128xf32, #tpu.memory_space<vmem_shared>> -> memref<10000x128xf32, #tpu.memory_space<vmem_shared>>
      tpu.enqueue_indirect_dma source(%dma_start3A_220 : memref<100x128xf32, #tpu.memory_space<vmem>>) target(%dma_start3A_226 : memref<10000x128xf32, #tpu.memory_space<vmem_shared>>) offsets(%dma_start3A_223 : memref<100xi32, #tpu.memory_space<vmem>>) semaphore(%arg14 : memref<!tpu.dma_semaphore, #tpu.memory_space<semaphore_mem>>) {add = true}
      %dma_wait3A_227 = arith.constant 0 : i32
      %dma_wait3A_228 = arith.constant 3 : i32
      %dma_wait3A_229 = arith.constant 0 : i32
      %dma_wait3A_230 = arith.constant 0 : i32
      %dma_wait3A_231 = tpu.memref_slice %arg9[%dma_wait3A_227, %dma_wait3A_229, %dma_wait3A_230] : memref<3x100x128xf32, #tpu.memory_space<vmem>> -> memref<1x100x128xf32, #tpu.memory_space<vmem>>
      %dma_wait3A_232 = tpu.memref_squeeze %dma_wait3A_231 : memref<1x100x128xf32, #tpu.memory_space<vmem>> -> memref<100x128xf32, #tpu.memory_space<vmem>>
      %dma_wait3A_233 = arith.constant 0 : i32
      %dma_wait3A_234 = tpu.memref_slice %arg8[%dma_wait3A_228, %dma_wait3A_233] : memref<10x100xi32, #tpu.memory_space<vmem>> -> memref<1x100xi32, #tpu.memory_space<vmem>>
      %dma_wait3A_235 = tpu.memref_squeeze %dma_wait3A_234 : memref<1x100xi32, #tpu.memory_space<vmem>> -> memref<100xi32, #tpu.memory_space<vmem>>
      %dma_wait3A_236 = arith.constant 0 : i32
      %dma_wait3A_237 = arith.constant 0 : i32
      %dma_wait3A_238 = tpu.memref_slice %arg10[%dma_wait3A_236, %dma_wait3A_237] : memref<10000x128xf32, #tpu.memory_space<vmem_shared>> -> memref<10000x128xf32, #tpu.memory_space<vmem_shared>>
      tpu.wait_indirect_dma semaphore(%arg14 : memref<!tpu.dma_semaphore, #tpu.memory_space<semaphore_mem>>) src(%dma_wait3A_232 : memref<100x128xf32, #tpu.memory_space<vmem>>) dst(%dma_wait3A_238 : memref<10000x128xf32, #tpu.memory_space<vmem_shared>>)
      %dma_start3A_239 = arith.constant 6 : i32
      %dma_start3A_240 = arith.constant 0 : i32
      %dma_start3A_241 = arith.constant 0 : i32
      %dma_start3A_242 = arith.constant 0 : i32
      %dma_start3A_243 = tpu.memref_slice %arg9[%dma_start3A_240, %dma_start3A_241, %dma_start3A_242] : memref<3x100x128xf32, #tpu.memory_space<vmem>> -> memref<1x100x128xf32, #tpu.memory_space<vmem>>
      %dma_start3A_244 = tpu.memref_squeeze %dma_start3A_243 : memref<1x100x128xf32, #tpu.memory_space<vmem>> -> memref<100x128xf32, #tpu.memory_space<vmem>>
      %dma_start3A_245 = arith.constant 0 : i32
      %dma_start3A_246 = tpu.memref_slice %arg7[%dma_start3A_239, %dma_start3A_245] : memref<10x100xi32, #tpu.memory_space<vmem>> -> memref<1x100xi32, #tpu.memory_space<vmem>>
      %dma_start3A_247 = tpu.memref_squeeze %dma_start3A_246 : memref<1x100xi32, #tpu.memory_space<vmem>> -> memref<100xi32, #tpu.memory_space<vmem>>
      %dma_start3A_248 = arith.constant 0 : i32
      %dma_start3A_249 = arith.constant 0 : i32
      %dma_start3A_250 = tpu.memref_slice %arg2[%dma_start3A_248, %dma_start3A_249] : memref<10000x128xf32, #tpu.memory_space<hbm>> -> memref<10000x128xf32, #tpu.memory_space<hbm>>
      tpu.enqueue_indirect_dma source(%dma_start3A_250 : memref<10000x128xf32, #tpu.memory_space<hbm>>) target(%dma_start3A_244 : memref<100x128xf32, #tpu.memory_space<vmem>>) offsets(%dma_start3A_247 : memref<100xi32, #tpu.memory_space<vmem>>) semaphore(%arg11 : memref<!tpu.dma_semaphore, #tpu.memory_space<semaphore_mem>>)
      %dma_wait3A_251 = arith.constant 4 : i32
      %dma_wait3A_252 = arith.constant 1 : i32
      %dma_wait3A_253 = arith.constant 0 : i32
      %dma_wait3A_254 = arith.constant 0 : i32
      %dma_wait3A_255 = tpu.memref_slice %arg9[%dma_wait3A_252, %dma_wait3A_253, %dma_wait3A_254] : memref<3x100x128xf32, #tpu.memory_space<vmem>> -> memref<1x100x128xf32, #tpu.memory_space<vmem>>
      %dma_wait3A_256 = tpu.memref_squeeze %dma_wait3A_255 : memref<1x100x128xf32, #tpu.memory_space<vmem>> -> memref<100x128xf32, #tpu.memory_space<vmem>>
      %dma_wait3A_257 = arith.constant 0 : i32
      %dma_wait3A_258 = tpu.memref_slice %arg7[%dma_wait3A_251, %dma_wait3A_257] : memref<10x100xi32, #tpu.memory_space<vmem>> -> memref<1x100xi32, #tpu.memory_space<vmem>>
      %dma_wait3A_259 = tpu.memref_squeeze %dma_wait3A_258 : memref<1x100xi32, #tpu.memory_space<vmem>> -> memref<100xi32, #tpu.memory_space<vmem>>
      %dma_wait3A_260 = arith.constant 0 : i32
      %dma_wait3A_261 = arith.constant 0 : i32
      %dma_wait3A_262 = tpu.memref_slice %arg2[%dma_wait3A_260, %dma_wait3A_261] : memref<10000x128xf32, #tpu.memory_space<hbm>> -> memref<10000x128xf32, #tpu.memory_space<hbm>>
      tpu.wait_indirect_dma semaphore(%arg12 : memref<!tpu.dma_semaphore, #tpu.memory_space<semaphore_mem>>) src(%dma_wait3A_262 : memref<10000x128xf32, #tpu.memory_space<hbm>>) dst(%dma_wait3A_256 : memref<100x128xf32, #tpu.memory_space<vmem>>)
      %dma_start3A_263 = arith.constant 1 : i32
      %dma_start3A_264 = arith.constant 4 : i32
      %dma_start3A_265 = arith.constant 0 : i32
      %dma_start3A_266 = arith.constant 0 : i32
      %dma_start3A_267 = tpu.memref_slice %arg9[%dma_start3A_263, %dma_start3A_265, %dma_start3A_266] : memref<3x100x128xf32, #tpu.memory_space<vmem>> -> memref<1x100x128xf32, #tpu.memory_space<vmem>>
      %dma_start3A_268 = tpu.memref_squeeze %dma_start3A_267 : memref<1x100x128xf32, #tpu.memory_space<vmem>> -> memref<100x128xf32, #tpu.memory_space<vmem>>
      %dma_start3A_269 = arith.constant 0 : i32
      %dma_start3A_270 = tpu.memref_slice %arg8[%dma_start3A_264, %dma_start3A_269] : memref<10x100xi32, #tpu.memory_space<vmem>> -> memref<1x100xi32, #tpu.memory_space<vmem>>
      %dma_start3A_271 = tpu.memref_squeeze %dma_start3A_270 : memref<1x100xi32, #tpu.memory_space<vmem>> -> memref<100xi32, #tpu.memory_space<vmem>>
      %dma_start3A_272 = arith.constant 0 : i32
      %dma_start3A_273 = arith.constant 0 : i32
      %dma_start3A_274 = tpu.memref_slice %arg10[%dma_start3A_272, %dma_start3A_273] : memref<10000x128xf32, #tpu.memory_space<vmem_shared>> -> memref<10000x128xf32, #tpu.memory_space<vmem_shared>>
      tpu.enqueue_indirect_dma source(%dma_start3A_268 : memref<100x128xf32, #tpu.memory_space<vmem>>) target(%dma_start3A_274 : memref<10000x128xf32, #tpu.memory_space<vmem_shared>>) offsets(%dma_start3A_271 : memref<100xi32, #tpu.memory_space<vmem>>) semaphore(%arg15 : memref<!tpu.dma_semaphore, #tpu.memory_space<semaphore_mem>>) {add = true}
      %dma_wait3A_275 = arith.constant 1 : i32
      %dma_wait3A_276 = arith.constant 4 : i32
      %dma_wait3A_277 = arith.constant 0 : i32
      %dma_wait3A_278 = arith.constant 0 : i32
      %dma_wait3A_279 = tpu.memref_slice %arg9[%dma_wait3A_275, %dma_wait3A_277, %dma_wait3A_278] : memref<3x100x128xf32, #tpu.memory_space<vmem>> -> memref<1x100x128xf32, #tpu.memory_space<vmem>>
      %dma_wait3A_280 = tpu.memref_squeeze %dma_wait3A_279 : memref<1x100x128xf32, #tpu.memory_space<vmem>> -> memref<100x128xf32, #tpu.memory_space<vmem>>
      %dma_wait3A_281 = arith.constant 0 : i32
      %dma_wait3A_282 = tpu.memref_slice %arg8[%dma_wait3A_276, %dma_wait3A_281] : memref<10x100xi32, #tpu.memory_space<vmem>> -> memref<1x100xi32, #tpu.memory_space<vmem>>
      %dma_wait3A_283 = tpu.memref_squeeze %dma_wait3A_282 : memref<1x100xi32, #tpu.memory_space<vmem>> -> memref<100xi32, #tpu.memory_space<vmem>>
      %dma_wait3A_284 = arith.constant 0 : i32
      %dma_wait3A_285 = arith.constant 0 : i32
      %dma_wait3A_286 = tpu.memref_slice %arg10[%dma_wait3A_284, %dma_wait3A_285] : memref<10000x128xf32, #tpu.memory_space<vmem_shared>> -> memref<10000x128xf32, #tpu.memory_space<vmem_shared>>
      tpu.wait_indirect_dma semaphore(%arg15 : memref<!tpu.dma_semaphore, #tpu.memory_space<semaphore_mem>>) src(%dma_wait3A_280 : memref<100x128xf32, #tpu.memory_space<vmem>>) dst(%dma_wait3A_286 : memref<10000x128xf32, #tpu.memory_space<vmem_shared>>)
      %dma_start3A_287 = arith.constant 7 : i32
      %dma_start3A_288 = arith.constant 1 : i32
      %dma_start3A_289 = arith.constant 0 : i32
      %dma_start3A_290 = arith.constant 0 : i32
      %dma_start3A_291 = tpu.memref_slice %arg9[%dma_start3A_288, %dma_start3A_289, %dma_start3A_290] : memref<3x100x128xf32, #tpu.memory_space<vmem>> -> memref<1x100x128xf32, #tpu.memory_space<vmem>>
      %dma_start3A_292 = tpu.memref_squeeze %dma_start3A_291 : memref<1x100x128xf32, #tpu.memory_space<vmem>> -> memref<100x128xf32, #tpu.memory_space<vmem>>
      %dma_start3A_293 = arith.constant 0 : i32
      %dma_start3A_294 = tpu.memref_slice %arg7[%dma_start3A_287, %dma_start3A_293] : memref<10x100xi32, #tpu.memory_space<vmem>> -> memref<1x100xi32, #tpu.memory_space<vmem>>
      %dma_start3A_295 = tpu.memref_squeeze %dma_start3A_294 : memref<1x100xi32, #tpu.memory_space<vmem>> -> memref<100xi32, #tpu.memory_space<vmem>>
      %dma_start3A_296 = arith.constant 0 : i32
      %dma_start3A_297 = arith.constant 0 : i32
      %dma_start3A_298 = tpu.memref_slice %arg2[%dma_start3A_296, %dma_start3A_297] : memref<10000x128xf32, #tpu.memory_space<hbm>> -> memref<10000x128xf32, #tpu.memory_space<hbm>>
      tpu.enqueue_indirect_dma source(%dma_start3A_298 : memref<10000x128xf32, #tpu.memory_space<hbm>>) target(%dma_start3A_292 : memref<100x128xf32, #tpu.memory_space<vmem>>) offsets(%dma_start3A_295 : memref<100xi32, #tpu.memory_space<vmem>>) semaphore(%arg12 : memref<!tpu.dma_semaphore, #tpu.memory_space<semaphore_mem>>)
      %dma_wait3A_299 = arith.constant 5 : i32
      %dma_wait3A_300 = arith.constant 2 : i32
      %dma_wait3A_301 = arith.constant 0 : i32
      %dma_wait3A_302 = arith.constant 0 : i32
      %dma_wait3A_303 = tpu.memref_slice %arg9[%dma_wait3A_300, %dma_wait3A_301, %dma_wait3A_302] : memref<3x100x128xf32, #tpu.memory_space<vmem>> -> memref<1x100x128xf32, #tpu.memory_space<vmem>>
      %dma_wait3A_304 = tpu.memref_squeeze %dma_wait3A_303 : memref<1x100x128xf32, #tpu.memory_space<vmem>> -> memref<100x128xf32, #tpu.memory_space<vmem>>
      %dma_wait3A_305 = arith.constant 0 : i32
      %dma_wait3A_306 = tpu.memref_slice %arg7[%dma_wait3A_299, %dma_wait3A_305] : memref<10x100xi32, #tpu.memory_space<vmem>> -> memref<1x100xi32, #tpu.memory_space<vmem>>
      %dma_wait3A_307 = tpu.memref_squeeze %dma_wait3A_306 : memref<1x100xi32, #tpu.memory_space<vmem>> -> memref<100xi32, #tpu.memory_space<vmem>>
      %dma_wait3A_308 = arith.constant 0 : i32
      %dma_wait3A_309 = arith.constant 0 : i32
      %dma_wait3A_310 = tpu.memref_slice %arg2[%dma_wait3A_308, %dma_wait3A_309] : memref<10000x128xf32, #tpu.memory_space<hbm>> -> memref<10000x128xf32, #tpu.memory_space<hbm>>
      tpu.wait_indirect_dma semaphore(%arg13 : memref<!tpu.dma_semaphore, #tpu.memory_space<semaphore_mem>>) src(%dma_wait3A_310 : memref<10000x128xf32, #tpu.memory_space<hbm>>) dst(%dma_wait3A_304 : memref<100x128xf32, #tpu.memory_space<vmem>>)
      %dma_start3A_311 = arith.constant 2 : i32
      %dma_start3A_312 = arith.constant 5 : i32
      %dma_start3A_313 = arith.constant 0 : i32
      %dma_start3A_314 = arith.constant 0 : i32
      %dma_start3A_315 = tpu.memref_slice %arg9[%dma_start3A_311, %dma_start3A_313, %dma_start3A_314] : memref<3x100x128xf32, #tpu.memory_space<vmem>> -> memref<1x100x128xf32, #tpu.memory_space<vmem>>
      %dma_start3A_316 = tpu.memref_squeeze %dma_start3A_315 : memref<1x100x128xf32, #tpu.memory_space<vmem>> -> memref<100x128xf32, #tpu.memory_space<vmem>>
      %dma_start3A_317 = arith.constant 0 : i32
      %dma_start3A_318 = tpu.memref_slice %arg8[%dma_start3A_312, %dma_start3A_317] : memref<10x100xi32, #tpu.memory_space<vmem>> -> memref<1x100xi32, #tpu.memory_space<vmem>>
      %dma_start3A_319 = tpu.memref_squeeze %dma_start3A_318 : memref<1x100xi32, #tpu.memory_space<vmem>> -> memref<100xi32, #tpu.memory_space<vmem>>
      %dma_start3A_320 = arith.constant 0 : i32
      %dma_start3A_321 = arith.constant 0 : i32
      %dma_start3A_322 = tpu.memref_slice %arg10[%dma_start3A_320, %dma_start3A_321] : memref<10000x128xf32, #tpu.memory_space<vmem_shared>> -> memref<10000x128xf32, #tpu.memory_space<vmem_shared>>
      tpu.enqueue_indirect_dma source(%dma_start3A_316 : memref<100x128xf32, #tpu.memory_space<vmem>>) target(%dma_start3A_322 : memref<10000x128xf32, #tpu.memory_space<vmem_shared>>) offsets(%dma_start3A_319 : memref<100xi32, #tpu.memory_space<vmem>>) semaphore(%arg16 : memref<!tpu.dma_semaphore, #tpu.memory_space<semaphore_mem>>) {add = true}
      %dma_wait3A_323 = arith.constant 2 : i32
      %dma_wait3A_324 = arith.constant 5 : i32
      %dma_wait3A_325 = arith.constant 0 : i32
      %dma_wait3A_326 = arith.constant 0 : i32
      %dma_wait3A_327 = tpu.memref_slice %arg9[%dma_wait3A_323, %dma_wait3A_325, %dma_wait3A_326] : memref<3x100x128xf32, #tpu.memory_space<vmem>> -> memref<1x100x128xf32, #tpu.memory_space<vmem>>
      %dma_wait3A_328 = tpu.memref_squeeze %dma_wait3A_327 : memref<1x100x128xf32, #tpu.memory_space<vmem>> -> memref<100x128xf32, #tpu.memory_space<vmem>>
      %dma_wait3A_329 = arith.constant 0 : i32
      %dma_wait3A_330 = tpu.memref_slice %arg8[%dma_wait3A_324, %dma_wait3A_329] : memref<10x100xi32, #tpu.memory_space<vmem>> -> memref<1x100xi32, #tpu.memory_space<vmem>>
      %dma_wait3A_331 = tpu.memref_squeeze %dma_wait3A_330 : memref<1x100xi32, #tpu.memory_space<vmem>> -> memref<100xi32, #tpu.memory_space<vmem>>
      %dma_wait3A_332 = arith.constant 0 : i32
      %dma_wait3A_333 = arith.constant 0 : i32
      %dma_wait3A_334 = tpu.memref_slice %arg10[%dma_wait3A_332, %dma_wait3A_333] : memref<10000x128xf32, #tpu.memory_space<vmem_shared>> -> memref<10000x128xf32, #tpu.memory_space<vmem_shared>>
      tpu.wait_indirect_dma semaphore(%arg16 : memref<!tpu.dma_semaphore, #tpu.memory_space<semaphore_mem>>) src(%dma_wait3A_328 : memref<100x128xf32, #tpu.memory_space<vmem>>) dst(%dma_wait3A_334 : memref<10000x128xf32, #tpu.memory_space<vmem_shared>>)
      %dma_start3A_335 = arith.constant 8 : i32
      %dma_start3A_336 = arith.constant 2 : i32
      %dma_start3A_337 = arith.constant 0 : i32
      %dma_start3A_338 = arith.constant 0 : i32
      %dma_start3A_339 = tpu.memref_slice %arg9[%dma_start3A_336, %dma_start3A_337, %dma_start3A_338] : memref<3x100x128xf32, #tpu.memory_space<vmem>> -> memref<1x100x128xf32, #tpu.memory_space<vmem>>
      %dma_start3A_340 = tpu.memref_squeeze %dma_start3A_339 : memref<1x100x128xf32, #tpu.memory_space<vmem>> -> memref<100x128xf32, #tpu.memory_space<vmem>>
      %dma_start3A_341 = arith.constant 0 : i32
      %dma_start3A_342 = tpu.memref_slice %arg7[%dma_start3A_335, %dma_start3A_341] : memref<10x100xi32, #tpu.memory_space<vmem>> -> memref<1x100xi32, #tpu.memory_space<vmem>>
      %dma_start3A_343 = tpu.memref_squeeze %dma_start3A_342 : memref<1x100xi32, #tpu.memory_space<vmem>> -> memref<100xi32, #tpu.memory_space<vmem>>
      %dma_start3A_344 = arith.constant 0 : i32
      %dma_start3A_345 = arith.constant 0 : i32
      %dma_start3A_346 = tpu.memref_slice %arg2[%dma_start3A_344, %dma_start3A_345] : memref<10000x128xf32, #tpu.memory_space<hbm>> -> memref<10000x128xf32, #tpu.memory_space<hbm>>
      tpu.enqueue_indirect_dma source(%dma_start3A_346 : memref<10000x128xf32, #tpu.memory_space<hbm>>) target(%dma_start3A_340 : memref<100x128xf32, #tpu.memory_space<vmem>>) offsets(%dma_start3A_343 : memref<100xi32, #tpu.memory_space<vmem>>) semaphore(%arg13 : memref<!tpu.dma_semaphore, #tpu.memory_space<semaphore_mem>>)
      %dma_wait3A_347 = arith.constant 6 : i32
      %dma_wait3A_348 = arith.constant 0 : i32
      %dma_wait3A_349 = arith.constant 0 : i32
      %dma_wait3A_350 = arith.constant 0 : i32
      %dma_wait3A_351 = tpu.memref_slice %arg9[%dma_wait3A_348, %dma_wait3A_349, %dma_wait3A_350] : memref<3x100x128xf32, #tpu.memory_space<vmem>> -> memref<1x100x128xf32, #tpu.memory_space<vmem>>
      %dma_wait3A_352 = tpu.memref_squeeze %dma_wait3A_351 : memref<1x100x128xf32, #tpu.memory_space<vmem>> -> memref<100x128xf32, #tpu.memory_space<vmem>>
      %dma_wait3A_353 = arith.constant 0 : i32
      %dma_wait3A_354 = tpu.memref_slice %arg7[%dma_wait3A_347, %dma_wait3A_353] : memref<10x100xi32, #tpu.memory_space<vmem>> -> memref<1x100xi32, #tpu.memory_space<vmem>>
      %dma_wait3A_355 = tpu.memref_squeeze %dma_wait3A_354 : memref<1x100xi32, #tpu.memory_space<vmem>> -> memref<100xi32, #tpu.memory_space<vmem>>
      %dma_wait3A_356 = arith.constant 0 : i32
      %dma_wait3A_357 = arith.constant 0 : i32
      %dma_wait3A_358 = tpu.memref_slice %arg2[%dma_wait3A_356, %dma_wait3A_357] : memref<10000x128xf32, #tpu.memory_space<hbm>> -> memref<10000x128xf32, #tpu.memory_space<hbm>>
      tpu.wait_indirect_dma semaphore(%arg11 : memref<!tpu.dma_semaphore, #tpu.memory_space<semaphore_mem>>) src(%dma_wait3A_358 : memref<10000x128xf32, #tpu.memory_space<hbm>>) dst(%dma_wait3A_352 : memref<100x128xf32, #tpu.memory_space<vmem>>)
      %dma_start3A_359 = arith.constant 0 : i32
      %dma_start3A_360 = arith.constant 6 : i32
      %dma_start3A_361 = arith.constant 0 : i32
      %dma_start3A_362 = arith.constant 0 : i32
      %dma_start3A_363 = tpu.memref_slice %arg9[%dma_start3A_359, %dma_start3A_361, %dma_start3A_362] : memref<3x100x128xf32, #tpu.memory_space<vmem>> -> memref<1x100x128xf32, #tpu.memory_space<vmem>>
      %dma_start3A_364 = tpu.memref_squeeze %dma_start3A_363 : memref<1x100x128xf32, #tpu.memory_space<vmem>> -> memref<100x128xf32, #tpu.memory_space<vmem>>
      %dma_start3A_365 = arith.constant 0 : i32
      %dma_start3A_366 = tpu.memref_slice %arg8[%dma_start3A_360, %dma_start3A_365] : memref<10x100xi32, #tpu.memory_space<vmem>> -> memref<1x100xi32, #tpu.memory_space<vmem>>
      %dma_start3A_367 = tpu.memref_squeeze %dma_start3A_366 : memref<1x100xi32, #tpu.memory_space<vmem>> -> memref<100xi32, #tpu.memory_space<vmem>>
      %dma_start3A_368 = arith.constant 0 : i32
      %dma_start3A_369 = arith.constant 0 : i32
      %dma_start3A_370 = tpu.memref_slice %arg10[%dma_start3A_368, %dma_start3A_369] : memref<10000x128xf32, #tpu.memory_space<vmem_shared>> -> memref<10000x128xf32, #tpu.memory_space<vmem_shared>>
      tpu.enqueue_indirect_dma source(%dma_start3A_364 : memref<100x128xf32, #tpu.memory_space<vmem>>) target(%dma_start3A_370 : memref<10000x128xf32, #tpu.memory_space<vmem_shared>>) offsets(%dma_start3A_367 : memref<100xi32, #tpu.memory_space<vmem>>) semaphore(%arg14 : memref<!tpu.dma_semaphore, #tpu.memory_space<semaphore_mem>>) {add = true}
      %dma_wait3A_371 = arith.constant 0 : i32
      %dma_wait3A_372 = arith.constant 6 : i32
      %dma_wait3A_373 = arith.constant 0 : i32
      %dma_wait3A_374 = arith.constant 0 : i32
      %dma_wait3A_375 = tpu.memref_slice %arg9[%dma_wait3A_371, %dma_wait3A_373, %dma_wait3A_374] : memref<3x100x128xf32, #tpu.memory_space<vmem>> -> memref<1x100x128xf32, #tpu.memory_space<vmem>>
      %dma_wait3A_376 = tpu.memref_squeeze %dma_wait3A_375 : memref<1x100x128xf32, #tpu.memory_space<vmem>> -> memref<100x128xf32, #tpu.memory_space<vmem>>
      %dma_wait3A_377 = arith.constant 0 : i32
      %dma_wait3A_378 = tpu.memref_slice %arg8[%dma_wait3A_372, %dma_wait3A_377] : memref<10x100xi32, #tpu.memory_space<vmem>> -> memref<1x100xi32, #tpu.memory_space<vmem>>
      %dma_wait3A_379 = tpu.memref_squeeze %dma_wait3A_378 : memref<1x100xi32, #tpu.memory_space<vmem>> -> memref<100xi32, #tpu.memory_space<vmem>>
      %dma_wait3A_380 = arith.constant 0 : i32
      %dma_wait3A_381 = arith.constant 0 : i32
      %dma_wait3A_382 = tpu.memref_slice %arg10[%dma_wait3A_380, %dma_wait3A_381] : memref<10000x128xf32, #tpu.memory_space<vmem_shared>> -> memref<10000x128xf32, #tpu.memory_space<vmem_shared>>
      tpu.wait_indirect_dma semaphore(%arg14 : memref<!tpu.dma_semaphore, #tpu.memory_space<semaphore_mem>>) src(%dma_wait3A_376 : memref<100x128xf32, #tpu.memory_space<vmem>>) dst(%dma_wait3A_382 : memref<10000x128xf32, #tpu.memory_space<vmem_shared>>)
      %dma_start3A_383 = arith.constant 9 : i32
      %dma_start3A_384 = arith.constant 0 : i32
      %dma_start3A_385 = arith.constant 0 : i32
      %dma_start3A_386 = arith.constant 0 : i32
      %dma_start3A_387 = tpu.memref_slice %arg9[%dma_start3A_384, %dma_start3A_385, %dma_start3A_386] : memref<3x100x128xf32, #tpu.memory_space<vmem>> -> memref<1x100x128xf32, #tpu.memory_space<vmem>>
      %dma_start3A_388 = tpu.memref_squeeze %dma_start3A_387 : memref<1x100x128xf32, #tpu.memory_space<vmem>> -> memref<100x128xf32, #tpu.memory_space<vmem>>
      %dma_start3A_389 = arith.constant 0 : i32
      %dma_start3A_390 = tpu.memref_slice %arg7[%dma_start3A_383, %dma_start3A_389] : memref<10x100xi32, #tpu.memory_space<vmem>> -> memref<1x100xi32, #tpu.memory_space<vmem>>
      %dma_start3A_391 = tpu.memref_squeeze %dma_start3A_390 : memref<1x100xi32, #tpu.memory_space<vmem>> -> memref<100xi32, #tpu.memory_space<vmem>>
      %dma_start3A_392 = arith.constant 0 : i32
      %dma_start3A_393 = arith.constant 0 : i32
      %dma_start3A_394 = tpu.memref_slice %arg2[%dma_start3A_392, %dma_start3A_393] : memref<10000x128xf32, #tpu.memory_space<hbm>> -> memref<10000x128xf32, #tpu.memory_space<hbm>>
      tpu.enqueue_indirect_dma source(%dma_start3A_394 : memref<10000x128xf32, #tpu.memory_space<hbm>>) target(%dma_start3A_388 : memref<100x128xf32, #tpu.memory_space<vmem>>) offsets(%dma_start3A_391 : memref<100xi32, #tpu.memory_space<vmem>>) semaphore(%arg11 : memref<!tpu.dma_semaphore, #tpu.memory_space<semaphore_mem>>)
      %dma_wait3A_395 = arith.constant 7 : i32
      %dma_wait3A_396 = arith.constant 1 : i32
      %dma_wait3A_397 = arith.constant 0 : i32
      %dma_wait3A_398 = arith.constant 0 : i32
      %dma_wait3A_399 = tpu.memref_slice %arg9[%dma_wait3A_396, %dma_wait3A_397, %dma_wait3A_398] : memref<3x100x128xf32, #tpu.memory_space<vmem>> -> memref<1x100x128xf32, #tpu.memory_space<vmem>>
      %dma_wait3A_400 = tpu.memref_squeeze %dma_wait3A_399 : memref<1x100x128xf32, #tpu.memory_space<vmem>> -> memref<100x128xf32, #tpu.memory_space<vmem>>
      %dma_wait3A_401 = arith.constant 0 : i32
      %dma_wait3A_402 = tpu.memref_slice %arg7[%dma_wait3A_395, %dma_wait3A_401] : memref<10x100xi32, #tpu.memory_space<vmem>> -> memref<1x100xi32, #tpu.memory_space<vmem>>
      %dma_wait3A_403 = tpu.memref_squeeze %dma_wait3A_402 : memref<1x100xi32, #tpu.memory_space<vmem>> -> memref<100xi32, #tpu.memory_space<vmem>>
      %dma_wait3A_404 = arith.constant 0 : i32
      %dma_wait3A_405 = arith.constant 0 : i32
      %dma_wait3A_406 = tpu.memref_slice %arg2[%dma_wait3A_404, %dma_wait3A_405] : memref<10000x128xf32, #tpu.memory_space<hbm>> -> memref<10000x128xf32, #tpu.memory_space<hbm>>
      tpu.wait_indirect_dma semaphore(%arg12 : memref<!tpu.dma_semaphore, #tpu.memory_space<semaphore_mem>>) src(%dma_wait3A_406 : memref<10000x128xf32, #tpu.memory_space<hbm>>) dst(%dma_wait3A_400 : memref<100x128xf32, #tpu.memory_space<vmem>>)
      %dma_start3A_407 = arith.constant 1 : i32
      %dma_start3A_408 = arith.constant 7 : i32
      %dma_start3A_409 = arith.constant 0 : i32
      %dma_start3A_410 = arith.constant 0 : i32
      %dma_start3A_411 = tpu.memref_slice %arg9[%dma_start3A_407, %dma_start3A_409, %dma_start3A_410] : memref<3x100x128xf32, #tpu.memory_space<vmem>> -> memref<1x100x128xf32, #tpu.memory_space<vmem>>
      %dma_start3A_412 = tpu.memref_squeeze %dma_start3A_411 : memref<1x100x128xf32, #tpu.memory_space<vmem>> -> memref<100x128xf32, #tpu.memory_space<vmem>>
      %dma_start3A_413 = arith.constant 0 : i32
      %dma_start3A_414 = tpu.memref_slice %arg8[%dma_start3A_408, %dma_start3A_413] : memref<10x100xi32, #tpu.memory_space<vmem>> -> memref<1x100xi32, #tpu.memory_space<vmem>>
      %dma_start3A_415 = tpu.memref_squeeze %dma_start3A_414 : memref<1x100xi32, #tpu.memory_space<vmem>> -> memref<100xi32, #tpu.memory_space<vmem>>
      %dma_start3A_416 = arith.constant 0 : i32
      %dma_start3A_417 = arith.constant 0 : i32
      %dma_start3A_418 = tpu.memref_slice %arg10[%dma_start3A_416, %dma_start3A_417] : memref<10000x128xf32, #tpu.memory_space<vmem_shared>> -> memref<10000x128xf32, #tpu.memory_space<vmem_shared>>
      tpu.enqueue_indirect_dma source(%dma_start3A_412 : memref<100x128xf32, #tpu.memory_space<vmem>>) target(%dma_start3A_418 : memref<10000x128xf32, #tpu.memory_space<vmem_shared>>) offsets(%dma_start3A_415 : memref<100xi32, #tpu.memory_space<vmem>>) semaphore(%arg15 : memref<!tpu.dma_semaphore, #tpu.memory_space<semaphore_mem>>) {add = true}
      %dma_wait3A_419 = arith.constant 8 : i32
      %dma_wait3A_420 = arith.constant 2 : i32
      %dma_wait3A_421 = arith.constant 0 : i32
      %dma_wait3A_422 = arith.constant 0 : i32
      %dma_wait3A_423 = tpu.memref_slice %arg9[%dma_wait3A_420, %dma_wait3A_421, %dma_wait3A_422] : memref<3x100x128xf32, #tpu.memory_space<vmem>> -> memref<1x100x128xf32, #tpu.memory_space<vmem>>
      %dma_wait3A_424 = tpu.memref_squeeze %dma_wait3A_423 : memref<1x100x128xf32, #tpu.memory_space<vmem>> -> memref<100x128xf32, #tpu.memory_space<vmem>>
      %dma_wait3A_425 = arith.constant 0 : i32
      %dma_wait3A_426 = tpu.memref_slice %arg7[%dma_wait3A_419, %dma_wait3A_425] : memref<10x100xi32, #tpu.memory_space<vmem>> -> memref<1x100xi32, #tpu.memory_space<vmem>>
      %dma_wait3A_427 = tpu.memref_squeeze %dma_wait3A_426 : memref<1x100xi32, #tpu.memory_space<vmem>> -> memref<100xi32, #tpu.memory_space<vmem>>
      %dma_wait3A_428 = arith.constant 0 : i32
      %dma_wait3A_429 = arith.constant 0 : i32
      %dma_wait3A_430 = tpu.memref_slice %arg2[%dma_wait3A_428, %dma_wait3A_429] : memref<10000x128xf32, #tpu.memory_space<hbm>> -> memref<10000x128xf32, #tpu.memory_space<hbm>>
      tpu.wait_indirect_dma semaphore(%arg13 : memref<!tpu.dma_semaphore, #tpu.memory_space<semaphore_mem>>) src(%dma_wait3A_430 : memref<10000x128xf32, #tpu.memory_space<hbm>>) dst(%dma_wait3A_424 : memref<100x128xf32, #tpu.memory_space<vmem>>)
      %dma_start3A_431 = arith.constant 2 : i32
      %dma_start3A_432 = arith.constant 8 : i32
      %dma_start3A_433 = arith.constant 0 : i32
      %dma_start3A_434 = arith.constant 0 : i32
      %dma_start3A_435 = tpu.memref_slice %arg9[%dma_start3A_431, %dma_start3A_433, %dma_start3A_434] : memref<3x100x128xf32, #tpu.memory_space<vmem>> -> memref<1x100x128xf32, #tpu.memory_space<vmem>>
      %dma_start3A_436 = tpu.memref_squeeze %dma_start3A_435 : memref<1x100x128xf32, #tpu.memory_space<vmem>> -> memref<100x128xf32, #tpu.memory_space<vmem>>
      %dma_start3A_437 = arith.constant 0 : i32
      %dma_start3A_438 = tpu.memref_slice %arg8[%dma_start3A_432, %dma_start3A_437] : memref<10x100xi32, #tpu.memory_space<vmem>> -> memref<1x100xi32, #tpu.memory_space<vmem>>
      %dma_start3A_439 = tpu.memref_squeeze %dma_start3A_438 : memref<1x100xi32, #tpu.memory_space<vmem>> -> memref<100xi32, #tpu.memory_space<vmem>>
      %dma_start3A_440 = arith.constant 0 : i32
      %dma_start3A_441 = arith.constant 0 : i32
      %dma_start3A_442 = tpu.memref_slice %arg10[%dma_start3A_440, %dma_start3A_441] : memref<10000x128xf32, #tpu.memory_space<vmem_shared>> -> memref<10000x128xf32, #tpu.memory_space<vmem_shared>>
      tpu.enqueue_indirect_dma source(%dma_start3A_436 : memref<100x128xf32, #tpu.memory_space<vmem>>) target(%dma_start3A_442 : memref<10000x128xf32, #tpu.memory_space<vmem_shared>>) offsets(%dma_start3A_439 : memref<100xi32, #tpu.memory_space<vmem>>) semaphore(%arg16 : memref<!tpu.dma_semaphore, #tpu.memory_space<semaphore_mem>>) {add = true}
      %dma_wait3A_443 = arith.constant 9 : i32
      %dma_wait3A_444 = arith.constant 0 : i32
      %dma_wait3A_445 = arith.constant 0 : i32
      %dma_wait3A_446 = arith.constant 0 : i32
      %dma_wait3A_447 = tpu.memref_slice %arg9[%dma_wait3A_444, %dma_wait3A_445, %dma_wait3A_446] : memref<3x100x128xf32, #tpu.memory_space<vmem>> -> memref<1x100x128xf32, #tpu.memory_space<vmem>>
      %dma_wait3A_448 = tpu.memref_squeeze %dma_wait3A_447 : memref<1x100x128xf32, #tpu.memory_space<vmem>> -> memref<100x128xf32, #tpu.memory_space<vmem>>
      %dma_wait3A_449 = arith.constant 0 : i32
      %dma_wait3A_450 = tpu.memref_slice %arg7[%dma_wait3A_443, %dma_wait3A_449] : memref<10x100xi32, #tpu.memory_space<vmem>> -> memref<1x100xi32, #tpu.memory_space<vmem>>
      %dma_wait3A_451 = tpu.memref_squeeze %dma_wait3A_450 : memref<1x100xi32, #tpu.memory_space<vmem>> -> memref<100xi32, #tpu.memory_space<vmem>>
      %dma_wait3A_452 = arith.constant 0 : i32
      %dma_wait3A_453 = arith.constant 0 : i32
      %dma_wait3A_454 = tpu.memref_slice %arg2[%dma_wait3A_452, %dma_wait3A_453] : memref<10000x128xf32, #tpu.memory_space<hbm>> -> memref<10000x128xf32, #tpu.memory_space<hbm>>
      tpu.wait_indirect_dma semaphore(%arg11 : memref<!tpu.dma_semaphore, #tpu.memory_space<semaphore_mem>>) src(%dma_wait3A_454 : memref<10000x128xf32, #tpu.memory_space<hbm>>) dst(%dma_wait3A_448 : memref<100x128xf32, #tpu.memory_space<vmem>>)
      %dma_start3A_455 = arith.constant 0 : i32
      %dma_start3A_456 = arith.constant 9 : i32
      %dma_start3A_457 = arith.constant 0 : i32
      %dma_start3A_458 = arith.constant 0 : i32
      %dma_start3A_459 = tpu.memref_slice %arg9[%dma_start3A_455, %dma_start3A_457, %dma_start3A_458] : memref<3x100x128xf32, #tpu.memory_space<vmem>> -> memref<1x100x128xf32, #tpu.memory_space<vmem>>
      %dma_start3A_460 = tpu.memref_squeeze %dma_start3A_459 : memref<1x100x128xf32, #tpu.memory_space<vmem>> -> memref<100x128xf32, #tpu.memory_space<vmem>>
      %dma_start3A_461 = arith.constant 0 : i32
      %dma_start3A_462 = tpu.memref_slice %arg8[%dma_start3A_456, %dma_start3A_461] : memref<10x100xi32, #tpu.memory_space<vmem>> -> memref<1x100xi32, #tpu.memory_space<vmem>>
      %dma_start3A_463 = tpu.memref_squeeze %dma_start3A_462 : memref<1x100xi32, #tpu.memory_space<vmem>> -> memref<100xi32, #tpu.memory_space<vmem>>
      %dma_start3A_464 = arith.constant 0 : i32
      %dma_start3A_465 = arith.constant 0 : i32
      %dma_start3A_466 = tpu.memref_slice %arg10[%dma_start3A_464, %dma_start3A_465] : memref<10000x128xf32, #tpu.memory_space<vmem_shared>> -> memref<10000x128xf32, #tpu.memory_space<vmem_shared>>
      tpu.enqueue_indirect_dma source(%dma_start3A_460 : memref<100x128xf32, #tpu.memory_space<vmem>>) target(%dma_start3A_466 : memref<10000x128xf32, #tpu.memory_space<vmem_shared>>) offsets(%dma_start3A_463 : memref<100xi32, #tpu.memory_space<vmem>>) semaphore(%arg14 : memref<!tpu.dma_semaphore, #tpu.memory_space<semaphore_mem>>) {add = true}
      %dma_wait3A_467 = arith.constant 1 : i32
      %dma_wait3A_468 = arith.constant 7 : i32
      %dma_wait3A_469 = arith.constant 0 : i32
      %dma_wait3A_470 = arith.constant 0 : i32
      %dma_wait3A_471 = tpu.memref_slice %arg9[%dma_wait3A_467, %dma_wait3A_469, %dma_wait3A_470] : memref<3x100x128xf32, #tpu.memory_space<vmem>> -> memref<1x100x128xf32, #tpu.memory_space<vmem>>
      %dma_wait3A_472 = tpu.memref_squeeze %dma_wait3A_471 : memref<1x100x128xf32, #tpu.memory_space<vmem>> -> memref<100x128xf32, #tpu.memory_space<vmem>>
      %dma_wait3A_473 = arith.constant 0 : i32
      %dma_wait3A_474 = tpu.memref_slice %arg8[%dma_wait3A_468, %dma_wait3A_473] : memref<10x100xi32, #tpu.memory_space<vmem>> -> memref<1x100xi32, #tpu.memory_space<vmem>>
      %dma_wait3A_475 = tpu.memref_squeeze %dma_wait3A_474 : memref<1x100xi32, #tpu.memory_space<vmem>> -> memref<100xi32, #tpu.memory_space<vmem>>
      %dma_wait3A_476 = arith.constant 0 : i32
      %dma_wait3A_477 = arith.constant 0 : i32
      %dma_wait3A_478 = tpu.memref_slice %arg10[%dma_wait3A_476, %dma_wait3A_477] : memref<10000x128xf32, #tpu.memory_space<vmem_shared>> -> memref<10000x128xf32, #tpu.memory_space<vmem_shared>>
      tpu.wait_indirect_dma semaphore(%arg15 : memref<!tpu.dma_semaphore, #tpu.memory_space<semaphore_mem>>) src(%dma_wait3A_472 : memref<100x128xf32, #tpu.memory_space<vmem>>) dst(%dma_wait3A_478 : memref<10000x128xf32, #tpu.memory_space<vmem_shared>>)
      %dma_wait3A_479 = arith.constant 2 : i32
      %dma_wait3A_480 = arith.constant 8 : i32
      %dma_wait3A_481 = arith.constant 0 : i32
      %dma_wait3A_482 = arith.constant 0 : i32
      %dma_wait3A_483 = tpu.memref_slice %arg9[%dma_wait3A_479, %dma_wait3A_481, %dma_wait3A_482] : memref<3x100x128xf32, #tpu.memory_space<vmem>> -> memref<1x100x128xf32, #tpu.memory_space<vmem>>
      %dma_wait3A_484 = tpu.memref_squeeze %dma_wait3A_483 : memref<1x100x128xf32, #tpu.memory_space<vmem>> -> memref<100x128xf32, #tpu.memory_space<vmem>>
      %dma_wait3A_485 = arith.constant 0 : i32
      %dma_wait3A_486 = tpu.memref_slice %arg8[%dma_wait3A_480, %dma_wait3A_485] : memref<10x100xi32, #tpu.memory_space<vmem>> -> memref<1x100xi32, #tpu.memory_space<vmem>>
      %dma_wait3A_487 = tpu.memref_squeeze %dma_wait3A_486 : memref<1x100xi32, #tpu.memory_space<vmem>> -> memref<100xi32, #tpu.memory_space<vmem>>
      %dma_wait3A_488 = arith.constant 0 : i32
      %dma_wait3A_489 = arith.constant 0 : i32
      %dma_wait3A_490 = tpu.memref_slice %arg10[%dma_wait3A_488, %dma_wait3A_489] : memref<10000x128xf32, #tpu.memory_space<vmem_shared>> -> memref<10000x128xf32, #tpu.memory_space<vmem_shared>>
      tpu.wait_indirect_dma semaphore(%arg16 : memref<!tpu.dma_semaphore, #tpu.memory_space<semaphore_mem>>) src(%dma_wait3A_484 : memref<100x128xf32, #tpu.memory_space<vmem>>) dst(%dma_wait3A_490 : memref<10000x128xf32, #tpu.memory_space<vmem_shared>>)
      %dma_wait3A_491 = arith.constant 0 : i32
      %dma_wait3A_492 = arith.constant 9 : i32
      %dma_wait3A_493 = arith.constant 0 : i32
      %dma_wait3A_494 = arith.constant 0 : i32
      %dma_wait3A_495 = tpu.memref_slice %arg9[%dma_wait3A_491, %dma_wait3A_493, %dma_wait3A_494] : memref<3x100x128xf32, #tpu.memory_space<vmem>> -> memref<1x100x128xf32, #tpu.memory_space<vmem>>
      %dma_wait3A_496 = tpu.memref_squeeze %dma_wait3A_495 : memref<1x100x128xf32, #tpu.memory_space<vmem>> -> memref<100x128xf32, #tpu.memory_space<vmem>>
      %dma_wait3A_497 = arith.constant 0 : i32
      %dma_wait3A_498 = tpu.memref_slice %arg8[%dma_wait3A_492, %dma_wait3A_497] : memref<10x100xi32, #tpu.memory_space<vmem>> -> memref<1x100xi32, #tpu.memory_space<vmem>>
      %dma_wait3A_499 = tpu.memref_squeeze %dma_wait3A_498 : memref<1x100xi32, #tpu.memory_space<vmem>> -> memref<100xi32, #tpu.memory_space<vmem>>
      %dma_wait3A_500 = arith.constant 0 : i32
      %dma_wait3A_501 = arith.constant 0 : i32
      %dma_wait3A_502 = tpu.memref_slice %arg10[%dma_wait3A_500, %dma_wait3A_501] : memref<10000x128xf32, #tpu.memory_space<vmem_shared>> -> memref<10000x128xf32, #tpu.memory_space<vmem_shared>>
      tpu.wait_indirect_dma semaphore(%arg14 : memref<!tpu.dma_semaphore, #tpu.memory_space<semaphore_mem>>) src(%dma_wait3A_496 : memref<100x128xf32, #tpu.memory_space<vmem>>) dst(%dma_wait3A_502 : memref<10000x128xf32, #tpu.memory_space<vmem_shared>>)
    }
    %scan3A_13 = arith.constant 10 : i32
    %barrier3A_14 = arith.constant 0 : index
    tpu.barrier barrier_id(%barrier3A_14)
    %mul3A_15 = arith.constant 10000 : i32
    %mul3A_16 = arith.muli %arg0, %mul3A_15 : i32
    %add3A_17 = arith.addi %mul3A_16, %mul3A_2 : i32
    "tpu.region"() ({
      %run_scoped3A = tpu.sem_alloc : memref<!tpu.dma_semaphore, #tpu.memory_space<semaphore_mem>>
      %dma_start3A = arith.constant 0 : i32
      %dma_start3A_18 = tpu.memref_slice %arg6[%add3A_17, %dma_start3A] : memref<20000x128xf32, #tpu.memory_space<hbm>> -> memref<640x128xf32, #tpu.memory_space<hbm>>
      %dma_start3A_19 = arith.constant 0 : i32
      %dma_start3A_20 = tpu.memref_slice %arg10[%mul3A_2, %dma_start3A_19] : memref<10000x128xf32, #tpu.memory_space<vmem_shared>> -> memref<640x128xf32, #tpu.memory_space<vmem_shared>>
      tpu.enqueue_dma source(%dma_start3A_20 : memref<640x128xf32, #tpu.memory_space<vmem_shared>>) target(%dma_start3A_18 : memref<640x128xf32, #tpu.memory_space<hbm>>) target_semaphore(%run_scoped3A : memref<!tpu.dma_semaphore, #tpu.memory_space<semaphore_mem>>)
      %dma_wait3A = arith.constant 0 : i32
      %dma_wait3A_21 = tpu.memref_slice %arg6[%add3A_17, %dma_wait3A] : memref<20000x128xf32, #tpu.memory_space<hbm>> -> memref<640x128xf32, #tpu.memory_space<hbm>>
      %dma_wait3A_22 = arith.constant 0 : i32
      %dma_wait3A_23 = tpu.memref_slice %arg10[%mul3A_2, %dma_wait3A_22] : memref<10000x128xf32, #tpu.memory_space<vmem_shared>> -> memref<640x128xf32, #tpu.memory_space<vmem_shared>>
      tpu.wait_dma2 semaphore(%run_scoped3A : memref<!tpu.dma_semaphore, #tpu.memory_space<semaphore_mem>>) src(%dma_wait3A_23 : memref<640x128xf32, #tpu.memory_space<vmem_shared>>) dst(%dma_wait3A_21 : memref<640x128xf32, #tpu.memory_space<hbm>>)
      tpu.yield
    }) : () -> ()
    return
  }
}

#map = affine_map<(d0, d1) -> (0, 0)>
#map1 = affine_map<(d0, d1) -> (0, 0, 0)>
module attributes {stable_mosaic.version = 14 : i64} {
  func.func @_agg_body(%arg0: i32, %arg1: i32, %arg2: memref<10000x128xf32, #tpu.memory_space<hbm>>, %arg3: memref<320x10x100xi32, #tpu.memory_space<hbm>>, %arg4: memref<320x10x100xi32, #tpu.memory_space<hbm>>, %arg5: memref<10000x128xf32, #tpu.memory_space<hbm>>, %arg6: memref<20000x128xf32, #tpu.memory_space<hbm>>, %arg7: memref<10x100xi32, #tpu.memory_space<vmem>>, %arg8: memref<10x100xi32, #tpu.memory_space<vmem>>, %arg9: memref<3x100x128xf32, #tpu.memory_space<vmem>>, %arg10: memref<10000x128xf32, #tpu.memory_space<vmem_shared>>, %arg11: memref<!tpu.dma_semaphore, #tpu.memory_space<semaphore_mem>>, %arg12: memref<!tpu.dma_semaphore, #tpu.memory_space<semaphore_mem>>, %arg13: memref<!tpu.dma_semaphore, #tpu.memory_space<semaphore_mem>>, %arg14: memref<!tpu.dma_semaphore, #tpu.memory_space<semaphore_mem>>, %arg15: memref<!tpu.dma_semaphore, #tpu.memory_space<semaphore_mem>>, %arg16: memref<!tpu.dma_semaphore, #tpu.memory_space<semaphore_mem>>) attributes {dimension_semantics = [#tpu.dimension_semantics<core_parallel>, #tpu.dimension_semantics<subcore_parallel>], iteration_bounds = array<i64: 2, 16>, scalar_prefetch = 0 : i64, scratch_operands = 10 : i64, tpu.core_type = #tpu.core_type<sc_vector_subcore>, window_params = [{transform_indices = #map}, {transform_indices = #map1}, {transform_indices = #map1}, {transform_indices = #map}, {transform_indices = #map}]} {
    %mul3A = arith.constant 2 : i32
    %mul3A_0 = arith.muli %arg1, %mul3A : i32
    %add3A = arith.addi %mul3A_0, %arg0 : i32
    %mul3A_1 = arith.constant 624 : i32
    %mul3A_2 = arith.muli %arg1, %mul3A_1 : i32
    %eq3A = arith.constant 0 : i32
    %eq3A_3 = arith.cmpi eq, %arg0, %eq3A : i32
    %convert_element_type3A = arith.extui %eq3A_3 : i1 to i32
    %cond3A = arith.constant 0 : i32
    %cond3A_4 = arith.cmpi ne, %convert_element_type3A, %cond3A : i32
    scf.if %cond3A_4 {
      "tpu.region"() ({
        %run_scoped3A = tpu.sem_alloc : memref<!tpu.dma_semaphore, #tpu.memory_space<semaphore_mem>>
        %dma_start3A = arith.constant 0 : i32
        %dma_start3A_18 = tpu.memref_slice %arg10[%mul3A_2, %dma_start3A] : memref<10000x128xf32, #tpu.memory_space<vmem_shared>> -> memref<640x128xf32, #tpu.memory_space<vmem_shared>>
        %dma_start3A_19 = arith.constant 0 : i32
        %dma_start3A_20 = tpu.memref_slice %arg2[%mul3A_2, %dma_start3A_19] : memref<10000x128xf32, #tpu.memory_space<hbm>> -> memref<640x128xf32, #tpu.memory_space<hbm>>
        tpu.enqueue_dma source(%dma_start3A_20 : memref<640x128xf32, #tpu.memory_space<hbm>>) target(%dma_start3A_18 : memref<640x128xf32, #tpu.memory_space<vmem_shared>>) target_semaphore(%run_scoped3A : memref<!tpu.dma_semaphore, #tpu.memory_space<semaphore_mem>>)
        %dma_wait3A = arith.constant 0 : i32
        %dma_wait3A_21 = tpu.memref_slice %arg10[%mul3A_2, %dma_wait3A] : memref<10000x128xf32, #tpu.memory_space<vmem_shared>> -> memref<640x128xf32, #tpu.memory_space<vmem_shared>>
        %dma_wait3A_22 = arith.constant 0 : i32
        %dma_wait3A_23 = tpu.memref_slice %arg2[%mul3A_2, %dma_wait3A_22] : memref<10000x128xf32, #tpu.memory_space<hbm>> -> memref<640x128xf32, #tpu.memory_space<hbm>>
        tpu.wait_dma2 semaphore(%run_scoped3A : memref<!tpu.dma_semaphore, #tpu.memory_space<semaphore_mem>>) src(%dma_wait3A_23 : memref<640x128xf32, #tpu.memory_space<hbm>>) dst(%dma_wait3A_21 : memref<640x128xf32, #tpu.memory_space<vmem_shared>>)
        tpu.yield
      }) : () -> ()
    } else {
    }
    %ne3A = arith.constant 0 : i32
    %ne3A_5 = arith.cmpi ne, %arg0, %ne3A : i32
    %convert_element_type3A_6 = arith.extui %ne3A_5 : i1 to i32
    %cond3A_7 = arith.constant 0 : i32
    %cond3A_8 = arith.cmpi ne, %convert_element_type3A_6, %cond3A_7 : i32
    scf.if %cond3A_8 {
      "tpu.region"() ({
        %run_scoped3A = tpu.sem_alloc : memref<!tpu.dma_semaphore, #tpu.memory_space<semaphore_mem>>
        %dma_start3A = arith.constant 0 : i32
        %dma_start3A_18 = tpu.memref_slice %arg10[%mul3A_2, %dma_start3A] : memref<10000x128xf32, #tpu.memory_space<vmem_shared>> -> memref<640x128xf32, #tpu.memory_space<vmem_shared>>
        %dma_start3A_19 = arith.constant 0 : i32
        %dma_start3A_20 = tpu.memref_slice %arg5[%mul3A_2, %dma_start3A_19] : memref<10000x128xf32, #tpu.memory_space<hbm>> -> memref<640x128xf32, #tpu.memory_space<hbm>>
        tpu.enqueue_dma source(%dma_start3A_20 : memref<640x128xf32, #tpu.memory_space<hbm>>) target(%dma_start3A_18 : memref<640x128xf32, #tpu.memory_space<vmem_shared>>) target_semaphore(%run_scoped3A : memref<!tpu.dma_semaphore, #tpu.memory_space<semaphore_mem>>)
        %dma_wait3A = arith.constant 0 : i32
        %dma_wait3A_21 = tpu.memref_slice %arg10[%mul3A_2, %dma_wait3A] : memref<10000x128xf32, #tpu.memory_space<vmem_shared>> -> memref<640x128xf32, #tpu.memory_space<vmem_shared>>
        %dma_wait3A_22 = arith.constant 0 : i32
        %dma_wait3A_23 = tpu.memref_slice %arg5[%mul3A_2, %dma_wait3A_22] : memref<10000x128xf32, #tpu.memory_space<hbm>> -> memref<640x128xf32, #tpu.memory_space<hbm>>
        tpu.wait_dma2 semaphore(%run_scoped3A : memref<!tpu.dma_semaphore, #tpu.memory_space<semaphore_mem>>) src(%dma_wait3A_23 : memref<640x128xf32, #tpu.memory_space<hbm>>) dst(%dma_wait3A_21 : memref<640x128xf32, #tpu.memory_space<vmem_shared>>)
        tpu.yield
      }) : () -> ()
    } else {
    }
    %barrier3A = arith.constant 0 : index
    tpu.barrier barrier_id(%barrier3A)
    %scan3A = arith.constant 0 : i32
    %scan3A_9 = arith.constant 0 : i32
    %scan3A_10 = arith.constant 10 : i32
    %scan3A_11 = arith.addi %scan3A_9, %scan3A_10 : i32
    %scan3A_12 = arith.constant 1 : i32
    scf.for %scan3A_18 = %scan3A_9 to %scan3A_11 step %scan3A_12  : i32 {
      %mul3A_19 = arith.constant 10 : i32
      %mul3A_20 = arith.muli %add3A, %mul3A_19 : i32
      %add3A_21 = arith.addi %mul3A_20, %scan3A_18 : i32
      "tpu.region"() ({
        %run_scoped3A = tpu.sem_alloc : memref<!tpu.dma_semaphore, #tpu.memory_space<semaphore_mem>>
        %dma_start3A_503 = arith.constant 0 : i32
        %dma_start3A_504 = arith.constant 0 : i32
        %dma_start3A_505 = tpu.memref_slice %arg3[%add3A_21, %dma_start3A_503, %dma_start3A_504] : memref<320x10x100xi32, #tpu.memory_space<hbm>> -> memref<1x10x100xi32, #tpu.memory_space<hbm>>
        %dma_start3A_506 = tpu.memref_squeeze %dma_start3A_505 : memref<1x10x100xi32, #tpu.memory_space<hbm>> -> memref<10x100xi32, #tpu.memory_space<hbm>>
        %dma_start3A_507 = arith.constant 0 : i32
        %dma_start3A_508 = arith.constant 0 : i32
        %dma_start3A_509 = tpu.memref_slice %arg3[%add3A_21, %dma_start3A_507, %dma_start3A_508] : memref<320x10x100xi32, #tpu.memory_space<hbm>> -> memref<1x10x100xi32, #tpu.memory_space<hbm>>
        %dma_start3A_510 = tpu.memref_squeeze %dma_start3A_509 : memref<1x10x100xi32, #tpu.memory_space<hbm>> -> memref<10x100xi32, #tpu.memory_space<hbm>>
        tpu.enqueue_dma source(%dma_start3A_510 : memref<10x100xi32, #tpu.memory_space<hbm>>) target(%arg7 : memref<10x100xi32, #tpu.memory_space<vmem>>) target_semaphore(%run_scoped3A : memref<!tpu.dma_semaphore, #tpu.memory_space<semaphore_mem>>)
        %dma_wait3A_511 = arith.constant 0 : i32
        %dma_wait3A_512 = arith.constant 0 : i32
        %dma_wait3A_513 = tpu.memref_slice %arg3[%add3A_21, %dma_wait3A_511, %dma_wait3A_512] : memref<320x10x100xi32, #tpu.memory_space<hbm>> -> memref<1x10x100xi32, #tpu.memory_space<hbm>>
        %dma_wait3A_514 = tpu.memref_squeeze %dma_wait3A_513 : memref<1x10x100xi32, #tpu.memory_space<hbm>> -> memref<10x100xi32, #tpu.memory_space<hbm>>
        %dma_wait3A_515 = arith.constant 0 : i32
        %dma_wait3A_516 = arith.constant 0 : i32
        %dma_wait3A_517 = tpu.memref_slice %arg3[%add3A_21, %dma_wait3A_515, %dma_wait3A_516] : memref<320x10x100xi32, #tpu.memory_space<hbm>> -> memref<1x10x100xi32, #tpu.memory_space<hbm>>
        %dma_wait3A_518 = tpu.memref_squeeze %dma_wait3A_517 : memref<1x10x100xi32, #tpu.memory_space<hbm>> -> memref<10x100xi32, #tpu.memory_space<hbm>>
        tpu.wait_dma2 semaphore(%run_scoped3A : memref<!tpu.dma_semaphore, #tpu.memory_space<semaphore_mem>>) src(%dma_wait3A_518 : memref<10x100xi32, #tpu.memory_space<hbm>>) dst(%arg7 : memref<10x100xi32, #tpu.memory_space<vmem>>)
        tpu.yield
      }) : () -> ()
      %mul3A_22 = arith.constant 10 : i32
      %mul3A_23 = arith.muli %add3A, %mul3A_22 : i32
      %add3A_24 = arith.addi %mul3A_23, %scan3A_18 : i32
      "tpu.region"() ({
        %run_scoped3A = tpu.sem_alloc : memref<!tpu.dma_semaphore, #tpu.memory_space<semaphore_mem>>
        %dma_start3A_503 = arith.constant 0 : i32
        %dma_start3A_504 = arith.constant 0 : i32
        %dma_start3A_505 = tpu.memref_slice %arg4[%add3A_24, %dma_start3A_503, %dma_start3A_504] : memref<320x10x100xi32, #tpu.memory_space<hbm>> -> memref<1x10x100xi32, #tpu.memory_space<hbm>>
        %dma_start3A_506 = tpu.memref_squeeze %dma_start3A_505 : memref<1x10x100xi32, #tpu.memory_space<hbm>> -> memref<10x100xi32, #tpu.memory_space<hbm>>
        %dma_start3A_507 = arith.constant 0 : i32
        %dma_start3A_508 = arith.constant 0 : i32
        %dma_start3A_509 = tpu.memref_slice %arg4[%add3A_24, %dma_start3A_507, %dma_start3A_508] : memref<320x10x100xi32, #tpu.memory_space<hbm>> -> memref<1x10x100xi32, #tpu.memory_space<hbm>>
        %dma_start3A_510 = tpu.memref_squeeze %dma_start3A_509 : memref<1x10x100xi32, #tpu.memory_space<hbm>> -> memref<10x100xi32, #tpu.memory_space<hbm>>
        tpu.enqueue_dma source(%dma_start3A_510 : memref<10x100xi32, #tpu.memory_space<hbm>>) target(%arg8 : memref<10x100xi32, #tpu.memory_space<vmem>>) target_semaphore(%run_scoped3A : memref<!tpu.dma_semaphore, #tpu.memory_space<semaphore_mem>>)
        %dma_wait3A_511 = arith.constant 0 : i32
        %dma_wait3A_512 = arith.constant 0 : i32
        %dma_wait3A_513 = tpu.memref_slice %arg4[%add3A_24, %dma_wait3A_511, %dma_wait3A_512] : memref<320x10x100xi32, #tpu.memory_space<hbm>> -> memref<1x10x100xi32, #tpu.memory_space<hbm>>
        %dma_wait3A_514 = tpu.memref_squeeze %dma_wait3A_513 : memref<1x10x100xi32, #tpu.memory_space<hbm>> -> memref<10x100xi32, #tpu.memory_space<hbm>>
        %dma_wait3A_515 = arith.constant 0 : i32
        %dma_wait3A_516 = arith.constant 0 : i32
        %dma_wait3A_517 = tpu.memref_slice %arg4[%add3A_24, %dma_wait3A_515, %dma_wait3A_516] : memref<320x10x100xi32, #tpu.memory_space<hbm>> -> memref<1x10x100xi32, #tpu.memory_space<hbm>>
        %dma_wait3A_518 = tpu.memref_squeeze %dma_wait3A_517 : memref<1x10x100xi32, #tpu.memory_space<hbm>> -> memref<10x100xi32, #tpu.memory_space<hbm>>
        tpu.wait_dma2 semaphore(%run_scoped3A : memref<!tpu.dma_semaphore, #tpu.memory_space<semaphore_mem>>) src(%dma_wait3A_518 : memref<10x100xi32, #tpu.memory_space<hbm>>) dst(%arg8 : memref<10x100xi32, #tpu.memory_space<vmem>>)
        tpu.yield
      }) : () -> ()
      %dma_start3A = arith.constant 0 : i32
      %dma_start3A_25 = arith.constant 0 : i32
      %dma_start3A_26 = arith.constant 0 : i32
      %dma_start3A_27 = arith.constant 0 : i32
      %dma_start3A_28 = tpu.memref_slice %arg9[%dma_start3A_25, %dma_start3A_26, %dma_start3A_27] : memref<3x100x128xf32, #tpu.memory_space<vmem>> -> memref<1x100x128xf32, #tpu.memory_space<vmem>>
      %dma_start3A_29 = tpu.memref_squeeze %dma_start3A_28 : memref<1x100x128xf32, #tpu.memory_space<vmem>> -> memref<100x128xf32, #tpu.memory_space<vmem>>
      %dma_start3A_30 = arith.constant 0 : i32
      %dma_start3A_31 = tpu.memref_slice %arg7[%dma_start3A, %dma_start3A_30] : memref<10x100xi32, #tpu.memory_space<vmem>> -> memref<1x100xi32, #tpu.memory_space<vmem>>
      %dma_start3A_32 = tpu.memref_squeeze %dma_start3A_31 : memref<1x100xi32, #tpu.memory_space<vmem>> -> memref<100xi32, #tpu.memory_space<vmem>>
      %dma_start3A_33 = arith.constant 0 : i32
      %dma_start3A_34 = arith.constant 0 : i32
      %dma_start3A_35 = tpu.memref_slice %arg2[%dma_start3A_33, %dma_start3A_34] : memref<10000x128xf32, #tpu.memory_space<hbm>> -> memref<10000x128xf32, #tpu.memory_space<hbm>>
      tpu.enqueue_indirect_dma source(%dma_start3A_35 : memref<10000x128xf32, #tpu.memory_space<hbm>>) target(%dma_start3A_29 : memref<100x128xf32, #tpu.memory_space<vmem>>) offsets(%dma_start3A_32 : memref<100xi32, #tpu.memory_space<vmem>>) semaphore(%arg11 : memref<!tpu.dma_semaphore, #tpu.memory_space<semaphore_mem>>)
      %dma_start3A_36 = arith.constant 1 : i32
      %dma_start3A_37 = arith.constant 1 : i32
      %dma_start3A_38 = arith.constant 0 : i32
      %dma_start3A_39 = arith.constant 0 : i32
      %dma_start3A_40 = tpu.memref_slice %arg9[%dma_start3A_37, %dma_start3A_38, %dma_start3A_39] : memref<3x100x128xf32, #tpu.memory_space<vmem>> -> memref<1x100x128xf32, #tpu.memory_space<vmem>>
      %dma_start3A_41 = tpu.memref_squeeze %dma_start3A_40 : memref<1x100x128xf32, #tpu.memory_space<vmem>> -> memref<100x128xf32, #tpu.memory_space<vmem>>
      %dma_start3A_42 = arith.constant 0 : i32
      %dma_start3A_43 = tpu.memref_slice %arg7[%dma_start3A_36, %dma_start3A_42] : memref<10x100xi32, #tpu.memory_space<vmem>> -> memref<1x100xi32, #tpu.memory_space<vmem>>
      %dma_start3A_44 = tpu.memref_squeeze %dma_start3A_43 : memref<1x100xi32, #tpu.memory_space<vmem>> -> memref<100xi32, #tpu.memory_space<vmem>>
      %dma_start3A_45 = arith.constant 0 : i32
      %dma_start3A_46 = arith.constant 0 : i32
      %dma_start3A_47 = tpu.memref_slice %arg2[%dma_start3A_45, %dma_start3A_46] : memref<10000x128xf32, #tpu.memory_space<hbm>> -> memref<10000x128xf32, #tpu.memory_space<hbm>>
      tpu.enqueue_indirect_dma source(%dma_start3A_47 : memref<10000x128xf32, #tpu.memory_space<hbm>>) target(%dma_start3A_41 : memref<100x128xf32, #tpu.memory_space<vmem>>) offsets(%dma_start3A_44 : memref<100xi32, #tpu.memory_space<vmem>>) semaphore(%arg12 : memref<!tpu.dma_semaphore, #tpu.memory_space<semaphore_mem>>)
      %dma_start3A_48 = arith.constant 2 : i32
      %dma_start3A_49 = arith.constant 2 : i32
      %dma_start3A_50 = arith.constant 0 : i32
      %dma_start3A_51 = arith.constant 0 : i32
      %dma_start3A_52 = tpu.memref_slice %arg9[%dma_start3A_49, %dma_start3A_50, %dma_start3A_51] : memref<3x100x128xf32, #tpu.memory_space<vmem>> -> memref<1x100x128xf32, #tpu.memory_space<vmem>>
      %dma_start3A_53 = tpu.memref_squeeze %dma_start3A_52 : memref<1x100x128xf32, #tpu.memory_space<vmem>> -> memref<100x128xf32, #tpu.memory_space<vmem>>
      %dma_start3A_54 = arith.constant 0 : i32
      %dma_start3A_55 = tpu.memref_slice %arg7[%dma_start3A_48, %dma_start3A_54] : memref<10x100xi32, #tpu.memory_space<vmem>> -> memref<1x100xi32, #tpu.memory_space<vmem>>
      %dma_start3A_56 = tpu.memref_squeeze %dma_start3A_55 : memref<1x100xi32, #tpu.memory_space<vmem>> -> memref<100xi32, #tpu.memory_space<vmem>>
      %dma_start3A_57 = arith.constant 0 : i32
      %dma_start3A_58 = arith.constant 0 : i32
      %dma_start3A_59 = tpu.memref_slice %arg2[%dma_start3A_57, %dma_start3A_58] : memref<10000x128xf32, #tpu.memory_space<hbm>> -> memref<10000x128xf32, #tpu.memory_space<hbm>>
      tpu.enqueue_indirect_dma source(%dma_start3A_59 : memref<10000x128xf32, #tpu.memory_space<hbm>>) target(%dma_start3A_53 : memref<100x128xf32, #tpu.memory_space<vmem>>) offsets(%dma_start3A_56 : memref<100xi32, #tpu.memory_space<vmem>>) semaphore(%arg13 : memref<!tpu.dma_semaphore, #tpu.memory_space<semaphore_mem>>)
      %dma_wait3A = arith.constant 0 : i32
      %dma_wait3A_60 = arith.constant 0 : i32
      %dma_wait3A_61 = arith.constant 0 : i32
      %dma_wait3A_62 = arith.constant 0 : i32
      %dma_wait3A_63 = tpu.memref_slice %arg9[%dma_wait3A_60, %dma_wait3A_61, %dma_wait3A_62] : memref<3x100x128xf32, #tpu.memory_space<vmem>> -> memref<1x100x128xf32, #tpu.memory_space<vmem>>
      %dma_wait3A_64 = tpu.memref_squeeze %dma_wait3A_63 : memref<1x100x128xf32, #tpu.memory_space<vmem>> -> memref<100x128xf32, #tpu.memory_space<vmem>>
      %dma_wait3A_65 = arith.constant 0 : i32
      %dma_wait3A_66 = tpu.memref_slice %arg7[%dma_wait3A, %dma_wait3A_65] : memref<10x100xi32, #tpu.memory_space<vmem>> -> memref<1x100xi32, #tpu.memory_space<vmem>>
      %dma_wait3A_67 = tpu.memref_squeeze %dma_wait3A_66 : memref<1x100xi32, #tpu.memory_space<vmem>> -> memref<100xi32, #tpu.memory_space<vmem>>
      %dma_wait3A_68 = arith.constant 0 : i32
      %dma_wait3A_69 = arith.constant 0 : i32
      %dma_wait3A_70 = tpu.memref_slice %arg2[%dma_wait3A_68, %dma_wait3A_69] : memref<10000x128xf32, #tpu.memory_space<hbm>> -> memref<10000x128xf32, #tpu.memory_space<hbm>>
      tpu.wait_indirect_dma semaphore(%arg11 : memref<!tpu.dma_semaphore, #tpu.memory_space<semaphore_mem>>) src(%dma_wait3A_70 : memref<10000x128xf32, #tpu.memory_space<hbm>>) dst(%dma_wait3A_64 : memref<100x128xf32, #tpu.memory_space<vmem>>)
      %dma_start3A_71 = arith.constant 0 : i32
      %dma_start3A_72 = arith.constant 0 : i32
      %dma_start3A_73 = arith.constant 0 : i32
      %dma_start3A_74 = arith.constant 0 : i32
      %dma_start3A_75 = tpu.memref_slice %arg9[%dma_start3A_71, %dma_start3A_73, %dma_start3A_74] : memref<3x100x128xf32, #tpu.memory_space<vmem>> -> memref<1x100x128xf32, #tpu.memory_space<vmem>>
      %dma_start3A_76 = tpu.memref_squeeze %dma_start3A_75 : memref<1x100x128xf32, #tpu.memory_space<vmem>> -> memref<100x128xf32, #tpu.memory_space<vmem>>
      %dma_start3A_77 = arith.constant 0 : i32
      %dma_start3A_78 = tpu.memref_slice %arg8[%dma_start3A_72, %dma_start3A_77] : memref<10x100xi32, #tpu.memory_space<vmem>> -> memref<1x100xi32, #tpu.memory_space<vmem>>
      %dma_start3A_79 = tpu.memref_squeeze %dma_start3A_78 : memref<1x100xi32, #tpu.memory_space<vmem>> -> memref<100xi32, #tpu.memory_space<vmem>>
      %dma_start3A_80 = arith.constant 0 : i32
      %dma_start3A_81 = arith.constant 0 : i32
      %dma_start3A_82 = tpu.memref_slice %arg10[%dma_start3A_80, %dma_start3A_81] : memref<10000x128xf32, #tpu.memory_space<vmem_shared>> -> memref<10000x128xf32, #tpu.memory_space<vmem_shared>>
      tpu.enqueue_indirect_dma source(%dma_start3A_76 : memref<100x128xf32, #tpu.memory_space<vmem>>) target(%dma_start3A_82 : memref<10000x128xf32, #tpu.memory_space<vmem_shared>>) offsets(%dma_start3A_79 : memref<100xi32, #tpu.memory_space<vmem>>) semaphore(%arg14 : memref<!tpu.dma_semaphore, #tpu.memory_space<semaphore_mem>>) {add = true}
      %dma_wait3A_83 = arith.constant 0 : i32
      %dma_wait3A_84 = arith.constant 0 : i32
      %dma_wait3A_85 = arith.constant 0 : i32
      %dma_wait3A_86 = arith.constant 0 : i32
      %dma_wait3A_87 = tpu.memref_slice %arg9[%dma_wait3A_83, %dma_wait3A_85, %dma_wait3A_86] : memref<3x100x128xf32, #tpu.memory_space<vmem>> -> memref<1x100x128xf32, #tpu.memory_space<vmem>>
      %dma_wait3A_88 = tpu.memref_squeeze %dma_wait3A_87 : memref<1x100x128xf32, #tpu.memory_space<vmem>> -> memref<100x128xf32, #tpu.memory_space<vmem>>
      %dma_wait3A_89 = arith.constant 0 : i32
      %dma_wait3A_90 = tpu.memref_slice %arg8[%dma_wait3A_84, %dma_wait3A_89] : memref<10x100xi32, #tpu.memory_space<vmem>> -> memref<1x100xi32, #tpu.memory_space<vmem>>
      %dma_wait3A_91 = tpu.memref_squeeze %dma_wait3A_90 : memref<1x100xi32, #tpu.memory_space<vmem>> -> memref<100xi32, #tpu.memory_space<vmem>>
      %dma_wait3A_92 = arith.constant 0 : i32
      %dma_wait3A_93 = arith.constant 0 : i32
      %dma_wait3A_94 = tpu.memref_slice %arg10[%dma_wait3A_92, %dma_wait3A_93] : memref<10000x128xf32, #tpu.memory_space<vmem_shared>> -> memref<10000x128xf32, #tpu.memory_space<vmem_shared>>
      tpu.wait_indirect_dma semaphore(%arg14 : memref<!tpu.dma_semaphore, #tpu.memory_space<semaphore_mem>>) src(%dma_wait3A_88 : memref<100x128xf32, #tpu.memory_space<vmem>>) dst(%dma_wait3A_94 : memref<10000x128xf32, #tpu.memory_space<vmem_shared>>)
      %dma_start3A_95 = arith.constant 3 : i32
      %dma_start3A_96 = arith.constant 0 : i32
      %dma_start3A_97 = arith.constant 0 : i32
      %dma_start3A_98 = arith.constant 0 : i32
      %dma_start3A_99 = tpu.memref_slice %arg9[%dma_start3A_96, %dma_start3A_97, %dma_start3A_98] : memref<3x100x128xf32, #tpu.memory_space<vmem>> -> memref<1x100x128xf32, #tpu.memory_space<vmem>>
      %dma_start3A_100 = tpu.memref_squeeze %dma_start3A_99 : memref<1x100x128xf32, #tpu.memory_space<vmem>> -> memref<100x128xf32, #tpu.memory_space<vmem>>
      %dma_start3A_101 = arith.constant 0 : i32
      %dma_start3A_102 = tpu.memref_slice %arg7[%dma_start3A_95, %dma_start3A_101] : memref<10x100xi32, #tpu.memory_space<vmem>> -> memref<1x100xi32, #tpu.memory_space<vmem>>
      %dma_start3A_103 = tpu.memref_squeeze %dma_start3A_102 : memref<1x100xi32, #tpu.memory_space<vmem>> -> memref<100xi32, #tpu.memory_space<vmem>>
      %dma_start3A_104 = arith.constant 0 : i32
      %dma_start3A_105 = arith.constant 0 : i32
      %dma_start3A_106 = tpu.memref_slice %arg2[%dma_start3A_104, %dma_start3A_105] : memref<10000x128xf32, #tpu.memory_space<hbm>> -> memref<10000x128xf32, #tpu.memory_space<hbm>>
      tpu.enqueue_indirect_dma source(%dma_start3A_106 : memref<10000x128xf32, #tpu.memory_space<hbm>>) target(%dma_start3A_100 : memref<100x128xf32, #tpu.memory_space<vmem>>) offsets(%dma_start3A_103 : memref<100xi32, #tpu.memory_space<vmem>>) semaphore(%arg11 : memref<!tpu.dma_semaphore, #tpu.memory_space<semaphore_mem>>)
      %dma_wait3A_107 = arith.constant 1 : i32
      %dma_wait3A_108 = arith.constant 1 : i32
      %dma_wait3A_109 = arith.constant 0 : i32
      %dma_wait3A_110 = arith.constant 0 : i32
      %dma_wait3A_111 = tpu.memref_slice %arg9[%dma_wait3A_108, %dma_wait3A_109, %dma_wait3A_110] : memref<3x100x128xf32, #tpu.memory_space<vmem>> -> memref<1x100x128xf32, #tpu.memory_space<vmem>>
      %dma_wait3A_112 = tpu.memref_squeeze %dma_wait3A_111 : memref<1x100x128xf32, #tpu.memory_space<vmem>> -> memref<100x128xf32, #tpu.memory_space<vmem>>
      %dma_wait3A_113 = arith.constant 0 : i32
      %dma_wait3A_114 = tpu.memref_slice %arg7[%dma_wait3A_107, %dma_wait3A_113] : memref<10x100xi32, #tpu.memory_space<vmem>> -> memref<1x100xi32, #tpu.memory_space<vmem>>
      %dma_wait3A_115 = tpu.memref_squeeze %dma_wait3A_114 : memref<1x100xi32, #tpu.memory_space<vmem>> -> memref<100xi32, #tpu.memory_space<vmem>>
      %dma_wait3A_116 = arith.constant 0 : i32
      %dma_wait3A_117 = arith.constant 0 : i32
      %dma_wait3A_118 = tpu.memref_slice %arg2[%dma_wait3A_116, %dma_wait3A_117] : memref<10000x128xf32, #tpu.memory_space<hbm>> -> memref<10000x128xf32, #tpu.memory_space<hbm>>
      tpu.wait_indirect_dma semaphore(%arg12 : memref<!tpu.dma_semaphore, #tpu.memory_space<semaphore_mem>>) src(%dma_wait3A_118 : memref<10000x128xf32, #tpu.memory_space<hbm>>) dst(%dma_wait3A_112 : memref<100x128xf32, #tpu.memory_space<vmem>>)
      %dma_start3A_119 = arith.constant 1 : i32
      %dma_start3A_120 = arith.constant 1 : i32
      %dma_start3A_121 = arith.constant 0 : i32
      %dma_start3A_122 = arith.constant 0 : i32
      %dma_start3A_123 = tpu.memref_slice %arg9[%dma_start3A_119, %dma_start3A_121, %dma_start3A_122] : memref<3x100x128xf32, #tpu.memory_space<vmem>> -> memref<1x100x128xf32, #tpu.memory_space<vmem>>
      %dma_start3A_124 = tpu.memref_squeeze %dma_start3A_123 : memref<1x100x128xf32, #tpu.memory_space<vmem>> -> memref<100x128xf32, #tpu.memory_space<vmem>>
      %dma_start3A_125 = arith.constant 0 : i32
      %dma_start3A_126 = tpu.memref_slice %arg8[%dma_start3A_120, %dma_start3A_125] : memref<10x100xi32, #tpu.memory_space<vmem>> -> memref<1x100xi32, #tpu.memory_space<vmem>>
      %dma_start3A_127 = tpu.memref_squeeze %dma_start3A_126 : memref<1x100xi32, #tpu.memory_space<vmem>> -> memref<100xi32, #tpu.memory_space<vmem>>
      %dma_start3A_128 = arith.constant 0 : i32
      %dma_start3A_129 = arith.constant 0 : i32
      %dma_start3A_130 = tpu.memref_slice %arg10[%dma_start3A_128, %dma_start3A_129] : memref<10000x128xf32, #tpu.memory_space<vmem_shared>> -> memref<10000x128xf32, #tpu.memory_space<vmem_shared>>
      tpu.enqueue_indirect_dma source(%dma_start3A_124 : memref<100x128xf32, #tpu.memory_space<vmem>>) target(%dma_start3A_130 : memref<10000x128xf32, #tpu.memory_space<vmem_shared>>) offsets(%dma_start3A_127 : memref<100xi32, #tpu.memory_space<vmem>>) semaphore(%arg15 : memref<!tpu.dma_semaphore, #tpu.memory_space<semaphore_mem>>) {add = true}
      %dma_wait3A_131 = arith.constant 1 : i32
      %dma_wait3A_132 = arith.constant 1 : i32
      %dma_wait3A_133 = arith.constant 0 : i32
      %dma_wait3A_134 = arith.constant 0 : i32
      %dma_wait3A_135 = tpu.memref_slice %arg9[%dma_wait3A_131, %dma_wait3A_133, %dma_wait3A_134] : memref<3x100x128xf32, #tpu.memory_space<vmem>> -> memref<1x100x128xf32, #tpu.memory_space<vmem>>
      %dma_wait3A_136 = tpu.memref_squeeze %dma_wait3A_135 : memref<1x100x128xf32, #tpu.memory_space<vmem>> -> memref<100x128xf32, #tpu.memory_space<vmem>>
      %dma_wait3A_137 = arith.constant 0 : i32
      %dma_wait3A_138 = tpu.memref_slice %arg8[%dma_wait3A_132, %dma_wait3A_137] : memref<10x100xi32, #tpu.memory_space<vmem>> -> memref<1x100xi32, #tpu.memory_space<vmem>>
      %dma_wait3A_139 = tpu.memref_squeeze %dma_wait3A_138 : memref<1x100xi32, #tpu.memory_space<vmem>> -> memref<100xi32, #tpu.memory_space<vmem>>
      %dma_wait3A_140 = arith.constant 0 : i32
      %dma_wait3A_141 = arith.constant 0 : i32
      %dma_wait3A_142 = tpu.memref_slice %arg10[%dma_wait3A_140, %dma_wait3A_141] : memref<10000x128xf32, #tpu.memory_space<vmem_shared>> -> memref<10000x128xf32, #tpu.memory_space<vmem_shared>>
      tpu.wait_indirect_dma semaphore(%arg15 : memref<!tpu.dma_semaphore, #tpu.memory_space<semaphore_mem>>) src(%dma_wait3A_136 : memref<100x128xf32, #tpu.memory_space<vmem>>) dst(%dma_wait3A_142 : memref<10000x128xf32, #tpu.memory_space<vmem_shared>>)
      %dma_start3A_143 = arith.constant 4 : i32
      %dma_start3A_144 = arith.constant 1 : i32
      %dma_start3A_145 = arith.constant 0 : i32
      %dma_start3A_146 = arith.constant 0 : i32
      %dma_start3A_147 = tpu.memref_slice %arg9[%dma_start3A_144, %dma_start3A_145, %dma_start3A_146] : memref<3x100x128xf32, #tpu.memory_space<vmem>> -> memref<1x100x128xf32, #tpu.memory_space<vmem>>
      %dma_start3A_148 = tpu.memref_squeeze %dma_start3A_147 : memref<1x100x128xf32, #tpu.memory_space<vmem>> -> memref<100x128xf32, #tpu.memory_space<vmem>>
      %dma_start3A_149 = arith.constant 0 : i32
      %dma_start3A_150 = tpu.memref_slice %arg7[%dma_start3A_143, %dma_start3A_149] : memref<10x100xi32, #tpu.memory_space<vmem>> -> memref<1x100xi32, #tpu.memory_space<vmem>>
      %dma_start3A_151 = tpu.memref_squeeze %dma_start3A_150 : memref<1x100xi32, #tpu.memory_space<vmem>> -> memref<100xi32, #tpu.memory_space<vmem>>
      %dma_start3A_152 = arith.constant 0 : i32
      %dma_start3A_153 = arith.constant 0 : i32
      %dma_start3A_154 = tpu.memref_slice %arg2[%dma_start3A_152, %dma_start3A_153] : memref<10000x128xf32, #tpu.memory_space<hbm>> -> memref<10000x128xf32, #tpu.memory_space<hbm>>
      tpu.enqueue_indirect_dma source(%dma_start3A_154 : memref<10000x128xf32, #tpu.memory_space<hbm>>) target(%dma_start3A_148 : memref<100x128xf32, #tpu.memory_space<vmem>>) offsets(%dma_start3A_151 : memref<100xi32, #tpu.memory_space<vmem>>) semaphore(%arg12 : memref<!tpu.dma_semaphore, #tpu.memory_space<semaphore_mem>>)
      %dma_wait3A_155 = arith.constant 2 : i32
      %dma_wait3A_156 = arith.constant 2 : i32
      %dma_wait3A_157 = arith.constant 0 : i32
      %dma_wait3A_158 = arith.constant 0 : i32
      %dma_wait3A_159 = tpu.memref_slice %arg9[%dma_wait3A_156, %dma_wait3A_157, %dma_wait3A_158] : memref<3x100x128xf32, #tpu.memory_space<vmem>> -> memref<1x100x128xf32, #tpu.memory_space<vmem>>
      %dma_wait3A_160 = tpu.memref_squeeze %dma_wait3A_159 : memref<1x100x128xf32, #tpu.memory_space<vmem>> -> memref<100x128xf32, #tpu.memory_space<vmem>>
      %dma_wait3A_161 = arith.constant 0 : i32
      %dma_wait3A_162 = tpu.memref_slice %arg7[%dma_wait3A_155, %dma_wait3A_161] : memref<10x100xi32, #tpu.memory_space<vmem>> -> memref<1x100xi32, #tpu.memory_space<vmem>>
      %dma_wait3A_163 = tpu.memref_squeeze %dma_wait3A_162 : memref<1x100xi32, #tpu.memory_space<vmem>> -> memref<100xi32, #tpu.memory_space<vmem>>
      %dma_wait3A_164 = arith.constant 0 : i32
      %dma_wait3A_165 = arith.constant 0 : i32
      %dma_wait3A_166 = tpu.memref_slice %arg2[%dma_wait3A_164, %dma_wait3A_165] : memref<10000x128xf32, #tpu.memory_space<hbm>> -> memref<10000x128xf32, #tpu.memory_space<hbm>>
      tpu.wait_indirect_dma semaphore(%arg13 : memref<!tpu.dma_semaphore, #tpu.memory_space<semaphore_mem>>) src(%dma_wait3A_166 : memref<10000x128xf32, #tpu.memory_space<hbm>>) dst(%dma_wait3A_160 : memref<100x128xf32, #tpu.memory_space<vmem>>)
      %dma_start3A_167 = arith.constant 2 : i32
      %dma_start3A_168 = arith.constant 2 : i32
      %dma_start3A_169 = arith.constant 0 : i32
      %dma_start3A_170 = arith.constant 0 : i32
      %dma_start3A_171 = tpu.memref_slice %arg9[%dma_start3A_167, %dma_start3A_169, %dma_start3A_170] : memref<3x100x128xf32, #tpu.memory_space<vmem>> -> memref<1x100x128xf32, #tpu.memory_space<vmem>>
      %dma_start3A_172 = tpu.memref_squeeze %dma_start3A_171 : memref<1x100x128xf32, #tpu.memory_space<vmem>> -> memref<100x128xf32, #tpu.memory_space<vmem>>
      %dma_start3A_173 = arith.constant 0 : i32
      %dma_start3A_174 = tpu.memref_slice %arg8[%dma_start3A_168, %dma_start3A_173] : memref<10x100xi32, #tpu.memory_space<vmem>> -> memref<1x100xi32, #tpu.memory_space<vmem>>
      %dma_start3A_175 = tpu.memref_squeeze %dma_start3A_174 : memref<1x100xi32, #tpu.memory_space<vmem>> -> memref<100xi32, #tpu.memory_space<vmem>>
      %dma_start3A_176 = arith.constant 0 : i32
      %dma_start3A_177 = arith.constant 0 : i32
      %dma_start3A_178 = tpu.memref_slice %arg10[%dma_start3A_176, %dma_start3A_177] : memref<10000x128xf32, #tpu.memory_space<vmem_shared>> -> memref<10000x128xf32, #tpu.memory_space<vmem_shared>>
      tpu.enqueue_indirect_dma source(%dma_start3A_172 : memref<100x128xf32, #tpu.memory_space<vmem>>) target(%dma_start3A_178 : memref<10000x128xf32, #tpu.memory_space<vmem_shared>>) offsets(%dma_start3A_175 : memref<100xi32, #tpu.memory_space<vmem>>) semaphore(%arg16 : memref<!tpu.dma_semaphore, #tpu.memory_space<semaphore_mem>>) {add = true}
      %dma_wait3A_179 = arith.constant 2 : i32
      %dma_wait3A_180 = arith.constant 2 : i32
      %dma_wait3A_181 = arith.constant 0 : i32
      %dma_wait3A_182 = arith.constant 0 : i32
      %dma_wait3A_183 = tpu.memref_slice %arg9[%dma_wait3A_179, %dma_wait3A_181, %dma_wait3A_182] : memref<3x100x128xf32, #tpu.memory_space<vmem>> -> memref<1x100x128xf32, #tpu.memory_space<vmem>>
      %dma_wait3A_184 = tpu.memref_squeeze %dma_wait3A_183 : memref<1x100x128xf32, #tpu.memory_space<vmem>> -> memref<100x128xf32, #tpu.memory_space<vmem>>
      %dma_wait3A_185 = arith.constant 0 : i32
      %dma_wait3A_186 = tpu.memref_slice %arg8[%dma_wait3A_180, %dma_wait3A_185] : memref<10x100xi32, #tpu.memory_space<vmem>> -> memref<1x100xi32, #tpu.memory_space<vmem>>
      %dma_wait3A_187 = tpu.memref_squeeze %dma_wait3A_186 : memref<1x100xi32, #tpu.memory_space<vmem>> -> memref<100xi32, #tpu.memory_space<vmem>>
      %dma_wait3A_188 = arith.constant 0 : i32
      %dma_wait3A_189 = arith.constant 0 : i32
      %dma_wait3A_190 = tpu.memref_slice %arg10[%dma_wait3A_188, %dma_wait3A_189] : memref<10000x128xf32, #tpu.memory_space<vmem_shared>> -> memref<10000x128xf32, #tpu.memory_space<vmem_shared>>
      tpu.wait_indirect_dma semaphore(%arg16 : memref<!tpu.dma_semaphore, #tpu.memory_space<semaphore_mem>>) src(%dma_wait3A_184 : memref<100x128xf32, #tpu.memory_space<vmem>>) dst(%dma_wait3A_190 : memref<10000x128xf32, #tpu.memory_space<vmem_shared>>)
      %dma_start3A_191 = arith.constant 5 : i32
      %dma_start3A_192 = arith.constant 2 : i32
      %dma_start3A_193 = arith.constant 0 : i32
      %dma_start3A_194 = arith.constant 0 : i32
      %dma_start3A_195 = tpu.memref_slice %arg9[%dma_start3A_192, %dma_start3A_193, %dma_start3A_194] : memref<3x100x128xf32, #tpu.memory_space<vmem>> -> memref<1x100x128xf32, #tpu.memory_space<vmem>>
      %dma_start3A_196 = tpu.memref_squeeze %dma_start3A_195 : memref<1x100x128xf32, #tpu.memory_space<vmem>> -> memref<100x128xf32, #tpu.memory_space<vmem>>
      %dma_start3A_197 = arith.constant 0 : i32
      %dma_start3A_198 = tpu.memref_slice %arg7[%dma_start3A_191, %dma_start3A_197] : memref<10x100xi32, #tpu.memory_space<vmem>> -> memref<1x100xi32, #tpu.memory_space<vmem>>
      %dma_start3A_199 = tpu.memref_squeeze %dma_start3A_198 : memref<1x100xi32, #tpu.memory_space<vmem>> -> memref<100xi32, #tpu.memory_space<vmem>>
      %dma_start3A_200 = arith.constant 0 : i32
      %dma_start3A_201 = arith.constant 0 : i32
      %dma_start3A_202 = tpu.memref_slice %arg2[%dma_start3A_200, %dma_start3A_201] : memref<10000x128xf32, #tpu.memory_space<hbm>> -> memref<10000x128xf32, #tpu.memory_space<hbm>>
      tpu.enqueue_indirect_dma source(%dma_start3A_202 : memref<10000x128xf32, #tpu.memory_space<hbm>>) target(%dma_start3A_196 : memref<100x128xf32, #tpu.memory_space<vmem>>) offsets(%dma_start3A_199 : memref<100xi32, #tpu.memory_space<vmem>>) semaphore(%arg13 : memref<!tpu.dma_semaphore, #tpu.memory_space<semaphore_mem>>)
      %dma_wait3A_203 = arith.constant 3 : i32
      %dma_wait3A_204 = arith.constant 0 : i32
      %dma_wait3A_205 = arith.constant 0 : i32
      %dma_wait3A_206 = arith.constant 0 : i32
      %dma_wait3A_207 = tpu.memref_slice %arg9[%dma_wait3A_204, %dma_wait3A_205, %dma_wait3A_206] : memref<3x100x128xf32, #tpu.memory_space<vmem>> -> memref<1x100x128xf32, #tpu.memory_space<vmem>>
      %dma_wait3A_208 = tpu.memref_squeeze %dma_wait3A_207 : memref<1x100x128xf32, #tpu.memory_space<vmem>> -> memref<100x128xf32, #tpu.memory_space<vmem>>
      %dma_wait3A_209 = arith.constant 0 : i32
      %dma_wait3A_210 = tpu.memref_slice %arg7[%dma_wait3A_203, %dma_wait3A_209] : memref<10x100xi32, #tpu.memory_space<vmem>> -> memref<1x100xi32, #tpu.memory_space<vmem>>
      %dma_wait3A_211 = tpu.memref_squeeze %dma_wait3A_210 : memref<1x100xi32, #tpu.memory_space<vmem>> -> memref<100xi32, #tpu.memory_space<vmem>>
      %dma_wait3A_212 = arith.constant 0 : i32
      %dma_wait3A_213 = arith.constant 0 : i32
      %dma_wait3A_214 = tpu.memref_slice %arg2[%dma_wait3A_212, %dma_wait3A_213] : memref<10000x128xf32, #tpu.memory_space<hbm>> -> memref<10000x128xf32, #tpu.memory_space<hbm>>
      tpu.wait_indirect_dma semaphore(%arg11 : memref<!tpu.dma_semaphore, #tpu.memory_space<semaphore_mem>>) src(%dma_wait3A_214 : memref<10000x128xf32, #tpu.memory_space<hbm>>) dst(%dma_wait3A_208 : memref<100x128xf32, #tpu.memory_space<vmem>>)
      %dma_start3A_215 = arith.constant 0 : i32
      %dma_start3A_216 = arith.constant 3 : i32
      %dma_start3A_217 = arith.constant 0 : i32
      %dma_start3A_218 = arith.constant 0 : i32
      %dma_start3A_219 = tpu.memref_slice %arg9[%dma_start3A_215, %dma_start3A_217, %dma_start3A_218] : memref<3x100x128xf32, #tpu.memory_space<vmem>> -> memref<1x100x128xf32, #tpu.memory_space<vmem>>
      %dma_start3A_220 = tpu.memref_squeeze %dma_start3A_219 : memref<1x100x128xf32, #tpu.memory_space<vmem>> -> memref<100x128xf32, #tpu.memory_space<vmem>>
      %dma_start3A_221 = arith.constant 0 : i32
      %dma_start3A_222 = tpu.memref_slice %arg8[%dma_start3A_216, %dma_start3A_221] : memref<10x100xi32, #tpu.memory_space<vmem>> -> memref<1x100xi32, #tpu.memory_space<vmem>>
      %dma_start3A_223 = tpu.memref_squeeze %dma_start3A_222 : memref<1x100xi32, #tpu.memory_space<vmem>> -> memref<100xi32, #tpu.memory_space<vmem>>
      %dma_start3A_224 = arith.constant 0 : i32
      %dma_start3A_225 = arith.constant 0 : i32
      %dma_start3A_226 = tpu.memref_slice %arg10[%dma_start3A_224, %dma_start3A_225] : memref<10000x128xf32, #tpu.memory_space<vmem_shared>> -> memref<10000x128xf32, #tpu.memory_space<vmem_shared>>
      tpu.enqueue_indirect_dma source(%dma_start3A_220 : memref<100x128xf32, #tpu.memory_space<vmem>>) target(%dma_start3A_226 : memref<10000x128xf32, #tpu.memory_space<vmem_shared>>) offsets(%dma_start3A_223 : memref<100xi32, #tpu.memory_space<vmem>>) semaphore(%arg14 : memref<!tpu.dma_semaphore, #tpu.memory_space<semaphore_mem>>) {add = true}
      %dma_wait3A_227 = arith.constant 0 : i32
      %dma_wait3A_228 = arith.constant 3 : i32
      %dma_wait3A_229 = arith.constant 0 : i32
      %dma_wait3A_230 = arith.constant 0 : i32
      %dma_wait3A_231 = tpu.memref_slice %arg9[%dma_wait3A_227, %dma_wait3A_229, %dma_wait3A_230] : memref<3x100x128xf32, #tpu.memory_space<vmem>> -> memref<1x100x128xf32, #tpu.memory_space<vmem>>
      %dma_wait3A_232 = tpu.memref_squeeze %dma_wait3A_231 : memref<1x100x128xf32, #tpu.memory_space<vmem>> -> memref<100x128xf32, #tpu.memory_space<vmem>>
      %dma_wait3A_233 = arith.constant 0 : i32
      %dma_wait3A_234 = tpu.memref_slice %arg8[%dma_wait3A_228, %dma_wait3A_233] : memref<10x100xi32, #tpu.memory_space<vmem>> -> memref<1x100xi32, #tpu.memory_space<vmem>>
      %dma_wait3A_235 = tpu.memref_squeeze %dma_wait3A_234 : memref<1x100xi32, #tpu.memory_space<vmem>> -> memref<100xi32, #tpu.memory_space<vmem>>
      %dma_wait3A_236 = arith.constant 0 : i32
      %dma_wait3A_237 = arith.constant 0 : i32
      %dma_wait3A_238 = tpu.memref_slice %arg10[%dma_wait3A_236, %dma_wait3A_237] : memref<10000x128xf32, #tpu.memory_space<vmem_shared>> -> memref<10000x128xf32, #tpu.memory_space<vmem_shared>>
      tpu.wait_indirect_dma semaphore(%arg14 : memref<!tpu.dma_semaphore, #tpu.memory_space<semaphore_mem>>) src(%dma_wait3A_232 : memref<100x128xf32, #tpu.memory_space<vmem>>) dst(%dma_wait3A_238 : memref<10000x128xf32, #tpu.memory_space<vmem_shared>>)
      %dma_start3A_239 = arith.constant 6 : i32
      %dma_start3A_240 = arith.constant 0 : i32
      %dma_start3A_241 = arith.constant 0 : i32
      %dma_start3A_242 = arith.constant 0 : i32
      %dma_start3A_243 = tpu.memref_slice %arg9[%dma_start3A_240, %dma_start3A_241, %dma_start3A_242] : memref<3x100x128xf32, #tpu.memory_space<vmem>> -> memref<1x100x128xf32, #tpu.memory_space<vmem>>
      %dma_start3A_244 = tpu.memref_squeeze %dma_start3A_243 : memref<1x100x128xf32, #tpu.memory_space<vmem>> -> memref<100x128xf32, #tpu.memory_space<vmem>>
      %dma_start3A_245 = arith.constant 0 : i32
      %dma_start3A_246 = tpu.memref_slice %arg7[%dma_start3A_239, %dma_start3A_245] : memref<10x100xi32, #tpu.memory_space<vmem>> -> memref<1x100xi32, #tpu.memory_space<vmem>>
      %dma_start3A_247 = tpu.memref_squeeze %dma_start3A_246 : memref<1x100xi32, #tpu.memory_space<vmem>> -> memref<100xi32, #tpu.memory_space<vmem>>
      %dma_start3A_248 = arith.constant 0 : i32
      %dma_start3A_249 = arith.constant 0 : i32
      %dma_start3A_250 = tpu.memref_slice %arg2[%dma_start3A_248, %dma_start3A_249] : memref<10000x128xf32, #tpu.memory_space<hbm>> -> memref<10000x128xf32, #tpu.memory_space<hbm>>
      tpu.enqueue_indirect_dma source(%dma_start3A_250 : memref<10000x128xf32, #tpu.memory_space<hbm>>) target(%dma_start3A_244 : memref<100x128xf32, #tpu.memory_space<vmem>>) offsets(%dma_start3A_247 : memref<100xi32, #tpu.memory_space<vmem>>) semaphore(%arg11 : memref<!tpu.dma_semaphore, #tpu.memory_space<semaphore_mem>>)
      %dma_wait3A_251 = arith.constant 4 : i32
      %dma_wait3A_252 = arith.constant 1 : i32
      %dma_wait3A_253 = arith.constant 0 : i32
      %dma_wait3A_254 = arith.constant 0 : i32
      %dma_wait3A_255 = tpu.memref_slice %arg9[%dma_wait3A_252, %dma_wait3A_253, %dma_wait3A_254] : memref<3x100x128xf32, #tpu.memory_space<vmem>> -> memref<1x100x128xf32, #tpu.memory_space<vmem>>
      %dma_wait3A_256 = tpu.memref_squeeze %dma_wait3A_255 : memref<1x100x128xf32, #tpu.memory_space<vmem>> -> memref<100x128xf32, #tpu.memory_space<vmem>>
      %dma_wait3A_257 = arith.constant 0 : i32
      %dma_wait3A_258 = tpu.memref_slice %arg7[%dma_wait3A_251, %dma_wait3A_257] : memref<10x100xi32, #tpu.memory_space<vmem>> -> memref<1x100xi32, #tpu.memory_space<vmem>>
      %dma_wait3A_259 = tpu.memref_squeeze %dma_wait3A_258 : memref<1x100xi32, #tpu.memory_space<vmem>> -> memref<100xi32, #tpu.memory_space<vmem>>
      %dma_wait3A_260 = arith.constant 0 : i32
      %dma_wait3A_261 = arith.constant 0 : i32
      %dma_wait3A_262 = tpu.memref_slice %arg2[%dma_wait3A_260, %dma_wait3A_261] : memref<10000x128xf32, #tpu.memory_space<hbm>> -> memref<10000x128xf32, #tpu.memory_space<hbm>>
      tpu.wait_indirect_dma semaphore(%arg12 : memref<!tpu.dma_semaphore, #tpu.memory_space<semaphore_mem>>) src(%dma_wait3A_262 : memref<10000x128xf32, #tpu.memory_space<hbm>>) dst(%dma_wait3A_256 : memref<100x128xf32, #tpu.memory_space<vmem>>)
      %dma_start3A_263 = arith.constant 1 : i32
      %dma_start3A_264 = arith.constant 4 : i32
      %dma_start3A_265 = arith.constant 0 : i32
      %dma_start3A_266 = arith.constant 0 : i32
      %dma_start3A_267 = tpu.memref_slice %arg9[%dma_start3A_263, %dma_start3A_265, %dma_start3A_266] : memref<3x100x128xf32, #tpu.memory_space<vmem>> -> memref<1x100x128xf32, #tpu.memory_space<vmem>>
      %dma_start3A_268 = tpu.memref_squeeze %dma_start3A_267 : memref<1x100x128xf32, #tpu.memory_space<vmem>> -> memref<100x128xf32, #tpu.memory_space<vmem>>
      %dma_start3A_269 = arith.constant 0 : i32
      %dma_start3A_270 = tpu.memref_slice %arg8[%dma_start3A_264, %dma_start3A_269] : memref<10x100xi32, #tpu.memory_space<vmem>> -> memref<1x100xi32, #tpu.memory_space<vmem>>
      %dma_start3A_271 = tpu.memref_squeeze %dma_start3A_270 : memref<1x100xi32, #tpu.memory_space<vmem>> -> memref<100xi32, #tpu.memory_space<vmem>>
      %dma_start3A_272 = arith.constant 0 : i32
      %dma_start3A_273 = arith.constant 0 : i32
      %dma_start3A_274 = tpu.memref_slice %arg10[%dma_start3A_272, %dma_start3A_273] : memref<10000x128xf32, #tpu.memory_space<vmem_shared>> -> memref<10000x128xf32, #tpu.memory_space<vmem_shared>>
      tpu.enqueue_indirect_dma source(%dma_start3A_268 : memref<100x128xf32, #tpu.memory_space<vmem>>) target(%dma_start3A_274 : memref<10000x128xf32, #tpu.memory_space<vmem_shared>>) offsets(%dma_start3A_271 : memref<100xi32, #tpu.memory_space<vmem>>) semaphore(%arg15 : memref<!tpu.dma_semaphore, #tpu.memory_space<semaphore_mem>>) {add = true}
      %dma_wait3A_275 = arith.constant 1 : i32
      %dma_wait3A_276 = arith.constant 4 : i32
      %dma_wait3A_277 = arith.constant 0 : i32
      %dma_wait3A_278 = arith.constant 0 : i32
      %dma_wait3A_279 = tpu.memref_slice %arg9[%dma_wait3A_275, %dma_wait3A_277, %dma_wait3A_278] : memref<3x100x128xf32, #tpu.memory_space<vmem>> -> memref<1x100x128xf32, #tpu.memory_space<vmem>>
      %dma_wait3A_280 = tpu.memref_squeeze %dma_wait3A_279 : memref<1x100x128xf32, #tpu.memory_space<vmem>> -> memref<100x128xf32, #tpu.memory_space<vmem>>
      %dma_wait3A_281 = arith.constant 0 : i32
      %dma_wait3A_282 = tpu.memref_slice %arg8[%dma_wait3A_276, %dma_wait3A_281] : memref<10x100xi32, #tpu.memory_space<vmem>> -> memref<1x100xi32, #tpu.memory_space<vmem>>
      %dma_wait3A_283 = tpu.memref_squeeze %dma_wait3A_282 : memref<1x100xi32, #tpu.memory_space<vmem>> -> memref<100xi32, #tpu.memory_space<vmem>>
      %dma_wait3A_284 = arith.constant 0 : i32
      %dma_wait3A_285 = arith.constant 0 : i32
      %dma_wait3A_286 = tpu.memref_slice %arg10[%dma_wait3A_284, %dma_wait3A_285] : memref<10000x128xf32, #tpu.memory_space<vmem_shared>> -> memref<10000x128xf32, #tpu.memory_space<vmem_shared>>
      tpu.wait_indirect_dma semaphore(%arg15 : memref<!tpu.dma_semaphore, #tpu.memory_space<semaphore_mem>>) src(%dma_wait3A_280 : memref<100x128xf32, #tpu.memory_space<vmem>>) dst(%dma_wait3A_286 : memref<10000x128xf32, #tpu.memory_space<vmem_shared>>)
      %dma_start3A_287 = arith.constant 7 : i32
      %dma_start3A_288 = arith.constant 1 : i32
      %dma_start3A_289 = arith.constant 0 : i32
      %dma_start3A_290 = arith.constant 0 : i32
      %dma_start3A_291 = tpu.memref_slice %arg9[%dma_start3A_288, %dma_start3A_289, %dma_start3A_290] : memref<3x100x128xf32, #tpu.memory_space<vmem>> -> memref<1x100x128xf32, #tpu.memory_space<vmem>>
      %dma_start3A_292 = tpu.memref_squeeze %dma_start3A_291 : memref<1x100x128xf32, #tpu.memory_space<vmem>> -> memref<100x128xf32, #tpu.memory_space<vmem>>
      %dma_start3A_293 = arith.constant 0 : i32
      %dma_start3A_294 = tpu.memref_slice %arg7[%dma_start3A_287, %dma_start3A_293] : memref<10x100xi32, #tpu.memory_space<vmem>> -> memref<1x100xi32, #tpu.memory_space<vmem>>
      %dma_start3A_295 = tpu.memref_squeeze %dma_start3A_294 : memref<1x100xi32, #tpu.memory_space<vmem>> -> memref<100xi32, #tpu.memory_space<vmem>>
      %dma_start3A_296 = arith.constant 0 : i32
      %dma_start3A_297 = arith.constant 0 : i32
      %dma_start3A_298 = tpu.memref_slice %arg2[%dma_start3A_296, %dma_start3A_297] : memref<10000x128xf32, #tpu.memory_space<hbm>> -> memref<10000x128xf32, #tpu.memory_space<hbm>>
      tpu.enqueue_indirect_dma source(%dma_start3A_298 : memref<10000x128xf32, #tpu.memory_space<hbm>>) target(%dma_start3A_292 : memref<100x128xf32, #tpu.memory_space<vmem>>) offsets(%dma_start3A_295 : memref<100xi32, #tpu.memory_space<vmem>>) semaphore(%arg12 : memref<!tpu.dma_semaphore, #tpu.memory_space<semaphore_mem>>)
      %dma_wait3A_299 = arith.constant 5 : i32
      %dma_wait3A_300 = arith.constant 2 : i32
      %dma_wait3A_301 = arith.constant 0 : i32
      %dma_wait3A_302 = arith.constant 0 : i32
      %dma_wait3A_303 = tpu.memref_slice %arg9[%dma_wait3A_300, %dma_wait3A_301, %dma_wait3A_302] : memref<3x100x128xf32, #tpu.memory_space<vmem>> -> memref<1x100x128xf32, #tpu.memory_space<vmem>>
      %dma_wait3A_304 = tpu.memref_squeeze %dma_wait3A_303 : memref<1x100x128xf32, #tpu.memory_space<vmem>> -> memref<100x128xf32, #tpu.memory_space<vmem>>
      %dma_wait3A_305 = arith.constant 0 : i32
      %dma_wait3A_306 = tpu.memref_slice %arg7[%dma_wait3A_299, %dma_wait3A_305] : memref<10x100xi32, #tpu.memory_space<vmem>> -> memref<1x100xi32, #tpu.memory_space<vmem>>
      %dma_wait3A_307 = tpu.memref_squeeze %dma_wait3A_306 : memref<1x100xi32, #tpu.memory_space<vmem>> -> memref<100xi32, #tpu.memory_space<vmem>>
      %dma_wait3A_308 = arith.constant 0 : i32
      %dma_wait3A_309 = arith.constant 0 : i32
      %dma_wait3A_310 = tpu.memref_slice %arg2[%dma_wait3A_308, %dma_wait3A_309] : memref<10000x128xf32, #tpu.memory_space<hbm>> -> memref<10000x128xf32, #tpu.memory_space<hbm>>
      tpu.wait_indirect_dma semaphore(%arg13 : memref<!tpu.dma_semaphore, #tpu.memory_space<semaphore_mem>>) src(%dma_wait3A_310 : memref<10000x128xf32, #tpu.memory_space<hbm>>) dst(%dma_wait3A_304 : memref<100x128xf32, #tpu.memory_space<vmem>>)
      %dma_start3A_311 = arith.constant 2 : i32
      %dma_start3A_312 = arith.constant 5 : i32
      %dma_start3A_313 = arith.constant 0 : i32
      %dma_start3A_314 = arith.constant 0 : i32
      %dma_start3A_315 = tpu.memref_slice %arg9[%dma_start3A_311, %dma_start3A_313, %dma_start3A_314] : memref<3x100x128xf32, #tpu.memory_space<vmem>> -> memref<1x100x128xf32, #tpu.memory_space<vmem>>
      %dma_start3A_316 = tpu.memref_squeeze %dma_start3A_315 : memref<1x100x128xf32, #tpu.memory_space<vmem>> -> memref<100x128xf32, #tpu.memory_space<vmem>>
      %dma_start3A_317 = arith.constant 0 : i32
      %dma_start3A_318 = tpu.memref_slice %arg8[%dma_start3A_312, %dma_start3A_317] : memref<10x100xi32, #tpu.memory_space<vmem>> -> memref<1x100xi32, #tpu.memory_space<vmem>>
      %dma_start3A_319 = tpu.memref_squeeze %dma_start3A_318 : memref<1x100xi32, #tpu.memory_space<vmem>> -> memref<100xi32, #tpu.memory_space<vmem>>
      %dma_start3A_320 = arith.constant 0 : i32
      %dma_start3A_321 = arith.constant 0 : i32
      %dma_start3A_322 = tpu.memref_slice %arg10[%dma_start3A_320, %dma_start3A_321] : memref<10000x128xf32, #tpu.memory_space<vmem_shared>> -> memref<10000x128xf32, #tpu.memory_space<vmem_shared>>
      tpu.enqueue_indirect_dma source(%dma_start3A_316 : memref<100x128xf32, #tpu.memory_space<vmem>>) target(%dma_start3A_322 : memref<10000x128xf32, #tpu.memory_space<vmem_shared>>) offsets(%dma_start3A_319 : memref<100xi32, #tpu.memory_space<vmem>>) semaphore(%arg16 : memref<!tpu.dma_semaphore, #tpu.memory_space<semaphore_mem>>) {add = true}
      %dma_wait3A_323 = arith.constant 2 : i32
      %dma_wait3A_324 = arith.constant 5 : i32
      %dma_wait3A_325 = arith.constant 0 : i32
      %dma_wait3A_326 = arith.constant 0 : i32
      %dma_wait3A_327 = tpu.memref_slice %arg9[%dma_wait3A_323, %dma_wait3A_325, %dma_wait3A_326] : memref<3x100x128xf32, #tpu.memory_space<vmem>> -> memref<1x100x128xf32, #tpu.memory_space<vmem>>
      %dma_wait3A_328 = tpu.memref_squeeze %dma_wait3A_327 : memref<1x100x128xf32, #tpu.memory_space<vmem>> -> memref<100x128xf32, #tpu.memory_space<vmem>>
      %dma_wait3A_329 = arith.constant 0 : i32
      %dma_wait3A_330 = tpu.memref_slice %arg8[%dma_wait3A_324, %dma_wait3A_329] : memref<10x100xi32, #tpu.memory_space<vmem>> -> memref<1x100xi32, #tpu.memory_space<vmem>>
      %dma_wait3A_331 = tpu.memref_squeeze %dma_wait3A_330 : memref<1x100xi32, #tpu.memory_space<vmem>> -> memref<100xi32, #tpu.memory_space<vmem>>
      %dma_wait3A_332 = arith.constant 0 : i32
      %dma_wait3A_333 = arith.constant 0 : i32
      %dma_wait3A_334 = tpu.memref_slice %arg10[%dma_wait3A_332, %dma_wait3A_333] : memref<10000x128xf32, #tpu.memory_space<vmem_shared>> -> memref<10000x128xf32, #tpu.memory_space<vmem_shared>>
      tpu.wait_indirect_dma semaphore(%arg16 : memref<!tpu.dma_semaphore, #tpu.memory_space<semaphore_mem>>) src(%dma_wait3A_328 : memref<100x128xf32, #tpu.memory_space<vmem>>) dst(%dma_wait3A_334 : memref<10000x128xf32, #tpu.memory_space<vmem_shared>>)
      %dma_start3A_335 = arith.constant 8 : i32
      %dma_start3A_336 = arith.constant 2 : i32
      %dma_start3A_337 = arith.constant 0 : i32
      %dma_start3A_338 = arith.constant 0 : i32
      %dma_start3A_339 = tpu.memref_slice %arg9[%dma_start3A_336, %dma_start3A_337, %dma_start3A_338] : memref<3x100x128xf32, #tpu.memory_space<vmem>> -> memref<1x100x128xf32, #tpu.memory_space<vmem>>
      %dma_start3A_340 = tpu.memref_squeeze %dma_start3A_339 : memref<1x100x128xf32, #tpu.memory_space<vmem>> -> memref<100x128xf32, #tpu.memory_space<vmem>>
      %dma_start3A_341 = arith.constant 0 : i32
      %dma_start3A_342 = tpu.memref_slice %arg7[%dma_start3A_335, %dma_start3A_341] : memref<10x100xi32, #tpu.memory_space<vmem>> -> memref<1x100xi32, #tpu.memory_space<vmem>>
      %dma_start3A_343 = tpu.memref_squeeze %dma_start3A_342 : memref<1x100xi32, #tpu.memory_space<vmem>> -> memref<100xi32, #tpu.memory_space<vmem>>
      %dma_start3A_344 = arith.constant 0 : i32
      %dma_start3A_345 = arith.constant 0 : i32
      %dma_start3A_346 = tpu.memref_slice %arg2[%dma_start3A_344, %dma_start3A_345] : memref<10000x128xf32, #tpu.memory_space<hbm>> -> memref<10000x128xf32, #tpu.memory_space<hbm>>
      tpu.enqueue_indirect_dma source(%dma_start3A_346 : memref<10000x128xf32, #tpu.memory_space<hbm>>) target(%dma_start3A_340 : memref<100x128xf32, #tpu.memory_space<vmem>>) offsets(%dma_start3A_343 : memref<100xi32, #tpu.memory_space<vmem>>) semaphore(%arg13 : memref<!tpu.dma_semaphore, #tpu.memory_space<semaphore_mem>>)
      %dma_wait3A_347 = arith.constant 6 : i32
      %dma_wait3A_348 = arith.constant 0 : i32
      %dma_wait3A_349 = arith.constant 0 : i32
      %dma_wait3A_350 = arith.constant 0 : i32
      %dma_wait3A_351 = tpu.memref_slice %arg9[%dma_wait3A_348, %dma_wait3A_349, %dma_wait3A_350] : memref<3x100x128xf32, #tpu.memory_space<vmem>> -> memref<1x100x128xf32, #tpu.memory_space<vmem>>
      %dma_wait3A_352 = tpu.memref_squeeze %dma_wait3A_351 : memref<1x100x128xf32, #tpu.memory_space<vmem>> -> memref<100x128xf32, #tpu.memory_space<vmem>>
      %dma_wait3A_353 = arith.constant 0 : i32
      %dma_wait3A_354 = tpu.memref_slice %arg7[%dma_wait3A_347, %dma_wait3A_353] : memref<10x100xi32, #tpu.memory_space<vmem>> -> memref<1x100xi32, #tpu.memory_space<vmem>>
      %dma_wait3A_355 = tpu.memref_squeeze %dma_wait3A_354 : memref<1x100xi32, #tpu.memory_space<vmem>> -> memref<100xi32, #tpu.memory_space<vmem>>
      %dma_wait3A_356 = arith.constant 0 : i32
      %dma_wait3A_357 = arith.constant 0 : i32
      %dma_wait3A_358 = tpu.memref_slice %arg2[%dma_wait3A_356, %dma_wait3A_357] : memref<10000x128xf32, #tpu.memory_space<hbm>> -> memref<10000x128xf32, #tpu.memory_space<hbm>>
      tpu.wait_indirect_dma semaphore(%arg11 : memref<!tpu.dma_semaphore, #tpu.memory_space<semaphore_mem>>) src(%dma_wait3A_358 : memref<10000x128xf32, #tpu.memory_space<hbm>>) dst(%dma_wait3A_352 : memref<100x128xf32, #tpu.memory_space<vmem>>)
      %dma_start3A_359 = arith.constant 0 : i32
      %dma_start3A_360 = arith.constant 6 : i32
      %dma_start3A_361 = arith.constant 0 : i32
      %dma_start3A_362 = arith.constant 0 : i32
      %dma_start3A_363 = tpu.memref_slice %arg9[%dma_start3A_359, %dma_start3A_361, %dma_start3A_362] : memref<3x100x128xf32, #tpu.memory_space<vmem>> -> memref<1x100x128xf32, #tpu.memory_space<vmem>>
      %dma_start3A_364 = tpu.memref_squeeze %dma_start3A_363 : memref<1x100x128xf32, #tpu.memory_space<vmem>> -> memref<100x128xf32, #tpu.memory_space<vmem>>
      %dma_start3A_365 = arith.constant 0 : i32
      %dma_start3A_366 = tpu.memref_slice %arg8[%dma_start3A_360, %dma_start3A_365] : memref<10x100xi32, #tpu.memory_space<vmem>> -> memref<1x100xi32, #tpu.memory_space<vmem>>
      %dma_start3A_367 = tpu.memref_squeeze %dma_start3A_366 : memref<1x100xi32, #tpu.memory_space<vmem>> -> memref<100xi32, #tpu.memory_space<vmem>>
      %dma_start3A_368 = arith.constant 0 : i32
      %dma_start3A_369 = arith.constant 0 : i32
      %dma_start3A_370 = tpu.memref_slice %arg10[%dma_start3A_368, %dma_start3A_369] : memref<10000x128xf32, #tpu.memory_space<vmem_shared>> -> memref<10000x128xf32, #tpu.memory_space<vmem_shared>>
      tpu.enqueue_indirect_dma source(%dma_start3A_364 : memref<100x128xf32, #tpu.memory_space<vmem>>) target(%dma_start3A_370 : memref<10000x128xf32, #tpu.memory_space<vmem_shared>>) offsets(%dma_start3A_367 : memref<100xi32, #tpu.memory_space<vmem>>) semaphore(%arg14 : memref<!tpu.dma_semaphore, #tpu.memory_space<semaphore_mem>>) {add = true}
      %dma_wait3A_371 = arith.constant 0 : i32
      %dma_wait3A_372 = arith.constant 6 : i32
      %dma_wait3A_373 = arith.constant 0 : i32
      %dma_wait3A_374 = arith.constant 0 : i32
      %dma_wait3A_375 = tpu.memref_slice %arg9[%dma_wait3A_371, %dma_wait3A_373, %dma_wait3A_374] : memref<3x100x128xf32, #tpu.memory_space<vmem>> -> memref<1x100x128xf32, #tpu.memory_space<vmem>>
      %dma_wait3A_376 = tpu.memref_squeeze %dma_wait3A_375 : memref<1x100x128xf32, #tpu.memory_space<vmem>> -> memref<100x128xf32, #tpu.memory_space<vmem>>
      %dma_wait3A_377 = arith.constant 0 : i32
      %dma_wait3A_378 = tpu.memref_slice %arg8[%dma_wait3A_372, %dma_wait3A_377] : memref<10x100xi32, #tpu.memory_space<vmem>> -> memref<1x100xi32, #tpu.memory_space<vmem>>
      %dma_wait3A_379 = tpu.memref_squeeze %dma_wait3A_378 : memref<1x100xi32, #tpu.memory_space<vmem>> -> memref<100xi32, #tpu.memory_space<vmem>>
      %dma_wait3A_380 = arith.constant 0 : i32
      %dma_wait3A_381 = arith.constant 0 : i32
      %dma_wait3A_382 = tpu.memref_slice %arg10[%dma_wait3A_380, %dma_wait3A_381] : memref<10000x128xf32, #tpu.memory_space<vmem_shared>> -> memref<10000x128xf32, #tpu.memory_space<vmem_shared>>
      tpu.wait_indirect_dma semaphore(%arg14 : memref<!tpu.dma_semaphore, #tpu.memory_space<semaphore_mem>>) src(%dma_wait3A_376 : memref<100x128xf32, #tpu.memory_space<vmem>>) dst(%dma_wait3A_382 : memref<10000x128xf32, #tpu.memory_space<vmem_shared>>)
      %dma_start3A_383 = arith.constant 9 : i32
      %dma_start3A_384 = arith.constant 0 : i32
      %dma_start3A_385 = arith.constant 0 : i32
      %dma_start3A_386 = arith.constant 0 : i32
      %dma_start3A_387 = tpu.memref_slice %arg9[%dma_start3A_384, %dma_start3A_385, %dma_start3A_386] : memref<3x100x128xf32, #tpu.memory_space<vmem>> -> memref<1x100x128xf32, #tpu.memory_space<vmem>>
      %dma_start3A_388 = tpu.memref_squeeze %dma_start3A_387 : memref<1x100x128xf32, #tpu.memory_space<vmem>> -> memref<100x128xf32, #tpu.memory_space<vmem>>
      %dma_start3A_389 = arith.constant 0 : i32
      %dma_start3A_390 = tpu.memref_slice %arg7[%dma_start3A_383, %dma_start3A_389] : memref<10x100xi32, #tpu.memory_space<vmem>> -> memref<1x100xi32, #tpu.memory_space<vmem>>
      %dma_start3A_391 = tpu.memref_squeeze %dma_start3A_390 : memref<1x100xi32, #tpu.memory_space<vmem>> -> memref<100xi32, #tpu.memory_space<vmem>>
      %dma_start3A_392 = arith.constant 0 : i32
      %dma_start3A_393 = arith.constant 0 : i32
      %dma_start3A_394 = tpu.memref_slice %arg2[%dma_start3A_392, %dma_start3A_393] : memref<10000x128xf32, #tpu.memory_space<hbm>> -> memref<10000x128xf32, #tpu.memory_space<hbm>>
      tpu.enqueue_indirect_dma source(%dma_start3A_394 : memref<10000x128xf32, #tpu.memory_space<hbm>>) target(%dma_start3A_388 : memref<100x128xf32, #tpu.memory_space<vmem>>) offsets(%dma_start3A_391 : memref<100xi32, #tpu.memory_space<vmem>>) semaphore(%arg11 : memref<!tpu.dma_semaphore, #tpu.memory_space<semaphore_mem>>)
      %dma_wait3A_395 = arith.constant 7 : i32
      %dma_wait3A_396 = arith.constant 1 : i32
      %dma_wait3A_397 = arith.constant 0 : i32
      %dma_wait3A_398 = arith.constant 0 : i32
      %dma_wait3A_399 = tpu.memref_slice %arg9[%dma_wait3A_396, %dma_wait3A_397, %dma_wait3A_398] : memref<3x100x128xf32, #tpu.memory_space<vmem>> -> memref<1x100x128xf32, #tpu.memory_space<vmem>>
      %dma_wait3A_400 = tpu.memref_squeeze %dma_wait3A_399 : memref<1x100x128xf32, #tpu.memory_space<vmem>> -> memref<100x128xf32, #tpu.memory_space<vmem>>
      %dma_wait3A_401 = arith.constant 0 : i32
      %dma_wait3A_402 = tpu.memref_slice %arg7[%dma_wait3A_395, %dma_wait3A_401] : memref<10x100xi32, #tpu.memory_space<vmem>> -> memref<1x100xi32, #tpu.memory_space<vmem>>
      %dma_wait3A_403 = tpu.memref_squeeze %dma_wait3A_402 : memref<1x100xi32, #tpu.memory_space<vmem>> -> memref<100xi32, #tpu.memory_space<vmem>>
      %dma_wait3A_404 = arith.constant 0 : i32
      %dma_wait3A_405 = arith.constant 0 : i32
      %dma_wait3A_406 = tpu.memref_slice %arg2[%dma_wait3A_404, %dma_wait3A_405] : memref<10000x128xf32, #tpu.memory_space<hbm>> -> memref<10000x128xf32, #tpu.memory_space<hbm>>
      tpu.wait_indirect_dma semaphore(%arg12 : memref<!tpu.dma_semaphore, #tpu.memory_space<semaphore_mem>>) src(%dma_wait3A_406 : memref<10000x128xf32, #tpu.memory_space<hbm>>) dst(%dma_wait3A_400 : memref<100x128xf32, #tpu.memory_space<vmem>>)
      %dma_start3A_407 = arith.constant 1 : i32
      %dma_start3A_408 = arith.constant 7 : i32
      %dma_start3A_409 = arith.constant 0 : i32
      %dma_start3A_410 = arith.constant 0 : i32
      %dma_start3A_411 = tpu.memref_slice %arg9[%dma_start3A_407, %dma_start3A_409, %dma_start3A_410] : memref<3x100x128xf32, #tpu.memory_space<vmem>> -> memref<1x100x128xf32, #tpu.memory_space<vmem>>
      %dma_start3A_412 = tpu.memref_squeeze %dma_start3A_411 : memref<1x100x128xf32, #tpu.memory_space<vmem>> -> memref<100x128xf32, #tpu.memory_space<vmem>>
      %dma_start3A_413 = arith.constant 0 : i32
      %dma_start3A_414 = tpu.memref_slice %arg8[%dma_start3A_408, %dma_start3A_413] : memref<10x100xi32, #tpu.memory_space<vmem>> -> memref<1x100xi32, #tpu.memory_space<vmem>>
      %dma_start3A_415 = tpu.memref_squeeze %dma_start3A_414 : memref<1x100xi32, #tpu.memory_space<vmem>> -> memref<100xi32, #tpu.memory_space<vmem>>
      %dma_start3A_416 = arith.constant 0 : i32
      %dma_start3A_417 = arith.constant 0 : i32
      %dma_start3A_418 = tpu.memref_slice %arg10[%dma_start3A_416, %dma_start3A_417] : memref<10000x128xf32, #tpu.memory_space<vmem_shared>> -> memref<10000x128xf32, #tpu.memory_space<vmem_shared>>
      tpu.enqueue_indirect_dma source(%dma_start3A_412 : memref<100x128xf32, #tpu.memory_space<vmem>>) target(%dma_start3A_418 : memref<10000x128xf32, #tpu.memory_space<vmem_shared>>) offsets(%dma_start3A_415 : memref<100xi32, #tpu.memory_space<vmem>>) semaphore(%arg15 : memref<!tpu.dma_semaphore, #tpu.memory_space<semaphore_mem>>) {add = true}
      %dma_wait3A_419 = arith.constant 8 : i32
      %dma_wait3A_420 = arith.constant 2 : i32
      %dma_wait3A_421 = arith.constant 0 : i32
      %dma_wait3A_422 = arith.constant 0 : i32
      %dma_wait3A_423 = tpu.memref_slice %arg9[%dma_wait3A_420, %dma_wait3A_421, %dma_wait3A_422] : memref<3x100x128xf32, #tpu.memory_space<vmem>> -> memref<1x100x128xf32, #tpu.memory_space<vmem>>
      %dma_wait3A_424 = tpu.memref_squeeze %dma_wait3A_423 : memref<1x100x128xf32, #tpu.memory_space<vmem>> -> memref<100x128xf32, #tpu.memory_space<vmem>>
      %dma_wait3A_425 = arith.constant 0 : i32
      %dma_wait3A_426 = tpu.memref_slice %arg7[%dma_wait3A_419, %dma_wait3A_425] : memref<10x100xi32, #tpu.memory_space<vmem>> -> memref<1x100xi32, #tpu.memory_space<vmem>>
      %dma_wait3A_427 = tpu.memref_squeeze %dma_wait3A_426 : memref<1x100xi32, #tpu.memory_space<vmem>> -> memref<100xi32, #tpu.memory_space<vmem>>
      %dma_wait3A_428 = arith.constant 0 : i32
      %dma_wait3A_429 = arith.constant 0 : i32
      %dma_wait3A_430 = tpu.memref_slice %arg2[%dma_wait3A_428, %dma_wait3A_429] : memref<10000x128xf32, #tpu.memory_space<hbm>> -> memref<10000x128xf32, #tpu.memory_space<hbm>>
      tpu.wait_indirect_dma semaphore(%arg13 : memref<!tpu.dma_semaphore, #tpu.memory_space<semaphore_mem>>) src(%dma_wait3A_430 : memref<10000x128xf32, #tpu.memory_space<hbm>>) dst(%dma_wait3A_424 : memref<100x128xf32, #tpu.memory_space<vmem>>)
      %dma_start3A_431 = arith.constant 2 : i32
      %dma_start3A_432 = arith.constant 8 : i32
      %dma_start3A_433 = arith.constant 0 : i32
      %dma_start3A_434 = arith.constant 0 : i32
      %dma_start3A_435 = tpu.memref_slice %arg9[%dma_start3A_431, %dma_start3A_433, %dma_start3A_434] : memref<3x100x128xf32, #tpu.memory_space<vmem>> -> memref<1x100x128xf32, #tpu.memory_space<vmem>>
      %dma_start3A_436 = tpu.memref_squeeze %dma_start3A_435 : memref<1x100x128xf32, #tpu.memory_space<vmem>> -> memref<100x128xf32, #tpu.memory_space<vmem>>
      %dma_start3A_437 = arith.constant 0 : i32
      %dma_start3A_438 = tpu.memref_slice %arg8[%dma_start3A_432, %dma_start3A_437] : memref<10x100xi32, #tpu.memory_space<vmem>> -> memref<1x100xi32, #tpu.memory_space<vmem>>
      %dma_start3A_439 = tpu.memref_squeeze %dma_start3A_438 : memref<1x100xi32, #tpu.memory_space<vmem>> -> memref<100xi32, #tpu.memory_space<vmem>>
      %dma_start3A_440 = arith.constant 0 : i32
      %dma_start3A_441 = arith.constant 0 : i32
      %dma_start3A_442 = tpu.memref_slice %arg10[%dma_start3A_440, %dma_start3A_441] : memref<10000x128xf32, #tpu.memory_space<vmem_shared>> -> memref<10000x128xf32, #tpu.memory_space<vmem_shared>>
      tpu.enqueue_indirect_dma source(%dma_start3A_436 : memref<100x128xf32, #tpu.memory_space<vmem>>) target(%dma_start3A_442 : memref<10000x128xf32, #tpu.memory_space<vmem_shared>>) offsets(%dma_start3A_439 : memref<100xi32, #tpu.memory_space<vmem>>) semaphore(%arg16 : memref<!tpu.dma_semaphore, #tpu.memory_space<semaphore_mem>>) {add = true}
      %dma_wait3A_443 = arith.constant 9 : i32
      %dma_wait3A_444 = arith.constant 0 : i32
      %dma_wait3A_445 = arith.constant 0 : i32
      %dma_wait3A_446 = arith.constant 0 : i32
      %dma_wait3A_447 = tpu.memref_slice %arg9[%dma_wait3A_444, %dma_wait3A_445, %dma_wait3A_446] : memref<3x100x128xf32, #tpu.memory_space<vmem>> -> memref<1x100x128xf32, #tpu.memory_space<vmem>>
      %dma_wait3A_448 = tpu.memref_squeeze %dma_wait3A_447 : memref<1x100x128xf32, #tpu.memory_space<vmem>> -> memref<100x128xf32, #tpu.memory_space<vmem>>
      %dma_wait3A_449 = arith.constant 0 : i32
      %dma_wait3A_450 = tpu.memref_slice %arg7[%dma_wait3A_443, %dma_wait3A_449] : memref<10x100xi32, #tpu.memory_space<vmem>> -> memref<1x100xi32, #tpu.memory_space<vmem>>
      %dma_wait3A_451 = tpu.memref_squeeze %dma_wait3A_450 : memref<1x100xi32, #tpu.memory_space<vmem>> -> memref<100xi32, #tpu.memory_space<vmem>>
      %dma_wait3A_452 = arith.constant 0 : i32
      %dma_wait3A_453 = arith.constant 0 : i32
      %dma_wait3A_454 = tpu.memref_slice %arg2[%dma_wait3A_452, %dma_wait3A_453] : memref<10000x128xf32, #tpu.memory_space<hbm>> -> memref<10000x128xf32, #tpu.memory_space<hbm>>
      tpu.wait_indirect_dma semaphore(%arg11 : memref<!tpu.dma_semaphore, #tpu.memory_space<semaphore_mem>>) src(%dma_wait3A_454 : memref<10000x128xf32, #tpu.memory_space<hbm>>) dst(%dma_wait3A_448 : memref<100x128xf32, #tpu.memory_space<vmem>>)
      %dma_start3A_455 = arith.constant 0 : i32
      %dma_start3A_456 = arith.constant 9 : i32
      %dma_start3A_457 = arith.constant 0 : i32
      %dma_start3A_458 = arith.constant 0 : i32
      %dma_start3A_459 = tpu.memref_slice %arg9[%dma_start3A_455, %dma_start3A_457, %dma_start3A_458] : memref<3x100x128xf32, #tpu.memory_space<vmem>> -> memref<1x100x128xf32, #tpu.memory_space<vmem>>
      %dma_start3A_460 = tpu.memref_squeeze %dma_start3A_459 : memref<1x100x128xf32, #tpu.memory_space<vmem>> -> memref<100x128xf32, #tpu.memory_space<vmem>>
      %dma_start3A_461 = arith.constant 0 : i32
      %dma_start3A_462 = tpu.memref_slice %arg8[%dma_start3A_456, %dma_start3A_461] : memref<10x100xi32, #tpu.memory_space<vmem>> -> memref<1x100xi32, #tpu.memory_space<vmem>>
      %dma_start3A_463 = tpu.memref_squeeze %dma_start3A_462 : memref<1x100xi32, #tpu.memory_space<vmem>> -> memref<100xi32, #tpu.memory_space<vmem>>
      %dma_start3A_464 = arith.constant 0 : i32
      %dma_start3A_465 = arith.constant 0 : i32
      %dma_start3A_466 = tpu.memref_slice %arg10[%dma_start3A_464, %dma_start3A_465] : memref<10000x128xf32, #tpu.memory_space<vmem_shared>> -> memref<10000x128xf32, #tpu.memory_space<vmem_shared>>
      tpu.enqueue_indirect_dma source(%dma_start3A_460 : memref<100x128xf32, #tpu.memory_space<vmem>>) target(%dma_start3A_466 : memref<10000x128xf32, #tpu.memory_space<vmem_shared>>) offsets(%dma_start3A_463 : memref<100xi32, #tpu.memory_space<vmem>>) semaphore(%arg14 : memref<!tpu.dma_semaphore, #tpu.memory_space<semaphore_mem>>) {add = true}
      %dma_wait3A_467 = arith.constant 1 : i32
      %dma_wait3A_468 = arith.constant 7 : i32
      %dma_wait3A_469 = arith.constant 0 : i32
      %dma_wait3A_470 = arith.constant 0 : i32
      %dma_wait3A_471 = tpu.memref_slice %arg9[%dma_wait3A_467, %dma_wait3A_469, %dma_wait3A_470] : memref<3x100x128xf32, #tpu.memory_space<vmem>> -> memref<1x100x128xf32, #tpu.memory_space<vmem>>
      %dma_wait3A_472 = tpu.memref_squeeze %dma_wait3A_471 : memref<1x100x128xf32, #tpu.memory_space<vmem>> -> memref<100x128xf32, #tpu.memory_space<vmem>>
      %dma_wait3A_473 = arith.constant 0 : i32
      %dma_wait3A_474 = tpu.memref_slice %arg8[%dma_wait3A_468, %dma_wait3A_473] : memref<10x100xi32, #tpu.memory_space<vmem>> -> memref<1x100xi32, #tpu.memory_space<vmem>>
      %dma_wait3A_475 = tpu.memref_squeeze %dma_wait3A_474 : memref<1x100xi32, #tpu.memory_space<vmem>> -> memref<100xi32, #tpu.memory_space<vmem>>
      %dma_wait3A_476 = arith.constant 0 : i32
      %dma_wait3A_477 = arith.constant 0 : i32
      %dma_wait3A_478 = tpu.memref_slice %arg10[%dma_wait3A_476, %dma_wait3A_477] : memref<10000x128xf32, #tpu.memory_space<vmem_shared>> -> memref<10000x128xf32, #tpu.memory_space<vmem_shared>>
      tpu.wait_indirect_dma semaphore(%arg15 : memref<!tpu.dma_semaphore, #tpu.memory_space<semaphore_mem>>) src(%dma_wait3A_472 : memref<100x128xf32, #tpu.memory_space<vmem>>) dst(%dma_wait3A_478 : memref<10000x128xf32, #tpu.memory_space<vmem_shared>>)
      %dma_wait3A_479 = arith.constant 2 : i32
      %dma_wait3A_480 = arith.constant 8 : i32
      %dma_wait3A_481 = arith.constant 0 : i32
      %dma_wait3A_482 = arith.constant 0 : i32
      %dma_wait3A_483 = tpu.memref_slice %arg9[%dma_wait3A_479, %dma_wait3A_481, %dma_wait3A_482] : memref<3x100x128xf32, #tpu.memory_space<vmem>> -> memref<1x100x128xf32, #tpu.memory_space<vmem>>
      %dma_wait3A_484 = tpu.memref_squeeze %dma_wait3A_483 : memref<1x100x128xf32, #tpu.memory_space<vmem>> -> memref<100x128xf32, #tpu.memory_space<vmem>>
      %dma_wait3A_485 = arith.constant 0 : i32
      %dma_wait3A_486 = tpu.memref_slice %arg8[%dma_wait3A_480, %dma_wait3A_485] : memref<10x100xi32, #tpu.memory_space<vmem>> -> memref<1x100xi32, #tpu.memory_space<vmem>>
      %dma_wait3A_487 = tpu.memref_squeeze %dma_wait3A_486 : memref<1x100xi32, #tpu.memory_space<vmem>> -> memref<100xi32, #tpu.memory_space<vmem>>
      %dma_wait3A_488 = arith.constant 0 : i32
      %dma_wait3A_489 = arith.constant 0 : i32
      %dma_wait3A_490 = tpu.memref_slice %arg10[%dma_wait3A_488, %dma_wait3A_489] : memref<10000x128xf32, #tpu.memory_space<vmem_shared>> -> memref<10000x128xf32, #tpu.memory_space<vmem_shared>>
      tpu.wait_indirect_dma semaphore(%arg16 : memref<!tpu.dma_semaphore, #tpu.memory_space<semaphore_mem>>) src(%dma_wait3A_484 : memref<100x128xf32, #tpu.memory_space<vmem>>) dst(%dma_wait3A_490 : memref<10000x128xf32, #tpu.memory_space<vmem_shared>>)
      %dma_wait3A_491 = arith.constant 0 : i32
      %dma_wait3A_492 = arith.constant 9 : i32
      %dma_wait3A_493 = arith.constant 0 : i32
      %dma_wait3A_494 = arith.constant 0 : i32
      %dma_wait3A_495 = tpu.memref_slice %arg9[%dma_wait3A_491, %dma_wait3A_493, %dma_wait3A_494] : memref<3x100x128xf32, #tpu.memory_space<vmem>> -> memref<1x100x128xf32, #tpu.memory_space<vmem>>
      %dma_wait3A_496 = tpu.memref_squeeze %dma_wait3A_495 : memref<1x100x128xf32, #tpu.memory_space<vmem>> -> memref<100x128xf32, #tpu.memory_space<vmem>>
      %dma_wait3A_497 = arith.constant 0 : i32
      %dma_wait3A_498 = tpu.memref_slice %arg8[%dma_wait3A_492, %dma_wait3A_497] : memref<10x100xi32, #tpu.memory_space<vmem>> -> memref<1x100xi32, #tpu.memory_space<vmem>>
      %dma_wait3A_499 = tpu.memref_squeeze %dma_wait3A_498 : memref<1x100xi32, #tpu.memory_space<vmem>> -> memref<100xi32, #tpu.memory_space<vmem>>
      %dma_wait3A_500 = arith.constant 0 : i32
      %dma_wait3A_501 = arith.constant 0 : i32
      %dma_wait3A_502 = tpu.memref_slice %arg10[%dma_wait3A_500, %dma_wait3A_501] : memref<10000x128xf32, #tpu.memory_space<vmem_shared>> -> memref<10000x128xf32, #tpu.memory_space<vmem_shared>>
      tpu.wait_indirect_dma semaphore(%arg14 : memref<!tpu.dma_semaphore, #tpu.memory_space<semaphore_mem>>) src(%dma_wait3A_496 : memref<100x128xf32, #tpu.memory_space<vmem>>) dst(%dma_wait3A_502 : memref<10000x128xf32, #tpu.memory_space<vmem_shared>>)
    }
    %scan3A_13 = arith.constant 10 : i32
    %barrier3A_14 = arith.constant 0 : index
    tpu.barrier barrier_id(%barrier3A_14)
    %mul3A_15 = arith.constant 10000 : i32
    %mul3A_16 = arith.muli %arg0, %mul3A_15 : i32
    %add3A_17 = arith.addi %mul3A_16, %mul3A_2 : i32
    "tpu.region"() ({
      %run_scoped3A = tpu.sem_alloc : memref<!tpu.dma_semaphore, #tpu.memory_space<semaphore_mem>>
      %dma_start3A = arith.constant 0 : i32
      %dma_start3A_18 = tpu.memref_slice %arg6[%add3A_17, %dma_start3A] : memref<20000x128xf32, #tpu.memory_space<hbm>> -> memref<640x128xf32, #tpu.memory_space<hbm>>
      %dma_start3A_19 = arith.constant 0 : i32
      %dma_start3A_20 = tpu.memref_slice %arg10[%mul3A_2, %dma_start3A_19] : memref<10000x128xf32, #tpu.memory_space<vmem_shared>> -> memref<640x128xf32, #tpu.memory_space<vmem_shared>>
      tpu.enqueue_dma source(%dma_start3A_20 : memref<640x128xf32, #tpu.memory_space<vmem_shared>>) target(%dma_start3A_18 : memref<640x128xf32, #tpu.memory_space<hbm>>) target_semaphore(%run_scoped3A : memref<!tpu.dma_semaphore, #tpu.memory_space<semaphore_mem>>)
      %dma_wait3A = arith.constant 0 : i32
      %dma_wait3A_21 = tpu.memref_slice %arg6[%add3A_17, %dma_wait3A] : memref<20000x128xf32, #tpu.memory_space<hbm>> -> memref<640x128xf32, #tpu.memory_space<hbm>>
      %dma_wait3A_22 = arith.constant 0 : i32
      %dma_wait3A_23 = tpu.memref_slice %arg10[%mul3A_2, %dma_wait3A_22] : memref<10000x128xf32, #tpu.memory_space<vmem_shared>> -> memref<640x128xf32, #tpu.memory_space<vmem_shared>>
      tpu.wait_dma2 semaphore(%run_scoped3A : memref<!tpu.dma_semaphore, #tpu.memory_space<semaphore_mem>>) src(%dma_wait3A_23 : memref<640x128xf32, #tpu.memory_space<vmem_shared>>) dst(%dma_wait3A_21 : memref<640x128xf32, #tpu.memory_space<hbm>>)
      tpu.yield
    }) : () -> ()
    return
  }
}

module attributes {stable_mosaic.version = 14 : i64} {
  func.func @_layer_body(%arg0: memref<20000x128xf32, #tpu.memory_space<vmem>>, %arg1: memref<10000x1xi32, #tpu.memory_space<vmem>>, %arg2: memref<128x128xf32, #tpu.memory_space<vmem>>, %arg3: memref<1x128xf32, #tpu.memory_space<vmem>>, %arg4: memref<1x128xf32, #tpu.memory_space<vmem>>, %arg5: memref<1x128xf32, #tpu.memory_space<vmem>>, %arg6: memref<128x128xf32, #tpu.memory_space<vmem>>, %arg7: memref<1x128xf32, #tpu.memory_space<vmem>>, %arg8: memref<10000x128xf32, #tpu.memory_space<vmem>>, %arg9: memref<64x128xf32, #tpu.memory_space<vmem>>) attributes {dimension_semantics = [], scalar_prefetch = 0 : i64, scratch_operands = 0 : i64, tpu.core_type = #tpu.core_type<tc>} {
    %get3A = arith.constant 0 : index
    %get3A_0 = arith.constant 0 : index
    %get3A_1 = vector.load %arg0[%get3A, %get3A_0] : memref<20000x128xf32, #tpu.memory_space<vmem>>, vector<10000x128xf32>
    %get3A_2 = arith.constant 10000 : index
    %get3A_3 = arith.constant 0 : index
    %get3A_4 = vector.load %arg0[%get3A_2, %get3A_3] : memref<20000x128xf32, #tpu.memory_space<vmem>>, vector<10000x128xf32>
    %add3A = arith.addf %get3A_1, %get3A_4 : vector<10000x128xf32>
    %get3A_5 = arith.constant 0 : index
    %get3A_6 = arith.constant 0 : index
    %get3A_7 = vector.load %arg2[%get3A_5, %get3A_6] : memref<128x128xf32, #tpu.memory_space<vmem>>, vector<128x128xf32>
    %dot_general3A = arith.constant dense<0.000000e+00> : vector<10000x128xf32>
    %dot_general3A_8 = tpu.matmul %add3A, %get3A_7, %dot_general3A {dimension_numbers = #tpu.dot_dimension_numbers<[1], [0], [0], [1], [0, 0, 1, 1], [], []>, transpose_lhs_hint = false} : vector<10000x128xf32>, vector<128x128xf32>, vector<10000x128xf32> -> vector<10000x128xf32>
    %get3A_9 = arith.constant 0 : index
    %get3A_10 = arith.constant 0 : index
    %get3A_11 = vector.load %arg3[%get3A_9, %get3A_10] : memref<1x128xf32, #tpu.memory_space<vmem>>, vector<1x128xf32>
    %add3A_12 = vector.broadcast %get3A_11 : vector<1x128xf32> to vector<10000x128xf32>
    %add3A_13 = arith.addf %dot_general3A_8, %add3A_12 : vector<10000x128xf32>
    %reduce_sum3A = arith.constant dense<0.000000e+00> : vector<128xf32>
    %reduce_sum3A_14 = vector.multi_reduction <add>, %add3A_13, %reduce_sum3A [0] : vector<10000x128xf32> to vector<128xf32>
    %broadcast_in_dim3A = vector.shape_cast %reduce_sum3A_14 : vector<128xf32> to vector<1x128xf32>
    %div3A = arith.constant 1.000000e+04 : f32
    %div3A_15 = vector.broadcast %div3A : f32 to vector<1x128xf32>
    %div3A_16 = arith.divf %broadcast_in_dim3A, %div3A_15 : vector<1x128xf32>
    %sub3A = vector.broadcast %div3A_16 : vector<1x128xf32> to vector<10000x128xf32>
    %sub3A_17 = arith.subf %add3A_13, %sub3A : vector<10000x128xf32>
    %mul3A = arith.mulf %sub3A_17, %sub3A_17 : vector<10000x128xf32>
    %reduce_sum3A_18 = arith.constant dense<0.000000e+00> : vector<128xf32>
    %reduce_sum3A_19 = vector.multi_reduction <add>, %mul3A, %reduce_sum3A_18 [0] : vector<10000x128xf32> to vector<128xf32>
    %broadcast_in_dim3A_20 = vector.shape_cast %reduce_sum3A_19 : vector<128xf32> to vector<1x128xf32>
    %div3A_21 = arith.constant 1.000000e+04 : f32
    %div3A_22 = vector.broadcast %div3A_21 : f32 to vector<1x128xf32>
    %div3A_23 = arith.divf %broadcast_in_dim3A_20, %div3A_22 : vector<1x128xf32>
    %add3A_24 = arith.constant 9.99999974E-6 : f32
    %add3A_25 = vector.broadcast %add3A_24 : f32 to vector<1x128xf32>
    %add3A_26 = arith.addf %div3A_23, %add3A_25 : vector<1x128xf32>
    %rsqrt3A = math.rsqrt %add3A_26 : vector<1x128xf32>
    %mul3A_27 = vector.broadcast %rsqrt3A : vector<1x128xf32> to vector<10000x128xf32>
    %mul3A_28 = arith.mulf %sub3A_17, %mul3A_27 : vector<10000x128xf32>
    %get3A_29 = arith.constant 0 : index
    %get3A_30 = arith.constant 0 : index
    %get3A_31 = vector.load %arg4[%get3A_29, %get3A_30] : memref<1x128xf32, #tpu.memory_space<vmem>>, vector<1x128xf32>
    %mul3A_32 = vector.broadcast %get3A_31 : vector<1x128xf32> to vector<10000x128xf32>
    %mul3A_33 = arith.mulf %mul3A_28, %mul3A_32 : vector<10000x128xf32>
    %get3A_34 = arith.constant 0 : index
    %get3A_35 = arith.constant 0 : index
    %get3A_36 = vector.load %arg5[%get3A_34, %get3A_35] : memref<1x128xf32, #tpu.memory_space<vmem>>, vector<1x128xf32>
    %add3A_37 = vector.broadcast %get3A_36 : vector<1x128xf32> to vector<10000x128xf32>
    %add3A_38 = arith.addf %mul3A_33, %add3A_37 : vector<10000x128xf32>
    %max3A = arith.constant 0.000000e+00 : f32
    %max3A_39 = vector.broadcast %max3A : f32 to vector<10000x128xf32>
    %max3A_40 = arith.maximumf %add3A_38, %max3A_39 : vector<10000x128xf32>
    %get3A_41 = arith.constant 0 : index
    %get3A_42 = arith.constant 0 : index
    %get3A_43 = vector.load %arg6[%get3A_41, %get3A_42] : memref<128x128xf32, #tpu.memory_space<vmem>>, vector<128x128xf32>
    %dot_general3A_44 = arith.constant dense<0.000000e+00> : vector<10000x128xf32>
    %dot_general3A_45 = tpu.matmul %max3A_40, %get3A_43, %dot_general3A_44 {dimension_numbers = #tpu.dot_dimension_numbers<[1], [0], [0], [1], [0, 0, 1, 1], [], []>, transpose_lhs_hint = false} : vector<10000x128xf32>, vector<128x128xf32>, vector<10000x128xf32> -> vector<10000x128xf32>
    %get3A_46 = arith.constant 0 : index
    %get3A_47 = arith.constant 0 : index
    %get3A_48 = vector.load %arg7[%get3A_46, %get3A_47] : memref<1x128xf32, #tpu.memory_space<vmem>>, vector<1x128xf32>
    %add3A_49 = vector.broadcast %get3A_48 : vector<1x128xf32> to vector<10000x128xf32>
    %add3A_50 = arith.addf %dot_general3A_45, %add3A_49 : vector<10000x128xf32>
    %max3A_51 = arith.constant 0.000000e+00 : f32
    %max3A_52 = vector.broadcast %max3A_51 : f32 to vector<10000x128xf32>
    %max3A_53 = arith.maximumf %add3A_50, %max3A_52 : vector<10000x128xf32>
    %swap3A = arith.constant 0 : index
    %swap3A_54 = arith.constant 0 : index
    %swap3A_55 = vector.load %arg8[%swap3A, %swap3A_54] : memref<10000x128xf32, #tpu.memory_space<vmem>>, vector<10000x128xf32>
    tpu.vector_store %arg8[%swap3A, %swap3A_54], %max3A_53 {strides = array<i32>} : memref<10000x128xf32, #tpu.memory_space<vmem>>, vector<10000x128xf32>,
    %get3A_56 = arith.constant 0 : index
    %get3A_57 = arith.constant 0 : index
    %get3A_58 = vector.load %arg1[%get3A_56, %get3A_57] : memref<10000x1xi32, #tpu.memory_space<vmem>>, vector<10000x1xi32>
    %iota3A = tpu.iota {dimensions = array<i32: 1>} : vector<10000x64xi32>
    %eq3A = vector.broadcast %get3A_58 : vector<10000x1xi32> to vector<10000x64xi32>
    %eq3A_59 = arith.cmpi eq, %eq3A, %iota3A : vector<10000x64xi32>
    %convert_element_type3A = arith.extui %eq3A_59 : vector<10000x64xi1> to vector<10000x64xi32>
    %convert_element_type3A_60 = arith.sitofp %convert_element_type3A : vector<10000x64xi32> to vector<10000x64xf32>
    %dot_general3A_61 = arith.constant dense<0.000000e+00> : vector<64x128xf32>
    %dot_general3A_62 = tpu.matmul %convert_element_type3A_60, %max3A_53, %dot_general3A_61 {dimension_numbers = #tpu.dot_dimension_numbers<[0], [0], [1], [1], [0, 1, 1, 1], [], []>, transpose_lhs_hint = false} : vector<10000x64xf32>, vector<10000x128xf32>, vector<64x128xf32> -> vector<64x128xf32>
    %swap3A_63 = arith.constant 0 : index
    %swap3A_64 = arith.constant 0 : index
    %swap3A_65 = vector.load %arg9[%swap3A_63, %swap3A_64] : memref<64x128xf32, #tpu.memory_space<vmem>>, vector<64x128xf32>
    tpu.vector_store %arg9[%swap3A_63, %swap3A_64], %dot_general3A_62 {strides = array<i32>} : memref<64x128xf32, #tpu.memory_space<vmem>>, vector<64x128xf32>,
    return
  }
}

module attributes {stable_mosaic.version = 14 : i64} {
  func.func @_layer_body(%arg0: memref<20000x128xf32, #tpu.memory_space<vmem>>, %arg1: memref<10000x1xi32, #tpu.memory_space<vmem>>, %arg2: memref<128x128xf32, #tpu.memory_space<vmem>>, %arg3: memref<1x128xf32, #tpu.memory_space<vmem>>, %arg4: memref<1x128xf32, #tpu.memory_space<vmem>>, %arg5: memref<1x128xf32, #tpu.memory_space<vmem>>, %arg6: memref<128x128xf32, #tpu.memory_space<vmem>>, %arg7: memref<1x128xf32, #tpu.memory_space<vmem>>, %arg8: memref<10000x128xf32, #tpu.memory_space<vmem>>, %arg9: memref<64x128xf32, #tpu.memory_space<vmem>>) attributes {dimension_semantics = [], scalar_prefetch = 0 : i64, scratch_operands = 0 : i64, tpu.core_type = #tpu.core_type<tc>} {
    %get3A = arith.constant 0 : index
    %get3A_0 = arith.constant 0 : index
    %get3A_1 = vector.load %arg0[%get3A, %get3A_0] : memref<20000x128xf32, #tpu.memory_space<vmem>>, vector<10000x128xf32>
    %get3A_2 = arith.constant 10000 : index
    %get3A_3 = arith.constant 0 : index
    %get3A_4 = vector.load %arg0[%get3A_2, %get3A_3] : memref<20000x128xf32, #tpu.memory_space<vmem>>, vector<10000x128xf32>
    %add3A = arith.addf %get3A_1, %get3A_4 : vector<10000x128xf32>
    %get3A_5 = arith.constant 0 : index
    %get3A_6 = arith.constant 0 : index
    %get3A_7 = vector.load %arg2[%get3A_5, %get3A_6] : memref<128x128xf32, #tpu.memory_space<vmem>>, vector<128x128xf32>
    %dot_general3A = arith.constant dense<0.000000e+00> : vector<10000x128xf32>
    %dot_general3A_8 = tpu.matmul %add3A, %get3A_7, %dot_general3A {dimension_numbers = #tpu.dot_dimension_numbers<[1], [0], [0], [1], [0, 0, 1, 1], [], []>, transpose_lhs_hint = false} : vector<10000x128xf32>, vector<128x128xf32>, vector<10000x128xf32> -> vector<10000x128xf32>
    %get3A_9 = arith.constant 0 : index
    %get3A_10 = arith.constant 0 : index
    %get3A_11 = vector.load %arg3[%get3A_9, %get3A_10] : memref<1x128xf32, #tpu.memory_space<vmem>>, vector<1x128xf32>
    %add3A_12 = vector.broadcast %get3A_11 : vector<1x128xf32> to vector<10000x128xf32>
    %add3A_13 = arith.addf %dot_general3A_8, %add3A_12 : vector<10000x128xf32>
    %reduce_sum3A = arith.constant dense<0.000000e+00> : vector<128xf32>
    %reduce_sum3A_14 = vector.multi_reduction <add>, %add3A_13, %reduce_sum3A [0] : vector<10000x128xf32> to vector<128xf32>
    %broadcast_in_dim3A = vector.shape_cast %reduce_sum3A_14 : vector<128xf32> to vector<1x128xf32>
    %div3A = arith.constant 1.000000e+04 : f32
    %div3A_15 = vector.broadcast %div3A : f32 to vector<1x128xf32>
    %div3A_16 = arith.divf %broadcast_in_dim3A, %div3A_15 : vector<1x128xf32>
    %sub3A = vector.broadcast %div3A_16 : vector<1x128xf32> to vector<10000x128xf32>
    %sub3A_17 = arith.subf %add3A_13, %sub3A : vector<10000x128xf32>
    %mul3A = arith.mulf %sub3A_17, %sub3A_17 : vector<10000x128xf32>
    %reduce_sum3A_18 = arith.constant dense<0.000000e+00> : vector<128xf32>
    %reduce_sum3A_19 = vector.multi_reduction <add>, %mul3A, %reduce_sum3A_18 [0] : vector<10000x128xf32> to vector<128xf32>
    %broadcast_in_dim3A_20 = vector.shape_cast %reduce_sum3A_19 : vector<128xf32> to vector<1x128xf32>
    %div3A_21 = arith.constant 1.000000e+04 : f32
    %div3A_22 = vector.broadcast %div3A_21 : f32 to vector<1x128xf32>
    %div3A_23 = arith.divf %broadcast_in_dim3A_20, %div3A_22 : vector<1x128xf32>
    %add3A_24 = arith.constant 9.99999974E-6 : f32
    %add3A_25 = vector.broadcast %add3A_24 : f32 to vector<1x128xf32>
    %add3A_26 = arith.addf %div3A_23, %add3A_25 : vector<1x128xf32>
    %rsqrt3A = math.rsqrt %add3A_26 : vector<1x128xf32>
    %mul3A_27 = vector.broadcast %rsqrt3A : vector<1x128xf32> to vector<10000x128xf32>
    %mul3A_28 = arith.mulf %sub3A_17, %mul3A_27 : vector<10000x128xf32>
    %get3A_29 = arith.constant 0 : index
    %get3A_30 = arith.constant 0 : index
    %get3A_31 = vector.load %arg4[%get3A_29, %get3A_30] : memref<1x128xf32, #tpu.memory_space<vmem>>, vector<1x128xf32>
    %mul3A_32 = vector.broadcast %get3A_31 : vector<1x128xf32> to vector<10000x128xf32>
    %mul3A_33 = arith.mulf %mul3A_28, %mul3A_32 : vector<10000x128xf32>
    %get3A_34 = arith.constant 0 : index
    %get3A_35 = arith.constant 0 : index
    %get3A_36 = vector.load %arg5[%get3A_34, %get3A_35] : memref<1x128xf32, #tpu.memory_space<vmem>>, vector<1x128xf32>
    %add3A_37 = vector.broadcast %get3A_36 : vector<1x128xf32> to vector<10000x128xf32>
    %add3A_38 = arith.addf %mul3A_33, %add3A_37 : vector<10000x128xf32>
    %max3A = arith.constant 0.000000e+00 : f32
    %max3A_39 = vector.broadcast %max3A : f32 to vector<10000x128xf32>
    %max3A_40 = arith.maximumf %add3A_38, %max3A_39 : vector<10000x128xf32>
    %get3A_41 = arith.constant 0 : index
    %get3A_42 = arith.constant 0 : index
    %get3A_43 = vector.load %arg6[%get3A_41, %get3A_42] : memref<128x128xf32, #tpu.memory_space<vmem>>, vector<128x128xf32>
    %dot_general3A_44 = arith.constant dense<0.000000e+00> : vector<10000x128xf32>
    %dot_general3A_45 = tpu.matmul %max3A_40, %get3A_43, %dot_general3A_44 {dimension_numbers = #tpu.dot_dimension_numbers<[1], [0], [0], [1], [0, 0, 1, 1], [], []>, transpose_lhs_hint = false} : vector<10000x128xf32>, vector<128x128xf32>, vector<10000x128xf32> -> vector<10000x128xf32>
    %get3A_46 = arith.constant 0 : index
    %get3A_47 = arith.constant 0 : index
    %get3A_48 = vector.load %arg7[%get3A_46, %get3A_47] : memref<1x128xf32, #tpu.memory_space<vmem>>, vector<1x128xf32>
    %add3A_49 = vector.broadcast %get3A_48 : vector<1x128xf32> to vector<10000x128xf32>
    %add3A_50 = arith.addf %dot_general3A_45, %add3A_49 : vector<10000x128xf32>
    %max3A_51 = arith.constant 0.000000e+00 : f32
    %max3A_52 = vector.broadcast %max3A_51 : f32 to vector<10000x128xf32>
    %max3A_53 = arith.maximumf %add3A_50, %max3A_52 : vector<10000x128xf32>
    %swap3A = arith.constant 0 : index
    %swap3A_54 = arith.constant 0 : index
    %swap3A_55 = vector.load %arg8[%swap3A, %swap3A_54] : memref<10000x128xf32, #tpu.memory_space<vmem>>, vector<10000x128xf32>
    tpu.vector_store %arg8[%swap3A, %swap3A_54], %max3A_53 {strides = array<i32>} : memref<10000x128xf32, #tpu.memory_space<vmem>>, vector<10000x128xf32>,
    %get3A_56 = arith.constant 0 : index
    %get3A_57 = arith.constant 0 : index
    %get3A_58 = vector.load %arg1[%get3A_56, %get3A_57] : memref<10000x1xi32, #tpu.memory_space<vmem>>, vector<10000x1xi32>
    %iota3A = tpu.iota {dimensions = array<i32: 1>} : vector<10000x64xi32>
    %eq3A = vector.broadcast %get3A_58 : vector<10000x1xi32> to vector<10000x64xi32>
    %eq3A_59 = arith.cmpi eq, %eq3A, %iota3A : vector<10000x64xi32>
    %convert_element_type3A = arith.extui %eq3A_59 : vector<10000x64xi1> to vector<10000x64xi32>
    %convert_element_type3A_60 = arith.sitofp %convert_element_type3A : vector<10000x64xi32> to vector<10000x64xf32>
    %dot_general3A_61 = arith.constant dense<0.000000e+00> : vector<64x128xf32>
    %dot_general3A_62 = tpu.matmul %convert_element_type3A_60, %max3A_53, %dot_general3A_61 {dimension_numbers = #tpu.dot_dimension_numbers<[0], [0], [1], [1], [0, 1, 1, 1], [], []>, transpose_lhs_hint = false} : vector<10000x64xf32>, vector<10000x128xf32>, vector<64x128xf32> -> vector<64x128xf32>
    %swap3A_63 = arith.constant 0 : index
    %swap3A_64 = arith.constant 0 : index
    %swap3A_65 = vector.load %arg9[%swap3A_63, %swap3A_64] : memref<64x128xf32, #tpu.memory_space<vmem>>, vector<64x128xf32>
    tpu.vector_store %arg9[%swap3A_63, %swap3A_64], %dot_general3A_62 {strides = array<i32>} : memref<64x128xf32, #tpu.memory_space<vmem>>, vector<64x128xf32>,
    return
  }
}

module attributes {stable_mosaic.version = 14 : i64} {
  func.func @_readout_body(%arg0: memref<64x128xf32, #tpu.memory_space<vmem>>, %arg1: memref<64x128xf32, #tpu.memory_space<vmem>>, %arg2: memref<64x128xf32, #tpu.memory_space<vmem>>, %arg3: memref<384x384xf32, #tpu.memory_space<vmem>>, %arg4: memref<1x384xf32, #tpu.memory_space<vmem>>, %arg5: memref<384x10xf32, #tpu.memory_space<vmem>>, %arg6: memref<1x10xf32, #tpu.memory_space<vmem>>, %arg7: memref<64x10xf32, #tpu.memory_space<vmem>>) attributes {dimension_semantics = [], scalar_prefetch = 0 : i64, scratch_operands = 0 : i64, tpu.core_type = #tpu.core_type<tc>} {
    %get3A = arith.constant 0 : index
    %get3A_0 = arith.constant 0 : index
    %get3A_1 = vector.load %arg0[%get3A, %get3A_0] : memref<64x128xf32, #tpu.memory_space<vmem>>, vector<64x128xf32>
    %get3A_2 = arith.constant 0 : index
    %get3A_3 = arith.constant 0 : index
    %get3A_4 = vector.load %arg1[%get3A_2, %get3A_3] : memref<64x128xf32, #tpu.memory_space<vmem>>, vector<64x128xf32>
    %get3A_5 = arith.constant 0 : index
    %get3A_6 = arith.constant 0 : index
    %get3A_7 = vector.load %arg2[%get3A_5, %get3A_6] : memref<64x128xf32, #tpu.memory_space<vmem>>, vector<64x128xf32>
    %concatenate3A = tpu.concatenate %get3A_1, %get3A_4, %get3A_7 in 1 : vector<64x128xf32>, vector<64x128xf32>, vector<64x128xf32> -> vector<64x384xf32>
    %get3A_8 = arith.constant 0 : index
    %get3A_9 = arith.constant 0 : index
    %get3A_10 = vector.load %arg3[%get3A_8, %get3A_9] : memref<384x384xf32, #tpu.memory_space<vmem>>, vector<384x384xf32>
    %dot_general3A = arith.constant dense<0.000000e+00> : vector<64x384xf32>
    %dot_general3A_11 = tpu.matmul %concatenate3A, %get3A_10, %dot_general3A {dimension_numbers = #tpu.dot_dimension_numbers<[1], [0], [0], [1], [0, 0, 1, 1], [], []>, transpose_lhs_hint = false} : vector<64x384xf32>, vector<384x384xf32>, vector<64x384xf32> -> vector<64x384xf32>
    %get3A_12 = arith.constant 0 : index
    %get3A_13 = arith.constant 0 : index
    %get3A_14 = vector.load %arg4[%get3A_12, %get3A_13] : memref<1x384xf32, #tpu.memory_space<vmem>>, vector<1x384xf32>
    %add3A = vector.broadcast %get3A_14 : vector<1x384xf32> to vector<64x384xf32>
    %add3A_15 = arith.addf %dot_general3A_11, %add3A : vector<64x384xf32>
    %max3A = arith.constant 0.000000e+00 : f32
    %max3A_16 = vector.broadcast %max3A : f32 to vector<64x384xf32>
    %max3A_17 = arith.maximumf %add3A_15, %max3A_16 : vector<64x384xf32>
    %get3A_18 = arith.constant 0 : index
    %get3A_19 = arith.constant 0 : index
    %get3A_20 = vector.load %arg5[%get3A_18, %get3A_19] : memref<384x10xf32, #tpu.memory_space<vmem>>, vector<384x10xf32>
    %dot_general3A_21 = arith.constant dense<0.000000e+00> : vector<64x10xf32>
    %dot_general3A_22 = tpu.matmul %max3A_17, %get3A_20, %dot_general3A_21 {dimension_numbers = #tpu.dot_dimension_numbers<[1], [0], [0], [1], [0, 0, 1, 1], [], []>, transpose_lhs_hint = false} : vector<64x384xf32>, vector<384x10xf32>, vector<64x10xf32> -> vector<64x10xf32>
    %get3A_23 = arith.constant 0 : index
    %get3A_24 = arith.constant 0 : index
    %get3A_25 = vector.load %arg6[%get3A_23, %get3A_24] : memref<1x10xf32, #tpu.memory_space<vmem>>, vector<1x10xf32>
    %add3A_26 = vector.broadcast %get3A_25 : vector<1x10xf32> to vector<64x10xf32>
    %add3A_27 = arith.addf %dot_general3A_22, %add3A_26 : vector<64x10xf32>
    %swap3A = arith.constant 0 : index
    %swap3A_28 = arith.constant 0 : index
    %swap3A_29 = vector.load %arg7[%swap3A, %swap3A_28] : memref<64x10xf32, #tpu.memory_space<vmem>>, vector<64x10xf32>
    tpu.vector_store %arg7[%swap3A, %swap3A_28], %add3A_27 {strides = array<i32>} : memref<64x10xf32, #tpu.memory_space<vmem>>, vector<64x10xf32>,
    return
  }
}

</mosaic_0001>

<sc_bundles>
// kernel: kernel.12.cloned.1.call-start
scs
__scs_entry_jumppad:
0x0: {  	(pc) =	sbr.rel $0x88, $3  }
0x1: {  	(tag) =	ssettag $0x0;
	lr =	simm.s32 $0x1  }
0x2: {  	[smem:$0x3F88] =	sst lr;
	_ =	strace $0xD0000000  }
0x3: {  	_ = 	snop  }
0x4: {  	_ = 	snop  }
0x5: {  	_ = 	snop  }
0x6: {  	_ = 	snop  }
0x7: {  	_ = 	snop  }
__scs_overlays_trampoline_lowered:
0x8: {  	[smem:$0x3F97] =	sst s0  }
0x9: {  	[smem:$0x3F98] =	sst s1  }
0xa: {  	[smem:$0x3F99] =	sst s2  }
0xb: {  	[smem:$0x3F9A] =	sst s3  }
0xc: {  	[smem:$0x3F9B] =	sst s4  }
0xd: {  	[smem:$0x3F9C] =	sst s5  }
0xe: {  	[smem:$0x3F9D] =	sst s6  }
0xf: {  	[smem:$0x3F9E] =	sst s7  }
0x10: {  	[smem:$0x3F9F] =	sst s8  }
0x11: {  	[smem:$0x3FA0] =	sst s9;
	s0 =	simm.s32 @!p0 $0x0  }
0x12: {  	s1 =	sld [smem:$0x3F86];
	s0 =	simm.s32 @p0 $0x1  }
0x13: {  	[smem:$0x3FA1] =	sst s0;
	s0 =	simm.s32 @!p1 $0x0  }
0x14: {  	s2 =	sld [smem:$0x3F85];
	s0 =	simm.s32 @p1 $0x1  }
0x15: {  	[smem:$0x3FA2] =	sst s0;
	s0 =	simm.s32 @!p2 $0x0  }
0x16: {  	s3 =	sld [smem:$0x3FDB];
	s0 =	simm.s32 @p2 $0x1  }
0x17: {  	s4 =	simm.s32 $0x1BF5;
	[smem:$0x3FA4] =	sst s0  }
0x18: {  	s0 =	sld [smem:$0x3F87];
	_ =	swait.ge [sflag:s4], $0x0  }
0x19: {  	s7 =	sld [smem:$0x3F88]  }
0x1a: {  	s8 =	sadd.s32 $0xFFFFE003, lr  }
0x1b: {  	s9 =	sadd.s32 $0xFFFFFEF7, lr;
	s5 =	simm.s32 $0xFFFFFFFF;
	p2 =	slt.u32 s8, $0xFFFFF086  }
0x1c: {  	p1 =	slt.u32 s9, $0xF7A;
	s5 =	simm.s32 @!p2 $0x0  }
0x1d: {  	s5 =	simm.s32 @p1 $0x1;
	p0 =	seq.s32 s7, s2  }
0x1e: {  	s7 =	smul.u32 @!p0 $0xF7A, s2;
	p2 =	seq.s32 @!p0 s5, $0x0  }
0x1f: {  	s9 =	smul.u32 $0xF7A, s1;
	s8 =	simm.s32 @!p0 $0x1BF5;
	p2 =	por !p2, p0  }
0x20: {  	[sflag:s8] =	ssyncset.s32 @!p0 $0xFFFFF086;
	s6 =	sadd.s32 @!p0 s3, s7;
	s7 =	simm.s32 @!p0 $0x108  }
0x21: {  	s3 =	sadd.s32 s3, s9;
	s6 =	sadd.s32 @!p0 $0x88, s6;
	s7 =	simm.s32 @p2 $0x1082  }
0x22: {  	[simem:s7], [sflag:s8] =	dma.local @!p0 [hbm:s6], $0xF7A  }
0x23: {  	s9 =	sor.u32 $0xD0000000, s2;
	s6 =	simm.s32 $0x108;
	_ =	swait.ge @!p0 [sflag:s8], $0x0  }
0x24: {  	s3 =	sadd.s32 $0x88, s3;
	s6 =	simm.s32 @!p1 $0x1082;
	[sflag:s4] =	ssyncset.s32 $0xFFFFF086  }
0x25: {  	[simem:s6], [sflag:s4] =	dma.local [hbm:s3], $0xF7A  }
0x26: {  	[smem:$0x3F88] =	sst s1;
	(tag) =	ssettag s2;
	_ =	strace s9  }
0x27: {  	s1 =	sld [smem:$0x3F98]  }
0x28: {  	s2 =	sld [smem:$0x3F99]  }
0x29: {  	s4 =	sld [smem:$0x3F9B]  }
0x2a: {  	p0 =	seq.s32 s5, $0x0;
	s5 =	sld [smem:$0x3F9C]  }
0x2b: {  	s6 =	sld [smem:$0x3F9D]  }
0x2c: {  	s7 =	sld [smem:$0x3F9E]  }
0x2d: {  	s3 =	simm.s32 $0x108;
	s8 =	sld [smem:$0x3F9F]  }
0x2e: {  	s3 =	simm.s32 @!p0 $0x1082;
	s9 =	sld [smem:$0x3FA0]  }
0x2f: {  	lr =	sadd.s32 s0, s3;
	s0 =	sld [smem:$0x3F97]  }
0x30: {  	s3 =	sld [smem:$0x3F9A]  }
0x31: {  	[smem:$0x3FA3] =	sst s10  }
0x32: {  	s10 =	sld [smem:$0x3FA1];
	_ =	sdelay $0x3  }
0x33: {  	p0 =	seq.s32 s10, $0x1;
	s10 =	sld [smem:$0x3FA3];
	_ =	sdelay $0x3  }
0x34: {  	[smem:$0x3FA3] =	sst s10  }
0x35: {  	s10 =	sld [smem:$0x3FA2];
	_ =	sdelay $0x3  }
0x36: {  	p1 =	seq.s32 s10, $0x1;
	s10 =	sld [smem:$0x3FA3];
	_ =	sdelay $0x3  }
0x37: {  	[smem:$0x3FA3] =	sst s10  }
0x38: {  	s10 =	sld [smem:$0x3FA4]  }
0x39: {  	_ = 	snop;
	(pc) =	sbr.ind lr, $3  }
0x3a: {  	_ = 	snop  }
0x3b: {  	_ = 	snop  }
0x3c: {  	p2 =	seq.s32 s10, $0x1;
	s10 =	sld [smem:$0x3FA3]  }
0x3d: {  	_ =	shalt  }
0x3e: {  	_ =	shalt  }
0x3f: {  	_ =	shalt  }
0x40: {  	_ =	shalt  }
0x41: {  	_ =	shalt  }
0x42: {  	_ =	shalt  }
0x43: {  	_ =	shalt  }
0x44: {  	_ =	shalt  }
0x45: {  	_ =	shalt  }
0x46: {  	_ =	shalt  }
0x47: {  	_ =	shalt  }
0x48: {  	_ =	shalt  }
0x49: {  	_ =	shalt  }
0x4a: {  	_ =	shalt  }
0x4b: {  	_ =	shalt  }
0x4c: {  	_ =	shalt  }
0x4d: {  	_ =	shalt  }
0x4e: {  	_ =	shalt  }
0x4f: {  	_ =	shalt  }
0x50: {  	_ =	shalt  }
0x51: {  	_ =	shalt  }
0x52: {  	_ =	shalt  }
0x53: {  	_ =	shalt  }
0x54: {  	_ =	shalt  }
0x55: {  	_ =	shalt  }
0x56: {  	_ =	shalt  }
0x57: {  	_ =	shalt  }
0x58: {  	_ =	shalt  }
0x59: {  	_ =	shalt  }
0x5a: {  	_ =	shalt  }
0x5b: {  	_ =	shalt  }
0x5c: {  	_ =	shalt  }
0x5d: {  	_ =	shalt  }
0x5e: {  	_ =	shalt  }
0x5f: {  	_ =	shalt  }
0x60: {  	_ =	shalt  }
0x61: {  	_ =	shalt  }
0x62: {  	_ =	shalt  }
0x63: {  	_ =	shalt  }
0x64: {  	_ =	shalt  }
0x65: {  	_ =	shalt  }
0x66: {  	_ =	shalt  }
0x67: {  	_ =	shalt  }
0x68: {  	_ =	shalt  }
0x69: {  	_ =	shalt  }
0x6a: {  	_ =	shalt  }
0x6b: {  	_ =	shalt  }
0x6c: {  	_ =	shalt  }
0x6d: {  	_ =	shalt  }
0x6e: {  	_ =	shalt  }
0x6f: {  	_ =	shalt  }
0x70: {  	_ =	shalt  }
0x71: {  	_ =	shalt  }
0x72: {  	_ =	shalt  }
0x73: {  	_ =	shalt  }
0x74: {  	_ =	shalt  }
0x75: {  	_ =	shalt  }
0x76: {  	_ =	shalt  }
0x77: {  	_ =	shalt  }
0x78: {  	_ =	shalt  }
0x79: {  	_ =	shalt  }
0x7a: {  	_ =	shalt  }
0x7b: {  	_ =	shalt  }
0x7c: {  	_ =	shalt  }
0x7d: {  	_ =	shalt  }
0x7e: {  	_ =	shalt  }
0x7f: {  	_ =	shalt  }
0x80: {  	_ =	shalt  }
0x81: {  	_ =	shalt  }
0x82: {  	_ =	shalt  }
0x83: {  	_ =	shalt  }
0x84: {  	_ =	shalt  }
0x85: {  	_ =	shalt  }
0x86: {  	_ =	shalt  }
0x87: {  	_ =	shalt  }
.Lfunc_end0:
.L_simem_size_0:
called_computation.1_lowered:
.L_overlay_start_0:
0x88: {  	s2 =	sld [smem:$0x3FD9]  }
0x89: {  	s3 =	sld [smem:$0x3FFE];
	_ =	sdelay $0x1  }
0x8a: {  	s1 =	srdreg.scid  }
0x8b: {  	s0 =	sand.u32 $0x1, s1  }
0x8c: {  	s16 =	sshll.u32 s0, $0xA;
	s2 =	sadd.s32 s3, s2  }
0x8d: {  	s2 =	sadd.s32 s2, s16  }
0x8e: {  	[smem:$0x3FAF] =	sst s2  }
0x8f: {  	_ = 	snop  }
0x90: {  	(tm) =	ssettm $0x1  }
0x91: {  	s17 =	sld [smem:$0x3FFB];
	_ =	sdelay $0x3  }
0x92: {  	_ =	strace s17  }
0x93: {  	s2 =	sld [smem:$0x3FFC];
	_ =	sdelay $0x3  }
0x94: {  	_ =	strace s2  }
0x95: {  	s2 =	sld [smem:$0x3FFD];
	_ =	sdelay $0x3  }
0x96: {  	_ =	strace s2  }
0x97: {  	_ =	strace $0x8FFFFFFF  }
0x98: {  	s18 =	sld [smem:$0x3FDB];
	_ =	sdelay $0x1  }
0x99: {  	s19 =	simm.s32 $_scs_section_size  }
0x9a: {  	s4 =	simm.s32 $_size__tile_overlayer_lowered;
	s5 =	simm.s32 $_tile_overlayer_lowered  }
0x9b: {  	s22 =	simm.s32 $0x1BFF;
	s21 =	sshll.u32 s5, $0x1;
	s2 =	sadd.s32 s19, s18  }
0x9c: {  	s6 =	simm.s32 $0x0;
	s20 =	sshll.u32 s4, $0x1;
	s4 =	sadd.s32 s21, s2  }
0x9d: {  	[timem:s6], [sflag:s22] =	dma.local [hbm:s4], s20  }
0x9e: {  	_ =	swait.ge [sflag:s22], s20  }
0x9f: {  	s3 =	ssub.s32 $0x0, s20;
	[sflag:s22] =	ssyncset.done $0x0  }
0xa0: {  	[sflag:s22] =	ssyncadd.s32 s3;
	_ =	sdelay $0x1  }
0xa1: {  	s23 =	simm.s32 $0x1B8B  }
0xa2: {  	_ =	swait.ge [sflag:s23], $0x1  }
0xa3: {  	[sflag:s23] =	ssyncset.done $0x0  }
0xa4: {  	s25 =	simm.s32 $0x1B8E;
	s24 =	sld [smem:$0x3FFE];
	[sflag:s23] =	ssyncadd.s32 $0xFFFFFFFF  }
0xa5: {  	s26 =	simm.s32 $execute0_lowered;
	[smem:$0x3FD2] =	sst s25  }
0xa6: {  	s4 =	sshll.u32 s26, $0x1;
	_ =	strace $0x80000049;
	[dreg:$0x1] =	wrdreg $0xFFFFFFFF  }
0xa7: {  	s28 =	simm.s32 $_size_execute0_lowered;
	s2 =	sadd.s32 s2, s4;
	[dreg:$0x0] =	wrdreg $0x0  }
0xa8: {  	s4 =	sshll.u32 s28, $0x1;
	[dreg:$0x2] =	wrdreg s2  }
0xa9: {  	[dreg:$0x3] =	wrdreg s4  }
0xaa: {  	[dreg:$0x4] =	wrdreg $0xC0  }
0xab: {  	_ =	task [dreg:s6], $0x5FFFF  }
0xac: {  	[dreg:$0x1] =	wrdreg $0xFFFFFFFF  }
0xad: {  	[dreg:$0x0] =	wrdreg $0x60  }
0xae: {  	[dreg:$0x2] =	wrdreg s24  }
0xaf: {  	[dreg:$0x3] =	wrdreg $0xAC000  }
0xb0: {  	[dreg:$0x4] =	wrdreg $0x9  }
0xb1: {  	_ =	task.clear_ibuf [dreg:s6], $0x5FFFF;
	_ =	strace $0x90000049  }
0xb2: {  	s29 =	simm.s32 $0x9;
	_ =	strace $0x8000004B  }
0xb3: {  	_ =	swait.ge [sflag:s29], $0x1  }
0xb4: {  	[sflag:s29] =	ssyncadd.s32 $0xFFFFFFFF  }
0xb5: {  	_ =	strace $0x9000004B  }
0xb6: {  	_ =	sfence  }
0xb7: {  	s30 =	sld [smem:$0x0];
	_ =	sdelay $0x2  }
0xb8: {  	s31 =	sshll.u32 s1, $0xD;
	s1 =	sshrl.u32 s1, $0x2  }
0xb9: {  	s3 =	sand.u32 $0x4000, s31;
	s1 =	sadd.s32 s1, s30  }
0xba: {  	s0 =	sor.u32 s3, s0;
	s1 =	sshll.u32 s1, $0x11  }
0xbb: {  	s0 =	sor.u32 s1, s0  }
0xbc: {  	s0 =	sadd.s32 $0x8F2B, s0  }
0xbd: {  	[sflag:s0] =	ssyncadd.remote.s32 $0x1  }
0xbe: {  	_ =	sfence.sel $0xFFFF  }
0xbf: {  	[dreg:$0x0] =	wrdreg $0xFFFFFFFF;
	(pc) =	sbr.abs _section_cstart, $3  }
0xc0: {  	[dreg:$0x1] =	wrdreg $0xFFFFFFFF  }
0xc1: {  	_ =	task.clear_ibuf [dreg:s6], $0x2FFFF;
	_ =	strace $0x9FFFFFFF  }
0xc2: {  	(tm) =	ssettm $0x7FFFFFFF  }
0xc3: {  	_ =	shalt  }
tec
execute0_lowered:
.L_overlay_start_1:
0x0: {  	(tag) =	ssettag $0x1  }
0x1: {  	s0 =	rddreg [dreg:$0x0]  }
0x2: {  	s2 =	rddreg [dreg:$0x1];
	s11 =	stileid.u32  }
0x3: {  	s4 =	srdreg.scid;
	s3 =	simm.s32 $0x0;
	s21 =	simm.s32 $0x80  }
0x4: {  	s22 =	simm.s32 $0x100;
	s23 =	simm.s32 $0x180;
	s24 =	simm.s32 $0x880  }
0x5: {  	s25 =	simm.s32 $0x200;
	s26 =	simm.s32 $0x900;
	s28 =	simm.s32 $0xA80  }
0x6: {  	s29 =	simm.s32 $0x400;
	s30 =	simm.s32 $0xB00;
	s31 =	simm.s32 $0x480  }
0x7: {  	s1 =	smul.u32 $0x1400, s11;
	s5 =	sand.u32 $0x1, s4;
	[smem:$0x7FF] =	sst s3  }
0x8: {  	s6 =	smul.u32 $0x2700, s11;
	_ =	strace $0x8000004A;
	[dreg:$0x5] =	wrdreg s21  }
0x9: {  	s4 =	sadd.s32 $0x53400, s0;
	s9 =	smul.u32 $0x4E000, s11;
	[dreg:$0x6] =	wrdreg s22  }
0xa: {  	s10 =	sadd.s32 $0x2C200, s0;
	s19 =	sshll.u32 s11, $0x6;
	[dreg:$0x7] =	wrdreg s23  }
0xb: {  	s11 =	simm.s32 $0x800;
	s7 =	smul.u32 $0x27100, s5;
	[dreg:$0x8] =	wrdreg s24  }
0xc: {  	s8 =	ssub.s32 $0x2, s5;
	s14 =	smul.u32 $0xA00, s5;
	[dreg:$0x9] =	wrdreg s25  }
0xd: {  	p0 =	seq.s32 s5, $0x0;
	[dreg:$0xa] =	wrdreg s26;
	s21 =	simm.s32 $0x6  }
0xe: {  	s22 =	simm.s32 $0x280;
	s23 =	simm.s32 $0x980;
	s24 =	simm.s32 $0x300  }
0xf: {  	s25 =	simm.s32 $0xA00;
	s26 =	simm.s32 $0x380;
	s5 =	simm.s32 $0xC80  }
0x10: {  	s1 =	sadd.s32 s1, s0;
	s12 =	sshrl.u32 s8, $0x1;
	s13 =	sshrl.u32 s9, $0x2  }
0x11: {  	s10 =	smov.u32 @p0 s4;
	s9 =	simm.s32 $0x0;
	s7 =	sadd.s32 s6, s7  }
0x12: {  	s15 =	sadd.s32 s13, s2;
	s17 =	sadd.s32 s14, s1;
	s18 =	sadd.s32 s10, s6  }
0x13: {  	s10 =	simm.s32 $0x7;
	s13 =	simm.s32 $0x1000;
	s14 =	simm.s32 $0x4400  }
0x14: {  	s1 =	simm.s32 $0xC00;
	s0 =	sadd.s32 s7, s0;
	s7 =	ssub.s32 s8, s12  }
0x15: {  	[dreg:$0xd] =	wrdreg s18;
	s20 =	sadd.s32 $0x18200, s17;
	s8 =	sshrl.u32 s15, $0x3  }
0x16: {  	s12 =	simm.s32 $0x64;
	s15 =	simm.s32 $0x7800;
	[dreg:$0x3] =	wrdreg s20  }
0x17: {  	s18 =	simm.s32 $0x2;
	s0 =	sadd.s32 $0x7A600, s0;
	[dreg:$0xf] =	wrdreg s8  }
0x18: {  	s16 =	smax.u32 s7, $0x1;
	s7 =	sor.u32 $0x1C07, s19;
	[dreg:$0xb] =	wrdreg s0  }
0x19: {  	s19 =	simm.s32 $0x5;
	s20 =	simm.s32 $0x3;
	[dreg:$0xc] =	wrdreg s16  }
0x1a: {  	s0 =	sadd.s32 $0x4200, s17;
	s16 =	simm.s32 $0x1;
	[dreg:$0xe] =	wrdreg s7  }
0x1b: {  	s17 =	simm.s32 $0x4;
	[dreg:$0x4] =	wrdreg s0;
	s0 =	simm.s32 $0xB80  }
.LBB2_1:
0x1c: {  	[dreg:$0x10] =	wrdreg s9  }
0x1d: {  	s6 =	rddreg [dreg:$0xd]  }
0x1e: {  	[spmem:s8], [sflag:s7] =	dma.local [hbm:s6], $0x2800  }
0x1f: {  	_ =	swait.ge [sflag:s10], $0x2800  }
0x20: {  	[sflag:s10] =	ssyncset.done $0x0  }
0x21: {  	[sflag:s10] =	ssyncadd.s32 $0xFFFFD800  }
0x22: {  	[bflag:$0x0] =	sbarrier.arrive $0xFFFF  }
0x23: {  	s6 =	rddreg [dreg:$0x4]  }
0x24: {  	s7 =	sadd.s32 $0x0, s6  }
0x25: {  	[tilespmem:s3], [sflag:$0x7] =	stream.linear.gather [hbm4b:s7+s3], $0x500, $0x38;
	[tilespmem:$0x1E480] =	vst v63  }
0x26: {  	_ =	swait.ge [sflag:s10], $0x500  }
0x27: {  	s8 =	rddreg [dreg:$0x3];
	[sflag:s10] =	ssyncset.done $0x0  }
0x28: {  	[sflag:s10] =	ssyncadd.s32 $0xFFFFFB00;
	s7 =	sadd.s32 $0x0, s8  }
0x29: {  	[tilespmem:s11], [sflag:$0x7] =	stream.linear.gather [hbm4b:s7+s3], $0x500, $0x38;
	[tilespmem:$0x1E480] =	vst v63  }
0x2a: {  	_ =	swait.ge [sflag:s10], $0x500  }
0x2b: {  	[sflag:s10] =	ssyncset.done $0x0  }
0x2c: {  	[sflag:s10] =	ssyncadd.s32 $0xFFFFFB00  }
0x2d: {  	[tilespmem:s13], [sflag:$0x1] =	stream.indirect.gather [hbm4b:s4+s12], $0x80, s3, s12, $0xb8;
	[tilespmem:$0x1E480] =	vst v63  }
0x2e: {  	s9 =	rddreg [dreg:$0x5]  }
0x2f: {  	[tilespmem:s14], [sflag:$0x2] =	stream.indirect.gather [hbm4b:s4+s12], $0x80, s9, s12, $0xb8;
	[tilespmem:$0x1E480] =	vst v63  }
0x30: {  	s6 =	rddreg [dreg:$0x6]  }
0x31: {  	[tilespmem:s15], [sflag:$0x3] =	stream.indirect.gather [hbm4b:s4+s12], $0x80, s6, s12, $0xb8;
	[tilespmem:$0x1E480] =	vst v63  }
0x32: {  	_ =	swait.ge [sflag:s16], $0x3200  }
0x33: {  	[sflag:s16] =	ssyncset.done $0x0  }
0x34: {  	[sflag:s16] =	ssyncadd.s32 $0xFFFFCE00  }
0x35: {  	[spmem:s2] =	stream.indirect.scatter.add.f32 [tilespmem:s13], [sflag:$0x4], $0x80, s11, s12, $0xb8;
	[tilespmem:$0x1E480] =	vst v63  }
0x36: {  	_ =	swait.ge [sflag:s17], $0x3200  }
0x37: {  	[sflag:s17] =	ssyncset.done $0x0  }
0x38: {  	s9 =	rddreg [dreg:$0x7];
	[sflag:s17] =	ssyncadd.s32 $0xFFFFCE00  }
0x39: {  	[tilespmem:s13], [sflag:$0x1] =	stream.indirect.gather [hbm4b:s4+s12], $0x80, s9, s12, $0xb8;
	[tilespmem:$0x1E480] =	vst v63  }
0x3a: {  	_ =	swait.ge [sflag:s18], $0x3200  }
0x3b: {  	[sflag:s18] =	ssyncset.done $0x0  }
0x3c: {  	s6 =	rddreg [dreg:$0x8];
	[sflag:s18] =	ssyncadd.s32 $0xFFFFCE00  }
0x3d: {  	[spmem:s2] =	stream.indirect.scatter.add.f32 [tilespmem:s14], [sflag:$0x5], $0x80, s6, s12, $0xb8;
	[tilespmem:$0x1E480] =	vst v63  }
0x3e: {  	_ =	swait.ge [sflag:s19], $0x3200  }
0x3f: {  	[sflag:s19] =	ssyncset.done $0x0  }
0x40: {  	s8 =	rddreg [dreg:$0x9];
	[sflag:s19] =	ssyncadd.s32 $0xFFFFCE00  }
0x41: {  	[tilespmem:s14], [sflag:$0x2] =	stream.indirect.gather [hbm4b:s4+s12], $0x80, s8, s12, $0xb8;
	[tilespmem:$0x1E480] =	vst v63  }
0x42: {  	_ =	swait.ge [sflag:s20], $0x3200  }
0x43: {  	[sflag:s20] =	ssyncset.done $0x0  }
0x44: {  	s9 =	rddreg [dreg:$0xa];
	[sflag:s20] =	ssyncadd.s32 $0xFFFFCE00  }
0x45: {  	[spmem:s2] =	stream.indirect.scatter.add.f32 [tilespmem:s15], [sflag:$0x6], $0x80, s9, s12, $0xb8;
	[tilespmem:$0x1E480] =	vst v63  }
0x46: {  	_ =	swait.ge [sflag:s21], $0x3200  }
0x47: {  	[sflag:s21] =	ssyncset.done $0x0  }
0x48: {  	[sflag:s21] =	ssyncadd.s32 $0xFFFFCE00  }
0x49: {  	[tilespmem:s15], [sflag:$0x3] =	stream.indirect.gather [hbm4b:s4+s12], $0x80, s22, s12, $0xb8;
	[tilespmem:$0x1E480] =	vst v63  }
0x4a: {  	_ =	swait.ge [sflag:s16], $0x3200  }
0x4b: {  	[sflag:s16] =	ssyncset.done $0x0  }
0x4c: {  	[sflag:s16] =	ssyncadd.s32 $0xFFFFCE00  }
0x4d: {  	[spmem:s2] =	stream.indirect.scatter.add.f32 [tilespmem:s13], [sflag:$0x4], $0x80, s23, s12, $0xb8;
	[tilespmem:$0x1E480] =	vst v63  }
0x4e: {  	_ =	swait.ge [sflag:s17], $0x3200  }
0x4f: {  	[sflag:s17] =	ssyncset.done $0x0  }
0x50: {  	[sflag:s17] =	ssyncadd.s32 $0xFFFFCE00  }
0x51: {  	[tilespmem:s13], [sflag:$0x1] =	stream.indirect.gather [hbm4b:s4+s12], $0x80, s24, s12, $0xb8;
	[tilespmem:$0x1E480] =	vst v63  }
0x52: {  	_ =	swait.ge [sflag:s18], $0x3200  }
0x53: {  	[sflag:s18] =	ssyncset.done $0x0  }
0x54: {  	[sflag:s18] =	ssyncadd.s32 $0xFFFFCE00  }
0x55: {  	[spmem:s2] =	stream.indirect.scatter.add.f32 [tilespmem:s14], [sflag:$0x5], $0x80, s25, s12, $0xb8;
	[tilespmem:$0x1E480] =	vst v63  }
0x56: {  	_ =	swait.ge [sflag:s19], $0x3200  }
0x57: {  	[sflag:s19] =	ssyncset.done $0x0  }
0x58: {  	[sflag:s19] =	ssyncadd.s32 $0xFFFFCE00  }
0x59: {  	[tilespmem:s14], [sflag:$0x2] =	stream.indirect.gather [hbm4b:s4+s12], $0x80, s26, s12, $0xb8;
	[tilespmem:$0x1E480] =	vst v63  }
0x5a: {  	_ =	swait.ge [sflag:s20], $0x3200  }
0x5b: {  	[sflag:s20] =	ssyncset.done $0x0  }
0x5c: {  	[sflag:s20] =	ssyncadd.s32 $0xFFFFCE00  }
0x5d: {  	[spmem:s2] =	stream.indirect.scatter.add.f32 [tilespmem:s15], [sflag:$0x6], $0x80, s28, s12, $0xb8;
	[tilespmem:$0x1E480] =	vst v63  }
0x5e: {  	_ =	swait.ge [sflag:s21], $0x3200  }
0x5f: {  	[sflag:s21] =	ssyncset.done $0x0  }
0x60: {  	[sflag:s21] =	ssyncadd.s32 $0xFFFFCE00  }
0x61: {  	[tilespmem:s15], [sflag:$0x3] =	stream.indirect.gather [hbm4b:s4+s12], $0x80, s29, s12, $0xb8;
	[tilespmem:$0x1E480] =	vst v63  }
0x62: {  	_ =	swait.ge [sflag:s16], $0x3200  }
0x63: {  	[sflag:s16] =	ssyncset.done $0x0  }
0x64: {  	[sflag:s16] =	ssyncadd.s32 $0xFFFFCE00  }
0x65: {  	[spmem:s2] =	stream.indirect.scatter.add.f32 [tilespmem:s13], [sflag:$0x4], $0x80, s30, s12, $0xb8;
	[tilespmem:$0x1E480] =	vst v63  }
0x66: {  	_ =	swait.ge [sflag:s17], $0x3200  }
0x67: {  	[sflag:s17] =	ssyncset.done $0x0  }
0x68: {  	[sflag:s17] =	ssyncadd.s32 $0xFFFFCE00  }
0x69: {  	[tilespmem:s13], [sflag:$0x1] =	stream.indirect.gather [hbm4b:s4+s12], $0x80, s31, s12, $0xb8;
	[tilespmem:$0x1E480] =	vst v63  }
0x6a: {  	_ =	swait.ge [sflag:s18], $0x3200  }
0x6b: {  	[sflag:s18] =	ssyncset.done $0x0  }
0x6c: {  	[sflag:s18] =	ssyncadd.s32 $0xFFFFCE00  }
0x6d: {  	[spmem:s2] =	stream.indirect.scatter.add.f32 [tilespmem:s14], [sflag:$0x5], $0x80, s0, s12, $0xb8;
	[tilespmem:$0x1E480] =	vst v63  }
0x6e: {  	_ =	swait.ge [sflag:s20], $0x3200  }
0x6f: {  	[sflag:s20] =	ssyncset.done $0x0  }
0x70: {  	[sflag:s20] =	ssyncadd.s32 $0xFFFFCE00  }
0x71: {  	[spmem:s2] =	stream.indirect.scatter.add.f32 [tilespmem:s15], [sflag:$0x6], $0x80, s1, s12, $0xb8;
	[tilespmem:$0x1E480] =	vst v63  }
0x72: {  	_ =	swait.ge [sflag:s16], $0x3200  }
0x73: {  	[sflag:s16] =	ssyncset.done $0x0  }
0x74: {  	[sflag:s16] =	ssyncadd.s32 $0xFFFFCE00  }
0x75: {  	[spmem:s2] =	stream.indirect.scatter.add.f32 [tilespmem:s13], [sflag:$0x4], $0x80, s5, s12, $0xb8;
	[tilespmem:$0x1E480] =	vst v63  }
0x76: {  	_ =	swait.ge [sflag:s19], $0x3200  }
0x77: {  	[sflag:s19] =	ssyncset.done $0x0  }
0x78: {  	[sflag:s19] =	ssyncadd.s32 $0xFFFFCE00  }
0x79: {  	_ =	swait.ge [sflag:s21], $0x3200  }
0x7a: {  	[sflag:s21] =	ssyncset.done $0x0  }
0x7b: {  	[sflag:s21] =	ssyncadd.s32 $0xFFFFCE00  }
0x7c: {  	s7 =	simm.s32 $0x100;
	_ =	swait.ge [sflag:s17], $0x3200  }
0x7d: {  	s8 =	simm.s32 $0x200;
	s9 =	rddreg [dreg:$0x4];
	[sflag:s17] =	ssyncset.done $0x0  }
.LBB2_2:
0x7e: {  	[sflag:s17] =	ssyncadd.s32 $0xFFFFCE00;
	s9 =	sadd.s32 s7, s9  }
0x7f: {  	[tilespmem:s3], [sflag:$0x7] =	stream.linear.gather [hbm4b:s9+s3], $0x500, $0x38;
	[tilespmem:$0x1E480] =	vst v63  }
0x80: {  	_ =	swait.ge [sflag:s10], $0x500  }
0x81: {  	s9 =	rddreg [dreg:$0x3];
	[sflag:s10] =	ssyncset.done $0x0  }
0x82: {  	[sflag:s10] =	ssyncadd.s32 $0xFFFFFB00;
	s9 =	sadd.s32 s7, s9  }
0x83: {  	[tilespmem:s11], [sflag:$0x7] =	stream.linear.gather [hbm4b:s9+s3], $0x500, $0x38;
	[tilespmem:$0x1E480] =	vst v63  }
0x84: {  	_ =	swait.ge [sflag:s10], $0x500  }
0x85: {  	[sflag:s10] =	ssyncset.done $0x0  }
0x86: {  	s6 =	smov.u32 s8;
	[sflag:s10] =	ssyncadd.s32 $0xFFFFFB00  }
0x87: {  	[tilespmem:s13], [sflag:$0x1] =	stream.indirect.gather [hbm4b:s4+s12], $0x80, s3, s12, $0xb8;
	[tilespmem:$0x1E480] =	vst v63  }
0x88: {  	s7 =	smov.u32 s6;
	s6 =	rddreg [dreg:$0x5]  }
0x89: {  	[tilespmem:s14], [sflag:$0x2] =	stream.indirect.gather [hbm4b:s4+s12], $0x80, s6, s12, $0xb8;
	[tilespmem:$0x1E480] =	vst v63  }
0x8a: {  	s9 =	rddreg [dreg:$0x6]  }
0x8b: {  	[tilespmem:s15], [sflag:$0x3] =	stream.indirect.gather [hbm4b:s4+s12], $0x80, s9, s12, $0xb8;
	[tilespmem:$0x1E480] =	vst v63  }
0x8c: {  	_ =	swait.ge [sflag:s16], $0x3200  }
0x8d: {  	[sflag:s16] =	ssyncset.done $0x0  }
0x8e: {  	[sflag:s16] =	ssyncadd.s32 $0xFFFFCE00  }
0x8f: {  	[spmem:s2] =	stream.indirect.scatter.add.f32 [tilespmem:s13], [sflag:$0x4], $0x80, s11, s12, $0xb8;
	[tilespmem:$0x1E480] =	vst v63  }
0x90: {  	_ =	swait.ge [sflag:s17], $0x3200  }
0x91: {  	[sflag:s17] =	ssyncset.done $0x0  }
0x92: {  	s9 =	rddreg [dreg:$0x7];
	[sflag:s17] =	ssyncadd.s32 $0xFFFFCE00  }
0x93: {  	[tilespmem:s13], [sflag:$0x1] =	stream.indirect.gather [hbm4b:s4+s12], $0x80, s9, s12, $0xb8;
	[tilespmem:$0x1E480] =	vst v63  }
0x94: {  	_ =	swait.ge [sflag:s18], $0x3200  }
0x95: {  	[sflag:s18] =	ssyncset.done $0x0  }
0x96: {  	s9 =	rddreg [dreg:$0x8];
	[sflag:s18] =	ssyncadd.s32 $0xFFFFCE00  }
0x97: {  	[spmem:s2] =	stream.indirect.scatter.add.f32 [tilespmem:s14], [sflag:$0x5], $0x80, s9, s12, $0xb8;
	[tilespmem:$0x1E480] =	vst v63  }
0x98: {  	_ =	swait.ge [sflag:s19], $0x3200  }
0x99: {  	[sflag:s19] =	ssyncset.done $0x0  }
0x9a: {  	s9 =	rddreg [dreg:$0x9];
	[sflag:s19] =	ssyncadd.s32 $0xFFFFCE00  }
0x9b: {  	[tilespmem:s14], [sflag:$0x2] =	stream.indirect.gather [hbm4b:s4+s12], $0x80, s9, s12, $0xb8;
	[tilespmem:$0x1E480] =	vst v63  }
0x9c: {  	_ =	swait.ge [sflag:s20], $0x3200  }
0x9d: {  	[sflag:s20] =	ssyncset.done $0x0  }
0x9e: {  	s9 =	rddreg [dreg:$0xa];
	[sflag:s20] =	ssyncadd.s32 $0xFFFFCE00  }
0x9f: {  	[spmem:s2] =	stream.indirect.scatter.add.f32 [tilespmem:s15], [sflag:$0x6], $0x80, s9, s12, $0xb8;
	[tilespmem:$0x1E480] =	vst v63  }
0xa0: {  	_ =	swait.ge [sflag:s21], $0x3200  }
0xa1: {  	[sflag:s21] =	ssyncset.done $0x0  }
0xa2: {  	[sflag:s21] =	ssyncadd.s32 $0xFFFFCE00  }
0xa3: {  	[tilespmem:s15], [sflag:$0x3] =	stream.indirect.gather [hbm4b:s4+s12], $0x80, s22, s12, $0xb8;
	[tilespmem:$0x1E480] =	vst v63  }
0xa4: {  	_ =	swait.ge [sflag:s16], $0x3200  }
0xa5: {  	[sflag:s16] =	ssyncset.done $0x0  }
0xa6: {  	[sflag:s16] =	ssyncadd.s32 $0xFFFFCE00  }
0xa7: {  	[spmem:s2] =	stream.indirect.scatter.add.f32 [tilespmem:s13], [sflag:$0x4], $0x80, s23, s12, $0xb8;
	[tilespmem:$0x1E480] =	vst v63  }
0xa8: {  	_ =	swait.ge [sflag:s17], $0x3200  }
0xa9: {  	[sflag:s17] =	ssyncset.done $0x0  }
0xaa: {  	[sflag:s17] =	ssyncadd.s32 $0xFFFFCE00  }
0xab: {  	[tilespmem:s13], [sflag:$0x1] =	stream.indirect.gather [hbm4b:s4+s12], $0x80, s24, s12, $0xb8;
	[tilespmem:$0x1E480] =	vst v63  }
0xac: {  	_ =	swait.ge [sflag:s18], $0x3200  }
0xad: {  	[sflag:s18] =	ssyncset.done $0x0  }
0xae: {  	[sflag:s18] =	ssyncadd.s32 $0xFFFFCE00  }
0xaf: {  	[spmem:s2] =	stream.indirect.scatter.add.f32 [tilespmem:s14], [sflag:$0x5], $0x80, s25, s12, $0xb8;
	[tilespmem:$0x1E480] =	vst v63  }
0xb0: {  	_ =	swait.ge [sflag:s19], $0x3200  }
0xb1: {  	[sflag:s19] =	ssyncset.done $0x0  }
0xb2: {  	[sflag:s19] =	ssyncadd.s32 $0xFFFFCE00  }
0xb3: {  	[tilespmem:s14], [sflag:$0x2] =	stream.indirect.gather [hbm4b:s4+s12], $0x80, s26, s12, $0xb8;
	[tilespmem:$0x1E480] =	vst v63  }
0xb4: {  	_ =	swait.ge [sflag:s20], $0x3200  }
0xb5: {  	[sflag:s20] =	ssyncset.done $0x0  }
0xb6: {  	[sflag:s20] =	ssyncadd.s32 $0xFFFFCE00  }
0xb7: {  	[spmem:s2] =	stream.indirect.scatter.add.f32 [tilespmem:s15], [sflag:$0x6], $0x80, s28, s12, $0xb8;
	[tilespmem:$0x1E480] =	vst v63  }
0xb8: {  	_ =	swait.ge [sflag:s21], $0x3200  }
0xb9: {  	[sflag:s21] =	ssyncset.done $0x0  }
0xba: {  	[sflag:s21] =	ssyncadd.s32 $0xFFFFCE00  }
0xbb: {  	[tilespmem:s15], [sflag:$0x3] =	stream.indirect.gather [hbm4b:s4+s12], $0x80, s29, s12, $0xb8;
	[tilespmem:$0x1E480] =	vst v63  }
0xbc: {  	_ =	swait.ge [sflag:s16], $0x3200  }
0xbd: {  	[sflag:s16] =	ssyncset.done $0x0  }
0xbe: {  	[sflag:s16] =	ssyncadd.s32 $0xFFFFCE00  }
0xbf: {  	[spmem:s2] =	stream.indirect.scatter.add.f32 [tilespmem:s13], [sflag:$0x4], $0x80, s30, s12, $0xb8;
	[tilespmem:$0x1E480] =	vst v63  }
0xc0: {  	_ =	swait.ge [sflag:s17], $0x3200  }
0xc1: {  	[sflag:s17] =	ssyncset.done $0x0  }
0xc2: {  	[sflag:s17] =	ssyncadd.s32 $0xFFFFCE00  }
0xc3: {  	[tilespmem:s13], [sflag:$0x1] =	stream.indirect.gather [hbm4b:s4+s12], $0x80, s31, s12, $0xb8;
	[tilespmem:$0x1E480] =	vst v63  }
0xc4: {  	_ =	swait.ge [sflag:s18], $0x3200  }
0xc5: {  	[sflag:s18] =	ssyncset.done $0x0  }
0xc6: {  	[sflag:s18] =	ssyncadd.s32 $0xFFFFCE00  }
0xc7: {  	[spmem:s2] =	stream.indirect.scatter.add.f32 [tilespmem:s14], [sflag:$0x5], $0x80, s0, s12, $0xb8;
	[tilespmem:$0x1E480] =	vst v63  }
0xc8: {  	_ =	swait.ge [sflag:s20], $0x3200  }
0xc9: {  	[sflag:s20] =	ssyncset.done $0x0  }
0xca: {  	[sflag:s20] =	ssyncadd.s32 $0xFFFFCE00  }
0xcb: {  	[spmem:s2] =	stream.indirect.scatter.add.f32 [tilespmem:s15], [sflag:$0x6], $0x80, s1, s12, $0xb8;
	[tilespmem:$0x1E480] =	vst v63  }
0xcc: {  	_ =	swait.ge [sflag:s16], $0x3200  }
0xcd: {  	[sflag:s16] =	ssyncset.done $0x0  }
0xce: {  	[sflag:s16] =	ssyncadd.s32 $0xFFFFCE00  }
0xcf: {  	[spmem:s2] =	stream.indirect.scatter.add.f32 [tilespmem:s13], [sflag:$0x4], $0x80, s5, s12, $0xb8;
	[tilespmem:$0x1E480] =	vst v63  }
0xd0: {  	_ =	swait.ge [sflag:s19], $0x3200  }
0xd1: {  	[sflag:s19] =	ssyncset.done $0x0  }
0xd2: {  	p0 =	sne.s32 s8, $0x900;
	[sflag:s19] =	ssyncadd.s32 $0xFFFFCE00  }
.Ltmp0:
0xd3: {  	_ =	swait.ge [sflag:s21], $0x3200;
	(pc) =	sbr.rel @p0 .LBB2_2-.Ltmp0, $4  }
0xd4: {  	[sflag:s21] =	ssyncset.done $0x0  }
0xd5: {  	[sflag:s21] =	ssyncadd.s32 $0xFFFFCE00  }
0xd6: {  	_ =	swait.ge [sflag:s17], $0x3200  }
0xd7: {  	s8 =	sadd.s32 $0x100, s8;
	s9 =	rddreg [dreg:$0x4];
	[sflag:s17] =	ssyncset.done $0x0  }
0xd8: {  	[sflag:s17] =	ssyncadd.s32 $0xFFFFCE00;
	s6 =	sadd.s32 s7, s9  }
0xd9: {  	[tilespmem:s3], [sflag:$0x7] =	stream.linear.gather [hbm4b:s6+s3], $0x500, $0x38;
	[tilespmem:$0x1E480] =	vst v63  }
0xda: {  	_ =	swait.ge [sflag:s10], $0x500  }
0xdb: {  	s9 =	rddreg [dreg:$0x3];
	[sflag:s10] =	ssyncset.done $0x0  }
0xdc: {  	[sflag:s10] =	ssyncadd.s32 $0xFFFFFB00;
	s6 =	sadd.s32 s7, s9  }
0xdd: {  	[tilespmem:s11], [sflag:$0x7] =	stream.linear.gather [hbm4b:s6+s3], $0x500, $0x38;
	[tilespmem:$0x1E480] =	vst v63  }
0xde: {  	_ =	swait.ge [sflag:s10], $0x500  }
0xdf: {  	[sflag:s10] =	ssyncset.done $0x0  }
0xe0: {  	[sflag:s10] =	ssyncadd.s32 $0xFFFFFB00  }
0xe1: {  	[tilespmem:s13], [sflag:$0x1] =	stream.indirect.gather [hbm4b:s4+s12], $0x80, s3, s12, $0xb8;
	[tilespmem:$0x1E480] =	vst v63  }
0xe2: {  	s8 =	rddreg [dreg:$0x5]  }
0xe3: {  	[tilespmem:s14], [sflag:$0x2] =	stream.indirect.gather [hbm4b:s4+s12], $0x80, s8, s12, $0xb8;
	[tilespmem:$0x1E480] =	vst v63  }
0xe4: {  	s9 =	rddreg [dreg:$0x6]  }
0xe5: {  	[tilespmem:s15], [sflag:$0x3] =	stream.indirect.gather [hbm4b:s4+s12], $0x80, s9, s12, $0xb8;
	[tilespmem:$0x1E480] =	vst v63  }
0xe6: {  	_ =	swait.ge [sflag:s16], $0x3200  }
0xe7: {  	[sflag:s16] =	ssyncset.done $0x0  }
0xe8: {  	[sflag:s16] =	ssyncadd.s32 $0xFFFFCE00  }
0xe9: {  	[spmem:s2] =	stream.indirect.scatter.add.f32 [tilespmem:s13], [sflag:$0x4], $0x80, s11, s12, $0xb8;
	[tilespmem:$0x1E480] =	vst v63  }
0xea: {  	_ =	swait.ge [sflag:s17], $0x3200  }
0xeb: {  	[sflag:s17] =	ssyncset.done $0x0  }
0xec: {  	s8 =	rddreg [dreg:$0x7];
	[sflag:s17] =	ssyncadd.s32 $0xFFFFCE00  }
0xed: {  	[tilespmem:s13], [sflag:$0x1] =	stream.indirect.gather [hbm4b:s4+s12], $0x80, s8, s12, $0xb8;
	[tilespmem:$0x1E480] =	vst v63  }
0xee: {  	_ =	swait.ge [sflag:s18], $0x3200  }
0xef: {  	[sflag:s18] =	ssyncset.done $0x0  }
0xf0: {  	s9 =	rddreg [dreg:$0x8];
	[sflag:s18] =	ssyncadd.s32 $0xFFFFCE00  }
0xf1: {  	[spmem:s2] =	stream.indirect.scatter.add.f32 [tilespmem:s14], [sflag:$0x5], $0x80, s9, s12, $0xb8;
	[tilespmem:$0x1E480] =	vst v63  }
0xf2: {  	_ =	swait.ge [sflag:s19], $0x3200  }
0xf3: {  	[sflag:s19] =	ssyncset.done $0x0  }
0xf4: {  	s7 =	rddreg [dreg:$0x9];
	[sflag:s19] =	ssyncadd.s32 $0xFFFFCE00  }
0xf5: {  	[tilespmem:s14], [sflag:$0x2] =	stream.indirect.gather [hbm4b:s4+s12], $0x80, s7, s12, $0xb8;
	[tilespmem:$0x1E480] =	vst v63  }
0xf6: {  	_ =	swait.ge [sflag:s20], $0x3200  }
0xf7: {  	[sflag:s20] =	ssyncset.done $0x0  }
0xf8: {  	s8 =	rddreg [dreg:$0xa];
	[sflag:s20] =	ssyncadd.s32 $0xFFFFCE00  }
0xf9: {  	[spmem:s2] =	stream.indirect.scatter.add.f32 [tilespmem:s15], [sflag:$0x6], $0x80, s8, s12, $0xb8;
	[tilespmem:$0x1E480] =	vst v63  }
0xfa: {  	_ =	swait.ge [sflag:s21], $0x3200  }
0xfb: {  	[sflag:s21] =	ssyncset.done $0x0  }
0xfc: {  	[sflag:s21] =	ssyncadd.s32 $0xFFFFCE00  }
0xfd: {  	[tilespmem:s15], [sflag:$0x3] =	stream.indirect.gather [hbm4b:s4+s12], $0x80, s22, s12, $0xb8;
	[tilespmem:$0x1E480] =	vst v63  }
0xfe: {  	_ =	swait.ge [sflag:s16], $0x3200  }
0xff: {  	[sflag:s16] =	ssyncset.done $0x0  }
0x100: {  	[sflag:s16] =	ssyncadd.s32 $0xFFFFCE00  }
0x101: {  	[spmem:s2] =	stream.indirect.scatter.add.f32 [tilespmem:s13], [sflag:$0x4], $0x80, s23, s12, $0xb8;
	[tilespmem:$0x1E480] =	vst v63  }
0x102: {  	_ =	swait.ge [sflag:s17], $0x3200  }
0x103: {  	[sflag:s17] =	ssyncset.done $0x0  }
0x104: {  	[sflag:s17] =	ssyncadd.s32 $0xFFFFCE00  }
0x105: {  	[tilespmem:s13], [sflag:$0x1] =	stream.indirect.gather [hbm4b:s4+s12], $0x80, s24, s12, $0xb8;
	[tilespmem:$0x1E480] =	vst v63  }
0x106: {  	_ =	swait.ge [sflag:s18], $0x3200  }
0x107: {  	[sflag:s18] =	ssyncset.done $0x0  }
0x108: {  	[sflag:s18] =	ssyncadd.s32 $0xFFFFCE00  }
0x109: {  	[spmem:s2] =	stream.indirect.scatter.add.f32 [tilespmem:s14], [sflag:$0x5], $0x80, s25, s12, $0xb8;
	[tilespmem:$0x1E480] =	vst v63  }
0x10a: {  	_ =	swait.ge [sflag:s19], $0x3200  }
0x10b: {  	[sflag:s19] =	ssyncset.done $0x0  }
0x10c: {  	[sflag:s19] =	ssyncadd.s32 $0xFFFFCE00  }
0x10d: {  	[tilespmem:s14], [sflag:$0x2] =	stream.indirect.gather [hbm4b:s4+s12], $0x80, s26, s12, $0xb8;
	[tilespmem:$0x1E480] =	vst v63  }
0x10e: {  	_ =	swait.ge [sflag:s20], $0x3200  }
0x10f: {  	[sflag:s20] =	ssyncset.done $0x0  }
0x110: {  	[sflag:s20] =	ssyncadd.s32 $0xFFFFCE00  }
0x111: {  	[spmem:s2] =	stream.indirect.scatter.add.f32 [tilespmem:s15], [sflag:$0x6], $0x80, s28, s12, $0xb8;
	[tilespmem:$0x1E480] =	vst v63  }
0x112: {  	_ =	swait.ge [sflag:s21], $0x3200  }
0x113: {  	[sflag:s21] =	ssyncset.done $0x0  }
0x114: {  	[sflag:s21] =	ssyncadd.s32 $0xFFFFCE00  }
0x115: {  	[tilespmem:s15], [sflag:$0x3] =	stream.indirect.gather [hbm4b:s4+s12], $0x80, s29, s12, $0xb8;
	[tilespmem:$0x1E480] =	vst v63  }
0x116: {  	_ =	swait.ge [sflag:s16], $0x3200  }
0x117: {  	[sflag:s16] =	ssyncset.done $0x0  }
0x118: {  	[sflag:s16] =	ssyncadd.s32 $0xFFFFCE00  }
0x119: {  	[spmem:s2] =	stream.indirect.scatter.add.f32 [tilespmem:s13], [sflag:$0x4], $0x80, s30, s12, $0xb8;
	[tilespmem:$0x1E480] =	vst v63  }
0x11a: {  	_ =	swait.ge [sflag:s17], $0x3200  }
0x11b: {  	[sflag:s17] =	ssyncset.done $0x0  }
0x11c: {  	[sflag:s17] =	ssyncadd.s32 $0xFFFFCE00  }
0x11d: {  	[tilespmem:s13], [sflag:$0x1] =	stream.indirect.gather [hbm4b:s4+s12], $0x80, s31, s12, $0xb8;
	[tilespmem:$0x1E480] =	vst v63  }
0x11e: {  	_ =	swait.ge [sflag:s18], $0x3200  }
0x11f: {  	[sflag:s18] =	ssyncset.done $0x0  }
0x120: {  	[sflag:s18] =	ssyncadd.s32 $0xFFFFCE00  }
0x121: {  	[spmem:s2] =	stream.indirect.scatter.add.f32 [tilespmem:s14], [sflag:$0x5], $0x80, s0, s12, $0xb8;
	[tilespmem:$0x1E480] =	vst v63  }
0x122: {  	_ =	swait.ge [sflag:s20], $0x3200  }
0x123: {  	[sflag:s20] =	ssyncset.done $0x0  }
0x124: {  	[sflag:s20] =	ssyncadd.s32 $0xFFFFCE00  }
0x125: {  	[spmem:s2] =	stream.indirect.scatter.add.f32 [tilespmem:s15], [sflag:$0x6], $0x80, s1, s12, $0xb8;
	[tilespmem:$0x1E480] =	vst v63  }
0x126: {  	_ =	swait.ge [sflag:s16], $0x3200  }
0x127: {  	[sflag:s16] =	ssyncset.done $0x0  }
0x128: {  	[sflag:s16] =	ssyncadd.s32 $0xFFFFCE00  }
0x129: {  	[spmem:s2] =	stream.indirect.scatter.add.f32 [tilespmem:s13], [sflag:$0x4], $0x80, s5, s12, $0xb8;
	[tilespmem:$0x1E480] =	vst v63  }
0x12a: {  	_ =	swait.ge [sflag:s19], $0x3200  }
0x12b: {  	[sflag:s19] =	ssyncset.done $0x0  }
0x12c: {  	[sflag:s19] =	ssyncadd.s32 $0xFFFFCE00  }
0x12d: {  	_ =	swait.ge [sflag:s21], $0x3200  }
0x12e: {  	[sflag:s21] =	ssyncset.done $0x0  }
0x12f: {  	[sflag:s21] =	ssyncadd.s32 $0xFFFFCE00  }
0x130: {  	_ =	swait.ge [sflag:s17], $0x3200  }
0x131: {  	[sflag:s17] =	ssyncset.done $0x0  }
0x132: {  	[sflag:s17] =	ssyncadd.s32 $0xFFFFCE00  }
0x133: {  	[bflag:$0x0] =	sbarrier.arrive $0xFFFF  }
0x134: {  	s9 =	rddreg [dreg:$0xb]  }
0x135: {  	s7 =	rddreg [dreg:$0xe]  }
0x136: {  	s8 =	rddreg [dreg:$0xf]  }
0x137: {  	[hbm:s9], [sflag:s7] =	dma.local [spmem:s8], $0x2800  }
0x138: {  	_ =	swait.ge [sflag:s10], $0x2800  }
0x139: {  	s6 =	rddreg [dreg:$0x10]  }
0x13a: {  	s9 =	sadd.s32 $0x1, s6;
	s6 =	rddreg [dreg:$0xc]  }
0x13b: {  	p0 =	sne.s32 s9, s6  }
.Ltmp1:
0x13c: {  	_ = 	snop;
	(pc) =	sbr.rel @p0 .LBB2_1-.Ltmp1, $3  }
0x13d: {  	_ =	sdelay $0x1  }
0x13e: {  	[sflag:s10] =	ssyncset.done $0x0  }
0x13f: {  	[sflag:s10] =	ssyncadd.s32 $0xFFFFD800  }
0x140: {  	_ =	sfence.sel $0x180000  }
0x141: {  	[bflag:$0x0] =	sbarrier.arrive $0xFFFF  }
0x142: {  	_ =	strace $0x9000004A  }
0x143: {  	s0 =	stileid.u32;
	[bflag:$0x2] =	sbarrier.arrive $0xFFFF  }
0x144: {  	p0 =	sne.s32 s0, $0x0;
	s0 =	rddreg [dreg:$0x2]  }
0x145: {  	s0 =	sadd.s32 @!p0 $0x100000, s0  }
0x146: {  	[sflag:s0] =	ssyncadd.tile.s32 @!p0 $0x1;
	_ =	shalt  }
.Lfunc_end2:
_tile_overlayer_lowered:
.L_overlay_start_2:
0x147: {  	(tag) =	ssettag $0x2  }
0x148: {  	s0 =	rddreg [dreg:$0x0];
	s2 =	stileid.u32  }
0x149: {  	s1 =	rddreg [dreg:$0x1];
	p0 =	sne.s32 s2, $0x0  }
0x14a: {  	s3 =	rddreg [dreg:$0x2];
	[bflag:$0x3] =	sbarrier.arrive $0xFFFF;
	s2 =	simm.s32 @!p0 $0x1C07  }
0x14b: {  	[timem:s3], [sflag:s2] =	dma.local @!p0 [hbm:s0], s1  }
0x14c: {  	s0 =	simm.s32 @!p0 $0x7  }
0x14d: {  	_ =	swait.ge @!p0 [sflag:s0], s1  }
0x14e: {  	s1 =	ssub.s32 @!p0 $0x0, s1;
	[sflag:s0] =	ssyncset.done @!p0 $0x0  }
0x14f: {  	[sflag:s0] =	ssyncadd.s32 @!p0 s1  }
0x150: {  	[bflag:$0x3] =	sbarrier.arrive $0xFFFF  }
0x151: {  	_ =	shalt  }

// kernel: kernel.15.cloned.1.call-start
scs
__scs_entry_jumppad:
0x0: {  	(pc) =	sbr.rel $0x88, $3  }
0x1: {  	(tag) =	ssettag $0x0;
	lr =	simm.s32 $0x1  }
0x2: {  	[smem:$0x3F88] =	sst lr;
	_ =	strace $0xD0000000  }
0x3: {  	_ = 	snop  }
0x4: {  	_ = 	snop  }
0x5: {  	_ = 	snop  }
0x6: {  	_ = 	snop  }
0x7: {  	_ = 	snop  }
__scs_overlays_trampoline_lowered:
0x8: {  	[smem:$0x3F97] =	sst s0  }
0x9: {  	[smem:$0x3F98] =	sst s1  }
0xa: {  	[smem:$0x3F99] =	sst s2  }
0xb: {  	[smem:$0x3F9A] =	sst s3  }
0xc: {  	[smem:$0x3F9B] =	sst s4  }
0xd: {  	[smem:$0x3F9C] =	sst s5  }
0xe: {  	[smem:$0x3F9D] =	sst s6  }
0xf: {  	[smem:$0x3F9E] =	sst s7  }
0x10: {  	[smem:$0x3F9F] =	sst s8  }
0x11: {  	[smem:$0x3FA0] =	sst s9;
	s0 =	simm.s32 @!p0 $0x0  }
0x12: {  	s1 =	sld [smem:$0x3F86];
	s0 =	simm.s32 @p0 $0x1  }
0x13: {  	[smem:$0x3FA1] =	sst s0;
	s0 =	simm.s32 @!p1 $0x0  }
0x14: {  	s2 =	sld [smem:$0x3F85];
	s0 =	simm.s32 @p1 $0x1  }
0x15: {  	[smem:$0x3FA2] =	sst s0;
	s0 =	simm.s32 @!p2 $0x0  }
0x16: {  	s3 =	sld [smem:$0x3FDB];
	s0 =	simm.s32 @p2 $0x1  }
0x17: {  	s4 =	simm.s32 $0x1BF5;
	[smem:$0x3FA4] =	sst s0  }
0x18: {  	s0 =	sld [smem:$0x3F87];
	_ =	swait.ge [sflag:s4], $0x0  }
0x19: {  	s7 =	sld [smem:$0x3F88]  }
0x1a: {  	s8 =	sadd.s32 $0xFFFFE003, lr  }
0x1b: {  	s9 =	sadd.s32 $0xFFFFFEF7, lr;
	s5 =	simm.s32 $0xFFFFFFFF;
	p2 =	slt.u32 s8, $0xFFFFF086  }
0x1c: {  	p1 =	slt.u32 s9, $0xF7A;
	s5 =	simm.s32 @!p2 $0x0  }
0x1d: {  	s5 =	simm.s32 @p1 $0x1;
	p0 =	seq.s32 s7, s2  }
0x1e: {  	s7 =	smul.u32 @!p0 $0xF7A, s2;
	p2 =	seq.s32 @!p0 s5, $0x0  }
0x1f: {  	s9 =	smul.u32 $0xF7A, s1;
	s8 =	simm.s32 @!p0 $0x1BF5;
	p2 =	por !p2, p0  }
0x20: {  	[sflag:s8] =	ssyncset.s32 @!p0 $0xFFFFF086;
	s6 =	sadd.s32 @!p0 s3, s7;
	s7 =	simm.s32 @!p0 $0x108  }
0x21: {  	s3 =	sadd.s32 s3, s9;
	s6 =	sadd.s32 @!p0 $0x88, s6;
	s7 =	simm.s32 @p2 $0x1082  }
0x22: {  	[simem:s7], [sflag:s8] =	dma.local @!p0 [hbm:s6], $0xF7A  }
0x23: {  	s9 =	sor.u32 $0xD0000000, s2;
	s6 =	simm.s32 $0x108;
	_ =	swait.ge @!p0 [sflag:s8], $0x0  }
0x24: {  	s3 =	sadd.s32 $0x88, s3;
	s6 =	simm.s32 @!p1 $0x1082;
	[sflag:s4] =	ssyncset.s32 $0xFFFFF086  }
0x25: {  	[simem:s6], [sflag:s4] =	dma.local [hbm:s3], $0xF7A  }
0x26: {  	[smem:$0x3F88] =	sst s1;
	(tag) =	ssettag s2;
	_ =	strace s9  }
0x27: {  	s1 =	sld [smem:$0x3F98]  }
0x28: {  	s2 =	sld [smem:$0x3F99]  }
0x29: {  	s4 =	sld [smem:$0x3F9B]  }
0x2a: {  	p0 =	seq.s32 s5, $0x0;
	s5 =	sld [smem:$0x3F9C]  }
0x2b: {  	s6 =	sld [smem:$0x3F9D]  }
0x2c: {  	s7 =	sld [smem:$0x3F9E]  }
0x2d: {  	s3 =	simm.s32 $0x108;
	s8 =	sld [smem:$0x3F9F]  }
0x2e: {  	s3 =	simm.s32 @!p0 $0x1082;
	s9 =	sld [smem:$0x3FA0]  }
0x2f: {  	lr =	sadd.s32 s0, s3;
	s0 =	sld [smem:$0x3F97]  }
0x30: {  	s3 =	sld [smem:$0x3F9A]  }
0x31: {  	[smem:$0x3FA3] =	sst s10  }
0x32: {  	s10 =	sld [smem:$0x3FA1];
	_ =	sdelay $0x3  }
0x33: {  	p0 =	seq.s32 s10, $0x1;
	s10 =	sld [smem:$0x3FA3];
	_ =	sdelay $0x3  }
0x34: {  	[smem:$0x3FA3] =	sst s10  }
0x35: {  	s10 =	sld [smem:$0x3FA2];
	_ =	sdelay $0x3  }
0x36: {  	p1 =	seq.s32 s10, $0x1;
	s10 =	sld [smem:$0x3FA3];
	_ =	sdelay $0x3  }
0x37: {  	[smem:$0x3FA3] =	sst s10  }
0x38: {  	s10 =	sld [smem:$0x3FA4]  }
0x39: {  	_ = 	snop;
	(pc) =	sbr.ind lr, $3  }
0x3a: {  	_ = 	snop  }
0x3b: {  	_ = 	snop  }
0x3c: {  	p2 =	seq.s32 s10, $0x1;
	s10 =	sld [smem:$0x3FA3]  }
0x3d: {  	_ =	shalt  }
0x3e: {  	_ =	shalt  }
0x3f: {  	_ =	shalt  }
0x40: {  	_ =	shalt  }
0x41: {  	_ =	shalt  }
0x42: {  	_ =	shalt  }
0x43: {  	_ =	shalt  }
0x44: {  	_ =	shalt  }
0x45: {  	_ =	shalt  }
0x46: {  	_ =	shalt  }
0x47: {  	_ =	shalt  }
0x48: {  	_ =	shalt  }
0x49: {  	_ =	shalt  }
0x4a: {  	_ =	shalt  }
0x4b: {  	_ =	shalt  }
0x4c: {  	_ =	shalt  }
0x4d: {  	_ =	shalt  }
0x4e: {  	_ =	shalt  }
0x4f: {  	_ =	shalt  }
0x50: {  	_ =	shalt  }
0x51: {  	_ =	shalt  }
0x52: {  	_ =	shalt  }
0x53: {  	_ =	shalt  }
0x54: {  	_ =	shalt  }
0x55: {  	_ =	shalt  }
0x56: {  	_ =	shalt  }
0x57: {  	_ =	shalt  }
0x58: {  	_ =	shalt  }
0x59: {  	_ =	shalt  }
0x5a: {  	_ =	shalt  }
0x5b: {  	_ =	shalt  }
0x5c: {  	_ =	shalt  }
0x5d: {  	_ =	shalt  }
0x5e: {  	_ =	shalt  }
0x5f: {  	_ =	shalt  }
0x60: {  	_ =	shalt  }
0x61: {  	_ =	shalt  }
0x62: {  	_ =	shalt  }
0x63: {  	_ =	shalt  }
0x64: {  	_ =	shalt  }
0x65: {  	_ =	shalt  }
0x66: {  	_ =	shalt  }
0x67: {  	_ =	shalt  }
0x68: {  	_ =	shalt  }
0x69: {  	_ =	shalt  }
0x6a: {  	_ =	shalt  }
0x6b: {  	_ =	shalt  }
0x6c: {  	_ =	shalt  }
0x6d: {  	_ =	shalt  }
0x6e: {  	_ =	shalt  }
0x6f: {  	_ =	shalt  }
0x70: {  	_ =	shalt  }
0x71: {  	_ =	shalt  }
0x72: {  	_ =	shalt  }
0x73: {  	_ =	shalt  }
0x74: {  	_ =	shalt  }
0x75: {  	_ =	shalt  }
0x76: {  	_ =	shalt  }
0x77: {  	_ =	shalt  }
0x78: {  	_ =	shalt  }
0x79: {  	_ =	shalt  }
0x7a: {  	_ =	shalt  }
0x7b: {  	_ =	shalt  }
0x7c: {  	_ =	shalt  }
0x7d: {  	_ =	shalt  }
0x7e: {  	_ =	shalt  }
0x7f: {  	_ =	shalt  }
0x80: {  	_ =	shalt  }
0x81: {  	_ =	shalt  }
0x82: {  	_ =	shalt  }
0x83: {  	_ =	shalt  }
0x84: {  	_ =	shalt  }
0x85: {  	_ =	shalt  }
0x86: {  	_ =	shalt  }
0x87: {  	_ =	shalt  }
.Lfunc_end0:
.L_simem_size_0:
called_computation.2_lowered:
.L_overlay_start_0:
0x88: {  	s2 =	sld [smem:$0x3FD9]  }
0x89: {  	s3 =	sld [smem:$0x3FFE];
	_ =	sdelay $0x1  }
0x8a: {  	s1 =	srdreg.scid  }
0x8b: {  	s0 =	sand.u32 $0x1, s1  }
0x8c: {  	s16 =	sshll.u32 s0, $0xA;
	s2 =	sadd.s32 s3, s2  }
0x8d: {  	s2 =	sadd.s32 s2, s16  }
0x8e: {  	[smem:$0x3FAF] =	sst s2  }
0x8f: {  	_ = 	snop  }
0x90: {  	(tm) =	ssettm $0x1  }
0x91: {  	s17 =	sld [smem:$0x3FFB];
	_ =	sdelay $0x3  }
0x92: {  	_ =	strace s17  }
0x93: {  	s2 =	sld [smem:$0x3FFC];
	_ =	sdelay $0x3  }
0x94: {  	_ =	strace s2  }
0x95: {  	s2 =	sld [smem:$0x3FFD];
	_ =	sdelay $0x3  }
0x96: {  	_ =	strace s2  }
0x97: {  	_ =	strace $0x8FFFFFFF  }
0x98: {  	s18 =	sld [smem:$0x3FDB];
	_ =	sdelay $0x1  }
0x99: {  	s19 =	simm.s32 $_scs_section_size  }
0x9a: {  	s4 =	simm.s32 $_size__tile_overlayer_lowered;
	s5 =	simm.s32 $_tile_overlayer_lowered  }
0x9b: {  	s22 =	simm.s32 $0x1BFF;
	s21 =	sshll.u32 s5, $0x1;
	s2 =	sadd.s32 s19, s18  }
0x9c: {  	s6 =	simm.s32 $0x0;
	s20 =	sshll.u32 s4, $0x1;
	s4 =	sadd.s32 s21, s2  }
0x9d: {  	[timem:s6], [sflag:s22] =	dma.local [hbm:s4], s20  }
0x9e: {  	_ =	swait.ge [sflag:s22], s20  }
0x9f: {  	s3 =	ssub.s32 $0x0, s20;
	[sflag:s22] =	ssyncset.done $0x0  }
0xa0: {  	[sflag:s22] =	ssyncadd.s32 s3;
	_ =	sdelay $0x1  }
0xa1: {  	s23 =	simm.s32 $0x1B8B  }
0xa2: {  	_ =	swait.ge [sflag:s23], $0x1  }
0xa3: {  	[sflag:s23] =	ssyncset.done $0x0  }
0xa4: {  	s25 =	simm.s32 $0x1B8E;
	s24 =	sld [smem:$0x3FFE];
	[sflag:s23] =	ssyncadd.s32 $0xFFFFFFFF  }
0xa5: {  	s26 =	simm.s32 $execute0_lowered;
	[smem:$0x3FD2] =	sst s25  }
0xa6: {  	s4 =	sshll.u32 s26, $0x1;
	_ =	strace $0x8000004C;
	[dreg:$0x1] =	wrdreg $0xFFFFFFFF  }
0xa7: {  	s28 =	simm.s32 $_size_execute0_lowered;
	s2 =	sadd.s32 s2, s4;
	[dreg:$0x0] =	wrdreg $0x0  }
0xa8: {  	s4 =	sshll.u32 s28, $0x1;
	[dreg:$0x2] =	wrdreg s2  }
0xa9: {  	[dreg:$0x3] =	wrdreg s4  }
0xaa: {  	[dreg:$0x4] =	wrdreg $0xC0  }
0xab: {  	_ =	task [dreg:s6], $0x5FFFF  }
0xac: {  	[dreg:$0x1] =	wrdreg $0xFFFFFFFF  }
0xad: {  	[dreg:$0x0] =	wrdreg $0x60  }
0xae: {  	[dreg:$0x2] =	wrdreg s24  }
0xaf: {  	[dreg:$0x3] =	wrdreg $0xAC000  }
0xb0: {  	[dreg:$0x4] =	wrdreg $0x9  }
0xb1: {  	_ =	task.clear_ibuf [dreg:s6], $0x5FFFF;
	_ =	strace $0x9000004C  }
0xb2: {  	s29 =	simm.s32 $0x9;
	_ =	strace $0x8000004E  }
0xb3: {  	_ =	swait.ge [sflag:s29], $0x1  }
0xb4: {  	[sflag:s29] =	ssyncadd.s32 $0xFFFFFFFF  }
0xb5: {  	_ =	strace $0x9000004E  }
0xb6: {  	_ =	sfence  }
0xb7: {  	s30 =	sld [smem:$0x0];
	_ =	sdelay $0x2  }
0xb8: {  	s31 =	sshll.u32 s1, $0xD;
	s1 =	sshrl.u32 s1, $0x2  }
0xb9: {  	s3 =	sand.u32 $0x4000, s31;
	s1 =	sadd.s32 s1, s30  }
0xba: {  	s0 =	sor.u32 s3, s0;
	s1 =	sshll.u32 s1, $0x11  }
0xbb: {  	s0 =	sor.u32 s1, s0  }
0xbc: {  	s0 =	sadd.s32 $0x8F2B, s0  }
0xbd: {  	[sflag:s0] =	ssyncadd.remote.s32 $0x1  }
0xbe: {  	_ =	sfence.sel $0xFFFF  }
0xbf: {  	[dreg:$0x0] =	wrdreg $0xFFFFFFFF;
	(pc) =	sbr.abs _section_cstart, $3  }
0xc0: {  	[dreg:$0x1] =	wrdreg $0xFFFFFFFF  }
0xc1: {  	_ =	task.clear_ibuf [dreg:s6], $0x2FFFF;
	_ =	strace $0x9FFFFFFF  }
0xc2: {  	(tm) =	ssettm $0x7FFFFFFF  }
0xc3: {  	_ =	shalt  }
tec
execute0_lowered:
.L_overlay_start_1:
0x0: {  	(tag) =	ssettag $0x1  }
0x1: {  	s0 =	rddreg [dreg:$0x0]  }
0x2: {  	s2 =	rddreg [dreg:$0x1];
	s11 =	stileid.u32  }
0x3: {  	s4 =	srdreg.scid;
	s3 =	simm.s32 $0x0;
	s21 =	simm.s32 $0x80  }
0x4: {  	s22 =	simm.s32 $0x100;
	s23 =	simm.s32 $0x180;
	s24 =	simm.s32 $0x880  }
0x5: {  	s25 =	simm.s32 $0x200;
	s26 =	simm.s32 $0x900;
	s28 =	simm.s32 $0xA80  }
0x6: {  	s29 =	simm.s32 $0x400;
	s30 =	simm.s32 $0xB00;
	s31 =	simm.s32 $0x480  }
0x7: {  	s1 =	smul.u32 $0x1400, s11;
	s5 =	sand.u32 $0x1, s4;
	[smem:$0x7FF] =	sst s3  }
0x8: {  	s6 =	smul.u32 $0x2700, s11;
	_ =	strace $0x8000004D;
	[dreg:$0x5] =	wrdreg s21  }
0x9: {  	s4 =	sadd.s32 $0x53400, s0;
	s9 =	smul.u32 $0x4E000, s11;
	[dreg:$0x6] =	wrdreg s22  }
0xa: {  	s10 =	sadd.s32 $0x2C200, s0;
	s19 =	sshll.u32 s11, $0x6;
	[dreg:$0x7] =	wrdreg s23  }
0xb: {  	s11 =	simm.s32 $0x800;
	s7 =	smul.u32 $0x27100, s5;
	[dreg:$0x8] =	wrdreg s24  }
0xc: {  	s8 =	ssub.s32 $0x2, s5;
	s14 =	smul.u32 $0xA00, s5;
	[dreg:$0x9] =	wrdreg s25  }
0xd: {  	p0 =	seq.s32 s5, $0x0;
	[dreg:$0xa] =	wrdreg s26;
	s21 =	simm.s32 $0x6  }
0xe: {  	s22 =	simm.s32 $0x280;
	s23 =	simm.s32 $0x980;
	s24 =	simm.s32 $0x300  }
0xf: {  	s25 =	simm.s32 $0xA00;
	s26 =	simm.s32 $0x380;
	s5 =	simm.s32 $0xC80  }
0x10: {  	s1 =	sadd.s32 s1, s0;
	s12 =	sshrl.u32 s8, $0x1;
	s13 =	sshrl.u32 s9, $0x2  }
0x11: {  	s10 =	smov.u32 @p0 s4;
	s9 =	simm.s32 $0x0;
	s7 =	sadd.s32 s6, s7  }
0x12: {  	s15 =	sadd.s32 s13, s2;
	s17 =	sadd.s32 s14, s1;
	s18 =	sadd.s32 s10, s6  }
0x13: {  	s10 =	simm.s32 $0x7;
	s13 =	simm.s32 $0x1000;
	s14 =	simm.s32 $0x4400  }
0x14: {  	s1 =	simm.s32 $0xC00;
	s0 =	sadd.s32 s7, s0;
	s7 =	ssub.s32 s8, s12  }
0x15: {  	[dreg:$0xd] =	wrdreg s18;
	s20 =	sadd.s32 $0x18200, s17;
	s8 =	sshrl.u32 s15, $0x3  }
0x16: {  	s12 =	simm.s32 $0x64;
	s15 =	simm.s32 $0x7800;
	[dreg:$0x3] =	wrdreg s20  }
0x17: {  	s18 =	simm.s32 $0x2;
	s0 =	sadd.s32 $0x7A600, s0;
	[dreg:$0xf] =	wrdreg s8  }
0x18: {  	s16 =	smax.u32 s7, $0x1;
	s7 =	sor.u32 $0x1C07, s19;
	[dreg:$0xb] =	wrdreg s0  }
0x19: {  	s19 =	simm.s32 $0x5;
	s20 =	simm.s32 $0x3;
	[dreg:$0xc] =	wrdreg s16  }
0x1a: {  	s0 =	sadd.s32 $0x4200, s17;
	s16 =	simm.s32 $0x1;
	[dreg:$0xe] =	wrdreg s7  }
0x1b: {  	s17 =	simm.s32 $0x4;
	[dreg:$0x4] =	wrdreg s0;
	s0 =	simm.s32 $0xB80  }
.LBB2_1:
0x1c: {  	[dreg:$0x10] =	wrdreg s9  }
0x1d: {  	s6 =	rddreg [dreg:$0xd]  }
0x1e: {  	[spmem:s8], [sflag:s7] =	dma.local [hbm:s6], $0x2800  }
0x1f: {  	_ =	swait.ge [sflag:s10], $0x2800  }
0x20: {  	[sflag:s10] =	ssyncset.done $0x0  }
0x21: {  	[sflag:s10] =	ssyncadd.s32 $0xFFFFD800  }
0x22: {  	[bflag:$0x0] =	sbarrier.arrive $0xFFFF  }
0x23: {  	s6 =	rddreg [dreg:$0x4]  }
0x24: {  	s7 =	sadd.s32 $0x0, s6  }
0x25: {  	[tilespmem:s3], [sflag:$0x7] =	stream.linear.gather [hbm4b:s7+s3], $0x500, $0x38;
	[tilespmem:$0x1E480] =	vst v63  }
0x26: {  	_ =	swait.ge [sflag:s10], $0x500  }
0x27: {  	s8 =	rddreg [dreg:$0x3];
	[sflag:s10] =	ssyncset.done $0x0  }
0x28: {  	[sflag:s10] =	ssyncadd.s32 $0xFFFFFB00;
	s7 =	sadd.s32 $0x0, s8  }
0x29: {  	[tilespmem:s11], [sflag:$0x7] =	stream.linear.gather [hbm4b:s7+s3], $0x500, $0x38;
	[tilespmem:$0x1E480] =	vst v63  }
0x2a: {  	_ =	swait.ge [sflag:s10], $0x500  }
0x2b: {  	[sflag:s10] =	ssyncset.done $0x0  }
0x2c: {  	[sflag:s10] =	ssyncadd.s32 $0xFFFFFB00  }
0x2d: {  	[tilespmem:s13], [sflag:$0x1] =	stream.indirect.gather [hbm4b:s4+s12], $0x80, s3, s12, $0xb8;
	[tilespmem:$0x1E480] =	vst v63  }
0x2e: {  	s9 =	rddreg [dreg:$0x5]  }
0x2f: {  	[tilespmem:s14], [sflag:$0x2] =	stream.indirect.gather [hbm4b:s4+s12], $0x80, s9, s12, $0xb8;
	[tilespmem:$0x1E480] =	vst v63  }
0x30: {  	s6 =	rddreg [dreg:$0x6]  }
0x31: {  	[tilespmem:s15], [sflag:$0x3] =	stream.indirect.gather [hbm4b:s4+s12], $0x80, s6, s12, $0xb8;
	[tilespmem:$0x1E480] =	vst v63  }
0x32: {  	_ =	swait.ge [sflag:s16], $0x3200  }
0x33: {  	[sflag:s16] =	ssyncset.done $0x0  }
0x34: {  	[sflag:s16] =	ssyncadd.s32 $0xFFFFCE00  }
0x35: {  	[spmem:s2] =	stream.indirect.scatter.add.f32 [tilespmem:s13], [sflag:$0x4], $0x80, s11, s12, $0xb8;
	[tilespmem:$0x1E480] =	vst v63  }
0x36: {  	_ =	swait.ge [sflag:s17], $0x3200  }
0x37: {  	[sflag:s17] =	ssyncset.done $0x0  }
0x38: {  	s9 =	rddreg [dreg:$0x7];
	[sflag:s17] =	ssyncadd.s32 $0xFFFFCE00  }
0x39: {  	[tilespmem:s13], [sflag:$0x1] =	stream.indirect.gather [hbm4b:s4+s12], $0x80, s9, s12, $0xb8;
	[tilespmem:$0x1E480] =	vst v63  }
0x3a: {  	_ =	swait.ge [sflag:s18], $0x3200  }
0x3b: {  	[sflag:s18] =	ssyncset.done $0x0  }
0x3c: {  	s6 =	rddreg [dreg:$0x8];
	[sflag:s18] =	ssyncadd.s32 $0xFFFFCE00  }
0x3d: {  	[spmem:s2] =	stream.indirect.scatter.add.f32 [tilespmem:s14], [sflag:$0x5], $0x80, s6, s12, $0xb8;
	[tilespmem:$0x1E480] =	vst v63  }
0x3e: {  	_ =	swait.ge [sflag:s19], $0x3200  }
0x3f: {  	[sflag:s19] =	ssyncset.done $0x0  }
0x40: {  	s8 =	rddreg [dreg:$0x9];
	[sflag:s19] =	ssyncadd.s32 $0xFFFFCE00  }
0x41: {  	[tilespmem:s14], [sflag:$0x2] =	stream.indirect.gather [hbm4b:s4+s12], $0x80, s8, s12, $0xb8;
	[tilespmem:$0x1E480] =	vst v63  }
0x42: {  	_ =	swait.ge [sflag:s20], $0x3200  }
0x43: {  	[sflag:s20] =	ssyncset.done $0x0  }
0x44: {  	s9 =	rddreg [dreg:$0xa];
	[sflag:s20] =	ssyncadd.s32 $0xFFFFCE00  }
0x45: {  	[spmem:s2] =	stream.indirect.scatter.add.f32 [tilespmem:s15], [sflag:$0x6], $0x80, s9, s12, $0xb8;
	[tilespmem:$0x1E480] =	vst v63  }
0x46: {  	_ =	swait.ge [sflag:s21], $0x3200  }
0x47: {  	[sflag:s21] =	ssyncset.done $0x0  }
0x48: {  	[sflag:s21] =	ssyncadd.s32 $0xFFFFCE00  }
0x49: {  	[tilespmem:s15], [sflag:$0x3] =	stream.indirect.gather [hbm4b:s4+s12], $0x80, s22, s12, $0xb8;
	[tilespmem:$0x1E480] =	vst v63  }
0x4a: {  	_ =	swait.ge [sflag:s16], $0x3200  }
0x4b: {  	[sflag:s16] =	ssyncset.done $0x0  }
0x4c: {  	[sflag:s16] =	ssyncadd.s32 $0xFFFFCE00  }
0x4d: {  	[spmem:s2] =	stream.indirect.scatter.add.f32 [tilespmem:s13], [sflag:$0x4], $0x80, s23, s12, $0xb8;
	[tilespmem:$0x1E480] =	vst v63  }
0x4e: {  	_ =	swait.ge [sflag:s17], $0x3200  }
0x4f: {  	[sflag:s17] =	ssyncset.done $0x0  }
0x50: {  	[sflag:s17] =	ssyncadd.s32 $0xFFFFCE00  }
0x51: {  	[tilespmem:s13], [sflag:$0x1] =	stream.indirect.gather [hbm4b:s4+s12], $0x80, s24, s12, $0xb8;
	[tilespmem:$0x1E480] =	vst v63  }
0x52: {  	_ =	swait.ge [sflag:s18], $0x3200  }
0x53: {  	[sflag:s18] =	ssyncset.done $0x0  }
0x54: {  	[sflag:s18] =	ssyncadd.s32 $0xFFFFCE00  }
0x55: {  	[spmem:s2] =	stream.indirect.scatter.add.f32 [tilespmem:s14], [sflag:$0x5], $0x80, s25, s12, $0xb8;
	[tilespmem:$0x1E480] =	vst v63  }
0x56: {  	_ =	swait.ge [sflag:s19], $0x3200  }
0x57: {  	[sflag:s19] =	ssyncset.done $0x0  }
0x58: {  	[sflag:s19] =	ssyncadd.s32 $0xFFFFCE00  }
0x59: {  	[tilespmem:s14], [sflag:$0x2] =	stream.indirect.gather [hbm4b:s4+s12], $0x80, s26, s12, $0xb8;
	[tilespmem:$0x1E480] =	vst v63  }
0x5a: {  	_ =	swait.ge [sflag:s20], $0x3200  }
0x5b: {  	[sflag:s20] =	ssyncset.done $0x0  }
0x5c: {  	[sflag:s20] =	ssyncadd.s32 $0xFFFFCE00  }
0x5d: {  	[spmem:s2] =	stream.indirect.scatter.add.f32 [tilespmem:s15], [sflag:$0x6], $0x80, s28, s12, $0xb8;
	[tilespmem:$0x1E480] =	vst v63  }
0x5e: {  	_ =	swait.ge [sflag:s21], $0x3200  }
0x5f: {  	[sflag:s21] =	ssyncset.done $0x0  }
0x60: {  	[sflag:s21] =	ssyncadd.s32 $0xFFFFCE00  }
0x61: {  	[tilespmem:s15], [sflag:$0x3] =	stream.indirect.gather [hbm4b:s4+s12], $0x80, s29, s12, $0xb8;
	[tilespmem:$0x1E480] =	vst v63  }
0x62: {  	_ =	swait.ge [sflag:s16], $0x3200  }
0x63: {  	[sflag:s16] =	ssyncset.done $0x0  }
0x64: {  	[sflag:s16] =	ssyncadd.s32 $0xFFFFCE00  }
0x65: {  	[spmem:s2] =	stream.indirect.scatter.add.f32 [tilespmem:s13], [sflag:$0x4], $0x80, s30, s12, $0xb8;
	[tilespmem:$0x1E480] =	vst v63  }
0x66: {  	_ =	swait.ge [sflag:s17], $0x3200  }
0x67: {  	[sflag:s17] =	ssyncset.done $0x0  }
0x68: {  	[sflag:s17] =	ssyncadd.s32 $0xFFFFCE00  }
0x69: {  	[tilespmem:s13], [sflag:$0x1] =	stream.indirect.gather [hbm4b:s4+s12], $0x80, s31, s12, $0xb8;
	[tilespmem:$0x1E480] =	vst v63  }
0x6a: {  	_ =	swait.ge [sflag:s18], $0x3200  }
0x6b: {  	[sflag:s18] =	ssyncset.done $0x0  }
0x6c: {  	[sflag:s18] =	ssyncadd.s32 $0xFFFFCE00  }
0x6d: {  	[spmem:s2] =	stream.indirect.scatter.add.f32 [tilespmem:s14], [sflag:$0x5], $0x80, s0, s12, $0xb8;
	[tilespmem:$0x1E480] =	vst v63  }
0x6e: {  	_ =	swait.ge [sflag:s20], $0x3200  }
0x6f: {  	[sflag:s20] =	ssyncset.done $0x0  }
0x70: {  	[sflag:s20] =	ssyncadd.s32 $0xFFFFCE00  }
0x71: {  	[spmem:s2] =	stream.indirect.scatter.add.f32 [tilespmem:s15], [sflag:$0x6], $0x80, s1, s12, $0xb8;
	[tilespmem:$0x1E480] =	vst v63  }
0x72: {  	_ =	swait.ge [sflag:s16], $0x3200  }
0x73: {  	[sflag:s16] =	ssyncset.done $0x0  }
0x74: {  	[sflag:s16] =	ssyncadd.s32 $0xFFFFCE00  }
0x75: {  	[spmem:s2] =	stream.indirect.scatter.add.f32 [tilespmem:s13], [sflag:$0x4], $0x80, s5, s12, $0xb8;
	[tilespmem:$0x1E480] =	vst v63  }
0x76: {  	_ =	swait.ge [sflag:s19], $0x3200  }
0x77: {  	[sflag:s19] =	ssyncset.done $0x0  }
0x78: {  	[sflag:s19] =	ssyncadd.s32 $0xFFFFCE00  }
0x79: {  	_ =	swait.ge [sflag:s21], $0x3200  }
0x7a: {  	[sflag:s21] =	ssyncset.done $0x0  }
0x7b: {  	[sflag:s21] =	ssyncadd.s32 $0xFFFFCE00  }
0x7c: {  	s7 =	simm.s32 $0x100;
	_ =	swait.ge [sflag:s17], $0x3200  }
0x7d: {  	s8 =	simm.s32 $0x200;
	s9 =	rddreg [dreg:$0x4];
	[sflag:s17] =	ssyncset.done $0x0  }
.LBB2_2:
0x7e: {  	[sflag:s17] =	ssyncadd.s32 $0xFFFFCE00;
	s9 =	sadd.s32 s7, s9  }
0x7f: {  	[tilespmem:s3], [sflag:$0x7] =	stream.linear.gather [hbm4b:s9+s3], $0x500, $0x38;
	[tilespmem:$0x1E480] =	vst v63  }
0x80: {  	_ =	swait.ge [sflag:s10], $0x500  }
0x81: {  	s9 =	rddreg [dreg:$0x3];
	[sflag:s10] =	ssyncset.done $0x0  }
0x82: {  	[sflag:s10] =	ssyncadd.s32 $0xFFFFFB00;
	s9 =	sadd.s32 s7, s9  }
0x83: {  	[tilespmem:s11], [sflag:$0x7] =	stream.linear.gather [hbm4b:s9+s3], $0x500, $0x38;
	[tilespmem:$0x1E480] =	vst v63  }
0x84: {  	_ =	swait.ge [sflag:s10], $0x500  }
0x85: {  	[sflag:s10] =	ssyncset.done $0x0  }
0x86: {  	s6 =	smov.u32 s8;
	[sflag:s10] =	ssyncadd.s32 $0xFFFFFB00  }
0x87: {  	[tilespmem:s13], [sflag:$0x1] =	stream.indirect.gather [hbm4b:s4+s12], $0x80, s3, s12, $0xb8;
	[tilespmem:$0x1E480] =	vst v63  }
0x88: {  	s7 =	smov.u32 s6;
	s6 =	rddreg [dreg:$0x5]  }
0x89: {  	[tilespmem:s14], [sflag:$0x2] =	stream.indirect.gather [hbm4b:s4+s12], $0x80, s6, s12, $0xb8;
	[tilespmem:$0x1E480] =	vst v63  }
0x8a: {  	s9 =	rddreg [dreg:$0x6]  }
0x8b: {  	[tilespmem:s15], [sflag:$0x3] =	stream.indirect.gather [hbm4b:s4+s12], $0x80, s9, s12, $0xb8;
	[tilespmem:$0x1E480] =	vst v63  }
0x8c: {  	_ =	swait.ge [sflag:s16], $0x3200  }
0x8d: {  	[sflag:s16] =	ssyncset.done $0x0  }
0x8e: {  	[sflag:s16] =	ssyncadd.s32 $0xFFFFCE00  }
0x8f: {  	[spmem:s2] =	stream.indirect.scatter.add.f32 [tilespmem:s13], [sflag:$0x4], $0x80, s11, s12, $0xb8;
	[tilespmem:$0x1E480] =	vst v63  }
0x90: {  	_ =	swait.ge [sflag:s17], $0x3200  }
0x91: {  	[sflag:s17] =	ssyncset.done $0x0  }
0x92: {  	s9 =	rddreg [dreg:$0x7];
	[sflag:s17] =	ssyncadd.s32 $0xFFFFCE00  }
0x93: {  	[tilespmem:s13], [sflag:$0x1] =	stream.indirect.gather [hbm4b:s4+s12], $0x80, s9, s12, $0xb8;
	[tilespmem:$0x1E480] =	vst v63  }
0x94: {  	_ =	swait.ge [sflag:s18], $0x3200  }
0x95: {  	[sflag:s18] =	ssyncset.done $0x0  }
0x96: {  	s9 =	rddreg [dreg:$0x8];
	[sflag:s18] =	ssyncadd.s32 $0xFFFFCE00  }
0x97: {  	[spmem:s2] =	stream.indirect.scatter.add.f32 [tilespmem:s14], [sflag:$0x5], $0x80, s9, s12, $0xb8;
	[tilespmem:$0x1E480] =	vst v63  }
0x98: {  	_ =	swait.ge [sflag:s19], $0x3200  }
0x99: {  	[sflag:s19] =	ssyncset.done $0x0  }
0x9a: {  	s9 =	rddreg [dreg:$0x9];
	[sflag:s19] =	ssyncadd.s32 $0xFFFFCE00  }
0x9b: {  	[tilespmem:s14], [sflag:$0x2] =	stream.indirect.gather [hbm4b:s4+s12], $0x80, s9, s12, $0xb8;
	[tilespmem:$0x1E480] =	vst v63  }
0x9c: {  	_ =	swait.ge [sflag:s20], $0x3200  }
0x9d: {  	[sflag:s20] =	ssyncset.done $0x0  }
0x9e: {  	s9 =	rddreg [dreg:$0xa];
	[sflag:s20] =	ssyncadd.s32 $0xFFFFCE00  }
0x9f: {  	[spmem:s2] =	stream.indirect.scatter.add.f32 [tilespmem:s15], [sflag:$0x6], $0x80, s9, s12, $0xb8;
	[tilespmem:$0x1E480] =	vst v63  }
0xa0: {  	_ =	swait.ge [sflag:s21], $0x3200  }
0xa1: {  	[sflag:s21] =	ssyncset.done $0x0  }
0xa2: {  	[sflag:s21] =	ssyncadd.s32 $0xFFFFCE00  }
0xa3: {  	[tilespmem:s15], [sflag:$0x3] =	stream.indirect.gather [hbm4b:s4+s12], $0x80, s22, s12, $0xb8;
	[tilespmem:$0x1E480] =	vst v63  }
0xa4: {  	_ =	swait.ge [sflag:s16], $0x3200  }
0xa5: {  	[sflag:s16] =	ssyncset.done $0x0  }
0xa6: {  	[sflag:s16] =	ssyncadd.s32 $0xFFFFCE00  }
0xa7: {  	[spmem:s2] =	stream.indirect.scatter.add.f32 [tilespmem:s13], [sflag:$0x4], $0x80, s23, s12, $0xb8;
	[tilespmem:$0x1E480] =	vst v63  }
0xa8: {  	_ =	swait.ge [sflag:s17], $0x3200  }
0xa9: {  	[sflag:s17] =	ssyncset.done $0x0  }
0xaa: {  	[sflag:s17] =	ssyncadd.s32 $0xFFFFCE00  }
0xab: {  	[tilespmem:s13], [sflag:$0x1] =	stream.indirect.gather [hbm4b:s4+s12], $0x80, s24, s12, $0xb8;
	[tilespmem:$0x1E480] =	vst v63  }
0xac: {  	_ =	swait.ge [sflag:s18], $0x3200  }
0xad: {  	[sflag:s18] =	ssyncset.done $0x0  }
0xae: {  	[sflag:s18] =	ssyncadd.s32 $0xFFFFCE00  }
0xaf: {  	[spmem:s2] =	stream.indirect.scatter.add.f32 [tilespmem:s14], [sflag:$0x5], $0x80, s25, s12, $0xb8;
	[tilespmem:$0x1E480] =	vst v63  }
0xb0: {  	_ =	swait.ge [sflag:s19], $0x3200  }
0xb1: {  	[sflag:s19] =	ssyncset.done $0x0  }
0xb2: {  	[sflag:s19] =	ssyncadd.s32 $0xFFFFCE00  }
0xb3: {  	[tilespmem:s14], [sflag:$0x2] =	stream.indirect.gather [hbm4b:s4+s12], $0x80, s26, s12, $0xb8;
	[tilespmem:$0x1E480] =	vst v63  }
0xb4: {  	_ =	swait.ge [sflag:s20], $0x3200  }
0xb5: {  	[sflag:s20] =	ssyncset.done $0x0  }
0xb6: {  	[sflag:s20] =	ssyncadd.s32 $0xFFFFCE00  }
0xb7: {  	[spmem:s2] =	stream.indirect.scatter.add.f32 [tilespmem:s15], [sflag:$0x6], $0x80, s28, s12, $0xb8;
	[tilespmem:$0x1E480] =	vst v63  }
0xb8: {  	_ =	swait.ge [sflag:s21], $0x3200  }
0xb9: {  	[sflag:s21] =	ssyncset.done $0x0  }
0xba: {  	[sflag:s21] =	ssyncadd.s32 $0xFFFFCE00  }
0xbb: {  	[tilespmem:s15], [sflag:$0x3] =	stream.indirect.gather [hbm4b:s4+s12], $0x80, s29, s12, $0xb8;
	[tilespmem:$0x1E480] =	vst v63  }
0xbc: {  	_ =	swait.ge [sflag:s16], $0x3200  }
0xbd: {  	[sflag:s16] =	ssyncset.done $0x0  }
0xbe: {  	[sflag:s16] =	ssyncadd.s32 $0xFFFFCE00  }
0xbf: {  	[spmem:s2] =	stream.indirect.scatter.add.f32 [tilespmem:s13], [sflag:$0x4], $0x80, s30, s12, $0xb8;
	[tilespmem:$0x1E480] =	vst v63  }
0xc0: {  	_ =	swait.ge [sflag:s17], $0x3200  }
0xc1: {  	[sflag:s17] =	ssyncset.done $0x0  }
0xc2: {  	[sflag:s17] =	ssyncadd.s32 $0xFFFFCE00  }
0xc3: {  	[tilespmem:s13], [sflag:$0x1] =	stream.indirect.gather [hbm4b:s4+s12], $0x80, s31, s12, $0xb8;
	[tilespmem:$0x1E480] =	vst v63  }
0xc4: {  	_ =	swait.ge [sflag:s18], $0x3200  }
0xc5: {  	[sflag:s18] =	ssyncset.done $0x0  }
0xc6: {  	[sflag:s18] =	ssyncadd.s32 $0xFFFFCE00  }
0xc7: {  	[spmem:s2] =	stream.indirect.scatter.add.f32 [tilespmem:s14], [sflag:$0x5], $0x80, s0, s12, $0xb8;
	[tilespmem:$0x1E480] =	vst v63  }
0xc8: {  	_ =	swait.ge [sflag:s20], $0x3200  }
0xc9: {  	[sflag:s20] =	ssyncset.done $0x0  }
0xca: {  	[sflag:s20] =	ssyncadd.s32 $0xFFFFCE00  }
0xcb: {  	[spmem:s2] =	stream.indirect.scatter.add.f32 [tilespmem:s15], [sflag:$0x6], $0x80, s1, s12, $0xb8;
	[tilespmem:$0x1E480] =	vst v63  }
0xcc: {  	_ =	swait.ge [sflag:s16], $0x3200  }
0xcd: {  	[sflag:s16] =	ssyncset.done $0x0  }
0xce: {  	[sflag:s16] =	ssyncadd.s32 $0xFFFFCE00  }
0xcf: {  	[spmem:s2] =	stream.indirect.scatter.add.f32 [tilespmem:s13], [sflag:$0x4], $0x80, s5, s12, $0xb8;
	[tilespmem:$0x1E480] =	vst v63  }
0xd0: {  	_ =	swait.ge [sflag:s19], $0x3200  }
0xd1: {  	[sflag:s19] =	ssyncset.done $0x0  }
0xd2: {  	p0 =	sne.s32 s8, $0x900;
	[sflag:s19] =	ssyncadd.s32 $0xFFFFCE00  }
.Ltmp0:
0xd3: {  	_ =	swait.ge [sflag:s21], $0x3200;
	(pc) =	sbr.rel @p0 .LBB2_2-.Ltmp0, $4  }
0xd4: {  	[sflag:s21] =	ssyncset.done $0x0  }
0xd5: {  	[sflag:s21] =	ssyncadd.s32 $0xFFFFCE00  }
0xd6: {  	_ =	swait.ge [sflag:s17], $0x3200  }
0xd7: {  	s8 =	sadd.s32 $0x100, s8;
	s9 =	rddreg [dreg:$0x4];
	[sflag:s17] =	ssyncset.done $0x0  }
0xd8: {  	[sflag:s17] =	ssyncadd.s32 $0xFFFFCE00;
	s6 =	sadd.s32 s7, s9  }
0xd9: {  	[tilespmem:s3], [sflag:$0x7] =	stream.linear.gather [hbm4b:s6+s3], $0x500, $0x38;
	[tilespmem:$0x1E480] =	vst v63  }
0xda: {  	_ =	swait.ge [sflag:s10], $0x500  }
0xdb: {  	s9 =	rddreg [dreg:$0x3];
	[sflag:s10] =	ssyncset.done $0x0  }
0xdc: {  	[sflag:s10] =	ssyncadd.s32 $0xFFFFFB00;
	s6 =	sadd.s32 s7, s9  }
0xdd: {  	[tilespmem:s11], [sflag:$0x7] =	stream.linear.gather [hbm4b:s6+s3], $0x500, $0x38;
	[tilespmem:$0x1E480] =	vst v63  }
0xde: {  	_ =	swait.ge [sflag:s10], $0x500  }
0xdf: {  	[sflag:s10] =	ssyncset.done $0x0  }
0xe0: {  	[sflag:s10] =	ssyncadd.s32 $0xFFFFFB00  }
0xe1: {  	[tilespmem:s13], [sflag:$0x1] =	stream.indirect.gather [hbm4b:s4+s12], $0x80, s3, s12, $0xb8;
	[tilespmem:$0x1E480] =	vst v63  }
0xe2: {  	s8 =	rddreg [dreg:$0x5]  }
0xe3: {  	[tilespmem:s14], [sflag:$0x2] =	stream.indirect.gather [hbm4b:s4+s12], $0x80, s8, s12, $0xb8;
	[tilespmem:$0x1E480] =	vst v63  }
0xe4: {  	s9 =	rddreg [dreg:$0x6]  }
0xe5: {  	[tilespmem:s15], [sflag:$0x3] =	stream.indirect.gather [hbm4b:s4+s12], $0x80, s9, s12, $0xb8;
	[tilespmem:$0x1E480] =	vst v63  }
0xe6: {  	_ =	swait.ge [sflag:s16], $0x3200  }
0xe7: {  	[sflag:s16] =	ssyncset.done $0x0  }
0xe8: {  	[sflag:s16] =	ssyncadd.s32 $0xFFFFCE00  }
0xe9: {  	[spmem:s2] =	stream.indirect.scatter.add.f32 [tilespmem:s13], [sflag:$0x4], $0x80, s11, s12, $0xb8;
	[tilespmem:$0x1E480] =	vst v63  }
0xea: {  	_ =	swait.ge [sflag:s17], $0x3200  }
0xeb: {  	[sflag:s17] =	ssyncset.done $0x0  }
0xec: {  	s8 =	rddreg [dreg:$0x7];
	[sflag:s17] =	ssyncadd.s32 $0xFFFFCE00  }
0xed: {  	[tilespmem:s13], [sflag:$0x1] =	stream.indirect.gather [hbm4b:s4+s12], $0x80, s8, s12, $0xb8;
	[tilespmem:$0x1E480] =	vst v63  }
0xee: {  	_ =	swait.ge [sflag:s18], $0x3200  }
0xef: {  	[sflag:s18] =	ssyncset.done $0x0  }
0xf0: {  	s9 =	rddreg [dreg:$0x8];
	[sflag:s18] =	ssyncadd.s32 $0xFFFFCE00  }
0xf1: {  	[spmem:s2] =	stream.indirect.scatter.add.f32 [tilespmem:s14], [sflag:$0x5], $0x80, s9, s12, $0xb8;
	[tilespmem:$0x1E480] =	vst v63  }
0xf2: {  	_ =	swait.ge [sflag:s19], $0x3200  }
0xf3: {  	[sflag:s19] =	ssyncset.done $0x0  }
0xf4: {  	s7 =	rddreg [dreg:$0x9];
	[sflag:s19] =	ssyncadd.s32 $0xFFFFCE00  }
0xf5: {  	[tilespmem:s14], [sflag:$0x2] =	stream.indirect.gather [hbm4b:s4+s12], $0x80, s7, s12, $0xb8;
	[tilespmem:$0x1E480] =	vst v63  }
0xf6: {  	_ =	swait.ge [sflag:s20], $0x3200  }
0xf7: {  	[sflag:s20] =	ssyncset.done $0x0  }
0xf8: {  	s8 =	rddreg [dreg:$0xa];
	[sflag:s20] =	ssyncadd.s32 $0xFFFFCE00  }
0xf9: {  	[spmem:s2] =	stream.indirect.scatter.add.f32 [tilespmem:s15], [sflag:$0x6], $0x80, s8, s12, $0xb8;
	[tilespmem:$0x1E480] =	vst v63  }
0xfa: {  	_ =	swait.ge [sflag:s21], $0x3200  }
0xfb: {  	[sflag:s21] =	ssyncset.done $0x0  }
0xfc: {  	[sflag:s21] =	ssyncadd.s32 $0xFFFFCE00  }
0xfd: {  	[tilespmem:s15], [sflag:$0x3] =	stream.indirect.gather [hbm4b:s4+s12], $0x80, s22, s12, $0xb8;
	[tilespmem:$0x1E480] =	vst v63  }
0xfe: {  	_ =	swait.ge [sflag:s16], $0x3200  }
0xff: {  	[sflag:s16] =	ssyncset.done $0x0  }
0x100: {  	[sflag:s16] =	ssyncadd.s32 $0xFFFFCE00  }
0x101: {  	[spmem:s2] =	stream.indirect.scatter.add.f32 [tilespmem:s13], [sflag:$0x4], $0x80, s23, s12, $0xb8;
	[tilespmem:$0x1E480] =	vst v63  }
0x102: {  	_ =	swait.ge [sflag:s17], $0x3200  }
0x103: {  	[sflag:s17] =	ssyncset.done $0x0  }
0x104: {  	[sflag:s17] =	ssyncadd.s32 $0xFFFFCE00  }
0x105: {  	[tilespmem:s13], [sflag:$0x1] =	stream.indirect.gather [hbm4b:s4+s12], $0x80, s24, s12, $0xb8;
	[tilespmem:$0x1E480] =	vst v63  }
0x106: {  	_ =	swait.ge [sflag:s18], $0x3200  }
0x107: {  	[sflag:s18] =	ssyncset.done $0x0  }
0x108: {  	[sflag:s18] =	ssyncadd.s32 $0xFFFFCE00  }
0x109: {  	[spmem:s2] =	stream.indirect.scatter.add.f32 [tilespmem:s14], [sflag:$0x5], $0x80, s25, s12, $0xb8;
	[tilespmem:$0x1E480] =	vst v63  }
0x10a: {  	_ =	swait.ge [sflag:s19], $0x3200  }
0x10b: {  	[sflag:s19] =	ssyncset.done $0x0  }
0x10c: {  	[sflag:s19] =	ssyncadd.s32 $0xFFFFCE00  }
0x10d: {  	[tilespmem:s14], [sflag:$0x2] =	stream.indirect.gather [hbm4b:s4+s12], $0x80, s26, s12, $0xb8;
	[tilespmem:$0x1E480] =	vst v63  }
0x10e: {  	_ =	swait.ge [sflag:s20], $0x3200  }
0x10f: {  	[sflag:s20] =	ssyncset.done $0x0  }
0x110: {  	[sflag:s20] =	ssyncadd.s32 $0xFFFFCE00  }
0x111: {  	[spmem:s2] =	stream.indirect.scatter.add.f32 [tilespmem:s15], [sflag:$0x6], $0x80, s28, s12, $0xb8;
	[tilespmem:$0x1E480] =	vst v63  }
0x112: {  	_ =	swait.ge [sflag:s21], $0x3200  }
0x113: {  	[sflag:s21] =	ssyncset.done $0x0  }
0x114: {  	[sflag:s21] =	ssyncadd.s32 $0xFFFFCE00  }
0x115: {  	[tilespmem:s15], [sflag:$0x3] =	stream.indirect.gather [hbm4b:s4+s12], $0x80, s29, s12, $0xb8;
	[tilespmem:$0x1E480] =	vst v63  }
0x116: {  	_ =	swait.ge [sflag:s16], $0x3200  }
0x117: {  	[sflag:s16] =	ssyncset.done $0x0  }
0x118: {  	[sflag:s16] =	ssyncadd.s32 $0xFFFFCE00  }
0x119: {  	[spmem:s2] =	stream.indirect.scatter.add.f32 [tilespmem:s13], [sflag:$0x4], $0x80, s30, s12, $0xb8;
	[tilespmem:$0x1E480] =	vst v63  }
0x11a: {  	_ =	swait.ge [sflag:s17], $0x3200  }
0x11b: {  	[sflag:s17] =	ssyncset.done $0x0  }
0x11c: {  	[sflag:s17] =	ssyncadd.s32 $0xFFFFCE00  }
0x11d: {  	[tilespmem:s13], [sflag:$0x1] =	stream.indirect.gather [hbm4b:s4+s12], $0x80, s31, s12, $0xb8;
	[tilespmem:$0x1E480] =	vst v63  }
0x11e: {  	_ =	swait.ge [sflag:s18], $0x3200  }
0x11f: {  	[sflag:s18] =	ssyncset.done $0x0  }
0x120: {  	[sflag:s18] =	ssyncadd.s32 $0xFFFFCE00  }
0x121: {  	[spmem:s2] =	stream.indirect.scatter.add.f32 [tilespmem:s14], [sflag:$0x5], $0x80, s0, s12, $0xb8;
	[tilespmem:$0x1E480] =	vst v63  }
0x122: {  	_ =	swait.ge [sflag:s20], $0x3200  }
0x123: {  	[sflag:s20] =	ssyncset.done $0x0  }
0x124: {  	[sflag:s20] =	ssyncadd.s32 $0xFFFFCE00  }
0x125: {  	[spmem:s2] =	stream.indirect.scatter.add.f32 [tilespmem:s15], [sflag:$0x6], $0x80, s1, s12, $0xb8;
	[tilespmem:$0x1E480] =	vst v63  }
0x126: {  	_ =	swait.ge [sflag:s16], $0x3200  }
0x127: {  	[sflag:s16] =	ssyncset.done $0x0  }
0x128: {  	[sflag:s16] =	ssyncadd.s32 $0xFFFFCE00  }
0x129: {  	[spmem:s2] =	stream.indirect.scatter.add.f32 [tilespmem:s13], [sflag:$0x4], $0x80, s5, s12, $0xb8;
	[tilespmem:$0x1E480] =	vst v63  }
0x12a: {  	_ =	swait.ge [sflag:s19], $0x3200  }
0x12b: {  	[sflag:s19] =	ssyncset.done $0x0  }
0x12c: {  	[sflag:s19] =	ssyncadd.s32 $0xFFFFCE00  }
0x12d: {  	_ =	swait.ge [sflag:s21], $0x3200  }
0x12e: {  	[sflag:s21] =	ssyncset.done $0x0  }
0x12f: {  	[sflag:s21] =	ssyncadd.s32 $0xFFFFCE00  }
0x130: {  	_ =	swait.ge [sflag:s17], $0x3200  }
0x131: {  	[sflag:s17] =	ssyncset.done $0x0  }
0x132: {  	[sflag:s17] =	ssyncadd.s32 $0xFFFFCE00  }
0x133: {  	[bflag:$0x0] =	sbarrier.arrive $0xFFFF  }
0x134: {  	s9 =	rddreg [dreg:$0xb]  }
0x135: {  	s7 =	rddreg [dreg:$0xe]  }
0x136: {  	s8 =	rddreg [dreg:$0xf]  }
0x137: {  	[hbm:s9], [sflag:s7] =	dma.local [spmem:s8], $0x2800  }
0x138: {  	_ =	swait.ge [sflag:s10], $0x2800  }
0x139: {  	s6 =	rddreg [dreg:$0x10]  }
0x13a: {  	s9 =	sadd.s32 $0x1, s6;
	s6 =	rddreg [dreg:$0xc]  }
0x13b: {  	p0 =	sne.s32 s9, s6  }
.Ltmp1:
0x13c: {  	_ = 	snop;
	(pc) =	sbr.rel @p0 .LBB2_1-.Ltmp1, $3  }
0x13d: {  	_ =	sdelay $0x1  }
0x13e: {  	[sflag:s10] =	ssyncset.done $0x0  }
0x13f: {  	[sflag:s10] =	ssyncadd.s32 $0xFFFFD800  }
0x140: {  	_ =	sfence.sel $0x180000  }
0x141: {  	[bflag:$0x0] =	sbarrier.arrive $0xFFFF  }
0x142: {  	_ =	strace $0x9000004D  }
0x143: {  	s0 =	stileid.u32;
	[bflag:$0x2] =	sbarrier.arrive $0xFFFF  }
0x144: {  	p0 =	sne.s32 s0, $0x0;
	s0 =	rddreg [dreg:$0x2]  }
0x145: {  	s0 =	sadd.s32 @!p0 $0x100000, s0  }
0x146: {  	[sflag:s0] =	ssyncadd.tile.s32 @!p0 $0x1;
	_ =	shalt  }
.Lfunc_end2:
_tile_overlayer_lowered:
.L_overlay_start_2:
0x147: {  	(tag) =	ssettag $0x2  }
0x148: {  	s0 =	rddreg [dreg:$0x0];
	s2 =	stileid.u32  }
0x149: {  	s1 =	rddreg [dreg:$0x1];
	p0 =	sne.s32 s2, $0x0  }
0x14a: {  	s3 =	rddreg [dreg:$0x2];
	[bflag:$0x3] =	sbarrier.arrive $0xFFFF;
	s2 =	simm.s32 @!p0 $0x1C07  }
0x14b: {  	[timem:s3], [sflag:s2] =	dma.local @!p0 [hbm:s0], s1  }
0x14c: {  	s0 =	simm.s32 @!p0 $0x7  }
0x14d: {  	_ =	swait.ge @!p0 [sflag:s0], s1  }
0x14e: {  	s1 =	ssub.s32 @!p0 $0x0, s1;
	[sflag:s0] =	ssyncset.done @!p0 $0x0  }
0x14f: {  	[sflag:s0] =	ssyncadd.s32 @!p0 s1  }
0x150: {  	[bflag:$0x3] =	sbarrier.arrive $0xFFFF  }
0x151: {  	_ =	shalt  }

// kernel: kernel.9.cloned.1.call-start
scs
__scs_entry_jumppad:
0x0: {  	(pc) =	sbr.rel $0x88, $3  }
0x1: {  	(tag) =	ssettag $0x0;
	lr =	simm.s32 $0x1  }
0x2: {  	[smem:$0x3F88] =	sst lr;
	_ =	strace $0xD0000000  }
0x3: {  	_ = 	snop  }
0x4: {  	_ = 	snop  }
0x5: {  	_ = 	snop  }
0x6: {  	_ = 	snop  }
0x7: {  	_ = 	snop  }
__scs_overlays_trampoline_lowered:
0x8: {  	[smem:$0x3F97] =	sst s0  }
0x9: {  	[smem:$0x3F98] =	sst s1  }
0xa: {  	[smem:$0x3F99] =	sst s2  }
0xb: {  	[smem:$0x3F9A] =	sst s3  }
0xc: {  	[smem:$0x3F9B] =	sst s4  }
0xd: {  	[smem:$0x3F9C] =	sst s5  }
0xe: {  	[smem:$0x3F9D] =	sst s6  }
0xf: {  	[smem:$0x3F9E] =	sst s7  }
0x10: {  	[smem:$0x3F9F] =	sst s8  }
0x11: {  	[smem:$0x3FA0] =	sst s9;
	s0 =	simm.s32 @!p0 $0x0  }
0x12: {  	s1 =	sld [smem:$0x3F86];
	s0 =	simm.s32 @p0 $0x1  }
0x13: {  	[smem:$0x3FA1] =	sst s0;
	s0 =	simm.s32 @!p1 $0x0  }
0x14: {  	s2 =	sld [smem:$0x3F85];
	s0 =	simm.s32 @p1 $0x1  }
0x15: {  	[smem:$0x3FA2] =	sst s0;
	s0 =	simm.s32 @!p2 $0x0  }
0x16: {  	s3 =	sld [smem:$0x3FDB];
	s0 =	simm.s32 @p2 $0x1  }
0x17: {  	s4 =	simm.s32 $0x1BF5;
	[smem:$0x3FA4] =	sst s0  }
0x18: {  	s0 =	sld [smem:$0x3F87];
	_ =	swait.ge [sflag:s4], $0x0  }
0x19: {  	s7 =	sld [smem:$0x3F88]  }
0x1a: {  	s8 =	sadd.s32 $0xFFFFE003, lr  }
0x1b: {  	s9 =	sadd.s32 $0xFFFFFEF7, lr;
	s5 =	simm.s32 $0xFFFFFFFF;
	p2 =	slt.u32 s8, $0xFFFFF086  }
0x1c: {  	p1 =	slt.u32 s9, $0xF7A;
	s5 =	simm.s32 @!p2 $0x0  }
0x1d: {  	s5 =	simm.s32 @p1 $0x1;
	p0 =	seq.s32 s7, s2  }
0x1e: {  	s7 =	smul.u32 @!p0 $0xF7A, s2;
	p2 =	seq.s32 @!p0 s5, $0x0  }
0x1f: {  	s9 =	smul.u32 $0xF7A, s1;
	s8 =	simm.s32 @!p0 $0x1BF5;
	p2 =	por !p2, p0  }
0x20: {  	[sflag:s8] =	ssyncset.s32 @!p0 $0xFFFFF086;
	s6 =	sadd.s32 @!p0 s3, s7;
	s7 =	simm.s32 @!p0 $0x108  }
0x21: {  	s3 =	sadd.s32 s3, s9;
	s6 =	sadd.s32 @!p0 $0x88, s6;
	s7 =	simm.s32 @p2 $0x1082  }
0x22: {  	[simem:s7], [sflag:s8] =	dma.local @!p0 [hbm:s6], $0xF7A  }
0x23: {  	s9 =	sor.u32 $0xD0000000, s2;
	s6 =	simm.s32 $0x108;
	_ =	swait.ge @!p0 [sflag:s8], $0x0  }
0x24: {  	s3 =	sadd.s32 $0x88, s3;
	s6 =	simm.s32 @!p1 $0x1082;
	[sflag:s4] =	ssyncset.s32 $0xFFFFF086  }
0x25: {  	[simem:s6], [sflag:s4] =	dma.local [hbm:s3], $0xF7A  }
0x26: {  	[smem:$0x3F88] =	sst s1;
	(tag) =	ssettag s2;
	_ =	strace s9  }
0x27: {  	s1 =	sld [smem:$0x3F98]  }
0x28: {  	s2 =	sld [smem:$0x3F99]  }
0x29: {  	s4 =	sld [smem:$0x3F9B]  }
0x2a: {  	p0 =	seq.s32 s5, $0x0;
	s5 =	sld [smem:$0x3F9C]  }
0x2b: {  	s6 =	sld [smem:$0x3F9D]  }
0x2c: {  	s7 =	sld [smem:$0x3F9E]  }
0x2d: {  	s3 =	simm.s32 $0x108;
	s8 =	sld [smem:$0x3F9F]  }
0x2e: {  	s3 =	simm.s32 @!p0 $0x1082;
	s9 =	sld [smem:$0x3FA0]  }
0x2f: {  	lr =	sadd.s32 s0, s3;
	s0 =	sld [smem:$0x3F97]  }
0x30: {  	s3 =	sld [smem:$0x3F9A]  }
0x31: {  	[smem:$0x3FA3] =	sst s10  }
0x32: {  	s10 =	sld [smem:$0x3FA1];
	_ =	sdelay $0x3  }
0x33: {  	p0 =	seq.s32 s10, $0x1;
	s10 =	sld [smem:$0x3FA3];
	_ =	sdelay $0x3  }
0x34: {  	[smem:$0x3FA3] =	sst s10  }
0x35: {  	s10 =	sld [smem:$0x3FA2];
	_ =	sdelay $0x3  }
0x36: {  	p1 =	seq.s32 s10, $0x1;
	s10 =	sld [smem:$0x3FA3];
	_ =	sdelay $0x3  }
0x37: {  	[smem:$0x3FA3] =	sst s10  }
0x38: {  	s10 =	sld [smem:$0x3FA4]  }
0x39: {  	_ = 	snop;
	(pc) =	sbr.ind lr, $3  }
0x3a: {  	_ = 	snop  }
0x3b: {  	_ = 	snop  }
0x3c: {  	p2 =	seq.s32 s10, $0x1;
	s10 =	sld [smem:$0x3FA3]  }
0x3d: {  	_ =	shalt  }
0x3e: {  	_ =	shalt  }
0x3f: {  	_ =	shalt  }
0x40: {  	_ =	shalt  }
0x41: {  	_ =	shalt  }
0x42: {  	_ =	shalt  }
0x43: {  	_ =	shalt  }
0x44: {  	_ =	shalt  }
0x45: {  	_ =	shalt  }
0x46: {  	_ =	shalt  }
0x47: {  	_ =	shalt  }
0x48: {  	_ =	shalt  }
0x49: {  	_ =	shalt  }
0x4a: {  	_ =	shalt  }
0x4b: {  	_ =	shalt  }
0x4c: {  	_ =	shalt  }
0x4d: {  	_ =	shalt  }
0x4e: {  	_ =	shalt  }
0x4f: {  	_ =	shalt  }
0x50: {  	_ =	shalt  }
0x51: {  	_ =	shalt  }
0x52: {  	_ =	shalt  }
0x53: {  	_ =	shalt  }
0x54: {  	_ =	shalt  }
0x55: {  	_ =	shalt  }
0x56: {  	_ =	shalt  }
0x57: {  	_ =	shalt  }
0x58: {  	_ =	shalt  }
0x59: {  	_ =	shalt  }
0x5a: {  	_ =	shalt  }
0x5b: {  	_ =	shalt  }
0x5c: {  	_ =	shalt  }
0x5d: {  	_ =	shalt  }
0x5e: {  	_ =	shalt  }
0x5f: {  	_ =	shalt  }
0x60: {  	_ =	shalt  }
0x61: {  	_ =	shalt  }
0x62: {  	_ =	shalt  }
0x63: {  	_ =	shalt  }
0x64: {  	_ =	shalt  }
0x65: {  	_ =	shalt  }
0x66: {  	_ =	shalt  }
0x67: {  	_ =	shalt  }
0x68: {  	_ =	shalt  }
0x69: {  	_ =	shalt  }
0x6a: {  	_ =	shalt  }
0x6b: {  	_ =	shalt  }
0x6c: {  	_ =	shalt  }
0x6d: {  	_ =	shalt  }
0x6e: {  	_ =	shalt  }
0x6f: {  	_ =	shalt  }
0x70: {  	_ =	shalt  }
0x71: {  	_ =	shalt  }
0x72: {  	_ =	shalt  }
0x73: {  	_ =	shalt  }
0x74: {  	_ =	shalt  }
0x75: {  	_ =	shalt  }
0x76: {  	_ =	shalt  }
0x77: {  	_ =	shalt  }
0x78: {  	_ =	shalt  }
0x79: {  	_ =	shalt  }
0x7a: {  	_ =	shalt  }
0x7b: {  	_ =	shalt  }
0x7c: {  	_ =	shalt  }
0x7d: {  	_ =	shalt  }
0x7e: {  	_ =	shalt  }
0x7f: {  	_ =	shalt  }
0x80: {  	_ =	shalt  }
0x81: {  	_ =	shalt  }
0x82: {  	_ =	shalt  }
0x83: {  	_ =	shalt  }
0x84: {  	_ =	shalt  }
0x85: {  	_ =	shalt  }
0x86: {  	_ =	shalt  }
0x87: {  	_ =	shalt  }
.Lfunc_end0:
.L_simem_size_0:
called_computation_lowered:
.L_overlay_start_0:
0x88: {  	s2 =	sld [smem:$0x3FD9]  }
0x89: {  	s3 =	sld [smem:$0x3FFE];
	_ =	sdelay $0x1  }
0x8a: {  	s1 =	srdreg.scid  }
0x8b: {  	s0 =	sand.u32 $0x1, s1  }
0x8c: {  	s17 =	sshll.u32 s0, $0xA;
	s2 =	sadd.s32 s3, s2  }
0x8d: {  	s2 =	sadd.s32 s2, s17  }
0x8e: {  	[smem:$0x3FAF] =	sst s2  }
0x8f: {  	_ = 	snop  }
0x90: {  	s2 =	sld [smem:$0x3FC9];
	(tm) =	ssettm $0x1  }
0x91: {  	s18 =	sld [smem:$0x3FFB];
	_ =	sdelay $0x3  }
0x92: {  	_ =	strace s18  }
0x93: {  	s3 =	sld [smem:$0x3FFC];
	_ =	sdelay $0x3  }
0x94: {  	_ =	strace s3  }
0x95: {  	s3 =	sld [smem:$0x3FFD];
	_ =	sdelay $0x3  }
0x96: {  	_ =	strace s3  }
0x97: {  	_ =	strace $0x8FFFFFFF  }
0x98: {  	s19 =	sld [smem:$0x3FDB];
	_ =	sdelay $0x1  }
0x99: {  	s4 =	simm.s32 $_scs_section_size  }
0x9a: {  	s5 =	simm.s32 $_size__tile_overlayer_lowered;
	s6 =	simm.s32 $_tile_overlayer_lowered  }
0x9b: {  	s22 =	simm.s32 $0x1BFF;
	s21 =	sshll.u32 s6, $0x1;
	s3 =	sadd.s32 s4, s19  }
0x9c: {  	s7 =	simm.s32 $0x0;
	s20 =	sshll.u32 s5, $0x1;
	s5 =	sadd.s32 s21, s3  }
0x9d: {  	[timem:s7], [sflag:s22] =	dma.local [hbm:s5], s20  }
0x9e: {  	_ =	swait.ge [sflag:s22], s20  }
0x9f: {  	s4 =	ssub.s32 $0x0, s20;
	[sflag:s22] =	ssyncset.done $0x0  }
0xa0: {  	[sflag:s22] =	ssyncadd.s32 s4;
	_ =	sdelay $0x1  }
0xa1: {  	s23 =	simm.s32 $0x1B8B  }
0xa2: {  	_ =	swait.ge [sflag:s23], $0x1  }
0xa3: {  	[sflag:s23] =	ssyncset.done $0x0  }
0xa4: {  	s25 =	simm.s32 $0x1B8E;
	s24 =	sld [smem:$0x3FFE];
	[sflag:s23] =	ssyncadd.s32 $0xFFFFFFFF  }
0xa5: {  	s26 =	simm.s32 $execute0_lowered;
	[smem:$0x3FD2] =	sst s25  }
0xa6: {  	s5 =	sshll.u32 s26, $0x1;
	_ =	strace $0x80000046;
	[dreg:$0x1] =	wrdreg $0xFFFFFFFF  }
0xa7: {  	s28 =	simm.s32 $_size_execute0_lowered;
	s3 =	sadd.s32 s3, s5;
	[dreg:$0x0] =	wrdreg $0x0  }
0xa8: {  	s5 =	sshll.u32 s28, $0x1;
	[dreg:$0x2] =	wrdreg s3  }
0xa9: {  	[dreg:$0x3] =	wrdreg s5  }
0xaa: {  	[dreg:$0x4] =	wrdreg $0xC0  }
0xab: {  	_ =	task [dreg:s7], $0x5FFFF  }
0xac: {  	[dreg:$0x1] =	wrdreg $0xFFFFFFFF  }
0xad: {  	[dreg:$0x0] =	wrdreg $0x60  }
0xae: {  	[dreg:$0x2] =	wrdreg s2  }
0xaf: {  	[dreg:$0x3] =	wrdreg s24  }
0xb0: {  	[dreg:$0x4] =	wrdreg $0xAC000  }
0xb1: {  	[dreg:$0x5] =	wrdreg $0x9  }
0xb2: {  	_ =	task.clear_ibuf [dreg:s7], $0x6FFFF;
	_ =	strace $0x90000046  }
0xb3: {  	s29 =	simm.s32 $0x9;
	_ =	strace $0x80000048  }
0xb4: {  	_ =	swait.ge [sflag:s29], $0x1  }
0xb5: {  	[sflag:s29] =	ssyncadd.s32 $0xFFFFFFFF  }
0xb6: {  	_ =	strace $0x90000048  }
0xb7: {  	_ =	sfence  }
0xb8: {  	s30 =	sld [smem:$0x0];
	_ =	sdelay $0x2  }
0xb9: {  	s31 =	sshll.u32 s1, $0xD;
	s1 =	sshrl.u32 s1, $0x2  }
0xba: {  	s3 =	sand.u32 $0x4000, s31;
	s1 =	sadd.s32 s1, s30  }
0xbb: {  	s0 =	sor.u32 s3, s0;
	s1 =	sshll.u32 s1, $0x11  }
0xbc: {  	s0 =	sor.u32 s1, s0  }
0xbd: {  	s0 =	sadd.s32 $0x8F2B, s0  }
0xbe: {  	[sflag:s0] =	ssyncadd.remote.s32 $0x1  }
0xbf: {  	_ =	sfence.sel $0xFFFF  }
0xc0: {  	[dreg:$0x0] =	wrdreg $0xFFFFFFFF;
	(pc) =	sbr.abs _section_cstart, $3  }
0xc1: {  	[dreg:$0x1] =	wrdreg $0xFFFFFFFF  }
0xc2: {  	_ =	task.clear_ibuf [dreg:s7], $0x2FFFF;
	_ =	strace $0x9FFFFFFF  }
0xc3: {  	(tm) =	ssettm $0x7FFFFFFF  }
tec
execute0_lowered:
.L_overlay_start_1:
0x0: {  	(tag) =	ssettag $0x1  }
0x1: {  	s2 =	rddreg [dreg:$0x0]  }
0x2: {  	s0 =	rddreg [dreg:$0x1]  }
0x3: {  	s3 =	rddreg [dreg:$0x2]  }
0x4: {  	s11 =	stileid.u32;
	s5 =	srdreg.scid;
	s4 =	simm.s32 $0x0  }
0x5: {  	s21 =	simm.s32 $0x80;
	s22 =	simm.s32 $0x100;
	s23 =	simm.s32 $0x180  }
0x6: {  	s24 =	simm.s32 $0x880;
	s25 =	simm.s32 $0x200;
	s26 =	simm.s32 $0x900  }
0x7: {  	s28 =	simm.s32 $0xA80;
	s29 =	simm.s32 $0x400;
	s30 =	simm.s32 $0xB00  }
0x8: {  	s31 =	simm.s32 $0x480;
	s1 =	smul.u32 $0x1400, s11;
	[smem:$0x7FF] =	sst s4  }
0x9: {  	s6 =	smul.u32 $0x2700, s11;
	_ =	strace $0x80000047;
	[dreg:$0x6] =	wrdreg s21  }
0xa: {  	s5 =	sand.u32 $0x1, s5;
	s9 =	smul.u32 $0x4E000, s11;
	[dreg:$0x7] =	wrdreg s22  }
0xb: {  	s10 =	sadd.s32 $0x2C200, s0;
	s19 =	sshll.u32 s11, $0x6;
	[dreg:$0x8] =	wrdreg s23  }
0xc: {  	s11 =	simm.s32 $0x800;
	s7 =	smul.u32 $0x27100, s5;
	[dreg:$0x9] =	wrdreg s24  }
0xd: {  	s8 =	ssub.s32 $0x2, s5;
	s14 =	smul.u32 $0xA00, s5;
	[dreg:$0xa] =	wrdreg s25  }
0xe: {  	p0 =	seq.s32 s5, $0x0;
	[dreg:$0xb] =	wrdreg s26;
	s21 =	simm.s32 $0x6  }
0xf: {  	s22 =	simm.s32 $0x280;
	s23 =	simm.s32 $0x980;
	s24 =	simm.s32 $0x300  }
0x10: {  	s25 =	simm.s32 $0xA00;
	s26 =	simm.s32 $0x380;
	s5 =	simm.s32 $0xC80  }
0x11: {  	s1 =	sadd.s32 s1, s0;
	s12 =	sshrl.u32 s8, $0x1;
	s13 =	sshrl.u32 s9, $0x2  }
0x12: {  	s10 =	smov.u32 @p0 s2;
	s9 =	simm.s32 $0x0;
	s7 =	sadd.s32 s6, s7  }
0x13: {  	s15 =	sadd.s32 s13, s3;
	s17 =	sadd.s32 s14, s1;
	s18 =	sadd.s32 s10, s6  }
0x14: {  	s10 =	simm.s32 $0x7;
	s13 =	simm.s32 $0x1000;
	s14 =	simm.s32 $0x4400  }
0x15: {  	s1 =	simm.s32 $0xC00;
	s0 =	sadd.s32 s7, s0;
	s7 =	ssub.s32 s8, s12  }
0x16: {  	[dreg:$0xe] =	wrdreg s18;
	s20 =	sadd.s32 $0x18200, s17;
	s8 =	sshrl.u32 s15, $0x3  }
0x17: {  	s12 =	simm.s32 $0x64;
	s15 =	simm.s32 $0x7800;
	[dreg:$0x4] =	wrdreg s20  }
0x18: {  	s18 =	simm.s32 $0x2;
	s0 =	sadd.s32 $0x53400, s0;
	[dreg:$0x10] =	wrdreg s8  }
0x19: {  	s16 =	smax.u32 s7, $0x1;
	s7 =	sor.u32 $0x1C07, s19;
	[dreg:$0xc] =	wrdreg s0  }
0x1a: {  	s19 =	simm.s32 $0x5;
	s20 =	simm.s32 $0x3;
	[dreg:$0xd] =	wrdreg s16  }
0x1b: {  	s0 =	sadd.s32 $0x4200, s17;
	s16 =	simm.s32 $0x1;
	[dreg:$0xf] =	wrdreg s7  }
0x1c: {  	s17 =	simm.s32 $0x4;
	[dreg:$0x5] =	wrdreg s0;
	s0 =	simm.s32 $0xB80  }
.LBB2_1:
0x1d: {  	[dreg:$0x11] =	wrdreg s9  }
0x1e: {  	s6 =	rddreg [dreg:$0xe]  }
0x1f: {  	[spmem:s8], [sflag:s7] =	dma.local [hbm:s6], $0x2800  }
0x20: {  	_ =	swait.ge [sflag:s10], $0x2800  }
0x21: {  	[sflag:s10] =	ssyncset.done $0x0  }
0x22: {  	[sflag:s10] =	ssyncadd.s32 $0xFFFFD800  }
0x23: {  	[bflag:$0x0] =	sbarrier.arrive $0xFFFF  }
0x24: {  	s6 =	rddreg [dreg:$0x5]  }
0x25: {  	s7 =	sadd.s32 $0x0, s6  }
0x26: {  	[tilespmem:s4], [sflag:$0x7] =	stream.linear.gather [hbm4b:s7+s4], $0x500, $0x38;
	[tilespmem:$0x1E480] =	vst v63  }
0x27: {  	_ =	swait.ge [sflag:s10], $0x500  }
0x28: {  	s8 =	rddreg [dreg:$0x4];
	[sflag:s10] =	ssyncset.done $0x0  }
0x29: {  	[sflag:s10] =	ssyncadd.s32 $0xFFFFFB00;
	s7 =	sadd.s32 $0x0, s8  }
0x2a: {  	[tilespmem:s11], [sflag:$0x7] =	stream.linear.gather [hbm4b:s7+s4], $0x500, $0x38;
	[tilespmem:$0x1E480] =	vst v63  }
0x2b: {  	_ =	swait.ge [sflag:s10], $0x500  }
0x2c: {  	[sflag:s10] =	ssyncset.done $0x0  }
0x2d: {  	[sflag:s10] =	ssyncadd.s32 $0xFFFFFB00  }
0x2e: {  	[tilespmem:s13], [sflag:$0x1] =	stream.indirect.gather [hbm4b:s2+s12], $0x80, s4, s12, $0xb8;
	[tilespmem:$0x1E480] =	vst v63  }
0x2f: {  	s9 =	rddreg [dreg:$0x6]  }
0x30: {  	[tilespmem:s14], [sflag:$0x2] =	stream.indirect.gather [hbm4b:s2+s12], $0x80, s9, s12, $0xb8;
	[tilespmem:$0x1E480] =	vst v63  }
0x31: {  	s6 =	rddreg [dreg:$0x7]  }
0x32: {  	[tilespmem:s15], [sflag:$0x3] =	stream.indirect.gather [hbm4b:s2+s12], $0x80, s6, s12, $0xb8;
	[tilespmem:$0x1E480] =	vst v63  }
0x33: {  	_ =	swait.ge [sflag:s16], $0x3200  }
0x34: {  	[sflag:s16] =	ssyncset.done $0x0  }
0x35: {  	[sflag:s16] =	ssyncadd.s32 $0xFFFFCE00  }
0x36: {  	[spmem:s3] =	stream.indirect.scatter.add.f32 [tilespmem:s13], [sflag:$0x4], $0x80, s11, s12, $0xb8;
	[tilespmem:$0x1E480] =	vst v63  }
0x37: {  	_ =	swait.ge [sflag:s17], $0x3200  }
0x38: {  	[sflag:s17] =	ssyncset.done $0x0  }
0x39: {  	s9 =	rddreg [dreg:$0x8];
	[sflag:s17] =	ssyncadd.s32 $0xFFFFCE00  }
0x3a: {  	[tilespmem:s13], [sflag:$0x1] =	stream.indirect.gather [hbm4b:s2+s12], $0x80, s9, s12, $0xb8;
	[tilespmem:$0x1E480] =	vst v63  }
0x3b: {  	_ =	swait.ge [sflag:s18], $0x3200  }
0x3c: {  	[sflag:s18] =	ssyncset.done $0x0  }
0x3d: {  	s6 =	rddreg [dreg:$0x9];
	[sflag:s18] =	ssyncadd.s32 $0xFFFFCE00  }
0x3e: {  	[spmem:s3] =	stream.indirect.scatter.add.f32 [tilespmem:s14], [sflag:$0x5], $0x80, s6, s12, $0xb8;
	[tilespmem:$0x1E480] =	vst v63  }
0x3f: {  	_ =	swait.ge [sflag:s19], $0x3200  }
0x40: {  	[sflag:s19] =	ssyncset.done $0x0  }
0x41: {  	s8 =	rddreg [dreg:$0xa];
	[sflag:s19] =	ssyncadd.s32 $0xFFFFCE00  }
0x42: {  	[tilespmem:s14], [sflag:$0x2] =	stream.indirect.gather [hbm4b:s2+s12], $0x80, s8, s12, $0xb8;
	[tilespmem:$0x1E480] =	vst v63  }
0x43: {  	_ =	swait.ge [sflag:s20], $0x3200  }
0x44: {  	[sflag:s20] =	ssyncset.done $0x0  }
0x45: {  	s9 =	rddreg [dreg:$0xb];
	[sflag:s20] =	ssyncadd.s32 $0xFFFFCE00  }
0x46: {  	[spmem:s3] =	stream.indirect.scatter.add.f32 [tilespmem:s15], [sflag:$0x6], $0x80, s9, s12, $0xb8;
	[tilespmem:$0x1E480] =	vst v63  }
0x47: {  	_ =	swait.ge [sflag:s21], $0x3200  }
0x48: {  	[sflag:s21] =	ssyncset.done $0x0  }
0x49: {  	[sflag:s21] =	ssyncadd.s32 $0xFFFFCE00  }
0x4a: {  	[tilespmem:s15], [sflag:$0x3] =	stream.indirect.gather [hbm4b:s2+s12], $0x80, s22, s12, $0xb8;
	[tilespmem:$0x1E480] =	vst v63  }
0x4b: {  	_ =	swait.ge [sflag:s16], $0x3200  }
0x4c: {  	[sflag:s16] =	ssyncset.done $0x0  }
0x4d: {  	[sflag:s16] =	ssyncadd.s32 $0xFFFFCE00  }
0x4e: {  	[spmem:s3] =	stream.indirect.scatter.add.f32 [tilespmem:s13], [sflag:$0x4], $0x80, s23, s12, $0xb8;
	[tilespmem:$0x1E480] =	vst v63  }
0x4f: {  	_ =	swait.ge [sflag:s17], $0x3200  }
0x50: {  	[sflag:s17] =	ssyncset.done $0x0  }
0x51: {  	[sflag:s17] =	ssyncadd.s32 $0xFFFFCE00  }
0x52: {  	[tilespmem:s13], [sflag:$0x1] =	stream.indirect.gather [hbm4b:s2+s12], $0x80, s24, s12, $0xb8;
	[tilespmem:$0x1E480] =	vst v63  }
0x53: {  	_ =	swait.ge [sflag:s18], $0x3200  }
0x54: {  	[sflag:s18] =	ssyncset.done $0x0  }
0x55: {  	[sflag:s18] =	ssyncadd.s32 $0xFFFFCE00  }
0x56: {  	[spmem:s3] =	stream.indirect.scatter.add.f32 [tilespmem:s14], [sflag:$0x5], $0x80, s25, s12, $0xb8;
	[tilespmem:$0x1E480] =	vst v63  }
0x57: {  	_ =	swait.ge [sflag:s19], $0x3200  }
0x58: {  	[sflag:s19] =	ssyncset.done $0x0  }
0x59: {  	[sflag:s19] =	ssyncadd.s32 $0xFFFFCE00  }
0x5a: {  	[tilespmem:s14], [sflag:$0x2] =	stream.indirect.gather [hbm4b:s2+s12], $0x80, s26, s12, $0xb8;
	[tilespmem:$0x1E480] =	vst v63  }
0x5b: {  	_ =	swait.ge [sflag:s20], $0x3200  }
0x5c: {  	[sflag:s20] =	ssyncset.done $0x0  }
0x5d: {  	[sflag:s20] =	ssyncadd.s32 $0xFFFFCE00  }
0x5e: {  	[spmem:s3] =	stream.indirect.scatter.add.f32 [tilespmem:s15], [sflag:$0x6], $0x80, s28, s12, $0xb8;
	[tilespmem:$0x1E480] =	vst v63  }
0x5f: {  	_ =	swait.ge [sflag:s21], $0x3200  }
0x60: {  	[sflag:s21] =	ssyncset.done $0x0  }
0x61: {  	[sflag:s21] =	ssyncadd.s32 $0xFFFFCE00  }
0x62: {  	[tilespmem:s15], [sflag:$0x3] =	stream.indirect.gather [hbm4b:s2+s12], $0x80, s29, s12, $0xb8;
	[tilespmem:$0x1E480] =	vst v63  }
0x63: {  	_ =	swait.ge [sflag:s16], $0x3200  }
0x64: {  	[sflag:s16] =	ssyncset.done $0x0  }
0x65: {  	[sflag:s16] =	ssyncadd.s32 $0xFFFFCE00  }
0x66: {  	[spmem:s3] =	stream.indirect.scatter.add.f32 [tilespmem:s13], [sflag:$0x4], $0x80, s30, s12, $0xb8;
	[tilespmem:$0x1E480] =	vst v63  }
0x67: {  	_ =	swait.ge [sflag:s17], $0x3200  }
0x68: {  	[sflag:s17] =	ssyncset.done $0x0  }
0x69: {  	[sflag:s17] =	ssyncadd.s32 $0xFFFFCE00  }
0x6a: {  	[tilespmem:s13], [sflag:$0x1] =	stream.indirect.gather [hbm4b:s2+s12], $0x80, s31, s12, $0xb8;
	[tilespmem:$0x1E480] =	vst v63  }
0x6b: {  	_ =	swait.ge [sflag:s18], $0x3200  }
0x6c: {  	[sflag:s18] =	ssyncset.done $0x0  }
0x6d: {  	[sflag:s18] =	ssyncadd.s32 $0xFFFFCE00  }
0x6e: {  	[spmem:s3] =	stream.indirect.scatter.add.f32 [tilespmem:s14], [sflag:$0x5], $0x80, s0, s12, $0xb8;
	[tilespmem:$0x1E480] =	vst v63  }
0x6f: {  	_ =	swait.ge [sflag:s20], $0x3200  }
0x70: {  	[sflag:s20] =	ssyncset.done $0x0  }
0x71: {  	[sflag:s20] =	ssyncadd.s32 $0xFFFFCE00  }
0x72: {  	[spmem:s3] =	stream.indirect.scatter.add.f32 [tilespmem:s15], [sflag:$0x6], $0x80, s1, s12, $0xb8;
	[tilespmem:$0x1E480] =	vst v63  }
0x73: {  	_ =	swait.ge [sflag:s16], $0x3200  }
0x74: {  	[sflag:s16] =	ssyncset.done $0x0  }
0x75: {  	[sflag:s16] =	ssyncadd.s32 $0xFFFFCE00  }
0x76: {  	[spmem:s3] =	stream.indirect.scatter.add.f32 [tilespmem:s13], [sflag:$0x4], $0x80, s5, s12, $0xb8;
	[tilespmem:$0x1E480] =	vst v63  }
0x77: {  	_ =	swait.ge [sflag:s19], $0x3200  }
0x78: {  	[sflag:s19] =	ssyncset.done $0x0  }
0x79: {  	[sflag:s19] =	ssyncadd.s32 $0xFFFFCE00  }
0x7a: {  	_ =	swait.ge [sflag:s21], $0x3200  }
0x7b: {  	[sflag:s21] =	ssyncset.done $0x0  }
0x7c: {  	[sflag:s21] =	ssyncadd.s32 $0xFFFFCE00  }
0x7d: {  	s7 =	simm.s32 $0x100;
	_ =	swait.ge [sflag:s17], $0x3200  }
0x7e: {  	s8 =	simm.s32 $0x200;
	s9 =	rddreg [dreg:$0x5];
	[sflag:s17] =	ssyncset.done $0x0  }
.LBB2_2:
0x7f: {  	[sflag:s17] =	ssyncadd.s32 $0xFFFFCE00;
	s9 =	sadd.s32 s7, s9  }
0x80: {  	[tilespmem:s4], [sflag:$0x7] =	stream.linear.gather [hbm4b:s9+s4], $0x500, $0x38;
	[tilespmem:$0x1E480] =	vst v63  }
0x81: {  	_ =	swait.ge [sflag:s10], $0x500  }
0x82: {  	s9 =	rddreg [dreg:$0x4];
	[sflag:s10] =	ssyncset.done $0x0  }
0x83: {  	[sflag:s10] =	ssyncadd.s32 $0xFFFFFB00;
	s9 =	sadd.s32 s7, s9  }
0x84: {  	[tilespmem:s11], [sflag:$0x7] =	stream.linear.gather [hbm4b:s9+s4], $0x500, $0x38;
	[tilespmem:$0x1E480] =	vst v63  }
0x85: {  	_ =	swait.ge [sflag:s10], $0x500  }
0x86: {  	[sflag:s10] =	ssyncset.done $0x0  }
0x87: {  	s6 =	smov.u32 s8;
	[sflag:s10] =	ssyncadd.s32 $0xFFFFFB00  }
0x88: {  	[tilespmem:s13], [sflag:$0x1] =	stream.indirect.gather [hbm4b:s2+s12], $0x80, s4, s12, $0xb8;
	[tilespmem:$0x1E480] =	vst v63  }
0x89: {  	s7 =	smov.u32 s6;
	s6 =	rddreg [dreg:$0x6]  }
0x8a: {  	[tilespmem:s14], [sflag:$0x2] =	stream.indirect.gather [hbm4b:s2+s12], $0x80, s6, s12, $0xb8;
	[tilespmem:$0x1E480] =	vst v63  }
0x8b: {  	s9 =	rddreg [dreg:$0x7]  }
0x8c: {  	[tilespmem:s15], [sflag:$0x3] =	stream.indirect.gather [hbm4b:s2+s12], $0x80, s9, s12, $0xb8;
	[tilespmem:$0x1E480] =	vst v63  }
0x8d: {  	_ =	swait.ge [sflag:s16], $0x3200  }
0x8e: {  	[sflag:s16] =	ssyncset.done $0x0  }
0x8f: {  	[sflag:s16] =	ssyncadd.s32 $0xFFFFCE00  }
0x90: {  	[spmem:s3] =	stream.indirect.scatter.add.f32 [tilespmem:s13], [sflag:$0x4], $0x80, s11, s12, $0xb8;
	[tilespmem:$0x1E480] =	vst v63  }
0x91: {  	_ =	swait.ge [sflag:s17], $0x3200  }
0x92: {  	[sflag:s17] =	ssyncset.done $0x0  }
0x93: {  	s9 =	rddreg [dreg:$0x8];
	[sflag:s17] =	ssyncadd.s32 $0xFFFFCE00  }
0x94: {  	[tilespmem:s13], [sflag:$0x1] =	stream.indirect.gather [hbm4b:s2+s12], $0x80, s9, s12, $0xb8;
	[tilespmem:$0x1E480] =	vst v63  }
0x95: {  	_ =	swait.ge [sflag:s18], $0x3200  }
0x96: {  	[sflag:s18] =	ssyncset.done $0x0  }
0x97: {  	s9 =	rddreg [dreg:$0x9];
	[sflag:s18] =	ssyncadd.s32 $0xFFFFCE00  }
0x98: {  	[spmem:s3] =	stream.indirect.scatter.add.f32 [tilespmem:s14], [sflag:$0x5], $0x80, s9, s12, $0xb8;
	[tilespmem:$0x1E480] =	vst v63  }
0x99: {  	_ =	swait.ge [sflag:s19], $0x3200  }
0x9a: {  	[sflag:s19] =	ssyncset.done $0x0  }
0x9b: {  	s9 =	rddreg [dreg:$0xa];
	[sflag:s19] =	ssyncadd.s32 $0xFFFFCE00  }
0x9c: {  	[tilespmem:s14], [sflag:$0x2] =	stream.indirect.gather [hbm4b:s2+s12], $0x80, s9, s12, $0xb8;
	[tilespmem:$0x1E480] =	vst v63  }
0x9d: {  	_ =	swait.ge [sflag:s20], $0x3200  }
0x9e: {  	[sflag:s20] =	ssyncset.done $0x0  }
0x9f: {  	s9 =	rddreg [dreg:$0xb];
	[sflag:s20] =	ssyncadd.s32 $0xFFFFCE00  }
0xa0: {  	[spmem:s3] =	stream.indirect.scatter.add.f32 [tilespmem:s15], [sflag:$0x6], $0x80, s9, s12, $0xb8;
	[tilespmem:$0x1E480] =	vst v63  }
0xa1: {  	_ =	swait.ge [sflag:s21], $0x3200  }
0xa2: {  	[sflag:s21] =	ssyncset.done $0x0  }
0xa3: {  	[sflag:s21] =	ssyncadd.s32 $0xFFFFCE00  }
0xa4: {  	[tilespmem:s15], [sflag:$0x3] =	stream.indirect.gather [hbm4b:s2+s12], $0x80, s22, s12, $0xb8;
	[tilespmem:$0x1E480] =	vst v63  }
0xa5: {  	_ =	swait.ge [sflag:s16], $0x3200  }
0xa6: {  	[sflag:s16] =	ssyncset.done $0x0  }
0xa7: {  	[sflag:s16] =	ssyncadd.s32 $0xFFFFCE00  }
0xa8: {  	[spmem:s3] =	stream.indirect.scatter.add.f32 [tilespmem:s13], [sflag:$0x4], $0x80, s23, s12, $0xb8;
	[tilespmem:$0x1E480] =	vst v63  }
0xa9: {  	_ =	swait.ge [sflag:s17], $0x3200  }
0xaa: {  	[sflag:s17] =	ssyncset.done $0x0  }
0xab: {  	[sflag:s17] =	ssyncadd.s32 $0xFFFFCE00  }
0xac: {  	[tilespmem:s13], [sflag:$0x1] =	stream.indirect.gather [hbm4b:s2+s12], $0x80, s24, s12, $0xb8;
	[tilespmem:$0x1E480] =	vst v63  }
0xad: {  	_ =	swait.ge [sflag:s18], $0x3200  }
0xae: {  	[sflag:s18] =	ssyncset.done $0x0  }
0xaf: {  	[sflag:s18] =	ssyncadd.s32 $0xFFFFCE00  }
0xb0: {  	[spmem:s3] =	stream.indirect.scatter.add.f32 [tilespmem:s14], [sflag:$0x5], $0x80, s25, s12, $0xb8;
	[tilespmem:$0x1E480] =	vst v63  }
0xb1: {  	_ =	swait.ge [sflag:s19], $0x3200  }
0xb2: {  	[sflag:s19] =	ssyncset.done $0x0  }
0xb3: {  	[sflag:s19] =	ssyncadd.s32 $0xFFFFCE00  }
0xb4: {  	[tilespmem:s14], [sflag:$0x2] =	stream.indirect.gather [hbm4b:s2+s12], $0x80, s26, s12, $0xb8;
	[tilespmem:$0x1E480] =	vst v63  }
0xb5: {  	_ =	swait.ge [sflag:s20], $0x3200  }
0xb6: {  	[sflag:s20] =	ssyncset.done $0x0  }
0xb7: {  	[sflag:s20] =	ssyncadd.s32 $0xFFFFCE00  }
0xb8: {  	[spmem:s3] =	stream.indirect.scatter.add.f32 [tilespmem:s15], [sflag:$0x6], $0x80, s28, s12, $0xb8;
	[tilespmem:$0x1E480] =	vst v63  }
0xb9: {  	_ =	swait.ge [sflag:s21], $0x3200  }
0xba: {  	[sflag:s21] =	ssyncset.done $0x0  }
0xbb: {  	[sflag:s21] =	ssyncadd.s32 $0xFFFFCE00  }
0xbc: {  	[tilespmem:s15], [sflag:$0x3] =	stream.indirect.gather [hbm4b:s2+s12], $0x80, s29, s12, $0xb8;
	[tilespmem:$0x1E480] =	vst v63  }
0xbd: {  	_ =	swait.ge [sflag:s16], $0x3200  }
0xbe: {  	[sflag:s16] =	ssyncset.done $0x0  }
0xbf: {  	[sflag:s16] =	ssyncadd.s32 $0xFFFFCE00  }
0xc0: {  	[spmem:s3] =	stream.indirect.scatter.add.f32 [tilespmem:s13], [sflag:$0x4], $0x80, s30, s12, $0xb8;
	[tilespmem:$0x1E480] =	vst v63  }
0xc1: {  	_ =	swait.ge [sflag:s17], $0x3200  }
0xc2: {  	[sflag:s17] =	ssyncset.done $0x0  }
0xc3: {  	[sflag:s17] =	ssyncadd.s32 $0xFFFFCE00  }
0xc4: {  	[tilespmem:s13], [sflag:$0x1] =	stream.indirect.gather [hbm4b:s2+s12], $0x80, s31, s12, $0xb8;
	[tilespmem:$0x1E480] =	vst v63  }
0xc5: {  	_ =	swait.ge [sflag:s18], $0x3200  }
0xc6: {  	[sflag:s18] =	ssyncset.done $0x0  }
0xc7: {  	[sflag:s18] =	ssyncadd.s32 $0xFFFFCE00  }
0xc8: {  	[spmem:s3] =	stream.indirect.scatter.add.f32 [tilespmem:s14], [sflag:$0x5], $0x80, s0, s12, $0xb8;
	[tilespmem:$0x1E480] =	vst v63  }
0xc9: {  	_ =	swait.ge [sflag:s20], $0x3200  }
0xca: {  	[sflag:s20] =	ssyncset.done $0x0  }
0xcb: {  	[sflag:s20] =	ssyncadd.s32 $0xFFFFCE00  }
0xcc: {  	[spmem:s3] =	stream.indirect.scatter.add.f32 [tilespmem:s15], [sflag:$0x6], $0x80, s1, s12, $0xb8;
	[tilespmem:$0x1E480] =	vst v63  }
0xcd: {  	_ =	swait.ge [sflag:s16], $0x3200  }
0xce: {  	[sflag:s16] =	ssyncset.done $0x0  }
0xcf: {  	[sflag:s16] =	ssyncadd.s32 $0xFFFFCE00  }
0xd0: {  	[spmem:s3] =	stream.indirect.scatter.add.f32 [tilespmem:s13], [sflag:$0x4], $0x80, s5, s12, $0xb8;
	[tilespmem:$0x1E480] =	vst v63  }
0xd1: {  	_ =	swait.ge [sflag:s19], $0x3200  }
0xd2: {  	[sflag:s19] =	ssyncset.done $0x0  }
0xd3: {  	p0 =	sne.s32 s8, $0x900;
	[sflag:s19] =	ssyncadd.s32 $0xFFFFCE00  }
.Ltmp0:
0xd4: {  	_ =	swait.ge [sflag:s21], $0x3200;
	(pc) =	sbr.rel @p0 .LBB2_2-.Ltmp0, $4  }
0xd5: {  	[sflag:s21] =	ssyncset.done $0x0  }
0xd6: {  	[sflag:s21] =	ssyncadd.s32 $0xFFFFCE00  }
0xd7: {  	_ =	swait.ge [sflag:s17], $0x3200  }
0xd8: {  	s8 =	sadd.s32 $0x100, s8;
	s9 =	rddreg [dreg:$0x5];
	[sflag:s17] =	ssyncset.done $0x0  }
0xd9: {  	[sflag:s17] =	ssyncadd.s32 $0xFFFFCE00;
	s6 =	sadd.s32 s7, s9  }
0xda: {  	[tilespmem:s4], [sflag:$0x7] =	stream.linear.gather [hbm4b:s6+s4], $0x500, $0x38;
	[tilespmem:$0x1E480] =	vst v63  }
0xdb: {  	_ =	swait.ge [sflag:s10], $0x500  }
0xdc: {  	s9 =	rddreg [dreg:$0x4];
	[sflag:s10] =	ssyncset.done $0x0  }
0xdd: {  	[sflag:s10] =	ssyncadd.s32 $0xFFFFFB00;
	s6 =	sadd.s32 s7, s9  }
0xde: {  	[tilespmem:s11], [sflag:$0x7] =	stream.linear.gather [hbm4b:s6+s4], $0x500, $0x38;
	[tilespmem:$0x1E480] =	vst v63  }
0xdf: {  	_ =	swait.ge [sflag:s10], $0x500  }
0xe0: {  	[sflag:s10] =	ssyncset.done $0x0  }
0xe1: {  	[sflag:s10] =	ssyncadd.s32 $0xFFFFFB00  }
0xe2: {  	[tilespmem:s13], [sflag:$0x1] =	stream.indirect.gather [hbm4b:s2+s12], $0x80, s4, s12, $0xb8;
	[tilespmem:$0x1E480] =	vst v63  }
0xe3: {  	s8 =	rddreg [dreg:$0x6]  }
0xe4: {  	[tilespmem:s14], [sflag:$0x2] =	stream.indirect.gather [hbm4b:s2+s12], $0x80, s8, s12, $0xb8;
	[tilespmem:$0x1E480] =	vst v63  }
0xe5: {  	s9 =	rddreg [dreg:$0x7]  }
0xe6: {  	[tilespmem:s15], [sflag:$0x3] =	stream.indirect.gather [hbm4b:s2+s12], $0x80, s9, s12, $0xb8;
	[tilespmem:$0x1E480] =	vst v63  }
0xe7: {  	_ =	swait.ge [sflag:s16], $0x3200  }
0xe8: {  	[sflag:s16] =	ssyncset.done $0x0  }
0xe9: {  	[sflag:s16] =	ssyncadd.s32 $0xFFFFCE00  }
0xea: {  	[spmem:s3] =	stream.indirect.scatter.add.f32 [tilespmem:s13], [sflag:$0x4], $0x80, s11, s12, $0xb8;
	[tilespmem:$0x1E480] =	vst v63  }
0xeb: {  	_ =	swait.ge [sflag:s17], $0x3200  }
0xec: {  	[sflag:s17] =	ssyncset.done $0x0  }
0xed: {  	s8 =	rddreg [dreg:$0x8];
	[sflag:s17] =	ssyncadd.s32 $0xFFFFCE00  }
0xee: {  	[tilespmem:s13], [sflag:$0x1] =	stream.indirect.gather [hbm4b:s2+s12], $0x80, s8, s12, $0xb8;
	[tilespmem:$0x1E480] =	vst v63  }
0xef: {  	_ =	swait.ge [sflag:s18], $0x3200  }
0xf0: {  	[sflag:s18] =	ssyncset.done $0x0  }
0xf1: {  	s9 =	rddreg [dreg:$0x9];
	[sflag:s18] =	ssyncadd.s32 $0xFFFFCE00  }
0xf2: {  	[spmem:s3] =	stream.indirect.scatter.add.f32 [tilespmem:s14], [sflag:$0x5], $0x80, s9, s12, $0xb8;
	[tilespmem:$0x1E480] =	vst v63  }
0xf3: {  	_ =	swait.ge [sflag:s19], $0x3200  }
0xf4: {  	[sflag:s19] =	ssyncset.done $0x0  }
0xf5: {  	s7 =	rddreg [dreg:$0xa];
	[sflag:s19] =	ssyncadd.s32 $0xFFFFCE00  }
0xf6: {  	[tilespmem:s14], [sflag:$0x2] =	stream.indirect.gather [hbm4b:s2+s12], $0x80, s7, s12, $0xb8;
	[tilespmem:$0x1E480] =	vst v63  }
0xf7: {  	_ =	swait.ge [sflag:s20], $0x3200  }
0xf8: {  	[sflag:s20] =	ssyncset.done $0x0  }
0xf9: {  	s8 =	rddreg [dreg:$0xb];
	[sflag:s20] =	ssyncadd.s32 $0xFFFFCE00  }
0xfa: {  	[spmem:s3] =	stream.indirect.scatter.add.f32 [tilespmem:s15], [sflag:$0x6], $0x80, s8, s12, $0xb8;
	[tilespmem:$0x1E480] =	vst v63  }
0xfb: {  	_ =	swait.ge [sflag:s21], $0x3200  }
0xfc: {  	[sflag:s21] =	ssyncset.done $0x0  }
0xfd: {  	[sflag:s21] =	ssyncadd.s32 $0xFFFFCE00  }
0xfe: {  	[tilespmem:s15], [sflag:$0x3] =	stream.indirect.gather [hbm4b:s2+s12], $0x80, s22, s12, $0xb8;
	[tilespmem:$0x1E480] =	vst v63  }
0xff: {  	_ =	swait.ge [sflag:s16], $0x3200  }
0x100: {  	[sflag:s16] =	ssyncset.done $0x0  }
0x101: {  	[sflag:s16] =	ssyncadd.s32 $0xFFFFCE00  }
0x102: {  	[spmem:s3] =	stream.indirect.scatter.add.f32 [tilespmem:s13], [sflag:$0x4], $0x80, s23, s12, $0xb8;
	[tilespmem:$0x1E480] =	vst v63  }
0x103: {  	_ =	swait.ge [sflag:s17], $0x3200  }
0x104: {  	[sflag:s17] =	ssyncset.done $0x0  }
0x105: {  	[sflag:s17] =	ssyncadd.s32 $0xFFFFCE00  }
0x106: {  	[tilespmem:s13], [sflag:$0x1] =	stream.indirect.gather [hbm4b:s2+s12], $0x80, s24, s12, $0xb8;
	[tilespmem:$0x1E480] =	vst v63  }
0x107: {  	_ =	swait.ge [sflag:s18], $0x3200  }
0x108: {  	[sflag:s18] =	ssyncset.done $0x0  }
0x109: {  	[sflag:s18] =	ssyncadd.s32 $0xFFFFCE00  }
0x10a: {  	[spmem:s3] =	stream.indirect.scatter.add.f32 [tilespmem:s14], [sflag:$0x5], $0x80, s25, s12, $0xb8;
	[tilespmem:$0x1E480] =	vst v63  }
0x10b: {  	_ =	swait.ge [sflag:s19], $0x3200  }
0x10c: {  	[sflag:s19] =	ssyncset.done $0x0  }
0x10d: {  	[sflag:s19] =	ssyncadd.s32 $0xFFFFCE00  }
0x10e: {  	[tilespmem:s14], [sflag:$0x2] =	stream.indirect.gather [hbm4b:s2+s12], $0x80, s26, s12, $0xb8;
	[tilespmem:$0x1E480] =	vst v63  }
0x10f: {  	_ =	swait.ge [sflag:s20], $0x3200  }
0x110: {  	[sflag:s20] =	ssyncset.done $0x0  }
0x111: {  	[sflag:s20] =	ssyncadd.s32 $0xFFFFCE00  }
0x112: {  	[spmem:s3] =	stream.indirect.scatter.add.f32 [tilespmem:s15], [sflag:$0x6], $0x80, s28, s12, $0xb8;
	[tilespmem:$0x1E480] =	vst v63  }
0x113: {  	_ =	swait.ge [sflag:s21], $0x3200  }
0x114: {  	[sflag:s21] =	ssyncset.done $0x0  }
0x115: {  	[sflag:s21] =	ssyncadd.s32 $0xFFFFCE00  }
0x116: {  	[tilespmem:s15], [sflag:$0x3] =	stream.indirect.gather [hbm4b:s2+s12], $0x80, s29, s12, $0xb8;
	[tilespmem:$0x1E480] =	vst v63  }
0x117: {  	_ =	swait.ge [sflag:s16], $0x3200  }
0x118: {  	[sflag:s16] =	ssyncset.done $0x0  }
0x119: {  	[sflag:s16] =	ssyncadd.s32 $0xFFFFCE00  }
0x11a: {  	[spmem:s3] =	stream.indirect.scatter.add.f32 [tilespmem:s13], [sflag:$0x4], $0x80, s30, s12, $0xb8;
	[tilespmem:$0x1E480] =	vst v63  }
0x11b: {  	_ =	swait.ge [sflag:s17], $0x3200  }
0x11c: {  	[sflag:s17] =	ssyncset.done $0x0  }
0x11d: {  	[sflag:s17] =	ssyncadd.s32 $0xFFFFCE00  }
0x11e: {  	[tilespmem:s13], [sflag:$0x1] =	stream.indirect.gather [hbm4b:s2+s12], $0x80, s31, s12, $0xb8;
	[tilespmem:$0x1E480] =	vst v63  }
0x11f: {  	_ =	swait.ge [sflag:s18], $0x3200  }
0x120: {  	[sflag:s18] =	ssyncset.done $0x0  }
0x121: {  	[sflag:s18] =	ssyncadd.s32 $0xFFFFCE00  }
0x122: {  	[spmem:s3] =	stream.indirect.scatter.add.f32 [tilespmem:s14], [sflag:$0x5], $0x80, s0, s12, $0xb8;
	[tilespmem:$0x1E480] =	vst v63  }
0x123: {  	_ =	swait.ge [sflag:s20], $0x3200  }
0x124: {  	[sflag:s20] =	ssyncset.done $0x0  }
0x125: {  	[sflag:s20] =	ssyncadd.s32 $0xFFFFCE00  }
0x126: {  	[spmem:s3] =	stream.indirect.scatter.add.f32 [tilespmem:s15], [sflag:$0x6], $0x80, s1, s12, $0xb8;
	[tilespmem:$0x1E480] =	vst v63  }
0x127: {  	_ =	swait.ge [sflag:s16], $0x3200  }
0x128: {  	[sflag:s16] =	ssyncset.done $0x0  }
0x129: {  	[sflag:s16] =	ssyncadd.s32 $0xFFFFCE00  }
0x12a: {  	[spmem:s3] =	stream.indirect.scatter.add.f32 [tilespmem:s13], [sflag:$0x4], $0x80, s5, s12, $0xb8;
	[tilespmem:$0x1E480] =	vst v63  }
0x12b: {  	_ =	swait.ge [sflag:s19], $0x3200  }
0x12c: {  	[sflag:s19] =	ssyncset.done $0x0  }
0x12d: {  	[sflag:s19] =	ssyncadd.s32 $0xFFFFCE00  }
0x12e: {  	_ =	swait.ge [sflag:s21], $0x3200  }
0x12f: {  	[sflag:s21] =	ssyncset.done $0x0  }
0x130: {  	[sflag:s21] =	ssyncadd.s32 $0xFFFFCE00  }
0x131: {  	_ =	swait.ge [sflag:s17], $0x3200  }
0x132: {  	[sflag:s17] =	ssyncset.done $0x0  }
0x133: {  	[sflag:s17] =	ssyncadd.s32 $0xFFFFCE00  }
0x134: {  	[bflag:$0x0] =	sbarrier.arrive $0xFFFF  }
0x135: {  	s9 =	rddreg [dreg:$0xc]  }
0x136: {  	s7 =	rddreg [dreg:$0xf]  }
0x137: {  	s8 =	rddreg [dreg:$0x10]  }
0x138: {  	[hbm:s9], [sflag:s7] =	dma.local [spmem:s8], $0x2800  }
0x139: {  	_ =	swait.ge [sflag:s10], $0x2800  }
0x13a: {  	s6 =	rddreg [dreg:$0x11]  }
0x13b: {  	s9 =	sadd.s32 $0x1, s6;
	s6 =	rddreg [dreg:$0xd]  }
0x13c: {  	p0 =	sne.s32 s9, s6  }
.Ltmp1:
0x13d: {  	_ = 	snop;
	(pc) =	sbr.rel @p0 .LBB2_1-.Ltmp1, $3  }
0x13e: {  	_ =	sdelay $0x1  }
0x13f: {  	[sflag:s10] =	ssyncset.done $0x0  }
0x140: {  	[sflag:s10] =	ssyncadd.s32 $0xFFFFD800  }
0x141: {  	_ =	sfence.sel $0x180000  }
0x142: {  	[bflag:$0x0] =	sbarrier.arrive $0xFFFF  }
0x143: {  	_ =	strace $0x90000047  }
0x144: {  	s0 =	stileid.u32;
	[bflag:$0x2] =	sbarrier.arrive $0xFFFF  }
0x145: {  	p0 =	sne.s32 s0, $0x0;
	s0 =	rddreg [dreg:$0x3]  }
0x146: {  	s0 =	sadd.s32 @!p0 $0x100000, s0  }
0x147: {  	[sflag:s0] =	ssyncadd.tile.s32 @!p0 $0x1;
	_ =	shalt  }
.Lfunc_end2:
_tile_overlayer_lowered:
.L_overlay_start_2:
0x148: {  	(tag) =	ssettag $0x2  }
0x149: {  	s0 =	rddreg [dreg:$0x0];
	s2 =	stileid.u32  }
0x14a: {  	s1 =	rddreg [dreg:$0x1];
	p0 =	sne.s32 s2, $0x0  }
0x14b: {  	s3 =	rddreg [dreg:$0x2];
	[bflag:$0x3] =	sbarrier.arrive $0xFFFF;
	s2 =	simm.s32 @!p0 $0x1C07  }
0x14c: {  	[timem:s3], [sflag:s2] =	dma.local @!p0 [hbm:s0], s1  }
0x14d: {  	s0 =	simm.s32 @!p0 $0x7  }
0x14e: {  	_ =	swait.ge @!p0 [sflag:s0], s1  }
0x14f: {  	s1 =	ssub.s32 @!p0 $0x0, s1;
	[sflag:s0] =	ssyncset.done @!p0 $0x0  }
0x150: {  	[sflag:s0] =	ssyncadd.s32 @!p0 s1  }
0x151: {  	[bflag:$0x3] =	sbarrier.arrive $0xFFFF  }
0x152: {  	_ =	shalt  }

</sc_bundles>
